<compile_context>
chip_gen: v7x
topology: tpu7x:2x2x1
jax: 0.10.2.dev20260603
libtpu: 0.0.44.dev20260713+nightly
codegen_flags: <defaults>
</compile_context>

<pallas_src>
import functools

import jax
import jax.numpy as jnp
from jax import lax
from jax.experimental import pallas as pl
from jax.experimental.pallas import tpu as pltpu
from jax.experimental.pallas import tpu_sc as plsc

_LANES = 16
_NBUF = 6
_LOOK = 3
_SL = 8
_LN = 128
_CH = 128


@functools.lru_cache(maxsize=None)
def _make_sc_gather(V, P, NT, B, NC, NS):
    NW = NC * NS
    n_out = P * B * NT
    assert n_out % (NW * _CH) == 0
    spw = n_out // NW
    NCH = spw // _CH
    assert NCH % _NBUF == 0 and NCH >= 2 * _NBUF
    PLANE = (B // _SL) * NT * _SL
    assert (B // _SL) & (B // _SL - 1) == 0 and NT == 6
    assert P * B * NT // _SL < 786432
    BT_BITS = (B // _SL).bit_length() - 1

    mesh = plsc.VectorSubcoreMesh(core_axis_name="c", subcore_axis_name="s")

    @functools.partial(
        pl.kernel,
        out_type=jax.ShapeDtypeStruct((n_out, _LN), jnp.float32),
        mesh=mesh,
        compiler_params=pltpu.CompilerParams(needs_layout_passes=False),
        scratch_types=(
            [pltpu.VMEM((B,), jnp.int32)]
            + [pltpu.VMEM((NCH, _CH), jnp.int32)]
            + [pltpu.VMEM((_CH, _LN), jnp.float32)] * _NBUF
            + [pltpu.VMEM((_LANES,), jnp.int32)]
            + [pltpu.SemaphoreType.DMA] * (2 * _NBUF)
        ),
    )
    def sc_fn(table_hbm, tid_hbm, flag_hbm, out_hbm, tid_v, idx_v, *rest):
        bufs = rest[:_NBUF]
        flag_v = rest[_NBUF]
        gsems = rest[_NBUF + 1:2 * _NBUF + 1]
        ssems = rest[2 * _NBUF + 1:]
        wid = lax.axis_index("s") * NC + lax.axis_index("c")
        base = wid * spw
        pltpu.sync_copy(tid_hbm, tid_v)
        pltpu.sync_copy(flag_hbm, flag_v)
        member = flag_v[...][0]
        lanes = lax.broadcasted_iota(jnp.int32, (_LANES,), 0)

        def compute_idx(g):
            for i in range(_CH // _LANES):
                U = base + g * _CH + i * _LANES + lanes
                s = U & (_SL - 1)
                Q = U >> 3
                t6 = ((Q.astype(jnp.uint32) * jnp.uint32(43691))
                      >> jnp.uint32(18)).astype(jnp.int32)
                ct = Q - t6 * NT
                p = t6 >> BT_BITS
                bt = t6 & (B // _SL - 1)
                r = plsc.load_gather(tid_v, [bt * _SL + s])
                u = ((p * (V // _SL) + (r >> 3)) * NT + ct) * _SL + (r & 7)
                idx_v[g, pl.ds(i * _LANES, _LANES)] = u

        def g_start(g, b):
            pltpu.async_copy(table_hbm.at[idx_v.at[g]], bufs[b], gsems[b])

        def g_wait(g, b):
            pltpu.make_async_copy(
                table_hbm.at[idx_v.at[g]], bufs[b], gsems[b]).wait()

        def s_start(g, b):
            pltpu.async_copy(
                bufs[b], out_hbm.at[pl.ds(base + g * _CH, _CH)], ssems[b])

        def s_drain(b):
            pltpu.make_async_copy(
                bufs[b], out_hbm.at[pl.ds(base, _CH)], ssems[b]).wait()

        @pl.when(member != 0)
        def _gather_path():
            for g in range(_LOOK):
                compute_idx(g)
                g_start(g, g)

            def group(i, carry):
                for b in range(_NBUF):
                    g = _NBUF * i + b
                    nb = (b + _LOOK) % _NBUF
                    g_wait(g, b)
                    s_start(g, b)

                    @pl.when(g >= _NBUF - _LOOK)
                    def _(nb=nb):
                        s_drain(nb)

                    @pl.when(g + _LOOK < NCH)
                    def _(g=g, nb=nb):
                        compute_idx(g + _LOOK)
                        g_start(g + _LOOK, nb)
                return carry

            lax.fori_loop(0, NCH // _NBUF, group, 0)
            for g in range(NCH - (_NBUF - _LOOK), NCH):
                s_drain(g % _NBUF)

        @pl.when(member == 0)
        def _zero_path():
            zeros = jnp.zeros((_LANES,), jnp.float32)
            zbuf = bufs[0]

            def zbody(k, carry):
                r = k // (_LN // _LANES)
                c = k % (_LN // _LANES)
                zbuf[r, pl.ds(c * _LANES, _LANES)] = zeros
                return carry

            lax.fori_loop(0, _CH * (_LN // _LANES), zbody, 0)

            def sbody(g, carry):
                pltpu.sync_copy(zbuf, out_hbm.at[pl.ds(base + g * _CH, _CH)])
                return carry

            lax.fori_loop(0, NCH, sbody, 0)

    return sc_fn


def kernel(e_p_0, l, batch_size, task_id):
    V, P, Dm = e_p_0.shape
    B = task_id.shape[0]
    assert V % _SL == 0 and B % _SL == 0 and Dm % _LN == 0
    NT = Dm // _LN
    info = plsc.get_sparse_core_info()
    NC, NS = info.num_cores, info.num_subcores

    t = e_p_0.transpose(1, 0, 2)
    t = t.reshape(P, V // _SL, _SL, NT, _LN)
    t = t.transpose(0, 1, 3, 2, 4)
    table_strips = t.reshape(P * V * NT, _LN)

    is_member = jnp.any(jnp.asarray([0, 1, 2, 3, 4], jnp.int32) == l)
    flag = jnp.where(is_member, jnp.int32(1), jnp.int32(0)) + jnp.zeros(
        (_LANES,), jnp.int32)

    o = _make_sc_gather(V, P, NT, B, NC, NS)(
        table_strips, task_id.astype(jnp.int32), flag)
    o = o.reshape(P, B // _SL, NT, _SL, _LN)
    o = o.transpose(0, 1, 3, 2, 4)
    o = o.reshape(P, B, Dm)
    return o.transpose(1, 0, 2)

# --- scband reference (transcript-rebuilt; emitter-appended) ---
"""Pipeline reference for scband-prefix-keq-v-29746943492124 (READ-ONLY COPY).

The authoritative reference and input builder live on the scoring server;
editing this copy changes nothing except your own understanding.
"""

import jax, jax.numpy as jnp
import numpy as np
import math

E_POOL_SIZE = 1000
E_P_LENGTH = 20
EMB_D = 768
BATCH = 4096

def _kaiming_uniform_3d(key, a, b, c):
    # matches torch kaiming_uniform_(p[index], a=sqrt(5)) applied per first-dim slice:
    # gain = sqrt(2/(1+5)) = 1/sqrt(3); bound = gain*sqrt(3/fan_in) = 1/sqrt(fan_in), fan_in = c
    bound = 1.0 / math.sqrt(c)
    return jax.random.uniform(key, (a, b, c), dtype=jnp.float32, minval=-bound, maxval=bound)

def setup_inputs(seed: int = 0) -> dict:
    key = jax.random.key(seed)
    k_p, k_t = jax.random.split(key)
    e_p_0 = _kaiming_uniform_3d(k_p, E_POOL_SIZE, E_P_LENGTH, EMB_D)
    task_id = jax.random.randint(k_t, (BATCH,), 0, E_POOL_SIZE, dtype=jnp.int64 if jax.config.jax_enable_x64 else jnp.int32)
    return {"e_p_0": e_p_0, "l": 0, "batch_size": BATCH, "task_id": task_id}

def reference(e_p_0, l, batch_size, task_id):
    e_layers = [0, 1, 2, 3, 4]
    is_member = jnp.any(jnp.asarray(e_layers) == l)
    if task_id is None:
        return None
    # task_id is a tensor of per-example task ids -> P_ = p[task_id]
    P_ = jnp.take(e_p_0, task_id, axis=0)  # [batch, e_p_length, emb_d]
    P_ = P_ * jnp.where(is_member, jnp.float32(1.0), jnp.float32(0.0))
    return P_

if __name__ == "__main__":
    import jax
    _d = setup_inputs()
    print(jax.jit(kernel)(*tuple(_d.values())))

</pallas_src>

<mosaic_0001>
#map = affine_map<(d0, d1) -> (0, 0)>
#map1 = affine_map<(d0, d1) -> (0)>
module attributes {stable_mosaic.version = 14 : i64} {
  func.func @sc_fn(%arg0: i32, %arg1: i32, %arg2: memref<120000x128xf32, #tpu.memory_space<hbm>>, %arg3: memref<4096xi32, #tpu.memory_space<hbm>>, %arg4: memref<16xi32, #tpu.memory_space<hbm>>, %arg5: memref<491520x128xf32, #tpu.memory_space<hbm>>, %arg6: memref<4096xi32, #tpu.memory_space<vmem>>, %arg7: memref<120x128xi32, #tpu.memory_space<vmem>>, %arg8: memref<128x128xf32, #tpu.memory_space<vmem>>, %arg9: memref<128x128xf32, #tpu.memory_space<vmem>>, %arg10: memref<128x128xf32, #tpu.memory_space<vmem>>, %arg11: memref<128x128xf32, #tpu.memory_space<vmem>>, %arg12: memref<128x128xf32, #tpu.memory_space<vmem>>, %arg13: memref<128x128xf32, #tpu.memory_space<vmem>>, %arg14: memref<16xi32, #tpu.memory_space<vmem>>, %arg15: memref<!tpu.dma_semaphore, #tpu.memory_space<semaphore_mem>>, %arg16: memref<!tpu.dma_semaphore, #tpu.memory_space<semaphore_mem>>, %arg17: memref<!tpu.dma_semaphore, #tpu.memory_space<semaphore_mem>>, %arg18: memref<!tpu.dma_semaphore, #tpu.memory_space<semaphore_mem>>, %arg19: memref<!tpu.dma_semaphore, #tpu.memory_space<semaphore_mem>>, %arg20: memref<!tpu.dma_semaphore, #tpu.memory_space<semaphore_mem>>, %arg21: memref<!tpu.dma_semaphore, #tpu.memory_space<semaphore_mem>>, %arg22: memref<!tpu.dma_semaphore, #tpu.memory_space<semaphore_mem>>, %arg23: memref<!tpu.dma_semaphore, #tpu.memory_space<semaphore_mem>>, %arg24: memref<!tpu.dma_semaphore, #tpu.memory_space<semaphore_mem>>, %arg25: memref<!tpu.dma_semaphore, #tpu.memory_space<semaphore_mem>>, %arg26: memref<!tpu.dma_semaphore, #tpu.memory_space<semaphore_mem>>) attributes {dimension_semantics = [#tpu.dimension_semantics<core_parallel>, #tpu.dimension_semantics<subcore_parallel>], iteration_bounds = array<i64: 2, 16>, scalar_prefetch = 0 : i64, scratch_operands = 21 : i64, tpu.core_type = #tpu.core_type<sc_vector_subcore>, window_params = [{transform_indices = #map}, {transform_indices = #map1}, {transform_indices = #map1}, {transform_indices = #map}]} {
    %mul3A = arith.constant 2 : i32
    %mul3A_0 = arith.muli %arg1, %mul3A : i32
    %add3A = arith.addi %mul3A_0, %arg0 : i32
    %mul3A_1 = arith.constant 15360 : i32
    %mul3A_2 = arith.muli %add3A, %mul3A_1 : i32
    "tpu.region"() ({
      %run_scoped3A = tpu.sem_alloc : memref<!tpu.dma_semaphore, #tpu.memory_space<semaphore_mem>>
      tpu.enqueue_dma source(%arg3 : memref<4096xi32, #tpu.memory_space<hbm>>) target(%arg6 : memref<4096xi32, #tpu.memory_space<vmem>>) target_semaphore(%run_scoped3A : memref<!tpu.dma_semaphore, #tpu.memory_space<semaphore_mem>>)
      tpu.wait_dma2 semaphore(%run_scoped3A : memref<!tpu.dma_semaphore, #tpu.memory_space<semaphore_mem>>) src(%arg3 : memref<4096xi32, #tpu.memory_space<hbm>>) dst(%arg6 : memref<4096xi32, #tpu.memory_space<vmem>>)
      tpu.yield
    }) : () -> ()
    "tpu.region"() ({
      %run_scoped3A = tpu.sem_alloc : memref<!tpu.dma_semaphore, #tpu.memory_space<semaphore_mem>>
      tpu.enqueue_dma source(%arg4 : memref<16xi32, #tpu.memory_space<hbm>>) target(%arg14 : memref<16xi32, #tpu.memory_space<vmem>>) target_semaphore(%run_scoped3A : memref<!tpu.dma_semaphore, #tpu.memory_space<semaphore_mem>>)
      tpu.wait_dma2 semaphore(%run_scoped3A : memref<!tpu.dma_semaphore, #tpu.memory_space<semaphore_mem>>) src(%arg4 : memref<16xi32, #tpu.memory_space<hbm>>) dst(%arg14 : memref<16xi32, #tpu.memory_space<vmem>>)
      tpu.yield
    }) : () -> ()
    %get3A = arith.constant 0 : index
    %get3A_3 = tpu.vector_load %arg14[%get3A] {strides = array<i32>} : memref<16xi32, #tpu.memory_space<vmem>>, vector<16xi32>,
    %slice3A = vector.extract_strided_slice %get3A_3 {offsets = [0], sizes = [1], strides = [1]} : vector<16xi32> to vector<1xi32>
    %squeeze3A = vector.extract %slice3A[0] : i32 from vector<1xi32>
    %iota3A = tpu.iota {dimensions = array<i32: 0>} : vector<16xi32>
    %ne3A = arith.constant 0 : i32
    %ne3A_4 = arith.cmpi ne, %squeeze3A, %ne3A : i32
    %convert_element_type3A = arith.extui %ne3A_4 : i1 to i32
    %cond3A = arith.constant 0 : i32
    %cond3A_5 = arith.cmpi ne, %convert_element_type3A, %cond3A : i32
    scf.if %cond3A_5 {
      %add3A_10 = arith.constant 0 : i32
      %add3A_11 = arith.addi %mul3A_2, %add3A_10 : i32
      %add3A_12 = arith.constant 0 : i32
      %add3A_13 = arith.addi %add3A_11, %add3A_12 : i32
      %add3A_14 = vector.broadcast %add3A_13 : i32 to vector<16xi32>
      %add3A_15 = arith.addi %add3A_14, %iota3A : vector<16xi32>
      %and3A = arith.constant 7 : i32
      %and3A_16 = vector.broadcast %and3A : i32 to vector<16xi32>
      %and3A_17 = arith.andi %add3A_15, %and3A_16 : vector<16xi32>
      %shift_right_arithmetic3A = arith.constant 3 : i32
      %shift_right_arithmetic3A_18 = vector.broadcast %shift_right_arithmetic3A : i32 to vector<16xi32>
      %shift_right_arithmetic3A_19 = arith.shrsi %add3A_15, %shift_right_arithmetic3A_18 : vector<16xi32>
      %mul3A_20 = arith.constant 43691 : i32
      %mul3A_21 = vector.broadcast %mul3A_20 : i32 to vector<16xi32>
      %mul3A_22 = arith.muli %shift_right_arithmetic3A_19, %mul3A_21 : vector<16xi32>
      %shift_right_logical3A = arith.constant 18 : i32
      %shift_right_logical3A_23 = vector.broadcast %shift_right_logical3A : i32 to vector<16xi32>
      %shift_right_logical3A_24 = arith.shrui %mul3A_22, %shift_right_logical3A_23 : vector<16xi32>
      %mul3A_25 = arith.constant 6 : i32
      %mul3A_26 = vector.broadcast %mul3A_25 : i32 to vector<16xi32>
      %mul3A_27 = arith.muli %shift_right_logical3A_24, %mul3A_26 : vector<16xi32>
      %sub3A = arith.subi %shift_right_arithmetic3A_19, %mul3A_27 : vector<16xi32>
      %shift_right_arithmetic3A_28 = arith.constant 9 : i32
      %shift_right_arithmetic3A_29 = vector.broadcast %shift_right_arithmetic3A_28 : i32 to vector<16xi32>
      %shift_right_arithmetic3A_30 = arith.shrsi %shift_right_logical3A_24, %shift_right_arithmetic3A_29 : vector<16xi32>
      %and3A_31 = arith.constant 511 : i32
      %and3A_32 = vector.broadcast %and3A_31 : i32 to vector<16xi32>
      %and3A_33 = arith.andi %shift_right_logical3A_24, %and3A_32 : vector<16xi32>
      %mul3A_34 = arith.constant 8 : i32
      %mul3A_35 = vector.broadcast %mul3A_34 : i32 to vector<16xi32>
      %mul3A_36 = arith.muli %and3A_33, %mul3A_35 : vector<16xi32>
      %add3A_37 = arith.addi %mul3A_36, %and3A_17 : vector<16xi32>
      %gather3A = tpu.vector_load_idx %arg6[%add3A_37] : memref<4096xi32, #tpu.memory_space<vmem>>[vector<16xi32>], vector<16xi32>,
      %mul3A_38 = arith.constant 125 : i32
      %mul3A_39 = vector.broadcast %mul3A_38 : i32 to vector<16xi32>
      %mul3A_40 = arith.muli %shift_right_arithmetic3A_30, %mul3A_39 : vector<16xi32>
      %shift_right_arithmetic3A_41 = arith.constant 3 : i32
      %shift_right_arithmetic3A_42 = vector.broadcast %shift_right_arithmetic3A_41 : i32 to vector<16xi32>
      %shift_right_arithmetic3A_43 = arith.shrsi %gather3A, %shift_right_arithmetic3A_42 : vector<16xi32>
      %add3A_44 = arith.addi %mul3A_40, %shift_right_arithmetic3A_43 : vector<16xi32>
      %mul3A_45 = arith.constant 6 : i32
      %mul3A_46 = vector.broadcast %mul3A_45 : i32 to vector<16xi32>
      %mul3A_47 = arith.muli %add3A_44, %mul3A_46 : vector<16xi32>
      %add3A_48 = arith.addi %mul3A_47, %sub3A : vector<16xi32>
      %mul3A_49 = arith.constant 8 : i32
      %mul3A_50 = vector.broadcast %mul3A_49 : i32 to vector<16xi32>
      %mul3A_51 = arith.muli %add3A_48, %mul3A_50 : vector<16xi32>
      %and3A_52 = arith.constant 7 : i32
      %and3A_53 = vector.broadcast %and3A_52 : i32 to vector<16xi32>
      %and3A_54 = arith.andi %gather3A, %and3A_53 : vector<16xi32>
      %add3A_55 = arith.addi %mul3A_51, %and3A_54 : vector<16xi32>
      %swap3A = arith.constant 0 : i32
      %swap3A_56 = arith.index_cast %swap3A : i32 to index
      %swap3A_57 = arith.constant 0 : index
      %swap3A_58 = tpu.vector_load %arg7[%swap3A_56, %swap3A_57] {strides = array<i32>} : memref<120x128xi32, #tpu.memory_space<vmem>>, vector<16xi32>,
      tpu.vector_store %arg7[%swap3A_56, %swap3A_57], %add3A_55 {strides = array<i32>} : memref<120x128xi32, #tpu.memory_space<vmem>>, vector<16xi32>,
      %add3A_59 = arith.constant 0 : i32
      %add3A_60 = arith.addi %mul3A_2, %add3A_59 : i32
      %add3A_61 = arith.constant 16 : i32
      %add3A_62 = arith.addi %add3A_60, %add3A_61 : i32
      %add3A_63 = vector.broadcast %add3A_62 : i32 to vector<16xi32>
      %add3A_64 = arith.addi %add3A_63, %iota3A : vector<16xi32>
      %and3A_65 = arith.constant 7 : i32
      %and3A_66 = vector.broadcast %and3A_65 : i32 to vector<16xi32>
      %and3A_67 = arith.andi %add3A_64, %and3A_66 : vector<16xi32>
      %shift_right_arithmetic3A_68 = arith.constant 3 : i32
      %shift_right_arithmetic3A_69 = vector.broadcast %shift_right_arithmetic3A_68 : i32 to vector<16xi32>
      %shift_right_arithmetic3A_70 = arith.shrsi %add3A_64, %shift_right_arithmetic3A_69 : vector<16xi32>
      %mul3A_71 = arith.constant 43691 : i32
      %mul3A_72 = vector.broadcast %mul3A_71 : i32 to vector<16xi32>
      %mul3A_73 = arith.muli %shift_right_arithmetic3A_70, %mul3A_72 : vector<16xi32>
      %shift_right_logical3A_74 = arith.constant 18 : i32
      %shift_right_logical3A_75 = vector.broadcast %shift_right_logical3A_74 : i32 to vector<16xi32>
      %shift_right_logical3A_76 = arith.shrui %mul3A_73, %shift_right_logical3A_75 : vector<16xi32>
      %mul3A_77 = arith.constant 6 : i32
      %mul3A_78 = vector.broadcast %mul3A_77 : i32 to vector<16xi32>
      %mul3A_79 = arith.muli %shift_right_logical3A_76, %mul3A_78 : vector<16xi32>
      %sub3A_80 = arith.subi %shift_right_arithmetic3A_70, %mul3A_79 : vector<16xi32>
      %shift_right_arithmetic3A_81 = arith.constant 9 : i32
      %shift_right_arithmetic3A_82 = vector.broadcast %shift_right_arithmetic3A_81 : i32 to vector<16xi32>
      %shift_right_arithmetic3A_83 = arith.shrsi %shift_right_logical3A_76, %shift_right_arithmetic3A_82 : vector<16xi32>
      %and3A_84 = arith.constant 511 : i32
      %and3A_85 = vector.broadcast %and3A_84 : i32 to vector<16xi32>
      %and3A_86 = arith.andi %shift_right_logical3A_76, %and3A_85 : vector<16xi32>
      %mul3A_87 = arith.constant 8 : i32
      %mul3A_88 = vector.broadcast %mul3A_87 : i32 to vector<16xi32>
      %mul3A_89 = arith.muli %and3A_86, %mul3A_88 : vector<16xi32>
      %add3A_90 = arith.addi %mul3A_89, %and3A_67 : vector<16xi32>
      %gather3A_91 = tpu.vector_load_idx %arg6[%add3A_90] : memref<4096xi32, #tpu.memory_space<vmem>>[vector<16xi32>], vector<16xi32>,
      %mul3A_92 = arith.constant 125 : i32
      %mul3A_93 = vector.broadcast %mul3A_92 : i32 to vector<16xi32>
      %mul3A_94 = arith.muli %shift_right_arithmetic3A_83, %mul3A_93 : vector<16xi32>
      %shift_right_arithmetic3A_95 = arith.constant 3 : i32
      %shift_right_arithmetic3A_96 = vector.broadcast %shift_right_arithmetic3A_95 : i32 to vector<16xi32>
      %shift_right_arithmetic3A_97 = arith.shrsi %gather3A_91, %shift_right_arithmetic3A_96 : vector<16xi32>
      %add3A_98 = arith.addi %mul3A_94, %shift_right_arithmetic3A_97 : vector<16xi32>
      %mul3A_99 = arith.constant 6 : i32
      %mul3A_100 = vector.broadcast %mul3A_99 : i32 to vector<16xi32>
      %mul3A_101 = arith.muli %add3A_98, %mul3A_100 : vector<16xi32>
      %add3A_102 = arith.addi %mul3A_101, %sub3A_80 : vector<16xi32>
      %mul3A_103 = arith.constant 8 : i32
      %mul3A_104 = vector.broadcast %mul3A_103 : i32 to vector<16xi32>
      %mul3A_105 = arith.muli %add3A_102, %mul3A_104 : vector<16xi32>
      %and3A_106 = arith.constant 7 : i32
      %and3A_107 = vector.broadcast %and3A_106 : i32 to vector<16xi32>
      %and3A_108 = arith.andi %gather3A_91, %and3A_107 : vector<16xi32>
      %add3A_109 = arith.addi %mul3A_105, %and3A_108 : vector<16xi32>
      %swap3A_110 = arith.constant 0 : i32
      %swap3A_111 = arith.index_cast %swap3A_110 : i32 to index
      %swap3A_112 = arith.constant 16 : index
      %swap3A_113 = tpu.vector_load %arg7[%swap3A_111, %swap3A_112] {strides = array<i32>} : memref<120x128xi32, #tpu.memory_space<vmem>>, vector<16xi32>,
      tpu.vector_store %arg7[%swap3A_111, %swap3A_112], %add3A_109 {strides = array<i32>} : memref<120x128xi32, #tpu.memory_space<vmem>>, vector<16xi32>,
      %add3A_114 = arith.constant 0 : i32
      %add3A_115 = arith.addi %mul3A_2, %add3A_114 : i32
      %add3A_116 = arith.constant 32 : i32
      %add3A_117 = arith.addi %add3A_115, %add3A_116 : i32
      %add3A_118 = vector.broadcast %add3A_117 : i32 to vector<16xi32>
      %add3A_119 = arith.addi %add3A_118, %iota3A : vector<16xi32>
      %and3A_120 = arith.constant 7 : i32
      %and3A_121 = vector.broadcast %and3A_120 : i32 to vector<16xi32>
      %and3A_122 = arith.andi %add3A_119, %and3A_121 : vector<16xi32>
      %shift_right_arithmetic3A_123 = arith.constant 3 : i32
      %shift_right_arithmetic3A_124 = vector.broadcast %shift_right_arithmetic3A_123 : i32 to vector<16xi32>
      %shift_right_arithmetic3A_125 = arith.shrsi %add3A_119, %shift_right_arithmetic3A_124 : vector<16xi32>
      %mul3A_126 = arith.constant 43691 : i32
      %mul3A_127 = vector.broadcast %mul3A_126 : i32 to vector<16xi32>
      %mul3A_128 = arith.muli %shift_right_arithmetic3A_125, %mul3A_127 : vector<16xi32>
      %shift_right_logical3A_129 = arith.constant 18 : i32
      %shift_right_logical3A_130 = vector.broadcast %shift_right_logical3A_129 : i32 to vector<16xi32>
      %shift_right_logical3A_131 = arith.shrui %mul3A_128, %shift_right_logical3A_130 : vector<16xi32>
      %mul3A_132 = arith.constant 6 : i32
      %mul3A_133 = vector.broadcast %mul3A_132 : i32 to vector<16xi32>
      %mul3A_134 = arith.muli %shift_right_logical3A_131, %mul3A_133 : vector<16xi32>
      %sub3A_135 = arith.subi %shift_right_arithmetic3A_125, %mul3A_134 : vector<16xi32>
      %shift_right_arithmetic3A_136 = arith.constant 9 : i32
      %shift_right_arithmetic3A_137 = vector.broadcast %shift_right_arithmetic3A_136 : i32 to vector<16xi32>
      %shift_right_arithmetic3A_138 = arith.shrsi %shift_right_logical3A_131, %shift_right_arithmetic3A_137 : vector<16xi32>
      %and3A_139 = arith.constant 511 : i32
      %and3A_140 = vector.broadcast %and3A_139 : i32 to vector<16xi32>
      %and3A_141 = arith.andi %shift_right_logical3A_131, %and3A_140 : vector<16xi32>
      %mul3A_142 = arith.constant 8 : i32
      %mul3A_143 = vector.broadcast %mul3A_142 : i32 to vector<16xi32>
      %mul3A_144 = arith.muli %and3A_141, %mul3A_143 : vector<16xi32>
      %add3A_145 = arith.addi %mul3A_144, %and3A_122 : vector<16xi32>
      %gather3A_146 = tpu.vector_load_idx %arg6[%add3A_145] : memref<4096xi32, #tpu.memory_space<vmem>>[vector<16xi32>], vector<16xi32>,
      %mul3A_147 = arith.constant 125 : i32
      %mul3A_148 = vector.broadcast %mul3A_147 : i32 to vector<16xi32>
      %mul3A_149 = arith.muli %shift_right_arithmetic3A_138, %mul3A_148 : vector<16xi32>
      %shift_right_arithmetic3A_150 = arith.constant 3 : i32
      %shift_right_arithmetic3A_151 = vector.broadcast %shift_right_arithmetic3A_150 : i32 to vector<16xi32>
      %shift_right_arithmetic3A_152 = arith.shrsi %gather3A_146, %shift_right_arithmetic3A_151 : vector<16xi32>
      %add3A_153 = arith.addi %mul3A_149, %shift_right_arithmetic3A_152 : vector<16xi32>
      %mul3A_154 = arith.constant 6 : i32
      %mul3A_155 = vector.broadcast %mul3A_154 : i32 to vector<16xi32>
      %mul3A_156 = arith.muli %add3A_153, %mul3A_155 : vector<16xi32>
      %add3A_157 = arith.addi %mul3A_156, %sub3A_135 : vector<16xi32>
      %mul3A_158 = arith.constant 8 : i32
      %mul3A_159 = vector.broadcast %mul3A_158 : i32 to vector<16xi32>
      %mul3A_160 = arith.muli %add3A_157, %mul3A_159 : vector<16xi32>
      %and3A_161 = arith.constant 7 : i32
      %and3A_162 = vector.broadcast %and3A_161 : i32 to vector<16xi32>
      %and3A_163 = arith.andi %gather3A_146, %and3A_162 : vector<16xi32>
      %add3A_164 = arith.addi %mul3A_160, %and3A_163 : vector<16xi32>
      %swap3A_165 = arith.constant 0 : i32
      %swap3A_166 = arith.index_cast %swap3A_165 : i32 to index
      %swap3A_167 = arith.constant 32 : index
      %swap3A_168 = tpu.vector_load %arg7[%swap3A_166, %swap3A_167] {strides = array<i32>} : memref<120x128xi32, #tpu.memory_space<vmem>>, vector<16xi32>,
      tpu.vector_store %arg7[%swap3A_166, %swap3A_167], %add3A_164 {strides = array<i32>} : memref<120x128xi32, #tpu.memory_space<vmem>>, vector<16xi32>,
      %add3A_169 = arith.constant 0 : i32
      %add3A_170 = arith.addi %mul3A_2, %add3A_169 : i32
      %add3A_171 = arith.constant 48 : i32
      %add3A_172 = arith.addi %add3A_170, %add3A_171 : i32
      %add3A_173 = vector.broadcast %add3A_172 : i32 to vector<16xi32>
      %add3A_174 = arith.addi %add3A_173, %iota3A : vector<16xi32>
      %and3A_175 = arith.constant 7 : i32
      %and3A_176 = vector.broadcast %and3A_175 : i32 to vector<16xi32>
      %and3A_177 = arith.andi %add3A_174, %and3A_176 : vector<16xi32>
      %shift_right_arithmetic3A_178 = arith.constant 3 : i32
      %shift_right_arithmetic3A_179 = vector.broadcast %shift_right_arithmetic3A_178 : i32 to vector<16xi32>
      %shift_right_arithmetic3A_180 = arith.shrsi %add3A_174, %shift_right_arithmetic3A_179 : vector<16xi32>
      %mul3A_181 = arith.constant 43691 : i32
      %mul3A_182 = vector.broadcast %mul3A_181 : i32 to vector<16xi32>
      %mul3A_183 = arith.muli %shift_right_arithmetic3A_180, %mul3A_182 : vector<16xi32>
      %shift_right_logical3A_184 = arith.constant 18 : i32
      %shift_right_logical3A_185 = vector.broadcast %shift_right_logical3A_184 : i32 to vector<16xi32>
      %shift_right_logical3A_186 = arith.shrui %mul3A_183, %shift_right_logical3A_185 : vector<16xi32>
      %mul3A_187 = arith.constant 6 : i32
      %mul3A_188 = vector.broadcast %mul3A_187 : i32 to vector<16xi32>
      %mul3A_189 = arith.muli %shift_right_logical3A_186, %mul3A_188 : vector<16xi32>
      %sub3A_190 = arith.subi %shift_right_arithmetic3A_180, %mul3A_189 : vector<16xi32>
      %shift_right_arithmetic3A_191 = arith.constant 9 : i32
      %shift_right_arithmetic3A_192 = vector.broadcast %shift_right_arithmetic3A_191 : i32 to vector<16xi32>
      %shift_right_arithmetic3A_193 = arith.shrsi %shift_right_logical3A_186, %shift_right_arithmetic3A_192 : vector<16xi32>
      %and3A_194 = arith.constant 511 : i32
      %and3A_195 = vector.broadcast %and3A_194 : i32 to vector<16xi32>
      %and3A_196 = arith.andi %shift_right_logical3A_186, %and3A_195 : vector<16xi32>
      %mul3A_197 = arith.constant 8 : i32
      %mul3A_198 = vector.broadcast %mul3A_197 : i32 to vector<16xi32>
      %mul3A_199 = arith.muli %and3A_196, %mul3A_198 : vector<16xi32>
      %add3A_200 = arith.addi %mul3A_199, %and3A_177 : vector<16xi32>
      %gather3A_201 = tpu.vector_load_idx %arg6[%add3A_200] : memref<4096xi32, #tpu.memory_space<vmem>>[vector<16xi32>], vector<16xi32>,
      %mul3A_202 = arith.constant 125 : i32
      %mul3A_203 = vector.broadcast %mul3A_202 : i32 to vector<16xi32>
      %mul3A_204 = arith.muli %shift_right_arithmetic3A_193, %mul3A_203 : vector<16xi32>
      %shift_right_arithmetic3A_205 = arith.constant 3 : i32
      %shift_right_arithmetic3A_206 = vector.broadcast %shift_right_arithmetic3A_205 : i32 to vector<16xi32>
      %shift_right_arithmetic3A_207 = arith.shrsi %gather3A_201, %shift_right_arithmetic3A_206 : vector<16xi32>
      %add3A_208 = arith.addi %mul3A_204, %shift_right_arithmetic3A_207 : vector<16xi32>
      %mul3A_209 = arith.constant 6 : i32
      %mul3A_210 = vector.broadcast %mul3A_209 : i32 to vector<16xi32>
      %mul3A_211 = arith.muli %add3A_208, %mul3A_210 : vector<16xi32>
      %add3A_212 = arith.addi %mul3A_211, %sub3A_190 : vector<16xi32>
      %mul3A_213 = arith.constant 8 : i32
      %mul3A_214 = vector.broadcast %mul3A_213 : i32 to vector<16xi32>
      %mul3A_215 = arith.muli %add3A_212, %mul3A_214 : vector<16xi32>
      %and3A_216 = arith.constant 7 : i32
      %and3A_217 = vector.broadcast %and3A_216 : i32 to vector<16xi32>
      %and3A_218 = arith.andi %gather3A_201, %and3A_217 : vector<16xi32>
      %add3A_219 = arith.addi %mul3A_215, %and3A_218 : vector<16xi32>
      %swap3A_220 = arith.constant 0 : i32
      %swap3A_221 = arith.index_cast %swap3A_220 : i32 to index
      %swap3A_222 = arith.constant 48 : index
      %swap3A_223 = tpu.vector_load %arg7[%swap3A_221, %swap3A_222] {strides = array<i32>} : memref<120x128xi32, #tpu.memory_space<vmem>>, vector<16xi32>,
      tpu.vector_store %arg7[%swap3A_221, %swap3A_222], %add3A_219 {strides = array<i32>} : memref<120x128xi32, #tpu.memory_space<vmem>>, vector<16xi32>,
      %add3A_224 = arith.constant 0 : i32
      %add3A_225 = arith.addi %mul3A_2, %add3A_224 : i32
      %add3A_226 = arith.constant 64 : i32
      %add3A_227 = arith.addi %add3A_225, %add3A_226 : i32
      %add3A_228 = vector.broadcast %add3A_227 : i32 to vector<16xi32>
      %add3A_229 = arith.addi %add3A_228, %iota3A : vector<16xi32>
      %and3A_230 = arith.constant 7 : i32
      %and3A_231 = vector.broadcast %and3A_230 : i32 to vector<16xi32>
      %and3A_232 = arith.andi %add3A_229, %and3A_231 : vector<16xi32>
      %shift_right_arithmetic3A_233 = arith.constant 3 : i32
      %shift_right_arithmetic3A_234 = vector.broadcast %shift_right_arithmetic3A_233 : i32 to vector<16xi32>
      %shift_right_arithmetic3A_235 = arith.shrsi %add3A_229, %shift_right_arithmetic3A_234 : vector<16xi32>
      %mul3A_236 = arith.constant 43691 : i32
      %mul3A_237 = vector.broadcast %mul3A_236 : i32 to vector<16xi32>
      %mul3A_238 = arith.muli %shift_right_arithmetic3A_235, %mul3A_237 : vector<16xi32>
      %shift_right_logical3A_239 = arith.constant 18 : i32
      %shift_right_logical3A_240 = vector.broadcast %shift_right_logical3A_239 : i32 to vector<16xi32>
      %shift_right_logical3A_241 = arith.shrui %mul3A_238, %shift_right_logical3A_240 : vector<16xi32>
      %mul3A_242 = arith.constant 6 : i32
      %mul3A_243 = vector.broadcast %mul3A_242 : i32 to vector<16xi32>
      %mul3A_244 = arith.muli %shift_right_logical3A_241, %mul3A_243 : vector<16xi32>
      %sub3A_245 = arith.subi %shift_right_arithmetic3A_235, %mul3A_244 : vector<16xi32>
      %shift_right_arithmetic3A_246 = arith.constant 9 : i32
      %shift_right_arithmetic3A_247 = vector.broadcast %shift_right_arithmetic3A_246 : i32 to vector<16xi32>
      %shift_right_arithmetic3A_248 = arith.shrsi %shift_right_logical3A_241, %shift_right_arithmetic3A_247 : vector<16xi32>
      %and3A_249 = arith.constant 511 : i32
      %and3A_250 = vector.broadcast %and3A_249 : i32 to vector<16xi32>
      %and3A_251 = arith.andi %shift_right_logical3A_241, %and3A_250 : vector<16xi32>
      %mul3A_252 = arith.constant 8 : i32
      %mul3A_253 = vector.broadcast %mul3A_252 : i32 to vector<16xi32>
      %mul3A_254 = arith.muli %and3A_251, %mul3A_253 : vector<16xi32>
      %add3A_255 = arith.addi %mul3A_254, %and3A_232 : vector<16xi32>
      %gather3A_256 = tpu.vector_load_idx %arg6[%add3A_255] : memref<4096xi32, #tpu.memory_space<vmem>>[vector<16xi32>], vector<16xi32>,
      %mul3A_257 = arith.constant 125 : i32
      %mul3A_258 = vector.broadcast %mul3A_257 : i32 to vector<16xi32>
      %mul3A_259 = arith.muli %shift_right_arithmetic3A_248, %mul3A_258 : vector<16xi32>
      %shift_right_arithmetic3A_260 = arith.constant 3 : i32
      %shift_right_arithmetic3A_261 = vector.broadcast %shift_right_arithmetic3A_260 : i32 to vector<16xi32>
      %shift_right_arithmetic3A_262 = arith.shrsi %gather3A_256, %shift_right_arithmetic3A_261 : vector<16xi32>
      %add3A_263 = arith.addi %mul3A_259, %shift_right_arithmetic3A_262 : vector<16xi32>
      %mul3A_264 = arith.constant 6 : i32
      %mul3A_265 = vector.broadcast %mul3A_264 : i32 to vector<16xi32>
      %mul3A_266 = arith.muli %add3A_263, %mul3A_265 : vector<16xi32>
      %add3A_267 = arith.addi %mul3A_266, %sub3A_245 : vector<16xi32>
      %mul3A_268 = arith.constant 8 : i32
      %mul3A_269 = vector.broadcast %mul3A_268 : i32 to vector<16xi32>
      %mul3A_270 = arith.muli %add3A_267, %mul3A_269 : vector<16xi32>
      %and3A_271 = arith.constant 7 : i32
      %and3A_272 = vector.broadcast %and3A_271 : i32 to vector<16xi32>
      %and3A_273 = arith.andi %gather3A_256, %and3A_272 : vector<16xi32>
      %add3A_274 = arith.addi %mul3A_270, %and3A_273 : vector<16xi32>
      %swap3A_275 = arith.constant 0 : i32
      %swap3A_276 = arith.index_cast %swap3A_275 : i32 to index
      %swap3A_277 = arith.constant 64 : index
      %swap3A_278 = tpu.vector_load %arg7[%swap3A_276, %swap3A_277] {strides = array<i32>} : memref<120x128xi32, #tpu.memory_space<vmem>>, vector<16xi32>,
      tpu.vector_store %arg7[%swap3A_276, %swap3A_277], %add3A_274 {strides = array<i32>} : memref<120x128xi32, #tpu.memory_space<vmem>>, vector<16xi32>,
      %add3A_279 = arith.constant 0 : i32
      %add3A_280 = arith.addi %mul3A_2, %add3A_279 : i32
      %add3A_281 = arith.constant 80 : i32
      %add3A_282 = arith.addi %add3A_280, %add3A_281 : i32
      %add3A_283 = vector.broadcast %add3A_282 : i32 to vector<16xi32>
      %add3A_284 = arith.addi %add3A_283, %iota3A : vector<16xi32>
      %and3A_285 = arith.constant 7 : i32
      %and3A_286 = vector.broadcast %and3A_285 : i32 to vector<16xi32>
      %and3A_287 = arith.andi %add3A_284, %and3A_286 : vector<16xi32>
      %shift_right_arithmetic3A_288 = arith.constant 3 : i32
      %shift_right_arithmetic3A_289 = vector.broadcast %shift_right_arithmetic3A_288 : i32 to vector<16xi32>
      %shift_right_arithmetic3A_290 = arith.shrsi %add3A_284, %shift_right_arithmetic3A_289 : vector<16xi32>
      %mul3A_291 = arith.constant 43691 : i32
      %mul3A_292 = vector.broadcast %mul3A_291 : i32 to vector<16xi32>
      %mul3A_293 = arith.muli %shift_right_arithmetic3A_290, %mul3A_292 : vector<16xi32>
      %shift_right_logical3A_294 = arith.constant 18 : i32
      %shift_right_logical3A_295 = vector.broadcast %shift_right_logical3A_294 : i32 to vector<16xi32>
      %shift_right_logical3A_296 = arith.shrui %mul3A_293, %shift_right_logical3A_295 : vector<16xi32>
      %mul3A_297 = arith.constant 6 : i32
      %mul3A_298 = vector.broadcast %mul3A_297 : i32 to vector<16xi32>
      %mul3A_299 = arith.muli %shift_right_logical3A_296, %mul3A_298 : vector<16xi32>
      %sub3A_300 = arith.subi %shift_right_arithmetic3A_290, %mul3A_299 : vector<16xi32>
      %shift_right_arithmetic3A_301 = arith.constant 9 : i32
      %shift_right_arithmetic3A_302 = vector.broadcast %shift_right_arithmetic3A_301 : i32 to vector<16xi32>
      %shift_right_arithmetic3A_303 = arith.shrsi %shift_right_logical3A_296, %shift_right_arithmetic3A_302 : vector<16xi32>
      %and3A_304 = arith.constant 511 : i32
      %and3A_305 = vector.broadcast %and3A_304 : i32 to vector<16xi32>
      %and3A_306 = arith.andi %shift_right_logical3A_296, %and3A_305 : vector<16xi32>
      %mul3A_307 = arith.constant 8 : i32
      %mul3A_308 = vector.broadcast %mul3A_307 : i32 to vector<16xi32>
      %mul3A_309 = arith.muli %and3A_306, %mul3A_308 : vector<16xi32>
      %add3A_310 = arith.addi %mul3A_309, %and3A_287 : vector<16xi32>
      %gather3A_311 = tpu.vector_load_idx %arg6[%add3A_310] : memref<4096xi32, #tpu.memory_space<vmem>>[vector<16xi32>], vector<16xi32>,
      %mul3A_312 = arith.constant 125 : i32
      %mul3A_313 = vector.broadcast %mul3A_312 : i32 to vector<16xi32>
      %mul3A_314 = arith.muli %shift_right_arithmetic3A_303, %mul3A_313 : vector<16xi32>
      %shift_right_arithmetic3A_315 = arith.constant 3 : i32
      %shift_right_arithmetic3A_316 = vector.broadcast %shift_right_arithmetic3A_315 : i32 to vector<16xi32>
      %shift_right_arithmetic3A_317 = arith.shrsi %gather3A_311, %shift_right_arithmetic3A_316 : vector<16xi32>
      %add3A_318 = arith.addi %mul3A_314, %shift_right_arithmetic3A_317 : vector<16xi32>
      %mul3A_319 = arith.constant 6 : i32
      %mul3A_320 = vector.broadcast %mul3A_319 : i32 to vector<16xi32>
      %mul3A_321 = arith.muli %add3A_318, %mul3A_320 : vector<16xi32>
      %add3A_322 = arith.addi %mul3A_321, %sub3A_300 : vector<16xi32>
      %mul3A_323 = arith.constant 8 : i32
      %mul3A_324 = vector.broadcast %mul3A_323 : i32 to vector<16xi32>
      %mul3A_325 = arith.muli %add3A_322, %mul3A_324 : vector<16xi32>
      %and3A_326 = arith.constant 7 : i32
      %and3A_327 = vector.broadcast %and3A_326 : i32 to vector<16xi32>
      %and3A_328 = arith.andi %gather3A_311, %and3A_327 : vector<16xi32>
      %add3A_329 = arith.addi %mul3A_325, %and3A_328 : vector<16xi32>
      %swap3A_330 = arith.constant 0 : i32
      %swap3A_331 = arith.index_cast %swap3A_330 : i32 to index
      %swap3A_332 = arith.constant 80 : index
      %swap3A_333 = tpu.vector_load %arg7[%swap3A_331, %swap3A_332] {strides = array<i32>} : memref<120x128xi32, #tpu.memory_space<vmem>>, vector<16xi32>,
      tpu.vector_store %arg7[%swap3A_331, %swap3A_332], %add3A_329 {strides = array<i32>} : memref<120x128xi32, #tpu.memory_space<vmem>>, vector<16xi32>,
      %add3A_334 = arith.constant 0 : i32
      %add3A_335 = arith.addi %mul3A_2, %add3A_334 : i32
      %add3A_336 = arith.constant 96 : i32
      %add3A_337 = arith.addi %add3A_335, %add3A_336 : i32
      %add3A_338 = vector.broadcast %add3A_337 : i32 to vector<16xi32>
      %add3A_339 = arith.addi %add3A_338, %iota3A : vector<16xi32>
      %and3A_340 = arith.constant 7 : i32
      %and3A_341 = vector.broadcast %and3A_340 : i32 to vector<16xi32>
      %and3A_342 = arith.andi %add3A_339, %and3A_341 : vector<16xi32>
      %shift_right_arithmetic3A_343 = arith.constant 3 : i32
      %shift_right_arithmetic3A_344 = vector.broadcast %shift_right_arithmetic3A_343 : i32 to vector<16xi32>
      %shift_right_arithmetic3A_345 = arith.shrsi %add3A_339, %shift_right_arithmetic3A_344 : vector<16xi32>
      %mul3A_346 = arith.constant 43691 : i32
      %mul3A_347 = vector.broadcast %mul3A_346 : i32 to vector<16xi32>
      %mul3A_348 = arith.muli %shift_right_arithmetic3A_345, %mul3A_347 : vector<16xi32>
      %shift_right_logical3A_349 = arith.constant 18 : i32
      %shift_right_logical3A_350 = vector.broadcast %shift_right_logical3A_349 : i32 to vector<16xi32>
      %shift_right_logical3A_351 = arith.shrui %mul3A_348, %shift_right_logical3A_350 : vector<16xi32>
      %mul3A_352 = arith.constant 6 : i32
      %mul3A_353 = vector.broadcast %mul3A_352 : i32 to vector<16xi32>
      %mul3A_354 = arith.muli %shift_right_logical3A_351, %mul3A_353 : vector<16xi32>
      %sub3A_355 = arith.subi %shift_right_arithmetic3A_345, %mul3A_354 : vector<16xi32>
      %shift_right_arithmetic3A_356 = arith.constant 9 : i32
      %shift_right_arithmetic3A_357 = vector.broadcast %shift_right_arithmetic3A_356 : i32 to vector<16xi32>
      %shift_right_arithmetic3A_358 = arith.shrsi %shift_right_logical3A_351, %shift_right_arithmetic3A_357 : vector<16xi32>
      %and3A_359 = arith.constant 511 : i32
      %and3A_360 = vector.broadcast %and3A_359 : i32 to vector<16xi32>
      %and3A_361 = arith.andi %shift_right_logical3A_351, %and3A_360 : vector<16xi32>
      %mul3A_362 = arith.constant 8 : i32
      %mul3A_363 = vector.broadcast %mul3A_362 : i32 to vector<16xi32>
      %mul3A_364 = arith.muli %and3A_361, %mul3A_363 : vector<16xi32>
      %add3A_365 = arith.addi %mul3A_364, %and3A_342 : vector<16xi32>
      %gather3A_366 = tpu.vector_load_idx %arg6[%add3A_365] : memref<4096xi32, #tpu.memory_space<vmem>>[vector<16xi32>], vector<16xi32>,
      %mul3A_367 = arith.constant 125 : i32
      %mul3A_368 = vector.broadcast %mul3A_367 : i32 to vector<16xi32>
      %mul3A_369 = arith.muli %shift_right_arithmetic3A_358, %mul3A_368 : vector<16xi32>
      %shift_right_arithmetic3A_370 = arith.constant 3 : i32
      %shift_right_arithmetic3A_371 = vector.broadcast %shift_right_arithmetic3A_370 : i32 to vector<16xi32>
      %shift_right_arithmetic3A_372 = arith.shrsi %gather3A_366, %shift_right_arithmetic3A_371 : vector<16xi32>
      %add3A_373 = arith.addi %mul3A_369, %shift_right_arithmetic3A_372 : vector<16xi32>
      %mul3A_374 = arith.constant 6 : i32
      %mul3A_375 = vector.broadcast %mul3A_374 : i32 to vector<16xi32>
      %mul3A_376 = arith.muli %add3A_373, %mul3A_375 : vector<16xi32>
      %add3A_377 = arith.addi %mul3A_376, %sub3A_355 : vector<16xi32>
      %mul3A_378 = arith.constant 8 : i32
      %mul3A_379 = vector.broadcast %mul3A_378 : i32 to vector<16xi32>
      %mul3A_380 = arith.muli %add3A_377, %mul3A_379 : vector<16xi32>
      %and3A_381 = arith.constant 7 : i32
      %and3A_382 = vector.broadcast %and3A_381 : i32 to vector<16xi32>
      %and3A_383 = arith.andi %gather3A_366, %and3A_382 : vector<16xi32>
      %add3A_384 = arith.addi %mul3A_380, %and3A_383 : vector<16xi32>
      %swap3A_385 = arith.constant 0 : i32
      %swap3A_386 = arith.index_cast %swap3A_385 : i32 to index
      %swap3A_387 = arith.constant 96 : index
      %swap3A_388 = tpu.vector_load %arg7[%swap3A_386, %swap3A_387] {strides = array<i32>} : memref<120x128xi32, #tpu.memory_space<vmem>>, vector<16xi32>,
      tpu.vector_store %arg7[%swap3A_386, %swap3A_387], %add3A_384 {strides = array<i32>} : memref<120x128xi32, #tpu.memory_space<vmem>>, vector<16xi32>,
      %add3A_389 = arith.constant 0 : i32
      %add3A_390 = arith.addi %mul3A_2, %add3A_389 : i32
      %add3A_391 = arith.constant 112 : i32
      %add3A_392 = arith.addi %add3A_390, %add3A_391 : i32
      %add3A_393 = vector.broadcast %add3A_392 : i32 to vector<16xi32>
      %add3A_394 = arith.addi %add3A_393, %iota3A : vector<16xi32>
      %and3A_395 = arith.constant 7 : i32
      %and3A_396 = vector.broadcast %and3A_395 : i32 to vector<16xi32>
      %and3A_397 = arith.andi %add3A_394, %and3A_396 : vector<16xi32>
      %shift_right_arithmetic3A_398 = arith.constant 3 : i32
      %shift_right_arithmetic3A_399 = vector.broadcast %shift_right_arithmetic3A_398 : i32 to vector<16xi32>
      %shift_right_arithmetic3A_400 = arith.shrsi %add3A_394, %shift_right_arithmetic3A_399 : vector<16xi32>
      %mul3A_401 = arith.constant 43691 : i32
      %mul3A_402 = vector.broadcast %mul3A_401 : i32 to vector<16xi32>
      %mul3A_403 = arith.muli %shift_right_arithmetic3A_400, %mul3A_402 : vector<16xi32>
      %shift_right_logical3A_404 = arith.constant 18 : i32
      %shift_right_logical3A_405 = vector.broadcast %shift_right_logical3A_404 : i32 to vector<16xi32>
      %shift_right_logical3A_406 = arith.shrui %mul3A_403, %shift_right_logical3A_405 : vector<16xi32>
      %mul3A_407 = arith.constant 6 : i32
      %mul3A_408 = vector.broadcast %mul3A_407 : i32 to vector<16xi32>
      %mul3A_409 = arith.muli %shift_right_logical3A_406, %mul3A_408 : vector<16xi32>
      %sub3A_410 = arith.subi %shift_right_arithmetic3A_400, %mul3A_409 : vector<16xi32>
      %shift_right_arithmetic3A_411 = arith.constant 9 : i32
      %shift_right_arithmetic3A_412 = vector.broadcast %shift_right_arithmetic3A_411 : i32 to vector<16xi32>
      %shift_right_arithmetic3A_413 = arith.shrsi %shift_right_logical3A_406, %shift_right_arithmetic3A_412 : vector<16xi32>
      %and3A_414 = arith.constant 511 : i32
      %and3A_415 = vector.broadcast %and3A_414 : i32 to vector<16xi32>
      %and3A_416 = arith.andi %shift_right_logical3A_406, %and3A_415 : vector<16xi32>
      %mul3A_417 = arith.constant 8 : i32
      %mul3A_418 = vector.broadcast %mul3A_417 : i32 to vector<16xi32>
      %mul3A_419 = arith.muli %and3A_416, %mul3A_418 : vector<16xi32>
      %add3A_420 = arith.addi %mul3A_419, %and3A_397 : vector<16xi32>
      %gather3A_421 = tpu.vector_load_idx %arg6[%add3A_420] : memref<4096xi32, #tpu.memory_space<vmem>>[vector<16xi32>], vector<16xi32>,
      %mul3A_422 = arith.constant 125 : i32
      %mul3A_423 = vector.broadcast %mul3A_422 : i32 to vector<16xi32>
      %mul3A_424 = arith.muli %shift_right_arithmetic3A_413, %mul3A_423 : vector<16xi32>
      %shift_right_arithmetic3A_425 = arith.constant 3 : i32
      %shift_right_arithmetic3A_426 = vector.broadcast %shift_right_arithmetic3A_425 : i32 to vector<16xi32>
      %shift_right_arithmetic3A_427 = arith.shrsi %gather3A_421, %shift_right_arithmetic3A_426 : vector<16xi32>
      %add3A_428 = arith.addi %mul3A_424, %shift_right_arithmetic3A_427 : vector<16xi32>
      %mul3A_429 = arith.constant 6 : i32
      %mul3A_430 = vector.broadcast %mul3A_429 : i32 to vector<16xi32>
      %mul3A_431 = arith.muli %add3A_428, %mul3A_430 : vector<16xi32>
      %add3A_432 = arith.addi %mul3A_431, %sub3A_410 : vector<16xi32>
      %mul3A_433 = arith.constant 8 : i32
      %mul3A_434 = vector.broadcast %mul3A_433 : i32 to vector<16xi32>
      %mul3A_435 = arith.muli %add3A_432, %mul3A_434 : vector<16xi32>
      %and3A_436 = arith.constant 7 : i32
      %and3A_437 = vector.broadcast %and3A_436 : i32 to vector<16xi32>
      %and3A_438 = arith.andi %gather3A_421, %and3A_437 : vector<16xi32>
      %add3A_439 = arith.addi %mul3A_435, %and3A_438 : vector<16xi32>
      %swap3A_440 = arith.constant 0 : i32
      %swap3A_441 = arith.index_cast %swap3A_440 : i32 to index
      %swap3A_442 = arith.constant 112 : index
      %swap3A_443 = tpu.vector_load %arg7[%swap3A_441, %swap3A_442] {strides = array<i32>} : memref<120x128xi32, #tpu.memory_space<vmem>>, vector<16xi32>,
      tpu.vector_store %arg7[%swap3A_441, %swap3A_442], %add3A_439 {strides = array<i32>} : memref<120x128xi32, #tpu.memory_space<vmem>>, vector<16xi32>,
      %dma_start3A = arith.constant 0 : i32
      %dma_start3A_444 = arith.constant 0 : i32
      %dma_start3A_445 = tpu.memref_slice %arg7[%dma_start3A, %dma_start3A_444] : memref<120x128xi32, #tpu.memory_space<vmem>> -> memref<1x128xi32, #tpu.memory_space<vmem>>
      %dma_start3A_446 = tpu.memref_squeeze %dma_start3A_445 : memref<1x128xi32, #tpu.memory_space<vmem>> -> memref<128xi32, #tpu.memory_space<vmem>>
      %dma_start3A_447 = arith.constant 0 : i32
      %dma_start3A_448 = arith.constant 0 : i32
      %dma_start3A_449 = tpu.memref_slice %arg2[%dma_start3A_447, %dma_start3A_448] : memref<120000x128xf32, #tpu.memory_space<hbm>> -> memref<120000x128xf32, #tpu.memory_space<hbm>>
      tpu.enqueue_indirect_dma source(%dma_start3A_449 : memref<120000x128xf32, #tpu.memory_space<hbm>>) target(%arg8 : memref<128x128xf32, #tpu.memory_space<vmem>>) offsets(%dma_start3A_446 : memref<128xi32, #tpu.memory_space<vmem>>) semaphore(%arg15 : memref<!tpu.dma_semaphore, #tpu.memory_space<semaphore_mem>>)
      %add3A_450 = arith.constant 128 : i32
      %add3A_451 = arith.addi %mul3A_2, %add3A_450 : i32
      %add3A_452 = arith.constant 0 : i32
      %add3A_453 = arith.addi %add3A_451, %add3A_452 : i32
      %add3A_454 = vector.broadcast %add3A_453 : i32 to vector<16xi32>
      %add3A_455 = arith.addi %add3A_454, %iota3A : vector<16xi32>
      %and3A_456 = arith.constant 7 : i32
      %and3A_457 = vector.broadcast %and3A_456 : i32 to vector<16xi32>
      %and3A_458 = arith.andi %add3A_455, %and3A_457 : vector<16xi32>
      %shift_right_arithmetic3A_459 = arith.constant 3 : i32
      %shift_right_arithmetic3A_460 = vector.broadcast %shift_right_arithmetic3A_459 : i32 to vector<16xi32>
      %shift_right_arithmetic3A_461 = arith.shrsi %add3A_455, %shift_right_arithmetic3A_460 : vector<16xi32>
      %mul3A_462 = arith.constant 43691 : i32
      %mul3A_463 = vector.broadcast %mul3A_462 : i32 to vector<16xi32>
      %mul3A_464 = arith.muli %shift_right_arithmetic3A_461, %mul3A_463 : vector<16xi32>
      %shift_right_logical3A_465 = arith.constant 18 : i32
      %shift_right_logical3A_466 = vector.broadcast %shift_right_logical3A_465 : i32 to vector<16xi32>
      %shift_right_logical3A_467 = arith.shrui %mul3A_464, %shift_right_logical3A_466 : vector<16xi32>
      %mul3A_468 = arith.constant 6 : i32
      %mul3A_469 = vector.broadcast %mul3A_468 : i32 to vector<16xi32>
      %mul3A_470 = arith.muli %shift_right_logical3A_467, %mul3A_469 : vector<16xi32>
      %sub3A_471 = arith.subi %shift_right_arithmetic3A_461, %mul3A_470 : vector<16xi32>
      %shift_right_arithmetic3A_472 = arith.constant 9 : i32
      %shift_right_arithmetic3A_473 = vector.broadcast %shift_right_arithmetic3A_472 : i32 to vector<16xi32>
      %shift_right_arithmetic3A_474 = arith.shrsi %shift_right_logical3A_467, %shift_right_arithmetic3A_473 : vector<16xi32>
      %and3A_475 = arith.constant 511 : i32
      %and3A_476 = vector.broadcast %and3A_475 : i32 to vector<16xi32>
      %and3A_477 = arith.andi %shift_right_logical3A_467, %and3A_476 : vector<16xi32>
      %mul3A_478 = arith.constant 8 : i32
      %mul3A_479 = vector.broadcast %mul3A_478 : i32 to vector<16xi32>
      %mul3A_480 = arith.muli %and3A_477, %mul3A_479 : vector<16xi32>
      %add3A_481 = arith.addi %mul3A_480, %and3A_458 : vector<16xi32>
      %gather3A_482 = tpu.vector_load_idx %arg6[%add3A_481] : memref<4096xi32, #tpu.memory_space<vmem>>[vector<16xi32>], vector<16xi32>,
      %mul3A_483 = arith.constant 125 : i32
      %mul3A_484 = vector.broadcast %mul3A_483 : i32 to vector<16xi32>
      %mul3A_485 = arith.muli %shift_right_arithmetic3A_474, %mul3A_484 : vector<16xi32>
      %shift_right_arithmetic3A_486 = arith.constant 3 : i32
      %shift_right_arithmetic3A_487 = vector.broadcast %shift_right_arithmetic3A_486 : i32 to vector<16xi32>
      %shift_right_arithmetic3A_488 = arith.shrsi %gather3A_482, %shift_right_arithmetic3A_487 : vector<16xi32>
      %add3A_489 = arith.addi %mul3A_485, %shift_right_arithmetic3A_488 : vector<16xi32>
      %mul3A_490 = arith.constant 6 : i32
      %mul3A_491 = vector.broadcast %mul3A_490 : i32 to vector<16xi32>
      %mul3A_492 = arith.muli %add3A_489, %mul3A_491 : vector<16xi32>
      %add3A_493 = arith.addi %mul3A_492, %sub3A_471 : vector<16xi32>
      %mul3A_494 = arith.constant 8 : i32
      %mul3A_495 = vector.broadcast %mul3A_494 : i32 to vector<16xi32>
      %mul3A_496 = arith.muli %add3A_493, %mul3A_495 : vector<16xi32>
      %and3A_497 = arith.constant 7 : i32
      %and3A_498 = vector.broadcast %and3A_497 : i32 to vector<16xi32>
      %and3A_499 = arith.andi %gather3A_482, %and3A_498 : vector<16xi32>
      %add3A_500 = arith.addi %mul3A_496, %and3A_499 : vector<16xi32>
      %swap3A_501 = arith.constant 1 : i32
      %swap3A_502 = arith.index_cast %swap3A_501 : i32 to index
      %swap3A_503 = arith.constant 0 : index
      %swap3A_504 = tpu.vector_load %arg7[%swap3A_502, %swap3A_503] {strides = array<i32>} : memref<120x128xi32, #tpu.memory_space<vmem>>, vector<16xi32>,
      tpu.vector_store %arg7[%swap3A_502, %swap3A_503], %add3A_500 {strides = array<i32>} : memref<120x128xi32, #tpu.memory_space<vmem>>, vector<16xi32>,
      %add3A_505 = arith.constant 128 : i32
      %add3A_506 = arith.addi %mul3A_2, %add3A_505 : i32
      %add3A_507 = arith.constant 16 : i32
      %add3A_508 = arith.addi %add3A_506, %add3A_507 : i32
      %add3A_509 = vector.broadcast %add3A_508 : i32 to vector<16xi32>
      %add3A_510 = arith.addi %add3A_509, %iota3A : vector<16xi32>
      %and3A_511 = arith.constant 7 : i32
      %and3A_512 = vector.broadcast %and3A_511 : i32 to vector<16xi32>
      %and3A_513 = arith.andi %add3A_510, %and3A_512 : vector<16xi32>
      %shift_right_arithmetic3A_514 = arith.constant 3 : i32
      %shift_right_arithmetic3A_515 = vector.broadcast %shift_right_arithmetic3A_514 : i32 to vector<16xi32>
      %shift_right_arithmetic3A_516 = arith.shrsi %add3A_510, %shift_right_arithmetic3A_515 : vector<16xi32>
      %mul3A_517 = arith.constant 43691 : i32
      %mul3A_518 = vector.broadcast %mul3A_517 : i32 to vector<16xi32>
      %mul3A_519 = arith.muli %shift_right_arithmetic3A_516, %mul3A_518 : vector<16xi32>
      %shift_right_logical3A_520 = arith.constant 18 : i32
      %shift_right_logical3A_521 = vector.broadcast %shift_right_logical3A_520 : i32 to vector<16xi32>
      %shift_right_logical3A_522 = arith.shrui %mul3A_519, %shift_right_logical3A_521 : vector<16xi32>
      %mul3A_523 = arith.constant 6 : i32
      %mul3A_524 = vector.broadcast %mul3A_523 : i32 to vector<16xi32>
      %mul3A_525 = arith.muli %shift_right_logical3A_522, %mul3A_524 : vector<16xi32>
      %sub3A_526 = arith.subi %shift_right_arithmetic3A_516, %mul3A_525 : vector<16xi32>
      %shift_right_arithmetic3A_527 = arith.constant 9 : i32
      %shift_right_arithmetic3A_528 = vector.broadcast %shift_right_arithmetic3A_527 : i32 to vector<16xi32>
      %shift_right_arithmetic3A_529 = arith.shrsi %shift_right_logical3A_522, %shift_right_arithmetic3A_528 : vector<16xi32>
      %and3A_530 = arith.constant 511 : i32
      %and3A_531 = vector.broadcast %and3A_530 : i32 to vector<16xi32>
      %and3A_532 = arith.andi %shift_right_logical3A_522, %and3A_531 : vector<16xi32>
      %mul3A_533 = arith.constant 8 : i32
      %mul3A_534 = vector.broadcast %mul3A_533 : i32 to vector<16xi32>
      %mul3A_535 = arith.muli %and3A_532, %mul3A_534 : vector<16xi32>
      %add3A_536 = arith.addi %mul3A_535, %and3A_513 : vector<16xi32>
      %gather3A_537 = tpu.vector_load_idx %arg6[%add3A_536] : memref<4096xi32, #tpu.memory_space<vmem>>[vector<16xi32>], vector<16xi32>,
      %mul3A_538 = arith.constant 125 : i32
      %mul3A_539 = vector.broadcast %mul3A_538 : i32 to vector<16xi32>
      %mul3A_540 = arith.muli %shift_right_arithmetic3A_529, %mul3A_539 : vector<16xi32>
      %shift_right_arithmetic3A_541 = arith.constant 3 : i32
      %shift_right_arithmetic3A_542 = vector.broadcast %shift_right_arithmetic3A_541 : i32 to vector<16xi32>
      %shift_right_arithmetic3A_543 = arith.shrsi %gather3A_537, %shift_right_arithmetic3A_542 : vector<16xi32>
      %add3A_544 = arith.addi %mul3A_540, %shift_right_arithmetic3A_543 : vector<16xi32>
      %mul3A_545 = arith.constant 6 : i32
      %mul3A_546 = vector.broadcast %mul3A_545 : i32 to vector<16xi32>
      %mul3A_547 = arith.muli %add3A_544, %mul3A_546 : vector<16xi32>
      %add3A_548 = arith.addi %mul3A_547, %sub3A_526 : vector<16xi32>
      %mul3A_549 = arith.constant 8 : i32
      %mul3A_550 = vector.broadcast %mul3A_549 : i32 to vector<16xi32>
      %mul3A_551 = arith.muli %add3A_548, %mul3A_550 : vector<16xi32>
      %and3A_552 = arith.constant 7 : i32
      %and3A_553 = vector.broadcast %and3A_552 : i32 to vector<16xi32>
      %and3A_554 = arith.andi %gather3A_537, %and3A_553 : vector<16xi32>
      %add3A_555 = arith.addi %mul3A_551, %and3A_554 : vector<16xi32>
      %swap3A_556 = arith.constant 1 : i32
      %swap3A_557 = arith.index_cast %swap3A_556 : i32 to index
      %swap3A_558 = arith.constant 16 : index
      %swap3A_559 = tpu.vector_load %arg7[%swap3A_557, %swap3A_558] {strides = array<i32>} : memref<120x128xi32, #tpu.memory_space<vmem>>, vector<16xi32>,
      tpu.vector_store %arg7[%swap3A_557, %swap3A_558], %add3A_555 {strides = array<i32>} : memref<120x128xi32, #tpu.memory_space<vmem>>, vector<16xi32>,
      %add3A_560 = arith.constant 128 : i32
      %add3A_561 = arith.addi %mul3A_2, %add3A_560 : i32
      %add3A_562 = arith.constant 32 : i32
      %add3A_563 = arith.addi %add3A_561, %add3A_562 : i32
      %add3A_564 = vector.broadcast %add3A_563 : i32 to vector<16xi32>
      %add3A_565 = arith.addi %add3A_564, %iota3A : vector<16xi32>
      %and3A_566 = arith.constant 7 : i32
      %and3A_567 = vector.broadcast %and3A_566 : i32 to vector<16xi32>
      %and3A_568 = arith.andi %add3A_565, %and3A_567 : vector<16xi32>
      %shift_right_arithmetic3A_569 = arith.constant 3 : i32
      %shift_right_arithmetic3A_570 = vector.broadcast %shift_right_arithmetic3A_569 : i32 to vector<16xi32>
      %shift_right_arithmetic3A_571 = arith.shrsi %add3A_565, %shift_right_arithmetic3A_570 : vector<16xi32>
      %mul3A_572 = arith.constant 43691 : i32
      %mul3A_573 = vector.broadcast %mul3A_572 : i32 to vector<16xi32>
      %mul3A_574 = arith.muli %shift_right_arithmetic3A_571, %mul3A_573 : vector<16xi32>
      %shift_right_logical3A_575 = arith.constant 18 : i32
      %shift_right_logical3A_576 = vector.broadcast %shift_right_logical3A_575 : i32 to vector<16xi32>
      %shift_right_logical3A_577 = arith.shrui %mul3A_574, %shift_right_logical3A_576 : vector<16xi32>
      %mul3A_578 = arith.constant 6 : i32
      %mul3A_579 = vector.broadcast %mul3A_578 : i32 to vector<16xi32>
      %mul3A_580 = arith.muli %shift_right_logical3A_577, %mul3A_579 : vector<16xi32>
      %sub3A_581 = arith.subi %shift_right_arithmetic3A_571, %mul3A_580 : vector<16xi32>
      %shift_right_arithmetic3A_582 = arith.constant 9 : i32
      %shift_right_arithmetic3A_583 = vector.broadcast %shift_right_arithmetic3A_582 : i32 to vector<16xi32>
      %shift_right_arithmetic3A_584 = arith.shrsi %shift_right_logical3A_577, %shift_right_arithmetic3A_583 : vector<16xi32>
      %and3A_585 = arith.constant 511 : i32
      %and3A_586 = vector.broadcast %and3A_585 : i32 to vector<16xi32>
      %and3A_587 = arith.andi %shift_right_logical3A_577, %and3A_586 : vector<16xi32>
      %mul3A_588 = arith.constant 8 : i32
      %mul3A_589 = vector.broadcast %mul3A_588 : i32 to vector<16xi32>
      %mul3A_590 = arith.muli %and3A_587, %mul3A_589 : vector<16xi32>
      %add3A_591 = arith.addi %mul3A_590, %and3A_568 : vector<16xi32>
      %gather3A_592 = tpu.vector_load_idx %arg6[%add3A_591] : memref<4096xi32, #tpu.memory_space<vmem>>[vector<16xi32>], vector<16xi32>,
      %mul3A_593 = arith.constant 125 : i32
      %mul3A_594 = vector.broadcast %mul3A_593 : i32 to vector<16xi32>
      %mul3A_595 = arith.muli %shift_right_arithmetic3A_584, %mul3A_594 : vector<16xi32>
      %shift_right_arithmetic3A_596 = arith.constant 3 : i32
      %shift_right_arithmetic3A_597 = vector.broadcast %shift_right_arithmetic3A_596 : i32 to vector<16xi32>
      %shift_right_arithmetic3A_598 = arith.shrsi %gather3A_592, %shift_right_arithmetic3A_597 : vector<16xi32>
      %add3A_599 = arith.addi %mul3A_595, %shift_right_arithmetic3A_598 : vector<16xi32>
      %mul3A_600 = arith.constant 6 : i32
      %mul3A_601 = vector.broadcast %mul3A_600 : i32 to vector<16xi32>
      %mul3A_602 = arith.muli %add3A_599, %mul3A_601 : vector<16xi32>
      %add3A_603 = arith.addi %mul3A_602, %sub3A_581 : vector<16xi32>
      %mul3A_604 = arith.constant 8 : i32
      %mul3A_605 = vector.broadcast %mul3A_604 : i32 to vector<16xi32>
      %mul3A_606 = arith.muli %add3A_603, %mul3A_605 : vector<16xi32>
      %and3A_607 = arith.constant 7 : i32
      %and3A_608 = vector.broadcast %and3A_607 : i32 to vector<16xi32>
      %and3A_609 = arith.andi %gather3A_592, %and3A_608 : vector<16xi32>
      %add3A_610 = arith.addi %mul3A_606, %and3A_609 : vector<16xi32>
      %swap3A_611 = arith.constant 1 : i32
      %swap3A_612 = arith.index_cast %swap3A_611 : i32 to index
      %swap3A_613 = arith.constant 32 : index
      %swap3A_614 = tpu.vector_load %arg7[%swap3A_612, %swap3A_613] {strides = array<i32>} : memref<120x128xi32, #tpu.memory_space<vmem>>, vector<16xi32>,
      tpu.vector_store %arg7[%swap3A_612, %swap3A_613], %add3A_610 {strides = array<i32>} : memref<120x128xi32, #tpu.memory_space<vmem>>, vector<16xi32>,
      %add3A_615 = arith.constant 128 : i32
      %add3A_616 = arith.addi %mul3A_2, %add3A_615 : i32
      %add3A_617 = arith.constant 48 : i32
      %add3A_618 = arith.addi %add3A_616, %add3A_617 : i32
      %add3A_619 = vector.broadcast %add3A_618 : i32 to vector<16xi32>
      %add3A_620 = arith.addi %add3A_619, %iota3A : vector<16xi32>
      %and3A_621 = arith.constant 7 : i32
      %and3A_622 = vector.broadcast %and3A_621 : i32 to vector<16xi32>
      %and3A_623 = arith.andi %add3A_620, %and3A_622 : vector<16xi32>
      %shift_right_arithmetic3A_624 = arith.constant 3 : i32
      %shift_right_arithmetic3A_625 = vector.broadcast %shift_right_arithmetic3A_624 : i32 to vector<16xi32>
      %shift_right_arithmetic3A_626 = arith.shrsi %add3A_620, %shift_right_arithmetic3A_625 : vector<16xi32>
      %mul3A_627 = arith.constant 43691 : i32
      %mul3A_628 = vector.broadcast %mul3A_627 : i32 to vector<16xi32>
      %mul3A_629 = arith.muli %shift_right_arithmetic3A_626, %mul3A_628 : vector<16xi32>
      %shift_right_logical3A_630 = arith.constant 18 : i32
      %shift_right_logical3A_631 = vector.broadcast %shift_right_logical3A_630 : i32 to vector<16xi32>
      %shift_right_logical3A_632 = arith.shrui %mul3A_629, %shift_right_logical3A_631 : vector<16xi32>
      %mul3A_633 = arith.constant 6 : i32
      %mul3A_634 = vector.broadcast %mul3A_633 : i32 to vector<16xi32>
      %mul3A_635 = arith.muli %shift_right_logical3A_632, %mul3A_634 : vector<16xi32>
      %sub3A_636 = arith.subi %shift_right_arithmetic3A_626, %mul3A_635 : vector<16xi32>
      %shift_right_arithmetic3A_637 = arith.constant 9 : i32
      %shift_right_arithmetic3A_638 = vector.broadcast %shift_right_arithmetic3A_637 : i32 to vector<16xi32>
      %shift_right_arithmetic3A_639 = arith.shrsi %shift_right_logical3A_632, %shift_right_arithmetic3A_638 : vector<16xi32>
      %and3A_640 = arith.constant 511 : i32
      %and3A_641 = vector.broadcast %and3A_640 : i32 to vector<16xi32>
      %and3A_642 = arith.andi %shift_right_logical3A_632, %and3A_641 : vector<16xi32>
      %mul3A_643 = arith.constant 8 : i32
      %mul3A_644 = vector.broadcast %mul3A_643 : i32 to vector<16xi32>
      %mul3A_645 = arith.muli %and3A_642, %mul3A_644 : vector<16xi32>
      %add3A_646 = arith.addi %mul3A_645, %and3A_623 : vector<16xi32>
      %gather3A_647 = tpu.vector_load_idx %arg6[%add3A_646] : memref<4096xi32, #tpu.memory_space<vmem>>[vector<16xi32>], vector<16xi32>,
      %mul3A_648 = arith.constant 125 : i32
      %mul3A_649 = vector.broadcast %mul3A_648 : i32 to vector<16xi32>
      %mul3A_650 = arith.muli %shift_right_arithmetic3A_639, %mul3A_649 : vector<16xi32>
      %shift_right_arithmetic3A_651 = arith.constant 3 : i32
      %shift_right_arithmetic3A_652 = vector.broadcast %shift_right_arithmetic3A_651 : i32 to vector<16xi32>
      %shift_right_arithmetic3A_653 = arith.shrsi %gather3A_647, %shift_right_arithmetic3A_652 : vector<16xi32>
      %add3A_654 = arith.addi %mul3A_650, %shift_right_arithmetic3A_653 : vector<16xi32>
      %mul3A_655 = arith.constant 6 : i32
      %mul3A_656 = vector.broadcast %mul3A_655 : i32 to vector<16xi32>
      %mul3A_657 = arith.muli %add3A_654, %mul3A_656 : vector<16xi32>
      %add3A_658 = arith.addi %mul3A_657, %sub3A_636 : vector<16xi32>
      %mul3A_659 = arith.constant 8 : i32
      %mul3A_660 = vector.broadcast %mul3A_659 : i32 to vector<16xi32>
      %mul3A_661 = arith.muli %add3A_658, %mul3A_660 : vector<16xi32>
      %and3A_662 = arith.constant 7 : i32
      %and3A_663 = vector.broadcast %and3A_662 : i32 to vector<16xi32>
      %and3A_664 = arith.andi %gather3A_647, %and3A_663 : vector<16xi32>
      %add3A_665 = arith.addi %mul3A_661, %and3A_664 : vector<16xi32>
      %swap3A_666 = arith.constant 1 : i32
      %swap3A_667 = arith.index_cast %swap3A_666 : i32 to index
      %swap3A_668 = arith.constant 48 : index
      %swap3A_669 = tpu.vector_load %arg7[%swap3A_667, %swap3A_668] {strides = array<i32>} : memref<120x128xi32, #tpu.memory_space<vmem>>, vector<16xi32>,
      tpu.vector_store %arg7[%swap3A_667, %swap3A_668], %add3A_665 {strides = array<i32>} : memref<120x128xi32, #tpu.memory_space<vmem>>, vector<16xi32>,
      %add3A_670 = arith.constant 128 : i32
      %add3A_671 = arith.addi %mul3A_2, %add3A_670 : i32
      %add3A_672 = arith.constant 64 : i32
      %add3A_673 = arith.addi %add3A_671, %add3A_672 : i32
      %add3A_674 = vector.broadcast %add3A_673 : i32 to vector<16xi32>
      %add3A_675 = arith.addi %add3A_674, %iota3A : vector<16xi32>
      %and3A_676 = arith.constant 7 : i32
      %and3A_677 = vector.broadcast %and3A_676 : i32 to vector<16xi32>
      %and3A_678 = arith.andi %add3A_675, %and3A_677 : vector<16xi32>
      %shift_right_arithmetic3A_679 = arith.constant 3 : i32
      %shift_right_arithmetic3A_680 = vector.broadcast %shift_right_arithmetic3A_679 : i32 to vector<16xi32>
      %shift_right_arithmetic3A_681 = arith.shrsi %add3A_675, %shift_right_arithmetic3A_680 : vector<16xi32>
      %mul3A_682 = arith.constant 43691 : i32
      %mul3A_683 = vector.broadcast %mul3A_682 : i32 to vector<16xi32>
      %mul3A_684 = arith.muli %shift_right_arithmetic3A_681, %mul3A_683 : vector<16xi32>
      %shift_right_logical3A_685 = arith.constant 18 : i32
      %shift_right_logical3A_686 = vector.broadcast %shift_right_logical3A_685 : i32 to vector<16xi32>
      %shift_right_logical3A_687 = arith.shrui %mul3A_684, %shift_right_logical3A_686 : vector<16xi32>
      %mul3A_688 = arith.constant 6 : i32
      %mul3A_689 = vector.broadcast %mul3A_688 : i32 to vector<16xi32>
      %mul3A_690 = arith.muli %shift_right_logical3A_687, %mul3A_689 : vector<16xi32>
      %sub3A_691 = arith.subi %shift_right_arithmetic3A_681, %mul3A_690 : vector<16xi32>
      %shift_right_arithmetic3A_692 = arith.constant 9 : i32
      %shift_right_arithmetic3A_693 = vector.broadcast %shift_right_arithmetic3A_692 : i32 to vector<16xi32>
      %shift_right_arithmetic3A_694 = arith.shrsi %shift_right_logical3A_687, %shift_right_arithmetic3A_693 : vector<16xi32>
      %and3A_695 = arith.constant 511 : i32
      %and3A_696 = vector.broadcast %and3A_695 : i32 to vector<16xi32>
      %and3A_697 = arith.andi %shift_right_logical3A_687, %and3A_696 : vector<16xi32>
      %mul3A_698 = arith.constant 8 : i32
      %mul3A_699 = vector.broadcast %mul3A_698 : i32 to vector<16xi32>
      %mul3A_700 = arith.muli %and3A_697, %mul3A_699 : vector<16xi32>
      %add3A_701 = arith.addi %mul3A_700, %and3A_678 : vector<16xi32>
      %gather3A_702 = tpu.vector_load_idx %arg6[%add3A_701] : memref<4096xi32, #tpu.memory_space<vmem>>[vector<16xi32>], vector<16xi32>,
      %mul3A_703 = arith.constant 125 : i32
      %mul3A_704 = vector.broadcast %mul3A_703 : i32 to vector<16xi32>
      %mul3A_705 = arith.muli %shift_right_arithmetic3A_694, %mul3A_704 : vector<16xi32>
      %shift_right_arithmetic3A_706 = arith.constant 3 : i32
      %shift_right_arithmetic3A_707 = vector.broadcast %shift_right_arithmetic3A_706 : i32 to vector<16xi32>
      %shift_right_arithmetic3A_708 = arith.shrsi %gather3A_702, %shift_right_arithmetic3A_707 : vector<16xi32>
      %add3A_709 = arith.addi %mul3A_705, %shift_right_arithmetic3A_708 : vector<16xi32>
      %mul3A_710 = arith.constant 6 : i32
      %mul3A_711 = vector.broadcast %mul3A_710 : i32 to vector<16xi32>
      %mul3A_712 = arith.muli %add3A_709, %mul3A_711 : vector<16xi32>
      %add3A_713 = arith.addi %mul3A_712, %sub3A_691 : vector<16xi32>
      %mul3A_714 = arith.constant 8 : i32
      %mul3A_715 = vector.broadcast %mul3A_714 : i32 to vector<16xi32>
      %mul3A_716 = arith.muli %add3A_713, %mul3A_715 : vector<16xi32>
      %and3A_717 = arith.constant 7 : i32
      %and3A_718 = vector.broadcast %and3A_717 : i32 to vector<16xi32>
      %and3A_719 = arith.andi %gather3A_702, %and3A_718 : vector<16xi32>
      %add3A_720 = arith.addi %mul3A_716, %and3A_719 : vector<16xi32>
      %swap3A_721 = arith.constant 1 : i32
      %swap3A_722 = arith.index_cast %swap3A_721 : i32 to index
      %swap3A_723 = arith.constant 64 : index
      %swap3A_724 = tpu.vector_load %arg7[%swap3A_722, %swap3A_723] {strides = array<i32>} : memref<120x128xi32, #tpu.memory_space<vmem>>, vector<16xi32>,
      tpu.vector_store %arg7[%swap3A_722, %swap3A_723], %add3A_720 {strides = array<i32>} : memref<120x128xi32, #tpu.memory_space<vmem>>, vector<16xi32>,
      %add3A_725 = arith.constant 128 : i32
      %add3A_726 = arith.addi %mul3A_2, %add3A_725 : i32
      %add3A_727 = arith.constant 80 : i32
      %add3A_728 = arith.addi %add3A_726, %add3A_727 : i32
      %add3A_729 = vector.broadcast %add3A_728 : i32 to vector<16xi32>
      %add3A_730 = arith.addi %add3A_729, %iota3A : vector<16xi32>
      %and3A_731 = arith.constant 7 : i32
      %and3A_732 = vector.broadcast %and3A_731 : i32 to vector<16xi32>
      %and3A_733 = arith.andi %add3A_730, %and3A_732 : vector<16xi32>
      %shift_right_arithmetic3A_734 = arith.constant 3 : i32
      %shift_right_arithmetic3A_735 = vector.broadcast %shift_right_arithmetic3A_734 : i32 to vector<16xi32>
      %shift_right_arithmetic3A_736 = arith.shrsi %add3A_730, %shift_right_arithmetic3A_735 : vector<16xi32>
      %mul3A_737 = arith.constant 43691 : i32
      %mul3A_738 = vector.broadcast %mul3A_737 : i32 to vector<16xi32>
      %mul3A_739 = arith.muli %shift_right_arithmetic3A_736, %mul3A_738 : vector<16xi32>
      %shift_right_logical3A_740 = arith.constant 18 : i32
      %shift_right_logical3A_741 = vector.broadcast %shift_right_logical3A_740 : i32 to vector<16xi32>
      %shift_right_logical3A_742 = arith.shrui %mul3A_739, %shift_right_logical3A_741 : vector<16xi32>
      %mul3A_743 = arith.constant 6 : i32
      %mul3A_744 = vector.broadcast %mul3A_743 : i32 to vector<16xi32>
      %mul3A_745 = arith.muli %shift_right_logical3A_742, %mul3A_744 : vector<16xi32>
      %sub3A_746 = arith.subi %shift_right_arithmetic3A_736, %mul3A_745 : vector<16xi32>
      %shift_right_arithmetic3A_747 = arith.constant 9 : i32
      %shift_right_arithmetic3A_748 = vector.broadcast %shift_right_arithmetic3A_747 : i32 to vector<16xi32>
      %shift_right_arithmetic3A_749 = arith.shrsi %shift_right_logical3A_742, %shift_right_arithmetic3A_748 : vector<16xi32>
      %and3A_750 = arith.constant 511 : i32
      %and3A_751 = vector.broadcast %and3A_750 : i32 to vector<16xi32>
      %and3A_752 = arith.andi %shift_right_logical3A_742, %and3A_751 : vector<16xi32>
      %mul3A_753 = arith.constant 8 : i32
      %mul3A_754 = vector.broadcast %mul3A_753 : i32 to vector<16xi32>
      %mul3A_755 = arith.muli %and3A_752, %mul3A_754 : vector<16xi32>
      %add3A_756 = arith.addi %mul3A_755, %and3A_733 : vector<16xi32>
      %gather3A_757 = tpu.vector_load_idx %arg6[%add3A_756] : memref<4096xi32, #tpu.memory_space<vmem>>[vector<16xi32>], vector<16xi32>,
      %mul3A_758 = arith.constant 125 : i32
      %mul3A_759 = vector.broadcast %mul3A_758 : i32 to vector<16xi32>
      %mul3A_760 = arith.muli %shift_right_arithmetic3A_749, %mul3A_759 : vector<16xi32>
      %shift_right_arithmetic3A_761 = arith.constant 3 : i32
      %shift_right_arithmetic3A_762 = vector.broadcast %shift_right_arithmetic3A_761 : i32 to vector<16xi32>
      %shift_right_arithmetic3A_763 = arith.shrsi %gather3A_757, %shift_right_arithmetic3A_762 : vector<16xi32>
      %add3A_764 = arith.addi %mul3A_760, %shift_right_arithmetic3A_763 : vector<16xi32>
      %mul3A_765 = arith.constant 6 : i32
      %mul3A_766 = vector.broadcast %mul3A_765 : i32 to vector<16xi32>
      %mul3A_767 = arith.muli %add3A_764, %mul3A_766 : vector<16xi32>
      %add3A_768 = arith.addi %mul3A_767, %sub3A_746 : vector<16xi32>
      %mul3A_769 = arith.constant 8 : i32
      %mul3A_770 = vector.broadcast %mul3A_769 : i32 to vector<16xi32>
      %mul3A_771 = arith.muli %add3A_768, %mul3A_770 : vector<16xi32>
      %and3A_772 = arith.constant 7 : i32
      %and3A_773 = vector.broadcast %and3A_772 : i32 to vector<16xi32>
      %and3A_774 = arith.andi %gather3A_757, %and3A_773 : vector<16xi32>
      %add3A_775 = arith.addi %mul3A_771, %and3A_774 : vector<16xi32>
      %swap3A_776 = arith.constant 1 : i32
      %swap3A_777 = arith.index_cast %swap3A_776 : i32 to index
      %swap3A_778 = arith.constant 80 : index
      %swap3A_779 = tpu.vector_load %arg7[%swap3A_777, %swap3A_778] {strides = array<i32>} : memref<120x128xi32, #tpu.memory_space<vmem>>, vector<16xi32>,
      tpu.vector_store %arg7[%swap3A_777, %swap3A_778], %add3A_775 {strides = array<i32>} : memref<120x128xi32, #tpu.memory_space<vmem>>, vector<16xi32>,
      %add3A_780 = arith.constant 128 : i32
      %add3A_781 = arith.addi %mul3A_2, %add3A_780 : i32
      %add3A_782 = arith.constant 96 : i32
      %add3A_783 = arith.addi %add3A_781, %add3A_782 : i32
      %add3A_784 = vector.broadcast %add3A_783 : i32 to vector<16xi32>
      %add3A_785 = arith.addi %add3A_784, %iota3A : vector<16xi32>
      %and3A_786 = arith.constant 7 : i32
      %and3A_787 = vector.broadcast %and3A_786 : i32 to vector<16xi32>
      %and3A_788 = arith.andi %add3A_785, %and3A_787 : vector<16xi32>
      %shift_right_arithmetic3A_789 = arith.constant 3 : i32
      %shift_right_arithmetic3A_790 = vector.broadcast %shift_right_arithmetic3A_789 : i32 to vector<16xi32>
      %shift_right_arithmetic3A_791 = arith.shrsi %add3A_785, %shift_right_arithmetic3A_790 : vector<16xi32>
      %mul3A_792 = arith.constant 43691 : i32
      %mul3A_793 = vector.broadcast %mul3A_792 : i32 to vector<16xi32>
      %mul3A_794 = arith.muli %shift_right_arithmetic3A_791, %mul3A_793 : vector<16xi32>
      %shift_right_logical3A_795 = arith.constant 18 : i32
      %shift_right_logical3A_796 = vector.broadcast %shift_right_logical3A_795 : i32 to vector<16xi32>
      %shift_right_logical3A_797 = arith.shrui %mul3A_794, %shift_right_logical3A_796 : vector<16xi32>
      %mul3A_798 = arith.constant 6 : i32
      %mul3A_799 = vector.broadcast %mul3A_798 : i32 to vector<16xi32>
      %mul3A_800 = arith.muli %shift_right_logical3A_797, %mul3A_799 : vector<16xi32>
      %sub3A_801 = arith.subi %shift_right_arithmetic3A_791, %mul3A_800 : vector<16xi32>
      %shift_right_arithmetic3A_802 = arith.constant 9 : i32
      %shift_right_arithmetic3A_803 = vector.broadcast %shift_right_arithmetic3A_802 : i32 to vector<16xi32>
      %shift_right_arithmetic3A_804 = arith.shrsi %shift_right_logical3A_797, %shift_right_arithmetic3A_803 : vector<16xi32>
      %and3A_805 = arith.constant 511 : i32
      %and3A_806 = vector.broadcast %and3A_805 : i32 to vector<16xi32>
      %and3A_807 = arith.andi %shift_right_logical3A_797, %and3A_806 : vector<16xi32>
      %mul3A_808 = arith.constant 8 : i32
      %mul3A_809 = vector.broadcast %mul3A_808 : i32 to vector<16xi32>
      %mul3A_810 = arith.muli %and3A_807, %mul3A_809 : vector<16xi32>
      %add3A_811 = arith.addi %mul3A_810, %and3A_788 : vector<16xi32>
      %gather3A_812 = tpu.vector_load_idx %arg6[%add3A_811] : memref<4096xi32, #tpu.memory_space<vmem>>[vector<16xi32>], vector<16xi32>,
      %mul3A_813 = arith.constant 125 : i32
      %mul3A_814 = vector.broadcast %mul3A_813 : i32 to vector<16xi32>
      %mul3A_815 = arith.muli %shift_right_arithmetic3A_804, %mul3A_814 : vector<16xi32>
      %shift_right_arithmetic3A_816 = arith.constant 3 : i32
      %shift_right_arithmetic3A_817 = vector.broadcast %shift_right_arithmetic3A_816 : i32 to vector<16xi32>
      %shift_right_arithmetic3A_818 = arith.shrsi %gather3A_812, %shift_right_arithmetic3A_817 : vector<16xi32>
      %add3A_819 = arith.addi %mul3A_815, %shift_right_arithmetic3A_818 : vector<16xi32>
      %mul3A_820 = arith.constant 6 : i32
      %mul3A_821 = vector.broadcast %mul3A_820 : i32 to vector<16xi32>
      %mul3A_822 = arith.muli %add3A_819, %mul3A_821 : vector<16xi32>
      %add3A_823 = arith.addi %mul3A_822, %sub3A_801 : vector<16xi32>
      %mul3A_824 = arith.constant 8 : i32
      %mul3A_825 = vector.broadcast %mul3A_824 : i32 to vector<16xi32>
      %mul3A_826 = arith.muli %add3A_823, %mul3A_825 : vector<16xi32>
      %and3A_827 = arith.constant 7 : i32
      %and3A_828 = vector.broadcast %and3A_827 : i32 to vector<16xi32>
      %and3A_829 = arith.andi %gather3A_812, %and3A_828 : vector<16xi32>
      %add3A_830 = arith.addi %mul3A_826, %and3A_829 : vector<16xi32>
      %swap3A_831 = arith.constant 1 : i32
      %swap3A_832 = arith.index_cast %swap3A_831 : i32 to index
      %swap3A_833 = arith.constant 96 : index
      %swap3A_834 = tpu.vector_load %arg7[%swap3A_832, %swap3A_833] {strides = array<i32>} : memref<120x128xi32, #tpu.memory_space<vmem>>, vector<16xi32>,
      tpu.vector_store %arg7[%swap3A_832, %swap3A_833], %add3A_830 {strides = array<i32>} : memref<120x128xi32, #tpu.memory_space<vmem>>, vector<16xi32>,
      %add3A_835 = arith.constant 128 : i32
      %add3A_836 = arith.addi %mul3A_2, %add3A_835 : i32
      %add3A_837 = arith.constant 112 : i32
      %add3A_838 = arith.addi %add3A_836, %add3A_837 : i32
      %add3A_839 = vector.broadcast %add3A_838 : i32 to vector<16xi32>
      %add3A_840 = arith.addi %add3A_839, %iota3A : vector<16xi32>
      %and3A_841 = arith.constant 7 : i32
      %and3A_842 = vector.broadcast %and3A_841 : i32 to vector<16xi32>
      %and3A_843 = arith.andi %add3A_840, %and3A_842 : vector<16xi32>
      %shift_right_arithmetic3A_844 = arith.constant 3 : i32
      %shift_right_arithmetic3A_845 = vector.broadcast %shift_right_arithmetic3A_844 : i32 to vector<16xi32>
      %shift_right_arithmetic3A_846 = arith.shrsi %add3A_840, %shift_right_arithmetic3A_845 : vector<16xi32>
      %mul3A_847 = arith.constant 43691 : i32
      %mul3A_848 = vector.broadcast %mul3A_847 : i32 to vector<16xi32>
      %mul3A_849 = arith.muli %shift_right_arithmetic3A_846, %mul3A_848 : vector<16xi32>
      %shift_right_logical3A_850 = arith.constant 18 : i32
      %shift_right_logical3A_851 = vector.broadcast %shift_right_logical3A_850 : i32 to vector<16xi32>
      %shift_right_logical3A_852 = arith.shrui %mul3A_849, %shift_right_logical3A_851 : vector<16xi32>
      %mul3A_853 = arith.constant 6 : i32
      %mul3A_854 = vector.broadcast %mul3A_853 : i32 to vector<16xi32>
      %mul3A_855 = arith.muli %shift_right_logical3A_852, %mul3A_854 : vector<16xi32>
      %sub3A_856 = arith.subi %shift_right_arithmetic3A_846, %mul3A_855 : vector<16xi32>
      %shift_right_arithmetic3A_857 = arith.constant 9 : i32
      %shift_right_arithmetic3A_858 = vector.broadcast %shift_right_arithmetic3A_857 : i32 to vector<16xi32>
      %shift_right_arithmetic3A_859 = arith.shrsi %shift_right_logical3A_852, %shift_right_arithmetic3A_858 : vector<16xi32>
      %and3A_860 = arith.constant 511 : i32
      %and3A_861 = vector.broadcast %and3A_860 : i32 to vector<16xi32>
      %and3A_862 = arith.andi %shift_right_logical3A_852, %and3A_861 : vector<16xi32>
      %mul3A_863 = arith.constant 8 : i32
      %mul3A_864 = vector.broadcast %mul3A_863 : i32 to vector<16xi32>
      %mul3A_865 = arith.muli %and3A_862, %mul3A_864 : vector<16xi32>
      %add3A_866 = arith.addi %mul3A_865, %and3A_843 : vector<16xi32>
      %gather3A_867 = tpu.vector_load_idx %arg6[%add3A_866] : memref<4096xi32, #tpu.memory_space<vmem>>[vector<16xi32>], vector<16xi32>,
      %mul3A_868 = arith.constant 125 : i32
      %mul3A_869 = vector.broadcast %mul3A_868 : i32 to vector<16xi32>
      %mul3A_870 = arith.muli %shift_right_arithmetic3A_859, %mul3A_869 : vector<16xi32>
      %shift_right_arithmetic3A_871 = arith.constant 3 : i32
      %shift_right_arithmetic3A_872 = vector.broadcast %shift_right_arithmetic3A_871 : i32 to vector<16xi32>
      %shift_right_arithmetic3A_873 = arith.shrsi %gather3A_867, %shift_right_arithmetic3A_872 : vector<16xi32>
      %add3A_874 = arith.addi %mul3A_870, %shift_right_arithmetic3A_873 : vector<16xi32>
      %mul3A_875 = arith.constant 6 : i32
      %mul3A_876 = vector.broadcast %mul3A_875 : i32 to vector<16xi32>
      %mul3A_877 = arith.muli %add3A_874, %mul3A_876 : vector<16xi32>
      %add3A_878 = arith.addi %mul3A_877, %sub3A_856 : vector<16xi32>
      %mul3A_879 = arith.constant 8 : i32
      %mul3A_880 = vector.broadcast %mul3A_879 : i32 to vector<16xi32>
      %mul3A_881 = arith.muli %add3A_878, %mul3A_880 : vector<16xi32>
      %and3A_882 = arith.constant 7 : i32
      %and3A_883 = vector.broadcast %and3A_882 : i32 to vector<16xi32>
      %and3A_884 = arith.andi %gather3A_867, %and3A_883 : vector<16xi32>
      %add3A_885 = arith.addi %mul3A_881, %and3A_884 : vector<16xi32>
      %swap3A_886 = arith.constant 1 : i32
      %swap3A_887 = arith.index_cast %swap3A_886 : i32 to index
      %swap3A_888 = arith.constant 112 : index
      %swap3A_889 = tpu.vector_load %arg7[%swap3A_887, %swap3A_888] {strides = array<i32>} : memref<120x128xi32, #tpu.memory_space<vmem>>, vector<16xi32>,
      tpu.vector_store %arg7[%swap3A_887, %swap3A_888], %add3A_885 {strides = array<i32>} : memref<120x128xi32, #tpu.memory_space<vmem>>, vector<16xi32>,
      %dma_start3A_890 = arith.constant 1 : i32
      %dma_start3A_891 = arith.constant 0 : i32
      %dma_start3A_892 = tpu.memref_slice %arg7[%dma_start3A_890, %dma_start3A_891] : memref<120x128xi32, #tpu.memory_space<vmem>> -> memref<1x128xi32, #tpu.memory_space<vmem>>
      %dma_start3A_893 = tpu.memref_squeeze %dma_start3A_892 : memref<1x128xi32, #tpu.memory_space<vmem>> -> memref<128xi32, #tpu.memory_space<vmem>>
      %dma_start3A_894 = arith.constant 0 : i32
      %dma_start3A_895 = arith.constant 0 : i32
      %dma_start3A_896 = tpu.memref_slice %arg2[%dma_start3A_894, %dma_start3A_895] : memref<120000x128xf32, #tpu.memory_space<hbm>> -> memref<120000x128xf32, #tpu.memory_space<hbm>>
      tpu.enqueue_indirect_dma source(%dma_start3A_896 : memref<120000x128xf32, #tpu.memory_space<hbm>>) target(%arg9 : memref<128x128xf32, #tpu.memory_space<vmem>>) offsets(%dma_start3A_893 : memref<128xi32, #tpu.memory_space<vmem>>) semaphore(%arg16 : memref<!tpu.dma_semaphore, #tpu.memory_space<semaphore_mem>>)
      %add3A_897 = arith.constant 256 : i32
      %add3A_898 = arith.addi %mul3A_2, %add3A_897 : i32
      %add3A_899 = arith.constant 0 : i32
      %add3A_900 = arith.addi %add3A_898, %add3A_899 : i32
      %add3A_901 = vector.broadcast %add3A_900 : i32 to vector<16xi32>
      %add3A_902 = arith.addi %add3A_901, %iota3A : vector<16xi32>
      %and3A_903 = arith.constant 7 : i32
      %and3A_904 = vector.broadcast %and3A_903 : i32 to vector<16xi32>
      %and3A_905 = arith.andi %add3A_902, %and3A_904 : vector<16xi32>
      %shift_right_arithmetic3A_906 = arith.constant 3 : i32
      %shift_right_arithmetic3A_907 = vector.broadcast %shift_right_arithmetic3A_906 : i32 to vector<16xi32>
      %shift_right_arithmetic3A_908 = arith.shrsi %add3A_902, %shift_right_arithmetic3A_907 : vector<16xi32>
      %mul3A_909 = arith.constant 43691 : i32
      %mul3A_910 = vector.broadcast %mul3A_909 : i32 to vector<16xi32>
      %mul3A_911 = arith.muli %shift_right_arithmetic3A_908, %mul3A_910 : vector<16xi32>
      %shift_right_logical3A_912 = arith.constant 18 : i32
      %shift_right_logical3A_913 = vector.broadcast %shift_right_logical3A_912 : i32 to vector<16xi32>
      %shift_right_logical3A_914 = arith.shrui %mul3A_911, %shift_right_logical3A_913 : vector<16xi32>
      %mul3A_915 = arith.constant 6 : i32
      %mul3A_916 = vector.broadcast %mul3A_915 : i32 to vector<16xi32>
      %mul3A_917 = arith.muli %shift_right_logical3A_914, %mul3A_916 : vector<16xi32>
      %sub3A_918 = arith.subi %shift_right_arithmetic3A_908, %mul3A_917 : vector<16xi32>
      %shift_right_arithmetic3A_919 = arith.constant 9 : i32
      %shift_right_arithmetic3A_920 = vector.broadcast %shift_right_arithmetic3A_919 : i32 to vector<16xi32>
      %shift_right_arithmetic3A_921 = arith.shrsi %shift_right_logical3A_914, %shift_right_arithmetic3A_920 : vector<16xi32>
      %and3A_922 = arith.constant 511 : i32
      %and3A_923 = vector.broadcast %and3A_922 : i32 to vector<16xi32>
      %and3A_924 = arith.andi %shift_right_logical3A_914, %and3A_923 : vector<16xi32>
      %mul3A_925 = arith.constant 8 : i32
      %mul3A_926 = vector.broadcast %mul3A_925 : i32 to vector<16xi32>
      %mul3A_927 = arith.muli %and3A_924, %mul3A_926 : vector<16xi32>
      %add3A_928 = arith.addi %mul3A_927, %and3A_905 : vector<16xi32>
      %gather3A_929 = tpu.vector_load_idx %arg6[%add3A_928] : memref<4096xi32, #tpu.memory_space<vmem>>[vector<16xi32>], vector<16xi32>,
      %mul3A_930 = arith.constant 125 : i32
      %mul3A_931 = vector.broadcast %mul3A_930 : i32 to vector<16xi32>
      %mul3A_932 = arith.muli %shift_right_arithmetic3A_921, %mul3A_931 : vector<16xi32>
      %shift_right_arithmetic3A_933 = arith.constant 3 : i32
      %shift_right_arithmetic3A_934 = vector.broadcast %shift_right_arithmetic3A_933 : i32 to vector<16xi32>
      %shift_right_arithmetic3A_935 = arith.shrsi %gather3A_929, %shift_right_arithmetic3A_934 : vector<16xi32>
      %add3A_936 = arith.addi %mul3A_932, %shift_right_arithmetic3A_935 : vector<16xi32>
      %mul3A_937 = arith.constant 6 : i32
      %mul3A_938 = vector.broadcast %mul3A_937 : i32 to vector<16xi32>
      %mul3A_939 = arith.muli %add3A_936, %mul3A_938 : vector<16xi32>
      %add3A_940 = arith.addi %mul3A_939, %sub3A_918 : vector<16xi32>
      %mul3A_941 = arith.constant 8 : i32
      %mul3A_942 = vector.broadcast %mul3A_941 : i32 to vector<16xi32>
      %mul3A_943 = arith.muli %add3A_940, %mul3A_942 : vector<16xi32>
      %and3A_944 = arith.constant 7 : i32
      %and3A_945 = vector.broadcast %and3A_944 : i32 to vector<16xi32>
      %and3A_946 = arith.andi %gather3A_929, %and3A_945 : vector<16xi32>
      %add3A_947 = arith.addi %mul3A_943, %and3A_946 : vector<16xi32>
      %swap3A_948 = arith.constant 2 : i32
      %swap3A_949 = arith.index_cast %swap3A_948 : i32 to index
      %swap3A_950 = arith.constant 0 : index
      %swap3A_951 = tpu.vector_load %arg7[%swap3A_949, %swap3A_950] {strides = array<i32>} : memref<120x128xi32, #tpu.memory_space<vmem>>, vector<16xi32>,
      tpu.vector_store %arg7[%swap3A_949, %swap3A_950], %add3A_947 {strides = array<i32>} : memref<120x128xi32, #tpu.memory_space<vmem>>, vector<16xi32>,
      %add3A_952 = arith.constant 256 : i32
      %add3A_953 = arith.addi %mul3A_2, %add3A_952 : i32
      %add3A_954 = arith.constant 16 : i32
      %add3A_955 = arith.addi %add3A_953, %add3A_954 : i32
      %add3A_956 = vector.broadcast %add3A_955 : i32 to vector<16xi32>
      %add3A_957 = arith.addi %add3A_956, %iota3A : vector<16xi32>
      %and3A_958 = arith.constant 7 : i32
      %and3A_959 = vector.broadcast %and3A_958 : i32 to vector<16xi32>
      %and3A_960 = arith.andi %add3A_957, %and3A_959 : vector<16xi32>
      %shift_right_arithmetic3A_961 = arith.constant 3 : i32
      %shift_right_arithmetic3A_962 = vector.broadcast %shift_right_arithmetic3A_961 : i32 to vector<16xi32>
      %shift_right_arithmetic3A_963 = arith.shrsi %add3A_957, %shift_right_arithmetic3A_962 : vector<16xi32>
      %mul3A_964 = arith.constant 43691 : i32
      %mul3A_965 = vector.broadcast %mul3A_964 : i32 to vector<16xi32>
      %mul3A_966 = arith.muli %shift_right_arithmetic3A_963, %mul3A_965 : vector<16xi32>
      %shift_right_logical3A_967 = arith.constant 18 : i32
      %shift_right_logical3A_968 = vector.broadcast %shift_right_logical3A_967 : i32 to vector<16xi32>
      %shift_right_logical3A_969 = arith.shrui %mul3A_966, %shift_right_logical3A_968 : vector<16xi32>
      %mul3A_970 = arith.constant 6 : i32
      %mul3A_971 = vector.broadcast %mul3A_970 : i32 to vector<16xi32>
      %mul3A_972 = arith.muli %shift_right_logical3A_969, %mul3A_971 : vector<16xi32>
      %sub3A_973 = arith.subi %shift_right_arithmetic3A_963, %mul3A_972 : vector<16xi32>
      %shift_right_arithmetic3A_974 = arith.constant 9 : i32
      %shift_right_arithmetic3A_975 = vector.broadcast %shift_right_arithmetic3A_974 : i32 to vector<16xi32>
      %shift_right_arithmetic3A_976 = arith.shrsi %shift_right_logical3A_969, %shift_right_arithmetic3A_975 : vector<16xi32>
      %and3A_977 = arith.constant 511 : i32
      %and3A_978 = vector.broadcast %and3A_977 : i32 to vector<16xi32>
      %and3A_979 = arith.andi %shift_right_logical3A_969, %and3A_978 : vector<16xi32>
      %mul3A_980 = arith.constant 8 : i32
      %mul3A_981 = vector.broadcast %mul3A_980 : i32 to vector<16xi32>
      %mul3A_982 = arith.muli %and3A_979, %mul3A_981 : vector<16xi32>
      %add3A_983 = arith.addi %mul3A_982, %and3A_960 : vector<16xi32>
      %gather3A_984 = tpu.vector_load_idx %arg6[%add3A_983] : memref<4096xi32, #tpu.memory_space<vmem>>[vector<16xi32>], vector<16xi32>,
      %mul3A_985 = arith.constant 125 : i32
      %mul3A_986 = vector.broadcast %mul3A_985 : i32 to vector<16xi32>
      %mul3A_987 = arith.muli %shift_right_arithmetic3A_976, %mul3A_986 : vector<16xi32>
      %shift_right_arithmetic3A_988 = arith.constant 3 : i32
      %shift_right_arithmetic3A_989 = vector.broadcast %shift_right_arithmetic3A_988 : i32 to vector<16xi32>
      %shift_right_arithmetic3A_990 = arith.shrsi %gather3A_984, %shift_right_arithmetic3A_989 : vector<16xi32>
      %add3A_991 = arith.addi %mul3A_987, %shift_right_arithmetic3A_990 : vector<16xi32>
      %mul3A_992 = arith.constant 6 : i32
      %mul3A_993 = vector.broadcast %mul3A_992 : i32 to vector<16xi32>
      %mul3A_994 = arith.muli %add3A_991, %mul3A_993 : vector<16xi32>
      %add3A_995 = arith.addi %mul3A_994, %sub3A_973 : vector<16xi32>
      %mul3A_996 = arith.constant 8 : i32
      %mul3A_997 = vector.broadcast %mul3A_996 : i32 to vector<16xi32>
      %mul3A_998 = arith.muli %add3A_995, %mul3A_997 : vector<16xi32>
      %and3A_999 = arith.constant 7 : i32
      %and3A_1000 = vector.broadcast %and3A_999 : i32 to vector<16xi32>
      %and3A_1001 = arith.andi %gather3A_984, %and3A_1000 : vector<16xi32>
      %add3A_1002 = arith.addi %mul3A_998, %and3A_1001 : vector<16xi32>
      %swap3A_1003 = arith.constant 2 : i32
      %swap3A_1004 = arith.index_cast %swap3A_1003 : i32 to index
      %swap3A_1005 = arith.constant 16 : index
      %swap3A_1006 = tpu.vector_load %arg7[%swap3A_1004, %swap3A_1005] {strides = array<i32>} : memref<120x128xi32, #tpu.memory_space<vmem>>, vector<16xi32>,
      tpu.vector_store %arg7[%swap3A_1004, %swap3A_1005], %add3A_1002 {strides = array<i32>} : memref<120x128xi32, #tpu.memory_space<vmem>>, vector<16xi32>,
      %add3A_1007 = arith.constant 256 : i32
      %add3A_1008 = arith.addi %mul3A_2, %add3A_1007 : i32
      %add3A_1009 = arith.constant 32 : i32
      %add3A_1010 = arith.addi %add3A_1008, %add3A_1009 : i32
      %add3A_1011 = vector.broadcast %add3A_1010 : i32 to vector<16xi32>
      %add3A_1012 = arith.addi %add3A_1011, %iota3A : vector<16xi32>
      %and3A_1013 = arith.constant 7 : i32
      %and3A_1014 = vector.broadcast %and3A_1013 : i32 to vector<16xi32>
      %and3A_1015 = arith.andi %add3A_1012, %and3A_1014 : vector<16xi32>
      %shift_right_arithmetic3A_1016 = arith.constant 3 : i32
      %shift_right_arithmetic3A_1017 = vector.broadcast %shift_right_arithmetic3A_1016 : i32 to vector<16xi32>
      %shift_right_arithmetic3A_1018 = arith.shrsi %add3A_1012, %shift_right_arithmetic3A_1017 : vector<16xi32>
      %mul3A_1019 = arith.constant 43691 : i32
      %mul3A_1020 = vector.broadcast %mul3A_1019 : i32 to vector<16xi32>
      %mul3A_1021 = arith.muli %shift_right_arithmetic3A_1018, %mul3A_1020 : vector<16xi32>
      %shift_right_logical3A_1022 = arith.constant 18 : i32
      %shift_right_logical3A_1023 = vector.broadcast %shift_right_logical3A_1022 : i32 to vector<16xi32>
      %shift_right_logical3A_1024 = arith.shrui %mul3A_1021, %shift_right_logical3A_1023 : vector<16xi32>
      %mul3A_1025 = arith.constant 6 : i32
      %mul3A_1026 = vector.broadcast %mul3A_1025 : i32 to vector<16xi32>
      %mul3A_1027 = arith.muli %shift_right_logical3A_1024, %mul3A_1026 : vector<16xi32>
      %sub3A_1028 = arith.subi %shift_right_arithmetic3A_1018, %mul3A_1027 : vector<16xi32>
      %shift_right_arithmetic3A_1029 = arith.constant 9 : i32
      %shift_right_arithmetic3A_1030 = vector.broadcast %shift_right_arithmetic3A_1029 : i32 to vector<16xi32>
      %shift_right_arithmetic3A_1031 = arith.shrsi %shift_right_logical3A_1024, %shift_right_arithmetic3A_1030 : vector<16xi32>
      %and3A_1032 = arith.constant 511 : i32
      %and3A_1033 = vector.broadcast %and3A_1032 : i32 to vector<16xi32>
      %and3A_1034 = arith.andi %shift_right_logical3A_1024, %and3A_1033 : vector<16xi32>
      %mul3A_1035 = arith.constant 8 : i32
      %mul3A_1036 = vector.broadcast %mul3A_1035 : i32 to vector<16xi32>
      %mul3A_1037 = arith.muli %and3A_1034, %mul3A_1036 : vector<16xi32>
      %add3A_1038 = arith.addi %mul3A_1037, %and3A_1015 : vector<16xi32>
      %gather3A_1039 = tpu.vector_load_idx %arg6[%add3A_1038] : memref<4096xi32, #tpu.memory_space<vmem>>[vector<16xi32>], vector<16xi32>,
      %mul3A_1040 = arith.constant 125 : i32
      %mul3A_1041 = vector.broadcast %mul3A_1040 : i32 to vector<16xi32>
      %mul3A_1042 = arith.muli %shift_right_arithmetic3A_1031, %mul3A_1041 : vector<16xi32>
      %shift_right_arithmetic3A_1043 = arith.constant 3 : i32
      %shift_right_arithmetic3A_1044 = vector.broadcast %shift_right_arithmetic3A_1043 : i32 to vector<16xi32>
      %shift_right_arithmetic3A_1045 = arith.shrsi %gather3A_1039, %shift_right_arithmetic3A_1044 : vector<16xi32>
      %add3A_1046 = arith.addi %mul3A_1042, %shift_right_arithmetic3A_1045 : vector<16xi32>
      %mul3A_1047 = arith.constant 6 : i32
      %mul3A_1048 = vector.broadcast %mul3A_1047 : i32 to vector<16xi32>
      %mul3A_1049 = arith.muli %add3A_1046, %mul3A_1048 : vector<16xi32>
      %add3A_1050 = arith.addi %mul3A_1049, %sub3A_1028 : vector<16xi32>
      %mul3A_1051 = arith.constant 8 : i32
      %mul3A_1052 = vector.broadcast %mul3A_1051 : i32 to vector<16xi32>
      %mul3A_1053 = arith.muli %add3A_1050, %mul3A_1052 : vector<16xi32>
      %and3A_1054 = arith.constant 7 : i32
      %and3A_1055 = vector.broadcast %and3A_1054 : i32 to vector<16xi32>
      %and3A_1056 = arith.andi %gather3A_1039, %and3A_1055 : vector<16xi32>
      %add3A_1057 = arith.addi %mul3A_1053, %and3A_1056 : vector<16xi32>
      %swap3A_1058 = arith.constant 2 : i32
      %swap3A_1059 = arith.index_cast %swap3A_1058 : i32 to index
      %swap3A_1060 = arith.constant 32 : index
      %swap3A_1061 = tpu.vector_load %arg7[%swap3A_1059, %swap3A_1060] {strides = array<i32>} : memref<120x128xi32, #tpu.memory_space<vmem>>, vector<16xi32>,
      tpu.vector_store %arg7[%swap3A_1059, %swap3A_1060], %add3A_1057 {strides = array<i32>} : memref<120x128xi32, #tpu.memory_space<vmem>>, vector<16xi32>,
      %add3A_1062 = arith.constant 256 : i32
      %add3A_1063 = arith.addi %mul3A_2, %add3A_1062 : i32
      %add3A_1064 = arith.constant 48 : i32
      %add3A_1065 = arith.addi %add3A_1063, %add3A_1064 : i32
      %add3A_1066 = vector.broadcast %add3A_1065 : i32 to vector<16xi32>
      %add3A_1067 = arith.addi %add3A_1066, %iota3A : vector<16xi32>
      %and3A_1068 = arith.constant 7 : i32
      %and3A_1069 = vector.broadcast %and3A_1068 : i32 to vector<16xi32>
      %and3A_1070 = arith.andi %add3A_1067, %and3A_1069 : vector<16xi32>
      %shift_right_arithmetic3A_1071 = arith.constant 3 : i32
      %shift_right_arithmetic3A_1072 = vector.broadcast %shift_right_arithmetic3A_1071 : i32 to vector<16xi32>
      %shift_right_arithmetic3A_1073 = arith.shrsi %add3A_1067, %shift_right_arithmetic3A_1072 : vector<16xi32>
      %mul3A_1074 = arith.constant 43691 : i32
      %mul3A_1075 = vector.broadcast %mul3A_1074 : i32 to vector<16xi32>
      %mul3A_1076 = arith.muli %shift_right_arithmetic3A_1073, %mul3A_1075 : vector<16xi32>
      %shift_right_logical3A_1077 = arith.constant 18 : i32
      %shift_right_logical3A_1078 = vector.broadcast %shift_right_logical3A_1077 : i32 to vector<16xi32>
      %shift_right_logical3A_1079 = arith.shrui %mul3A_1076, %shift_right_logical3A_1078 : vector<16xi32>
      %mul3A_1080 = arith.constant 6 : i32
      %mul3A_1081 = vector.broadcast %mul3A_1080 : i32 to vector<16xi32>
      %mul3A_1082 = arith.muli %shift_right_logical3A_1079, %mul3A_1081 : vector<16xi32>
      %sub3A_1083 = arith.subi %shift_right_arithmetic3A_1073, %mul3A_1082 : vector<16xi32>
      %shift_right_arithmetic3A_1084 = arith.constant 9 : i32
      %shift_right_arithmetic3A_1085 = vector.broadcast %shift_right_arithmetic3A_1084 : i32 to vector<16xi32>
      %shift_right_arithmetic3A_1086 = arith.shrsi %shift_right_logical3A_1079, %shift_right_arithmetic3A_1085 : vector<16xi32>
      %and3A_1087 = arith.constant 511 : i32
      %and3A_1088 = vector.broadcast %and3A_1087 : i32 to vector<16xi32>
      %and3A_1089 = arith.andi %shift_right_logical3A_1079, %and3A_1088 : vector<16xi32>
      %mul3A_1090 = arith.constant 8 : i32
      %mul3A_1091 = vector.broadcast %mul3A_1090 : i32 to vector<16xi32>
      %mul3A_1092 = arith.muli %and3A_1089, %mul3A_1091 : vector<16xi32>
      %add3A_1093 = arith.addi %mul3A_1092, %and3A_1070 : vector<16xi32>
      %gather3A_1094 = tpu.vector_load_idx %arg6[%add3A_1093] : memref<4096xi32, #tpu.memory_space<vmem>>[vector<16xi32>], vector<16xi32>,
      %mul3A_1095 = arith.constant 125 : i32
      %mul3A_1096 = vector.broadcast %mul3A_1095 : i32 to vector<16xi32>
      %mul3A_1097 = arith.muli %shift_right_arithmetic3A_1086, %mul3A_1096 : vector<16xi32>
      %shift_right_arithmetic3A_1098 = arith.constant 3 : i32
      %shift_right_arithmetic3A_1099 = vector.broadcast %shift_right_arithmetic3A_1098 : i32 to vector<16xi32>
      %shift_right_arithmetic3A_1100 = arith.shrsi %gather3A_1094, %shift_right_arithmetic3A_1099 : vector<16xi32>
      %add3A_1101 = arith.addi %mul3A_1097, %shift_right_arithmetic3A_1100 : vector<16xi32>
      %mul3A_1102 = arith.constant 6 : i32
      %mul3A_1103 = vector.broadcast %mul3A_1102 : i32 to vector<16xi32>
      %mul3A_1104 = arith.muli %add3A_1101, %mul3A_1103 : vector<16xi32>
      %add3A_1105 = arith.addi %mul3A_1104, %sub3A_1083 : vector<16xi32>
      %mul3A_1106 = arith.constant 8 : i32
      %mul3A_1107 = vector.broadcast %mul3A_1106 : i32 to vector<16xi32>
      %mul3A_1108 = arith.muli %add3A_1105, %mul3A_1107 : vector<16xi32>
      %and3A_1109 = arith.constant 7 : i32
      %and3A_1110 = vector.broadcast %and3A_1109 : i32 to vector<16xi32>
      %and3A_1111 = arith.andi %gather3A_1094, %and3A_1110 : vector<16xi32>
      %add3A_1112 = arith.addi %mul3A_1108, %and3A_1111 : vector<16xi32>
      %swap3A_1113 = arith.constant 2 : i32
      %swap3A_1114 = arith.index_cast %swap3A_1113 : i32 to index
      %swap3A_1115 = arith.constant 48 : index
      %swap3A_1116 = tpu.vector_load %arg7[%swap3A_1114, %swap3A_1115] {strides = array<i32>} : memref<120x128xi32, #tpu.memory_space<vmem>>, vector<16xi32>,
      tpu.vector_store %arg7[%swap3A_1114, %swap3A_1115], %add3A_1112 {strides = array<i32>} : memref<120x128xi32, #tpu.memory_space<vmem>>, vector<16xi32>,
      %add3A_1117 = arith.constant 256 : i32
      %add3A_1118 = arith.addi %mul3A_2, %add3A_1117 : i32
      %add3A_1119 = arith.constant 64 : i32
      %add3A_1120 = arith.addi %add3A_1118, %add3A_1119 : i32
      %add3A_1121 = vector.broadcast %add3A_1120 : i32 to vector<16xi32>
      %add3A_1122 = arith.addi %add3A_1121, %iota3A : vector<16xi32>
      %and3A_1123 = arith.constant 7 : i32
      %and3A_1124 = vector.broadcast %and3A_1123 : i32 to vector<16xi32>
      %and3A_1125 = arith.andi %add3A_1122, %and3A_1124 : vector<16xi32>
      %shift_right_arithmetic3A_1126 = arith.constant 3 : i32
      %shift_right_arithmetic3A_1127 = vector.broadcast %shift_right_arithmetic3A_1126 : i32 to vector<16xi32>
      %shift_right_arithmetic3A_1128 = arith.shrsi %add3A_1122, %shift_right_arithmetic3A_1127 : vector<16xi32>
      %mul3A_1129 = arith.constant 43691 : i32
      %mul3A_1130 = vector.broadcast %mul3A_1129 : i32 to vector<16xi32>
      %mul3A_1131 = arith.muli %shift_right_arithmetic3A_1128, %mul3A_1130 : vector<16xi32>
      %shift_right_logical3A_1132 = arith.constant 18 : i32
      %shift_right_logical3A_1133 = vector.broadcast %shift_right_logical3A_1132 : i32 to vector<16xi32>
      %shift_right_logical3A_1134 = arith.shrui %mul3A_1131, %shift_right_logical3A_1133 : vector<16xi32>
      %mul3A_1135 = arith.constant 6 : i32
      %mul3A_1136 = vector.broadcast %mul3A_1135 : i32 to vector<16xi32>
      %mul3A_1137 = arith.muli %shift_right_logical3A_1134, %mul3A_1136 : vector<16xi32>
      %sub3A_1138 = arith.subi %shift_right_arithmetic3A_1128, %mul3A_1137 : vector<16xi32>
      %shift_right_arithmetic3A_1139 = arith.constant 9 : i32
      %shift_right_arithmetic3A_1140 = vector.broadcast %shift_right_arithmetic3A_1139 : i32 to vector<16xi32>
      %shift_right_arithmetic3A_1141 = arith.shrsi %shift_right_logical3A_1134, %shift_right_arithmetic3A_1140 : vector<16xi32>
      %and3A_1142 = arith.constant 511 : i32
      %and3A_1143 = vector.broadcast %and3A_1142 : i32 to vector<16xi32>
      %and3A_1144 = arith.andi %shift_right_logical3A_1134, %and3A_1143 : vector<16xi32>
      %mul3A_1145 = arith.constant 8 : i32
      %mul3A_1146 = vector.broadcast %mul3A_1145 : i32 to vector<16xi32>
      %mul3A_1147 = arith.muli %and3A_1144, %mul3A_1146 : vector<16xi32>
      %add3A_1148 = arith.addi %mul3A_1147, %and3A_1125 : vector<16xi32>
      %gather3A_1149 = tpu.vector_load_idx %arg6[%add3A_1148] : memref<4096xi32, #tpu.memory_space<vmem>>[vector<16xi32>], vector<16xi32>,
      %mul3A_1150 = arith.constant 125 : i32
      %mul3A_1151 = vector.broadcast %mul3A_1150 : i32 to vector<16xi32>
      %mul3A_1152 = arith.muli %shift_right_arithmetic3A_1141, %mul3A_1151 : vector<16xi32>
      %shift_right_arithmetic3A_1153 = arith.constant 3 : i32
      %shift_right_arithmetic3A_1154 = vector.broadcast %shift_right_arithmetic3A_1153 : i32 to vector<16xi32>
      %shift_right_arithmetic3A_1155 = arith.shrsi %gather3A_1149, %shift_right_arithmetic3A_1154 : vector<16xi32>
      %add3A_1156 = arith.addi %mul3A_1152, %shift_right_arithmetic3A_1155 : vector<16xi32>
      %mul3A_1157 = arith.constant 6 : i32
      %mul3A_1158 = vector.broadcast %mul3A_1157 : i32 to vector<16xi32>
      %mul3A_1159 = arith.muli %add3A_1156, %mul3A_1158 : vector<16xi32>
      %add3A_1160 = arith.addi %mul3A_1159, %sub3A_1138 : vector<16xi32>
      %mul3A_1161 = arith.constant 8 : i32
      %mul3A_1162 = vector.broadcast %mul3A_1161 : i32 to vector<16xi32>
      %mul3A_1163 = arith.muli %add3A_1160, %mul3A_1162 : vector<16xi32>
      %and3A_1164 = arith.constant 7 : i32
      %and3A_1165 = vector.broadcast %and3A_1164 : i32 to vector<16xi32>
      %and3A_1166 = arith.andi %gather3A_1149, %and3A_1165 : vector<16xi32>
      %add3A_1167 = arith.addi %mul3A_1163, %and3A_1166 : vector<16xi32>
      %swap3A_1168 = arith.constant 2 : i32
      %swap3A_1169 = arith.index_cast %swap3A_1168 : i32 to index
      %swap3A_1170 = arith.constant 64 : index
      %swap3A_1171 = tpu.vector_load %arg7[%swap3A_1169, %swap3A_1170] {strides = array<i32>} : memref<120x128xi32, #tpu.memory_space<vmem>>, vector<16xi32>,
      tpu.vector_store %arg7[%swap3A_1169, %swap3A_1170], %add3A_1167 {strides = array<i32>} : memref<120x128xi32, #tpu.memory_space<vmem>>, vector<16xi32>,
      %add3A_1172 = arith.constant 256 : i32
      %add3A_1173 = arith.addi %mul3A_2, %add3A_1172 : i32
      %add3A_1174 = arith.constant 80 : i32
      %add3A_1175 = arith.addi %add3A_1173, %add3A_1174 : i32
      %add3A_1176 = vector.broadcast %add3A_1175 : i32 to vector<16xi32>
      %add3A_1177 = arith.addi %add3A_1176, %iota3A : vector<16xi32>
      %and3A_1178 = arith.constant 7 : i32
      %and3A_1179 = vector.broadcast %and3A_1178 : i32 to vector<16xi32>
      %and3A_1180 = arith.andi %add3A_1177, %and3A_1179 : vector<16xi32>
      %shift_right_arithmetic3A_1181 = arith.constant 3 : i32
      %shift_right_arithmetic3A_1182 = vector.broadcast %shift_right_arithmetic3A_1181 : i32 to vector<16xi32>
      %shift_right_arithmetic3A_1183 = arith.shrsi %add3A_1177, %shift_right_arithmetic3A_1182 : vector<16xi32>
      %mul3A_1184 = arith.constant 43691 : i32
      %mul3A_1185 = vector.broadcast %mul3A_1184 : i32 to vector<16xi32>
      %mul3A_1186 = arith.muli %shift_right_arithmetic3A_1183, %mul3A_1185 : vector<16xi32>
      %shift_right_logical3A_1187 = arith.constant 18 : i32
      %shift_right_logical3A_1188 = vector.broadcast %shift_right_logical3A_1187 : i32 to vector<16xi32>
      %shift_right_logical3A_1189 = arith.shrui %mul3A_1186, %shift_right_logical3A_1188 : vector<16xi32>
      %mul3A_1190 = arith.constant 6 : i32
      %mul3A_1191 = vector.broadcast %mul3A_1190 : i32 to vector<16xi32>
      %mul3A_1192 = arith.muli %shift_right_logical3A_1189, %mul3A_1191 : vector<16xi32>
      %sub3A_1193 = arith.subi %shift_right_arithmetic3A_1183, %mul3A_1192 : vector<16xi32>
      %shift_right_arithmetic3A_1194 = arith.constant 9 : i32
      %shift_right_arithmetic3A_1195 = vector.broadcast %shift_right_arithmetic3A_1194 : i32 to vector<16xi32>
      %shift_right_arithmetic3A_1196 = arith.shrsi %shift_right_logical3A_1189, %shift_right_arithmetic3A_1195 : vector<16xi32>
      %and3A_1197 = arith.constant 511 : i32
      %and3A_1198 = vector.broadcast %and3A_1197 : i32 to vector<16xi32>
      %and3A_1199 = arith.andi %shift_right_logical3A_1189, %and3A_1198 : vector<16xi32>
      %mul3A_1200 = arith.constant 8 : i32
      %mul3A_1201 = vector.broadcast %mul3A_1200 : i32 to vector<16xi32>
      %mul3A_1202 = arith.muli %and3A_1199, %mul3A_1201 : vector<16xi32>
      %add3A_1203 = arith.addi %mul3A_1202, %and3A_1180 : vector<16xi32>
      %gather3A_1204 = tpu.vector_load_idx %arg6[%add3A_1203] : memref<4096xi32, #tpu.memory_space<vmem>>[vector<16xi32>], vector<16xi32>,
      %mul3A_1205 = arith.constant 125 : i32
      %mul3A_1206 = vector.broadcast %mul3A_1205 : i32 to vector<16xi32>
      %mul3A_1207 = arith.muli %shift_right_arithmetic3A_1196, %mul3A_1206 : vector<16xi32>
      %shift_right_arithmetic3A_1208 = arith.constant 3 : i32
      %shift_right_arithmetic3A_1209 = vector.broadcast %shift_right_arithmetic3A_1208 : i32 to vector<16xi32>
      %shift_right_arithmetic3A_1210 = arith.shrsi %gather3A_1204, %shift_right_arithmetic3A_1209 : vector<16xi32>
      %add3A_1211 = arith.addi %mul3A_1207, %shift_right_arithmetic3A_1210 : vector<16xi32>
      %mul3A_1212 = arith.constant 6 : i32
      %mul3A_1213 = vector.broadcast %mul3A_1212 : i32 to vector<16xi32>
      %mul3A_1214 = arith.muli %add3A_1211, %mul3A_1213 : vector<16xi32>
      %add3A_1215 = arith.addi %mul3A_1214, %sub3A_1193 : vector<16xi32>
      %mul3A_1216 = arith.constant 8 : i32
      %mul3A_1217 = vector.broadcast %mul3A_1216 : i32 to vector<16xi32>
      %mul3A_1218 = arith.muli %add3A_1215, %mul3A_1217 : vector<16xi32>
      %and3A_1219 = arith.constant 7 : i32
      %and3A_1220 = vector.broadcast %and3A_1219 : i32 to vector<16xi32>
      %and3A_1221 = arith.andi %gather3A_1204, %and3A_1220 : vector<16xi32>
      %add3A_1222 = arith.addi %mul3A_1218, %and3A_1221 : vector<16xi32>
      %swap3A_1223 = arith.constant 2 : i32
      %swap3A_1224 = arith.index_cast %swap3A_1223 : i32 to index
      %swap3A_1225 = arith.constant 80 : index
      %swap3A_1226 = tpu.vector_load %arg7[%swap3A_1224, %swap3A_1225] {strides = array<i32>} : memref<120x128xi32, #tpu.memory_space<vmem>>, vector<16xi32>,
      tpu.vector_store %arg7[%swap3A_1224, %swap3A_1225], %add3A_1222 {strides = array<i32>} : memref<120x128xi32, #tpu.memory_space<vmem>>, vector<16xi32>,
      %add3A_1227 = arith.constant 256 : i32
      %add3A_1228 = arith.addi %mul3A_2, %add3A_1227 : i32
      %add3A_1229 = arith.constant 96 : i32
      %add3A_1230 = arith.addi %add3A_1228, %add3A_1229 : i32
      %add3A_1231 = vector.broadcast %add3A_1230 : i32 to vector<16xi32>
      %add3A_1232 = arith.addi %add3A_1231, %iota3A : vector<16xi32>
      %and3A_1233 = arith.constant 7 : i32
      %and3A_1234 = vector.broadcast %and3A_1233 : i32 to vector<16xi32>
      %and3A_1235 = arith.andi %add3A_1232, %and3A_1234 : vector<16xi32>
      %shift_right_arithmetic3A_1236 = arith.constant 3 : i32
      %shift_right_arithmetic3A_1237 = vector.broadcast %shift_right_arithmetic3A_1236 : i32 to vector<16xi32>
      %shift_right_arithmetic3A_1238 = arith.shrsi %add3A_1232, %shift_right_arithmetic3A_1237 : vector<16xi32>
      %mul3A_1239 = arith.constant 43691 : i32
      %mul3A_1240 = vector.broadcast %mul3A_1239 : i32 to vector<16xi32>
      %mul3A_1241 = arith.muli %shift_right_arithmetic3A_1238, %mul3A_1240 : vector<16xi32>
      %shift_right_logical3A_1242 = arith.constant 18 : i32
      %shift_right_logical3A_1243 = vector.broadcast %shift_right_logical3A_1242 : i32 to vector<16xi32>
      %shift_right_logical3A_1244 = arith.shrui %mul3A_1241, %shift_right_logical3A_1243 : vector<16xi32>
      %mul3A_1245 = arith.constant 6 : i32
      %mul3A_1246 = vector.broadcast %mul3A_1245 : i32 to vector<16xi32>
      %mul3A_1247 = arith.muli %shift_right_logical3A_1244, %mul3A_1246 : vector<16xi32>
      %sub3A_1248 = arith.subi %shift_right_arithmetic3A_1238, %mul3A_1247 : vector<16xi32>
      %shift_right_arithmetic3A_1249 = arith.constant 9 : i32
      %shift_right_arithmetic3A_1250 = vector.broadcast %shift_right_arithmetic3A_1249 : i32 to vector<16xi32>
      %shift_right_arithmetic3A_1251 = arith.shrsi %shift_right_logical3A_1244, %shift_right_arithmetic3A_1250 : vector<16xi32>
      %and3A_1252 = arith.constant 511 : i32
      %and3A_1253 = vector.broadcast %and3A_1252 : i32 to vector<16xi32>
      %and3A_1254 = arith.andi %shift_right_logical3A_1244, %and3A_1253 : vector<16xi32>
      %mul3A_1255 = arith.constant 8 : i32
      %mul3A_1256 = vector.broadcast %mul3A_1255 : i32 to vector<16xi32>
      %mul3A_1257 = arith.muli %and3A_1254, %mul3A_1256 : vector<16xi32>
      %add3A_1258 = arith.addi %mul3A_1257, %and3A_1235 : vector<16xi32>
      %gather3A_1259 = tpu.vector_load_idx %arg6[%add3A_1258] : memref<4096xi32, #tpu.memory_space<vmem>>[vector<16xi32>], vector<16xi32>,
      %mul3A_1260 = arith.constant 125 : i32
      %mul3A_1261 = vector.broadcast %mul3A_1260 : i32 to vector<16xi32>
      %mul3A_1262 = arith.muli %shift_right_arithmetic3A_1251, %mul3A_1261 : vector<16xi32>
      %shift_right_arithmetic3A_1263 = arith.constant 3 : i32
      %shift_right_arithmetic3A_1264 = vector.broadcast %shift_right_arithmetic3A_1263 : i32 to vector<16xi32>
      %shift_right_arithmetic3A_1265 = arith.shrsi %gather3A_1259, %shift_right_arithmetic3A_1264 : vector<16xi32>
      %add3A_1266 = arith.addi %mul3A_1262, %shift_right_arithmetic3A_1265 : vector<16xi32>
      %mul3A_1267 = arith.constant 6 : i32
      %mul3A_1268 = vector.broadcast %mul3A_1267 : i32 to vector<16xi32>
      %mul3A_1269 = arith.muli %add3A_1266, %mul3A_1268 : vector<16xi32>
      %add3A_1270 = arith.addi %mul3A_1269, %sub3A_1248 : vector<16xi32>
      %mul3A_1271 = arith.constant 8 : i32
      %mul3A_1272 = vector.broadcast %mul3A_1271 : i32 to vector<16xi32>
      %mul3A_1273 = arith.muli %add3A_1270, %mul3A_1272 : vector<16xi32>
      %and3A_1274 = arith.constant 7 : i32
      %and3A_1275 = vector.broadcast %and3A_1274 : i32 to vector<16xi32>
      %and3A_1276 = arith.andi %gather3A_1259, %and3A_1275 : vector<16xi32>
      %add3A_1277 = arith.addi %mul3A_1273, %and3A_1276 : vector<16xi32>
      %swap3A_1278 = arith.constant 2 : i32
      %swap3A_1279 = arith.index_cast %swap3A_1278 : i32 to index
      %swap3A_1280 = arith.constant 96 : index
      %swap3A_1281 = tpu.vector_load %arg7[%swap3A_1279, %swap3A_1280] {strides = array<i32>} : memref<120x128xi32, #tpu.memory_space<vmem>>, vector<16xi32>,
      tpu.vector_store %arg7[%swap3A_1279, %swap3A_1280], %add3A_1277 {strides = array<i32>} : memref<120x128xi32, #tpu.memory_space<vmem>>, vector<16xi32>,
      %add3A_1282 = arith.constant 256 : i32
      %add3A_1283 = arith.addi %mul3A_2, %add3A_1282 : i32
      %add3A_1284 = arith.constant 112 : i32
      %add3A_1285 = arith.addi %add3A_1283, %add3A_1284 : i32
      %add3A_1286 = vector.broadcast %add3A_1285 : i32 to vector<16xi32>
      %add3A_1287 = arith.addi %add3A_1286, %iota3A : vector<16xi32>
      %and3A_1288 = arith.constant 7 : i32
      %and3A_1289 = vector.broadcast %and3A_1288 : i32 to vector<16xi32>
      %and3A_1290 = arith.andi %add3A_1287, %and3A_1289 : vector<16xi32>
      %shift_right_arithmetic3A_1291 = arith.constant 3 : i32
      %shift_right_arithmetic3A_1292 = vector.broadcast %shift_right_arithmetic3A_1291 : i32 to vector<16xi32>
      %shift_right_arithmetic3A_1293 = arith.shrsi %add3A_1287, %shift_right_arithmetic3A_1292 : vector<16xi32>
      %mul3A_1294 = arith.constant 43691 : i32
      %mul3A_1295 = vector.broadcast %mul3A_1294 : i32 to vector<16xi32>
      %mul3A_1296 = arith.muli %shift_right_arithmetic3A_1293, %mul3A_1295 : vector<16xi32>
      %shift_right_logical3A_1297 = arith.constant 18 : i32
      %shift_right_logical3A_1298 = vector.broadcast %shift_right_logical3A_1297 : i32 to vector<16xi32>
      %shift_right_logical3A_1299 = arith.shrui %mul3A_1296, %shift_right_logical3A_1298 : vector<16xi32>
      %mul3A_1300 = arith.constant 6 : i32
      %mul3A_1301 = vector.broadcast %mul3A_1300 : i32 to vector<16xi32>
      %mul3A_1302 = arith.muli %shift_right_logical3A_1299, %mul3A_1301 : vector<16xi32>
      %sub3A_1303 = arith.subi %shift_right_arithmetic3A_1293, %mul3A_1302 : vector<16xi32>
      %shift_right_arithmetic3A_1304 = arith.constant 9 : i32
      %shift_right_arithmetic3A_1305 = vector.broadcast %shift_right_arithmetic3A_1304 : i32 to vector<16xi32>
      %shift_right_arithmetic3A_1306 = arith.shrsi %shift_right_logical3A_1299, %shift_right_arithmetic3A_1305 : vector<16xi32>
      %and3A_1307 = arith.constant 511 : i32
      %and3A_1308 = vector.broadcast %and3A_1307 : i32 to vector<16xi32>
      %and3A_1309 = arith.andi %shift_right_logical3A_1299, %and3A_1308 : vector<16xi32>
      %mul3A_1310 = arith.constant 8 : i32
      %mul3A_1311 = vector.broadcast %mul3A_1310 : i32 to vector<16xi32>
      %mul3A_1312 = arith.muli %and3A_1309, %mul3A_1311 : vector<16xi32>
      %add3A_1313 = arith.addi %mul3A_1312, %and3A_1290 : vector<16xi32>
      %gather3A_1314 = tpu.vector_load_idx %arg6[%add3A_1313] : memref<4096xi32, #tpu.memory_space<vmem>>[vector<16xi32>], vector<16xi32>,
      %mul3A_1315 = arith.constant 125 : i32
      %mul3A_1316 = vector.broadcast %mul3A_1315 : i32 to vector<16xi32>
      %mul3A_1317 = arith.muli %shift_right_arithmetic3A_1306, %mul3A_1316 : vector<16xi32>
      %shift_right_arithmetic3A_1318 = arith.constant 3 : i32
      %shift_right_arithmetic3A_1319 = vector.broadcast %shift_right_arithmetic3A_1318 : i32 to vector<16xi32>
      %shift_right_arithmetic3A_1320 = arith.shrsi %gather3A_1314, %shift_right_arithmetic3A_1319 : vector<16xi32>
      %add3A_1321 = arith.addi %mul3A_1317, %shift_right_arithmetic3A_1320 : vector<16xi32>
      %mul3A_1322 = arith.constant 6 : i32
      %mul3A_1323 = vector.broadcast %mul3A_1322 : i32 to vector<16xi32>
      %mul3A_1324 = arith.muli %add3A_1321, %mul3A_1323 : vector<16xi32>
      %add3A_1325 = arith.addi %mul3A_1324, %sub3A_1303 : vector<16xi32>
      %mul3A_1326 = arith.constant 8 : i32
      %mul3A_1327 = vector.broadcast %mul3A_1326 : i32 to vector<16xi32>
      %mul3A_1328 = arith.muli %add3A_1325, %mul3A_1327 : vector<16xi32>
      %and3A_1329 = arith.constant 7 : i32
      %and3A_1330 = vector.broadcast %and3A_1329 : i32 to vector<16xi32>
      %and3A_1331 = arith.andi %gather3A_1314, %and3A_1330 : vector<16xi32>
      %add3A_1332 = arith.addi %mul3A_1328, %and3A_1331 : vector<16xi32>
      %swap3A_1333 = arith.constant 2 : i32
      %swap3A_1334 = arith.index_cast %swap3A_1333 : i32 to index
      %swap3A_1335 = arith.constant 112 : index
      %swap3A_1336 = tpu.vector_load %arg7[%swap3A_1334, %swap3A_1335] {strides = array<i32>} : memref<120x128xi32, #tpu.memory_space<vmem>>, vector<16xi32>,
      tpu.vector_store %arg7[%swap3A_1334, %swap3A_1335], %add3A_1332 {strides = array<i32>} : memref<120x128xi32, #tpu.memory_space<vmem>>, vector<16xi32>,
      %dma_start3A_1337 = arith.constant 2 : i32
      %dma_start3A_1338 = arith.constant 0 : i32
      %dma_start3A_1339 = tpu.memref_slice %arg7[%dma_start3A_1337, %dma_start3A_1338] : memref<120x128xi32, #tpu.memory_space<vmem>> -> memref<1x128xi32, #tpu.memory_space<vmem>>
      %dma_start3A_1340 = tpu.memref_squeeze %dma_start3A_1339 : memref<1x128xi32, #tpu.memory_space<vmem>> -> memref<128xi32, #tpu.memory_space<vmem>>
      %dma_start3A_1341 = arith.constant 0 : i32
      %dma_start3A_1342 = arith.constant 0 : i32
      %dma_start3A_1343 = tpu.memref_slice %arg2[%dma_start3A_1341, %dma_start3A_1342] : memref<120000x128xf32, #tpu.memory_space<hbm>> -> memref<120000x128xf32, #tpu.memory_space<hbm>>
      tpu.enqueue_indirect_dma source(%dma_start3A_1343 : memref<120000x128xf32, #tpu.memory_space<hbm>>) target(%arg10 : memref<128x128xf32, #tpu.memory_space<vmem>>) offsets(%dma_start3A_1340 : memref<128xi32, #tpu.memory_space<vmem>>) semaphore(%arg17 : memref<!tpu.dma_semaphore, #tpu.memory_space<semaphore_mem>>)
      %scan3A = arith.constant 0 : i32
      %scan3A_1344 = arith.constant 0 : i32
      %scan3A_1345 = arith.constant 20 : i32
      %scan3A_1346 = arith.addi %scan3A_1344, %scan3A_1345 : i32
      %scan3A_1347 = arith.constant 1 : i32
      scf.for %scan3A_1360 = %scan3A_1344 to %scan3A_1346 step %scan3A_1347  : i32 {
        %mul3A_1361 = arith.constant 6 : i32
        %mul3A_1362 = arith.muli %mul3A_1361, %scan3A_1360 : i32
        %add3A_1363 = arith.constant 0 : i32
        %add3A_1364 = arith.addi %mul3A_1362, %add3A_1363 : i32
        %dma_wait3A_1365 = arith.constant 0 : i32
        %dma_wait3A_1366 = tpu.memref_slice %arg7[%add3A_1364, %dma_wait3A_1365] : memref<120x128xi32, #tpu.memory_space<vmem>> -> memref<1x128xi32, #tpu.memory_space<vmem>>
        %dma_wait3A_1367 = tpu.memref_squeeze %dma_wait3A_1366 : memref<1x128xi32, #tpu.memory_space<vmem>> -> memref<128xi32, #tpu.memory_space<vmem>>
        %dma_wait3A_1368 = arith.constant 0 : i32
        %dma_wait3A_1369 = arith.constant 0 : i32
        %dma_wait3A_1370 = tpu.memref_slice %arg2[%dma_wait3A_1368, %dma_wait3A_1369] : memref<120000x128xf32, #tpu.memory_space<hbm>> -> memref<120000x128xf32, #tpu.memory_space<hbm>>
        tpu.wait_indirect_dma semaphore(%arg15 : memref<!tpu.dma_semaphore, #tpu.memory_space<semaphore_mem>>) src(%dma_wait3A_1370 : memref<120000x128xf32, #tpu.memory_space<hbm>>) dst(%arg8 : memref<128x128xf32, #tpu.memory_space<vmem>>)
        %mul3A_1371 = arith.constant 128 : i32
        %mul3A_1372 = arith.muli %add3A_1364, %mul3A_1371 : i32
        %add3A_1373 = arith.addi %mul3A_2, %mul3A_1372 : i32
        %dma_start3A_1374 = arith.constant 0 : i32
        %dma_start3A_1375 = tpu.memref_slice %arg5[%add3A_1373, %dma_start3A_1374] : memref<491520x128xf32, #tpu.memory_space<hbm>> -> memref<128x128xf32, #tpu.memory_space<hbm>>
        %dma_start3A_1376 = arith.constant 0 : i32
        %dma_start3A_1377 = tpu.memref_slice %arg5[%add3A_1373, %dma_start3A_1376] : memref<491520x128xf32, #tpu.memory_space<hbm>> -> memref<128x128xf32, #tpu.memory_space<hbm>>
        tpu.enqueue_dma source(%arg8 : memref<128x128xf32, #tpu.memory_space<vmem>>) target(%dma_start3A_1377 : memref<128x128xf32, #tpu.memory_space<hbm>>) target_semaphore(%arg21 : memref<!tpu.dma_semaphore, #tpu.memory_space<semaphore_mem>>)
        %ge3A = arith.constant 3 : i32
        %ge3A_1378 = arith.cmpi sge, %add3A_1364, %ge3A : i32
        %convert_element_type3A_1379 = arith.extui %ge3A_1378 : i1 to i32
        %cond3A_1380 = arith.constant 0 : i32
        %cond3A_1381 = arith.cmpi ne, %convert_element_type3A_1379, %cond3A_1380 : i32
        scf.if %cond3A_1381 {
          %dma_wait3A_1533 = arith.constant 0 : i32
          %dma_wait3A_1534 = tpu.memref_slice %arg5[%mul3A_2, %dma_wait3A_1533] : memref<491520x128xf32, #tpu.memory_space<hbm>> -> memref<128x128xf32, #tpu.memory_space<hbm>>
          %dma_wait3A_1535 = arith.constant 0 : i32
          %dma_wait3A_1536 = tpu.memref_slice %arg5[%mul3A_2, %dma_wait3A_1535] : memref<491520x128xf32, #tpu.memory_space<hbm>> -> memref<128x128xf32, #tpu.memory_space<hbm>>
          tpu.wait_dma2 semaphore(%arg24 : memref<!tpu.dma_semaphore, #tpu.memory_space<semaphore_mem>>) src(%arg11 : memref<128x128xf32, #tpu.memory_space<vmem>>) dst(%dma_wait3A_1536 : memref<128x128xf32, #tpu.memory_space<hbm>>)
        } else {
        }
        %add3A_1382 = arith.constant 3 : i32
        %add3A_1383 = arith.addi %add3A_1364, %add3A_1382 : i32
        %lt3A = arith.constant 120 : i32
        %lt3A_1384 = arith.cmpi slt, %add3A_1383, %lt3A : i32
        %convert_element_type3A_1385 = arith.extui %lt3A_1384 : i1 to i32
        %cond3A_1386 = arith.constant 0 : i32
        %cond3A_1387 = arith.cmpi ne, %convert_element_type3A_1385, %cond3A_1386 : i32
        scf.if %cond3A_1387 {
          %add3A_1533 = arith.constant 3 : i32
          %add3A_1534 = arith.addi %add3A_1364, %add3A_1533 : i32
          %mul3A_1535 = arith.constant 128 : i32
          %mul3A_1536 = arith.muli %add3A_1534, %mul3A_1535 : i32
          %add3A_1537 = arith.addi %mul3A_2, %mul3A_1536 : i32
          %add3A_1538 = arith.constant 0 : i32
          %add3A_1539 = arith.addi %add3A_1537, %add3A_1538 : i32
          %add3A_1540 = vector.broadcast %add3A_1539 : i32 to vector<16xi32>
          %add3A_1541 = arith.addi %add3A_1540, %iota3A : vector<16xi32>
          %and3A_1542 = arith.constant 7 : i32
          %and3A_1543 = vector.broadcast %and3A_1542 : i32 to vector<16xi32>
          %and3A_1544 = arith.andi %add3A_1541, %and3A_1543 : vector<16xi32>
          %shift_right_arithmetic3A_1545 = arith.constant 3 : i32
          %shift_right_arithmetic3A_1546 = vector.broadcast %shift_right_arithmetic3A_1545 : i32 to vector<16xi32>
          %shift_right_arithmetic3A_1547 = arith.shrsi %add3A_1541, %shift_right_arithmetic3A_1546 : vector<16xi32>
          %mul3A_1548 = arith.constant 43691 : i32
          %mul3A_1549 = vector.broadcast %mul3A_1548 : i32 to vector<16xi32>
          %mul3A_1550 = arith.muli %shift_right_arithmetic3A_1547, %mul3A_1549 : vector<16xi32>
          %shift_right_logical3A_1551 = arith.constant 18 : i32
          %shift_right_logical3A_1552 = vector.broadcast %shift_right_logical3A_1551 : i32 to vector<16xi32>
          %shift_right_logical3A_1553 = arith.shrui %mul3A_1550, %shift_right_logical3A_1552 : vector<16xi32>
          %mul3A_1554 = arith.constant 6 : i32
          %mul3A_1555 = vector.broadcast %mul3A_1554 : i32 to vector<16xi32>
          %mul3A_1556 = arith.muli %shift_right_logical3A_1553, %mul3A_1555 : vector<16xi32>
          %sub3A_1557 = arith.subi %shift_right_arithmetic3A_1547, %mul3A_1556 : vector<16xi32>
          %shift_right_arithmetic3A_1558 = arith.constant 9 : i32
          %shift_right_arithmetic3A_1559 = vector.broadcast %shift_right_arithmetic3A_1558 : i32 to vector<16xi32>
          %shift_right_arithmetic3A_1560 = arith.shrsi %shift_right_logical3A_1553, %shift_right_arithmetic3A_1559 : vector<16xi32>
          %and3A_1561 = arith.constant 511 : i32
          %and3A_1562 = vector.broadcast %and3A_1561 : i32 to vector<16xi32>
          %and3A_1563 = arith.andi %shift_right_logical3A_1553, %and3A_1562 : vector<16xi32>
          %mul3A_1564 = arith.constant 8 : i32
          %mul3A_1565 = vector.broadcast %mul3A_1564 : i32 to vector<16xi32>
          %mul3A_1566 = arith.muli %and3A_1563, %mul3A_1565 : vector<16xi32>
          %add3A_1567 = arith.addi %mul3A_1566, %and3A_1544 : vector<16xi32>
          %gather3A_1568 = tpu.vector_load_idx %arg6[%add3A_1567] : memref<4096xi32, #tpu.memory_space<vmem>>[vector<16xi32>], vector<16xi32>,
          %mul3A_1569 = arith.constant 125 : i32
          %mul3A_1570 = vector.broadcast %mul3A_1569 : i32 to vector<16xi32>
          %mul3A_1571 = arith.muli %shift_right_arithmetic3A_1560, %mul3A_1570 : vector<16xi32>
          %shift_right_arithmetic3A_1572 = arith.constant 3 : i32
          %shift_right_arithmetic3A_1573 = vector.broadcast %shift_right_arithmetic3A_1572 : i32 to vector<16xi32>
          %shift_right_arithmetic3A_1574 = arith.shrsi %gather3A_1568, %shift_right_arithmetic3A_1573 : vector<16xi32>
          %add3A_1575 = arith.addi %mul3A_1571, %shift_right_arithmetic3A_1574 : vector<16xi32>
          %mul3A_1576 = arith.constant 6 : i32
          %mul3A_1577 = vector.broadcast %mul3A_1576 : i32 to vector<16xi32>
          %mul3A_1578 = arith.muli %add3A_1575, %mul3A_1577 : vector<16xi32>
          %add3A_1579 = arith.addi %mul3A_1578, %sub3A_1557 : vector<16xi32>
          %mul3A_1580 = arith.constant 8 : i32
          %mul3A_1581 = vector.broadcast %mul3A_1580 : i32 to vector<16xi32>
          %mul3A_1582 = arith.muli %add3A_1579, %mul3A_1581 : vector<16xi32>
          %and3A_1583 = arith.constant 7 : i32
          %and3A_1584 = vector.broadcast %and3A_1583 : i32 to vector<16xi32>
          %and3A_1585 = arith.andi %gather3A_1568, %and3A_1584 : vector<16xi32>
          %add3A_1586 = arith.addi %mul3A_1582, %and3A_1585 : vector<16xi32>
          %swap3A_1587 = arith.index_cast %add3A_1534 : i32 to index
          %swap3A_1588 = arith.constant 0 : index
          %swap3A_1589 = tpu.vector_load %arg7[%swap3A_1587, %swap3A_1588] {strides = array<i32>} : memref<120x128xi32, #tpu.memory_space<vmem>>, vector<16xi32>,
          tpu.vector_store %arg7[%swap3A_1587, %swap3A_1588], %add3A_1586 {strides = array<i32>} : memref<120x128xi32, #tpu.memory_space<vmem>>, vector<16xi32>,
          %mul3A_1590 = arith.constant 128 : i32
          %mul3A_1591 = arith.muli %add3A_1534, %mul3A_1590 : i32
          %add3A_1592 = arith.addi %mul3A_2, %mul3A_1591 : i32
          %add3A_1593 = arith.constant 16 : i32
          %add3A_1594 = arith.addi %add3A_1592, %add3A_1593 : i32
          %add3A_1595 = vector.broadcast %add3A_1594 : i32 to vector<16xi32>
          %add3A_1596 = arith.addi %add3A_1595, %iota3A : vector<16xi32>
          %and3A_1597 = arith.constant 7 : i32
          %and3A_1598 = vector.broadcast %and3A_1597 : i32 to vector<16xi32>
          %and3A_1599 = arith.andi %add3A_1596, %and3A_1598 : vector<16xi32>
          %shift_right_arithmetic3A_1600 = arith.constant 3 : i32
          %shift_right_arithmetic3A_1601 = vector.broadcast %shift_right_arithmetic3A_1600 : i32 to vector<16xi32>
          %shift_right_arithmetic3A_1602 = arith.shrsi %add3A_1596, %shift_right_arithmetic3A_1601 : vector<16xi32>
          %mul3A_1603 = arith.constant 43691 : i32
          %mul3A_1604 = vector.broadcast %mul3A_1603 : i32 to vector<16xi32>
          %mul3A_1605 = arith.muli %shift_right_arithmetic3A_1602, %mul3A_1604 : vector<16xi32>
          %shift_right_logical3A_1606 = arith.constant 18 : i32
          %shift_right_logical3A_1607 = vector.broadcast %shift_right_logical3A_1606 : i32 to vector<16xi32>
          %shift_right_logical3A_1608 = arith.shrui %mul3A_1605, %shift_right_logical3A_1607 : vector<16xi32>
          %mul3A_1609 = arith.constant 6 : i32
          %mul3A_1610 = vector.broadcast %mul3A_1609 : i32 to vector<16xi32>
          %mul3A_1611 = arith.muli %shift_right_logical3A_1608, %mul3A_1610 : vector<16xi32>
          %sub3A_1612 = arith.subi %shift_right_arithmetic3A_1602, %mul3A_1611 : vector<16xi32>
          %shift_right_arithmetic3A_1613 = arith.constant 9 : i32
          %shift_right_arithmetic3A_1614 = vector.broadcast %shift_right_arithmetic3A_1613 : i32 to vector<16xi32>
          %shift_right_arithmetic3A_1615 = arith.shrsi %shift_right_logical3A_1608, %shift_right_arithmetic3A_1614 : vector<16xi32>
          %and3A_1616 = arith.constant 511 : i32
          %and3A_1617 = vector.broadcast %and3A_1616 : i32 to vector<16xi32>
          %and3A_1618 = arith.andi %shift_right_logical3A_1608, %and3A_1617 : vector<16xi32>
          %mul3A_1619 = arith.constant 8 : i32
          %mul3A_1620 = vector.broadcast %mul3A_1619 : i32 to vector<16xi32>
          %mul3A_1621 = arith.muli %and3A_1618, %mul3A_1620 : vector<16xi32>
          %add3A_1622 = arith.addi %mul3A_1621, %and3A_1599 : vector<16xi32>
          %gather3A_1623 = tpu.vector_load_idx %arg6[%add3A_1622] : memref<4096xi32, #tpu.memory_space<vmem>>[vector<16xi32>], vector<16xi32>,
          %mul3A_1624 = arith.constant 125 : i32
          %mul3A_1625 = vector.broadcast %mul3A_1624 : i32 to vector<16xi32>
          %mul3A_1626 = arith.muli %shift_right_arithmetic3A_1615, %mul3A_1625 : vector<16xi32>
          %shift_right_arithmetic3A_1627 = arith.constant 3 : i32
          %shift_right_arithmetic3A_1628 = vector.broadcast %shift_right_arithmetic3A_1627 : i32 to vector<16xi32>
          %shift_right_arithmetic3A_1629 = arith.shrsi %gather3A_1623, %shift_right_arithmetic3A_1628 : vector<16xi32>
          %add3A_1630 = arith.addi %mul3A_1626, %shift_right_arithmetic3A_1629 : vector<16xi32>
          %mul3A_1631 = arith.constant 6 : i32
          %mul3A_1632 = vector.broadcast %mul3A_1631 : i32 to vector<16xi32>
          %mul3A_1633 = arith.muli %add3A_1630, %mul3A_1632 : vector<16xi32>
          %add3A_1634 = arith.addi %mul3A_1633, %sub3A_1612 : vector<16xi32>
          %mul3A_1635 = arith.constant 8 : i32
          %mul3A_1636 = vector.broadcast %mul3A_1635 : i32 to vector<16xi32>
          %mul3A_1637 = arith.muli %add3A_1634, %mul3A_1636 : vector<16xi32>
          %and3A_1638 = arith.constant 7 : i32
          %and3A_1639 = vector.broadcast %and3A_1638 : i32 to vector<16xi32>
          %and3A_1640 = arith.andi %gather3A_1623, %and3A_1639 : vector<16xi32>
          %add3A_1641 = arith.addi %mul3A_1637, %and3A_1640 : vector<16xi32>
          %swap3A_1642 = arith.index_cast %add3A_1534 : i32 to index
          %swap3A_1643 = arith.constant 16 : index
          %swap3A_1644 = tpu.vector_load %arg7[%swap3A_1642, %swap3A_1643] {strides = array<i32>} : memref<120x128xi32, #tpu.memory_space<vmem>>, vector<16xi32>,
          tpu.vector_store %arg7[%swap3A_1642, %swap3A_1643], %add3A_1641 {strides = array<i32>} : memref<120x128xi32, #tpu.memory_space<vmem>>, vector<16xi32>,
          %mul3A_1645 = arith.constant 128 : i32
          %mul3A_1646 = arith.muli %add3A_1534, %mul3A_1645 : i32
          %add3A_1647 = arith.addi %mul3A_2, %mul3A_1646 : i32
          %add3A_1648 = arith.constant 32 : i32
          %add3A_1649 = arith.addi %add3A_1647, %add3A_1648 : i32
          %add3A_1650 = vector.broadcast %add3A_1649 : i32 to vector<16xi32>
          %add3A_1651 = arith.addi %add3A_1650, %iota3A : vector<16xi32>
          %and3A_1652 = arith.constant 7 : i32
          %and3A_1653 = vector.broadcast %and3A_1652 : i32 to vector<16xi32>
          %and3A_1654 = arith.andi %add3A_1651, %and3A_1653 : vector<16xi32>
          %shift_right_arithmetic3A_1655 = arith.constant 3 : i32
          %shift_right_arithmetic3A_1656 = vector.broadcast %shift_right_arithmetic3A_1655 : i32 to vector<16xi32>
          %shift_right_arithmetic3A_1657 = arith.shrsi %add3A_1651, %shift_right_arithmetic3A_1656 : vector<16xi32>
          %mul3A_1658 = arith.constant 43691 : i32
          %mul3A_1659 = vector.broadcast %mul3A_1658 : i32 to vector<16xi32>
          %mul3A_1660 = arith.muli %shift_right_arithmetic3A_1657, %mul3A_1659 : vector<16xi32>
          %shift_right_logical3A_1661 = arith.constant 18 : i32
          %shift_right_logical3A_1662 = vector.broadcast %shift_right_logical3A_1661 : i32 to vector<16xi32>
          %shift_right_logical3A_1663 = arith.shrui %mul3A_1660, %shift_right_logical3A_1662 : vector<16xi32>
          %mul3A_1664 = arith.constant 6 : i32
          %mul3A_1665 = vector.broadcast %mul3A_1664 : i32 to vector<16xi32>
          %mul3A_1666 = arith.muli %shift_right_logical3A_1663, %mul3A_1665 : vector<16xi32>
          %sub3A_1667 = arith.subi %shift_right_arithmetic3A_1657, %mul3A_1666 : vector<16xi32>
          %shift_right_arithmetic3A_1668 = arith.constant 9 : i32
          %shift_right_arithmetic3A_1669 = vector.broadcast %shift_right_arithmetic3A_1668 : i32 to vector<16xi32>
          %shift_right_arithmetic3A_1670 = arith.shrsi %shift_right_logical3A_1663, %shift_right_arithmetic3A_1669 : vector<16xi32>
          %and3A_1671 = arith.constant 511 : i32
          %and3A_1672 = vector.broadcast %and3A_1671 : i32 to vector<16xi32>
          %and3A_1673 = arith.andi %shift_right_logical3A_1663, %and3A_1672 : vector<16xi32>
          %mul3A_1674 = arith.constant 8 : i32
          %mul3A_1675 = vector.broadcast %mul3A_1674 : i32 to vector<16xi32>
          %mul3A_1676 = arith.muli %and3A_1673, %mul3A_1675 : vector<16xi32>
          %add3A_1677 = arith.addi %mul3A_1676, %and3A_1654 : vector<16xi32>
          %gather3A_1678 = tpu.vector_load_idx %arg6[%add3A_1677] : memref<4096xi32, #tpu.memory_space<vmem>>[vector<16xi32>], vector<16xi32>,
          %mul3A_1679 = arith.constant 125 : i32
          %mul3A_1680 = vector.broadcast %mul3A_1679 : i32 to vector<16xi32>
          %mul3A_1681 = arith.muli %shift_right_arithmetic3A_1670, %mul3A_1680 : vector<16xi32>
          %shift_right_arithmetic3A_1682 = arith.constant 3 : i32
          %shift_right_arithmetic3A_1683 = vector.broadcast %shift_right_arithmetic3A_1682 : i32 to vector<16xi32>
          %shift_right_arithmetic3A_1684 = arith.shrsi %gather3A_1678, %shift_right_arithmetic3A_1683 : vector<16xi32>
          %add3A_1685 = arith.addi %mul3A_1681, %shift_right_arithmetic3A_1684 : vector<16xi32>
          %mul3A_1686 = arith.constant 6 : i32
          %mul3A_1687 = vector.broadcast %mul3A_1686 : i32 to vector<16xi32>
          %mul3A_1688 = arith.muli %add3A_1685, %mul3A_1687 : vector<16xi32>
          %add3A_1689 = arith.addi %mul3A_1688, %sub3A_1667 : vector<16xi32>
          %mul3A_1690 = arith.constant 8 : i32
          %mul3A_1691 = vector.broadcast %mul3A_1690 : i32 to vector<16xi32>
          %mul3A_1692 = arith.muli %add3A_1689, %mul3A_1691 : vector<16xi32>
          %and3A_1693 = arith.constant 7 : i32
          %and3A_1694 = vector.broadcast %and3A_1693 : i32 to vector<16xi32>
          %and3A_1695 = arith.andi %gather3A_1678, %and3A_1694 : vector<16xi32>
          %add3A_1696 = arith.addi %mul3A_1692, %and3A_1695 : vector<16xi32>
          %swap3A_1697 = arith.index_cast %add3A_1534 : i32 to index
          %swap3A_1698 = arith.constant 32 : index
          %swap3A_1699 = tpu.vector_load %arg7[%swap3A_1697, %swap3A_1698] {strides = array<i32>} : memref<120x128xi32, #tpu.memory_space<vmem>>, vector<16xi32>,
          tpu.vector_store %arg7[%swap3A_1697, %swap3A_1698], %add3A_1696 {strides = array<i32>} : memref<120x128xi32, #tpu.memory_space<vmem>>, vector<16xi32>,
          %mul3A_1700 = arith.constant 128 : i32
          %mul3A_1701 = arith.muli %add3A_1534, %mul3A_1700 : i32
          %add3A_1702 = arith.addi %mul3A_2, %mul3A_1701 : i32
          %add3A_1703 = arith.constant 48 : i32
          %add3A_1704 = arith.addi %add3A_1702, %add3A_1703 : i32
          %add3A_1705 = vector.broadcast %add3A_1704 : i32 to vector<16xi32>
          %add3A_1706 = arith.addi %add3A_1705, %iota3A : vector<16xi32>
          %and3A_1707 = arith.constant 7 : i32
          %and3A_1708 = vector.broadcast %and3A_1707 : i32 to vector<16xi32>
          %and3A_1709 = arith.andi %add3A_1706, %and3A_1708 : vector<16xi32>
          %shift_right_arithmetic3A_1710 = arith.constant 3 : i32
          %shift_right_arithmetic3A_1711 = vector.broadcast %shift_right_arithmetic3A_1710 : i32 to vector<16xi32>
          %shift_right_arithmetic3A_1712 = arith.shrsi %add3A_1706, %shift_right_arithmetic3A_1711 : vector<16xi32>
          %mul3A_1713 = arith.constant 43691 : i32
          %mul3A_1714 = vector.broadcast %mul3A_1713 : i32 to vector<16xi32>
          %mul3A_1715 = arith.muli %shift_right_arithmetic3A_1712, %mul3A_1714 : vector<16xi32>
          %shift_right_logical3A_1716 = arith.constant 18 : i32
          %shift_right_logical3A_1717 = vector.broadcast %shift_right_logical3A_1716 : i32 to vector<16xi32>
          %shift_right_logical3A_1718 = arith.shrui %mul3A_1715, %shift_right_logical3A_1717 : vector<16xi32>
          %mul3A_1719 = arith.constant 6 : i32
          %mul3A_1720 = vector.broadcast %mul3A_1719 : i32 to vector<16xi32>
          %mul3A_1721 = arith.muli %shift_right_logical3A_1718, %mul3A_1720 : vector<16xi32>
          %sub3A_1722 = arith.subi %shift_right_arithmetic3A_1712, %mul3A_1721 : vector<16xi32>
          %shift_right_arithmetic3A_1723 = arith.constant 9 : i32
          %shift_right_arithmetic3A_1724 = vector.broadcast %shift_right_arithmetic3A_1723 : i32 to vector<16xi32>
          %shift_right_arithmetic3A_1725 = arith.shrsi %shift_right_logical3A_1718, %shift_right_arithmetic3A_1724 : vector<16xi32>
          %and3A_1726 = arith.constant 511 : i32
          %and3A_1727 = vector.broadcast %and3A_1726 : i32 to vector<16xi32>
          %and3A_1728 = arith.andi %shift_right_logical3A_1718, %and3A_1727 : vector<16xi32>
          %mul3A_1729 = arith.constant 8 : i32
          %mul3A_1730 = vector.broadcast %mul3A_1729 : i32 to vector<16xi32>
          %mul3A_1731 = arith.muli %and3A_1728, %mul3A_1730 : vector<16xi32>
          %add3A_1732 = arith.addi %mul3A_1731, %and3A_1709 : vector<16xi32>
          %gather3A_1733 = tpu.vector_load_idx %arg6[%add3A_1732] : memref<4096xi32, #tpu.memory_space<vmem>>[vector<16xi32>], vector<16xi32>,
          %mul3A_1734 = arith.constant 125 : i32
          %mul3A_1735 = vector.broadcast %mul3A_1734 : i32 to vector<16xi32>
          %mul3A_1736 = arith.muli %shift_right_arithmetic3A_1725, %mul3A_1735 : vector<16xi32>
          %shift_right_arithmetic3A_1737 = arith.constant 3 : i32
          %shift_right_arithmetic3A_1738 = vector.broadcast %shift_right_arithmetic3A_1737 : i32 to vector<16xi32>
          %shift_right_arithmetic3A_1739 = arith.shrsi %gather3A_1733, %shift_right_arithmetic3A_1738 : vector<16xi32>
          %add3A_1740 = arith.addi %mul3A_1736, %shift_right_arithmetic3A_1739 : vector<16xi32>
          %mul3A_1741 = arith.constant 6 : i32
          %mul3A_1742 = vector.broadcast %mul3A_1741 : i32 to vector<16xi32>
          %mul3A_1743 = arith.muli %add3A_1740, %mul3A_1742 : vector<16xi32>
          %add3A_1744 = arith.addi %mul3A_1743, %sub3A_1722 : vector<16xi32>
          %mul3A_1745 = arith.constant 8 : i32
          %mul3A_1746 = vector.broadcast %mul3A_1745 : i32 to vector<16xi32>
          %mul3A_1747 = arith.muli %add3A_1744, %mul3A_1746 : vector<16xi32>
          %and3A_1748 = arith.constant 7 : i32
          %and3A_1749 = vector.broadcast %and3A_1748 : i32 to vector<16xi32>
          %and3A_1750 = arith.andi %gather3A_1733, %and3A_1749 : vector<16xi32>
          %add3A_1751 = arith.addi %mul3A_1747, %and3A_1750 : vector<16xi32>
          %swap3A_1752 = arith.index_cast %add3A_1534 : i32 to index
          %swap3A_1753 = arith.constant 48 : index
          %swap3A_1754 = tpu.vector_load %arg7[%swap3A_1752, %swap3A_1753] {strides = array<i32>} : memref<120x128xi32, #tpu.memory_space<vmem>>, vector<16xi32>,
          tpu.vector_store %arg7[%swap3A_1752, %swap3A_1753], %add3A_1751 {strides = array<i32>} : memref<120x128xi32, #tpu.memory_space<vmem>>, vector<16xi32>,
          %mul3A_1755 = arith.constant 128 : i32
          %mul3A_1756 = arith.muli %add3A_1534, %mul3A_1755 : i32
          %add3A_1757 = arith.addi %mul3A_2, %mul3A_1756 : i32
          %add3A_1758 = arith.constant 64 : i32
          %add3A_1759 = arith.addi %add3A_1757, %add3A_1758 : i32
          %add3A_1760 = vector.broadcast %add3A_1759 : i32 to vector<16xi32>
          %add3A_1761 = arith.addi %add3A_1760, %iota3A : vector<16xi32>
          %and3A_1762 = arith.constant 7 : i32
          %and3A_1763 = vector.broadcast %and3A_1762 : i32 to vector<16xi32>
          %and3A_1764 = arith.andi %add3A_1761, %and3A_1763 : vector<16xi32>
          %shift_right_arithmetic3A_1765 = arith.constant 3 : i32
          %shift_right_arithmetic3A_1766 = vector.broadcast %shift_right_arithmetic3A_1765 : i32 to vector<16xi32>
          %shift_right_arithmetic3A_1767 = arith.shrsi %add3A_1761, %shift_right_arithmetic3A_1766 : vector<16xi32>
          %mul3A_1768 = arith.constant 43691 : i32
          %mul3A_1769 = vector.broadcast %mul3A_1768 : i32 to vector<16xi32>
          %mul3A_1770 = arith.muli %shift_right_arithmetic3A_1767, %mul3A_1769 : vector<16xi32>
          %shift_right_logical3A_1771 = arith.constant 18 : i32
          %shift_right_logical3A_1772 = vector.broadcast %shift_right_logical3A_1771 : i32 to vector<16xi32>
          %shift_right_logical3A_1773 = arith.shrui %mul3A_1770, %shift_right_logical3A_1772 : vector<16xi32>
          %mul3A_1774 = arith.constant 6 : i32
          %mul3A_1775 = vector.broadcast %mul3A_1774 : i32 to vector<16xi32>
          %mul3A_1776 = arith.muli %shift_right_logical3A_1773, %mul3A_1775 : vector<16xi32>
          %sub3A_1777 = arith.subi %shift_right_arithmetic3A_1767, %mul3A_1776 : vector<16xi32>
          %shift_right_arithmetic3A_1778 = arith.constant 9 : i32
          %shift_right_arithmetic3A_1779 = vector.broadcast %shift_right_arithmetic3A_1778 : i32 to vector<16xi32>
          %shift_right_arithmetic3A_1780 = arith.shrsi %shift_right_logical3A_1773, %shift_right_arithmetic3A_1779 : vector<16xi32>
          %and3A_1781 = arith.constant 511 : i32
          %and3A_1782 = vector.broadcast %and3A_1781 : i32 to vector<16xi32>
          %and3A_1783 = arith.andi %shift_right_logical3A_1773, %and3A_1782 : vector<16xi32>
          %mul3A_1784 = arith.constant 8 : i32
          %mul3A_1785 = vector.broadcast %mul3A_1784 : i32 to vector<16xi32>
          %mul3A_1786 = arith.muli %and3A_1783, %mul3A_1785 : vector<16xi32>
          %add3A_1787 = arith.addi %mul3A_1786, %and3A_1764 : vector<16xi32>
          %gather3A_1788 = tpu.vector_load_idx %arg6[%add3A_1787] : memref<4096xi32, #tpu.memory_space<vmem>>[vector<16xi32>], vector<16xi32>,
          %mul3A_1789 = arith.constant 125 : i32
          %mul3A_1790 = vector.broadcast %mul3A_1789 : i32 to vector<16xi32>
          %mul3A_1791 = arith.muli %shift_right_arithmetic3A_1780, %mul3A_1790 : vector<16xi32>
          %shift_right_arithmetic3A_1792 = arith.constant 3 : i32
          %shift_right_arithmetic3A_1793 = vector.broadcast %shift_right_arithmetic3A_1792 : i32 to vector<16xi32>
          %shift_right_arithmetic3A_1794 = arith.shrsi %gather3A_1788, %shift_right_arithmetic3A_1793 : vector<16xi32>
          %add3A_1795 = arith.addi %mul3A_1791, %shift_right_arithmetic3A_1794 : vector<16xi32>
          %mul3A_1796 = arith.constant 6 : i32
          %mul3A_1797 = vector.broadcast %mul3A_1796 : i32 to vector<16xi32>
          %mul3A_1798 = arith.muli %add3A_1795, %mul3A_1797 : vector<16xi32>
          %add3A_1799 = arith.addi %mul3A_1798, %sub3A_1777 : vector<16xi32>
          %mul3A_1800 = arith.constant 8 : i32
          %mul3A_1801 = vector.broadcast %mul3A_1800 : i32 to vector<16xi32>
          %mul3A_1802 = arith.muli %add3A_1799, %mul3A_1801 : vector<16xi32>
          %and3A_1803 = arith.constant 7 : i32
          %and3A_1804 = vector.broadcast %and3A_1803 : i32 to vector<16xi32>
          %and3A_1805 = arith.andi %gather3A_1788, %and3A_1804 : vector<16xi32>
          %add3A_1806 = arith.addi %mul3A_1802, %and3A_1805 : vector<16xi32>
          %swap3A_1807 = arith.index_cast %add3A_1534 : i32 to index
          %swap3A_1808 = arith.constant 64 : index
          %swap3A_1809 = tpu.vector_load %arg7[%swap3A_1807, %swap3A_1808] {strides = array<i32>} : memref<120x128xi32, #tpu.memory_space<vmem>>, vector<16xi32>,
          tpu.vector_store %arg7[%swap3A_1807, %swap3A_1808], %add3A_1806 {strides = array<i32>} : memref<120x128xi32, #tpu.memory_space<vmem>>, vector<16xi32>,
          %mul3A_1810 = arith.constant 128 : i32
          %mul3A_1811 = arith.muli %add3A_1534, %mul3A_1810 : i32
          %add3A_1812 = arith.addi %mul3A_2, %mul3A_1811 : i32
          %add3A_1813 = arith.constant 80 : i32
          %add3A_1814 = arith.addi %add3A_1812, %add3A_1813 : i32
          %add3A_1815 = vector.broadcast %add3A_1814 : i32 to vector<16xi32>
          %add3A_1816 = arith.addi %add3A_1815, %iota3A : vector<16xi32>
          %and3A_1817 = arith.constant 7 : i32
          %and3A_1818 = vector.broadcast %and3A_1817 : i32 to vector<16xi32>
          %and3A_1819 = arith.andi %add3A_1816, %and3A_1818 : vector<16xi32>
          %shift_right_arithmetic3A_1820 = arith.constant 3 : i32
          %shift_right_arithmetic3A_1821 = vector.broadcast %shift_right_arithmetic3A_1820 : i32 to vector<16xi32>
          %shift_right_arithmetic3A_1822 = arith.shrsi %add3A_1816, %shift_right_arithmetic3A_1821 : vector<16xi32>
          %mul3A_1823 = arith.constant 43691 : i32
          %mul3A_1824 = vector.broadcast %mul3A_1823 : i32 to vector<16xi32>
          %mul3A_1825 = arith.muli %shift_right_arithmetic3A_1822, %mul3A_1824 : vector<16xi32>
          %shift_right_logical3A_1826 = arith.constant 18 : i32
          %shift_right_logical3A_1827 = vector.broadcast %shift_right_logical3A_1826 : i32 to vector<16xi32>
          %shift_right_logical3A_1828 = arith.shrui %mul3A_1825, %shift_right_logical3A_1827 : vector<16xi32>
          %mul3A_1829 = arith.constant 6 : i32
          %mul3A_1830 = vector.broadcast %mul3A_1829 : i32 to vector<16xi32>
          %mul3A_1831 = arith.muli %shift_right_logical3A_1828, %mul3A_1830 : vector<16xi32>
          %sub3A_1832 = arith.subi %shift_right_arithmetic3A_1822, %mul3A_1831 : vector<16xi32>
          %shift_right_arithmetic3A_1833 = arith.constant 9 : i32
          %shift_right_arithmetic3A_1834 = vector.broadcast %shift_right_arithmetic3A_1833 : i32 to vector<16xi32>
          %shift_right_arithmetic3A_1835 = arith.shrsi %shift_right_logical3A_1828, %shift_right_arithmetic3A_1834 : vector<16xi32>
          %and3A_1836 = arith.constant 511 : i32
          %and3A_1837 = vector.broadcast %and3A_1836 : i32 to vector<16xi32>
          %and3A_1838 = arith.andi %shift_right_logical3A_1828, %and3A_1837 : vector<16xi32>
          %mul3A_1839 = arith.constant 8 : i32
          %mul3A_1840 = vector.broadcast %mul3A_1839 : i32 to vector<16xi32>
          %mul3A_1841 = arith.muli %and3A_1838, %mul3A_1840 : vector<16xi32>
          %add3A_1842 = arith.addi %mul3A_1841, %and3A_1819 : vector<16xi32>
          %gather3A_1843 = tpu.vector_load_idx %arg6[%add3A_1842] : memref<4096xi32, #tpu.memory_space<vmem>>[vector<16xi32>], vector<16xi32>,
          %mul3A_1844 = arith.constant 125 : i32
          %mul3A_1845 = vector.broadcast %mul3A_1844 : i32 to vector<16xi32>
          %mul3A_1846 = arith.muli %shift_right_arithmetic3A_1835, %mul3A_1845 : vector<16xi32>
          %shift_right_arithmetic3A_1847 = arith.constant 3 : i32
          %shift_right_arithmetic3A_1848 = vector.broadcast %shift_right_arithmetic3A_1847 : i32 to vector<16xi32>
          %shift_right_arithmetic3A_1849 = arith.shrsi %gather3A_1843, %shift_right_arithmetic3A_1848 : vector<16xi32>
          %add3A_1850 = arith.addi %mul3A_1846, %shift_right_arithmetic3A_1849 : vector<16xi32>
          %mul3A_1851 = arith.constant 6 : i32
          %mul3A_1852 = vector.broadcast %mul3A_1851 : i32 to vector<16xi32>
          %mul3A_1853 = arith.muli %add3A_1850, %mul3A_1852 : vector<16xi32>
          %add3A_1854 = arith.addi %mul3A_1853, %sub3A_1832 : vector<16xi32>
          %mul3A_1855 = arith.constant 8 : i32
          %mul3A_1856 = vector.broadcast %mul3A_1855 : i32 to vector<16xi32>
          %mul3A_1857 = arith.muli %add3A_1854, %mul3A_1856 : vector<16xi32>
          %and3A_1858 = arith.constant 7 : i32
          %and3A_1859 = vector.broadcast %and3A_1858 : i32 to vector<16xi32>
          %and3A_1860 = arith.andi %gather3A_1843, %and3A_1859 : vector<16xi32>
          %add3A_1861 = arith.addi %mul3A_1857, %and3A_1860 : vector<16xi32>
          %swap3A_1862 = arith.index_cast %add3A_1534 : i32 to index
          %swap3A_1863 = arith.constant 80 : index
          %swap3A_1864 = tpu.vector_load %arg7[%swap3A_1862, %swap3A_1863] {strides = array<i32>} : memref<120x128xi32, #tpu.memory_space<vmem>>, vector<16xi32>,
          tpu.vector_store %arg7[%swap3A_1862, %swap3A_1863], %add3A_1861 {strides = array<i32>} : memref<120x128xi32, #tpu.memory_space<vmem>>, vector<16xi32>,
          %mul3A_1865 = arith.constant 128 : i32
          %mul3A_1866 = arith.muli %add3A_1534, %mul3A_1865 : i32
          %add3A_1867 = arith.addi %mul3A_2, %mul3A_1866 : i32
          %add3A_1868 = arith.constant 96 : i32
          %add3A_1869 = arith.addi %add3A_1867, %add3A_1868 : i32
          %add3A_1870 = vector.broadcast %add3A_1869 : i32 to vector<16xi32>
          %add3A_1871 = arith.addi %add3A_1870, %iota3A : vector<16xi32>
          %and3A_1872 = arith.constant 7 : i32
          %and3A_1873 = vector.broadcast %and3A_1872 : i32 to vector<16xi32>
          %and3A_1874 = arith.andi %add3A_1871, %and3A_1873 : vector<16xi32>
          %shift_right_arithmetic3A_1875 = arith.constant 3 : i32
          %shift_right_arithmetic3A_1876 = vector.broadcast %shift_right_arithmetic3A_1875 : i32 to vector<16xi32>
          %shift_right_arithmetic3A_1877 = arith.shrsi %add3A_1871, %shift_right_arithmetic3A_1876 : vector<16xi32>
          %mul3A_1878 = arith.constant 43691 : i32
          %mul3A_1879 = vector.broadcast %mul3A_1878 : i32 to vector<16xi32>
          %mul3A_1880 = arith.muli %shift_right_arithmetic3A_1877, %mul3A_1879 : vector<16xi32>
          %shift_right_logical3A_1881 = arith.constant 18 : i32
          %shift_right_logical3A_1882 = vector.broadcast %shift_right_logical3A_1881 : i32 to vector<16xi32>
          %shift_right_logical3A_1883 = arith.shrui %mul3A_1880, %shift_right_logical3A_1882 : vector<16xi32>
          %mul3A_1884 = arith.constant 6 : i32
          %mul3A_1885 = vector.broadcast %mul3A_1884 : i32 to vector<16xi32>
          %mul3A_1886 = arith.muli %shift_right_logical3A_1883, %mul3A_1885 : vector<16xi32>
          %sub3A_1887 = arith.subi %shift_right_arithmetic3A_1877, %mul3A_1886 : vector<16xi32>
          %shift_right_arithmetic3A_1888 = arith.constant 9 : i32
          %shift_right_arithmetic3A_1889 = vector.broadcast %shift_right_arithmetic3A_1888 : i32 to vector<16xi32>
          %shift_right_arithmetic3A_1890 = arith.shrsi %shift_right_logical3A_1883, %shift_right_arithmetic3A_1889 : vector<16xi32>
          %and3A_1891 = arith.constant 511 : i32
          %and3A_1892 = vector.broadcast %and3A_1891 : i32 to vector<16xi32>
          %and3A_1893 = arith.andi %shift_right_logical3A_1883, %and3A_1892 : vector<16xi32>
          %mul3A_1894 = arith.constant 8 : i32
          %mul3A_1895 = vector.broadcast %mul3A_1894 : i32 to vector<16xi32>
          %mul3A_1896 = arith.muli %and3A_1893, %mul3A_1895 : vector<16xi32>
          %add3A_1897 = arith.addi %mul3A_1896, %and3A_1874 : vector<16xi32>
          %gather3A_1898 = tpu.vector_load_idx %arg6[%add3A_1897] : memref<4096xi32, #tpu.memory_space<vmem>>[vector<16xi32>], vector<16xi32>,
          %mul3A_1899 = arith.constant 125 : i32
          %mul3A_1900 = vector.broadcast %mul3A_1899 : i32 to vector<16xi32>
          %mul3A_1901 = arith.muli %shift_right_arithmetic3A_1890, %mul3A_1900 : vector<16xi32>
          %shift_right_arithmetic3A_1902 = arith.constant 3 : i32
          %shift_right_arithmetic3A_1903 = vector.broadcast %shift_right_arithmetic3A_1902 : i32 to vector<16xi32>
          %shift_right_arithmetic3A_1904 = arith.shrsi %gather3A_1898, %shift_right_arithmetic3A_1903 : vector<16xi32>
          %add3A_1905 = arith.addi %mul3A_1901, %shift_right_arithmetic3A_1904 : vector<16xi32>
          %mul3A_1906 = arith.constant 6 : i32
          %mul3A_1907 = vector.broadcast %mul3A_1906 : i32 to vector<16xi32>
          %mul3A_1908 = arith.muli %add3A_1905, %mul3A_1907 : vector<16xi32>
          %add3A_1909 = arith.addi %mul3A_1908, %sub3A_1887 : vector<16xi32>
          %mul3A_1910 = arith.constant 8 : i32
          %mul3A_1911 = vector.broadcast %mul3A_1910 : i32 to vector<16xi32>
          %mul3A_1912 = arith.muli %add3A_1909, %mul3A_1911 : vector<16xi32>
          %and3A_1913 = arith.constant 7 : i32
          %and3A_1914 = vector.broadcast %and3A_1913 : i32 to vector<16xi32>
          %and3A_1915 = arith.andi %gather3A_1898, %and3A_1914 : vector<16xi32>
          %add3A_1916 = arith.addi %mul3A_1912, %and3A_1915 : vector<16xi32>
          %swap3A_1917 = arith.index_cast %add3A_1534 : i32 to index
          %swap3A_1918 = arith.constant 96 : index
          %swap3A_1919 = tpu.vector_load %arg7[%swap3A_1917, %swap3A_1918] {strides = array<i32>} : memref<120x128xi32, #tpu.memory_space<vmem>>, vector<16xi32>,
          tpu.vector_store %arg7[%swap3A_1917, %swap3A_1918], %add3A_1916 {strides = array<i32>} : memref<120x128xi32, #tpu.memory_space<vmem>>, vector<16xi32>,
          %mul3A_1920 = arith.constant 128 : i32
          %mul3A_1921 = arith.muli %add3A_1534, %mul3A_1920 : i32
          %add3A_1922 = arith.addi %mul3A_2, %mul3A_1921 : i32
          %add3A_1923 = arith.constant 112 : i32
          %add3A_1924 = arith.addi %add3A_1922, %add3A_1923 : i32
          %add3A_1925 = vector.broadcast %add3A_1924 : i32 to vector<16xi32>
          %add3A_1926 = arith.addi %add3A_1925, %iota3A : vector<16xi32>
          %and3A_1927 = arith.constant 7 : i32
          %and3A_1928 = vector.broadcast %and3A_1927 : i32 to vector<16xi32>
          %and3A_1929 = arith.andi %add3A_1926, %and3A_1928 : vector<16xi32>
          %shift_right_arithmetic3A_1930 = arith.constant 3 : i32
          %shift_right_arithmetic3A_1931 = vector.broadcast %shift_right_arithmetic3A_1930 : i32 to vector<16xi32>
          %shift_right_arithmetic3A_1932 = arith.shrsi %add3A_1926, %shift_right_arithmetic3A_1931 : vector<16xi32>
          %mul3A_1933 = arith.constant 43691 : i32
          %mul3A_1934 = vector.broadcast %mul3A_1933 : i32 to vector<16xi32>
          %mul3A_1935 = arith.muli %shift_right_arithmetic3A_1932, %mul3A_1934 : vector<16xi32>
          %shift_right_logical3A_1936 = arith.constant 18 : i32
          %shift_right_logical3A_1937 = vector.broadcast %shift_right_logical3A_1936 : i32 to vector<16xi32>
          %shift_right_logical3A_1938 = arith.shrui %mul3A_1935, %shift_right_logical3A_1937 : vector<16xi32>
          %mul3A_1939 = arith.constant 6 : i32
          %mul3A_1940 = vector.broadcast %mul3A_1939 : i32 to vector<16xi32>
          %mul3A_1941 = arith.muli %shift_right_logical3A_1938, %mul3A_1940 : vector<16xi32>
          %sub3A_1942 = arith.subi %shift_right_arithmetic3A_1932, %mul3A_1941 : vector<16xi32>
          %shift_right_arithmetic3A_1943 = arith.constant 9 : i32
          %shift_right_arithmetic3A_1944 = vector.broadcast %shift_right_arithmetic3A_1943 : i32 to vector<16xi32>
          %shift_right_arithmetic3A_1945 = arith.shrsi %shift_right_logical3A_1938, %shift_right_arithmetic3A_1944 : vector<16xi32>
          %and3A_1946 = arith.constant 511 : i32
          %and3A_1947 = vector.broadcast %and3A_1946 : i32 to vector<16xi32>
          %and3A_1948 = arith.andi %shift_right_logical3A_1938, %and3A_1947 : vector<16xi32>
          %mul3A_1949 = arith.constant 8 : i32
          %mul3A_1950 = vector.broadcast %mul3A_1949 : i32 to vector<16xi32>
          %mul3A_1951 = arith.muli %and3A_1948, %mul3A_1950 : vector<16xi32>
          %add3A_1952 = arith.addi %mul3A_1951, %and3A_1929 : vector<16xi32>
          %gather3A_1953 = tpu.vector_load_idx %arg6[%add3A_1952] : memref<4096xi32, #tpu.memory_space<vmem>>[vector<16xi32>], vector<16xi32>,
          %mul3A_1954 = arith.constant 125 : i32
          %mul3A_1955 = vector.broadcast %mul3A_1954 : i32 to vector<16xi32>
          %mul3A_1956 = arith.muli %shift_right_arithmetic3A_1945, %mul3A_1955 : vector<16xi32>
          %shift_right_arithmetic3A_1957 = arith.constant 3 : i32
          %shift_right_arithmetic3A_1958 = vector.broadcast %shift_right_arithmetic3A_1957 : i32 to vector<16xi32>
          %shift_right_arithmetic3A_1959 = arith.shrsi %gather3A_1953, %shift_right_arithmetic3A_1958 : vector<16xi32>
          %add3A_1960 = arith.addi %mul3A_1956, %shift_right_arithmetic3A_1959 : vector<16xi32>
          %mul3A_1961 = arith.constant 6 : i32
          %mul3A_1962 = vector.broadcast %mul3A_1961 : i32 to vector<16xi32>
          %mul3A_1963 = arith.muli %add3A_1960, %mul3A_1962 : vector<16xi32>
          %add3A_1964 = arith.addi %mul3A_1963, %sub3A_1942 : vector<16xi32>
          %mul3A_1965 = arith.constant 8 : i32
          %mul3A_1966 = vector.broadcast %mul3A_1965 : i32 to vector<16xi32>
          %mul3A_1967 = arith.muli %add3A_1964, %mul3A_1966 : vector<16xi32>
          %and3A_1968 = arith.constant 7 : i32
          %and3A_1969 = vector.broadcast %and3A_1968 : i32 to vector<16xi32>
          %and3A_1970 = arith.andi %gather3A_1953, %and3A_1969 : vector<16xi32>
          %add3A_1971 = arith.addi %mul3A_1967, %and3A_1970 : vector<16xi32>
          %swap3A_1972 = arith.index_cast %add3A_1534 : i32 to index
          %swap3A_1973 = arith.constant 112 : index
          %swap3A_1974 = tpu.vector_load %arg7[%swap3A_1972, %swap3A_1973] {strides = array<i32>} : memref<120x128xi32, #tpu.memory_space<vmem>>, vector<16xi32>,
          tpu.vector_store %arg7[%swap3A_1972, %swap3A_1973], %add3A_1971 {strides = array<i32>} : memref<120x128xi32, #tpu.memory_space<vmem>>, vector<16xi32>,
          %add3A_1975 = arith.constant 3 : i32
          %add3A_1976 = arith.addi %add3A_1364, %add3A_1975 : i32
          %dma_start3A_1977 = arith.constant 0 : i32
          %dma_start3A_1978 = tpu.memref_slice %arg7[%add3A_1976, %dma_start3A_1977] : memref<120x128xi32, #tpu.memory_space<vmem>> -> memref<1x128xi32, #tpu.memory_space<vmem>>
          %dma_start3A_1979 = tpu.memref_squeeze %dma_start3A_1978 : memref<1x128xi32, #tpu.memory_space<vmem>> -> memref<128xi32, #tpu.memory_space<vmem>>
          %dma_start3A_1980 = arith.constant 0 : i32
          %dma_start3A_1981 = arith.constant 0 : i32
          %dma_start3A_1982 = tpu.memref_slice %arg2[%dma_start3A_1980, %dma_start3A_1981] : memref<120000x128xf32, #tpu.memory_space<hbm>> -> memref<120000x128xf32, #tpu.memory_space<hbm>>
          tpu.enqueue_indirect_dma source(%dma_start3A_1982 : memref<120000x128xf32, #tpu.memory_space<hbm>>) target(%arg11 : memref<128x128xf32, #tpu.memory_space<vmem>>) offsets(%dma_start3A_1979 : memref<128xi32, #tpu.memory_space<vmem>>) semaphore(%arg18 : memref<!tpu.dma_semaphore, #tpu.memory_space<semaphore_mem>>)
        } else {
        }
        %mul3A_1388 = arith.constant 6 : i32
        %mul3A_1389 = arith.muli %mul3A_1388, %scan3A_1360 : i32
        %add3A_1390 = arith.constant 1 : i32
        %add3A_1391 = arith.addi %mul3A_1389, %add3A_1390 : i32
        %dma_wait3A_1392 = arith.constant 0 : i32
        %dma_wait3A_1393 = tpu.memref_slice %arg7[%add3A_1391, %dma_wait3A_1392] : memref<120x128xi32, #tpu.memory_space<vmem>> -> memref<1x128xi32, #tpu.memory_space<vmem>>
        %dma_wait3A_1394 = tpu.memref_squeeze %dma_wait3A_1393 : memref<1x128xi32, #tpu.memory_space<vmem>> -> memref<128xi32, #tpu.memory_space<vmem>>
        %dma_wait3A_1395 = arith.constant 0 : i32
        %dma_wait3A_1396 = arith.constant 0 : i32
        %dma_wait3A_1397 = tpu.memref_slice %arg2[%dma_wait3A_1395, %dma_wait3A_1396] : memref<120000x128xf32, #tpu.memory_space<hbm>> -> memref<120000x128xf32, #tpu.memory_space<hbm>>
        tpu.wait_indirect_dma semaphore(%arg16 : memref<!tpu.dma_semaphore, #tpu.memory_space<semaphore_mem>>) src(%dma_wait3A_1397 : memref<120000x128xf32, #tpu.memory_space<hbm>>) dst(%arg9 : memref<128x128xf32, #tpu.memory_space<vmem>>)
        %mul3A_1398 = arith.constant 128 : i32
        %mul3A_1399 = arith.muli %add3A_1391, %mul3A_1398 : i32
        %add3A_1400 = arith.addi %mul3A_2, %mul3A_1399 : i32
        %dma_start3A_1401 = arith.constant 0 : i32
        %dma_start3A_1402 = tpu.memref_slice %arg5[%add3A_1400, %dma_start3A_1401] : memref<491520x128xf32, #tpu.memory_space<hbm>> -> memref<128x128xf32, #tpu.memory_space<hbm>>
        %dma_start3A_1403 = arith.constant 0 : i32
        %dma_start3A_1404 = tpu.memref_slice %arg5[%add3A_1400, %dma_start3A_1403] : memref<491520x128xf32, #tpu.memory_space<hbm>> -> memref<128x128xf32, #tpu.memory_space<hbm>>
        tpu.enqueue_dma source(%arg9 : memref<128x128xf32, #tpu.memory_space<vmem>>) target(%dma_start3A_1404 : memref<128x128xf32, #tpu.memory_space<hbm>>) target_semaphore(%arg22 : memref<!tpu.dma_semaphore, #tpu.memory_space<semaphore_mem>>)
        %ge3A_1405 = arith.constant 3 : i32
        %ge3A_1406 = arith.cmpi sge, %add3A_1391, %ge3A_1405 : i32
        %convert_element_type3A_1407 = arith.extui %ge3A_1406 : i1 to i32
        %cond3A_1408 = arith.constant 0 : i32
        %cond3A_1409 = arith.cmpi ne, %convert_element_type3A_1407, %cond3A_1408 : i32
        scf.if %cond3A_1409 {
          %dma_wait3A_1533 = arith.constant 0 : i32
          %dma_wait3A_1534 = tpu.memref_slice %arg5[%mul3A_2, %dma_wait3A_1533] : memref<491520x128xf32, #tpu.memory_space<hbm>> -> memref<128x128xf32, #tpu.memory_space<hbm>>
          %dma_wait3A_1535 = arith.constant 0 : i32
          %dma_wait3A_1536 = tpu.memref_slice %arg5[%mul3A_2, %dma_wait3A_1535] : memref<491520x128xf32, #tpu.memory_space<hbm>> -> memref<128x128xf32, #tpu.memory_space<hbm>>
          tpu.wait_dma2 semaphore(%arg25 : memref<!tpu.dma_semaphore, #tpu.memory_space<semaphore_mem>>) src(%arg12 : memref<128x128xf32, #tpu.memory_space<vmem>>) dst(%dma_wait3A_1536 : memref<128x128xf32, #tpu.memory_space<hbm>>)
        } else {
        }
        %add3A_1410 = arith.constant 3 : i32
        %add3A_1411 = arith.addi %add3A_1391, %add3A_1410 : i32
        %lt3A_1412 = arith.constant 120 : i32
        %lt3A_1413 = arith.cmpi slt, %add3A_1411, %lt3A_1412 : i32
        %convert_element_type3A_1414 = arith.extui %lt3A_1413 : i1 to i32
        %cond3A_1415 = arith.constant 0 : i32
        %cond3A_1416 = arith.cmpi ne, %convert_element_type3A_1414, %cond3A_1415 : i32
        scf.if %cond3A_1416 {
          %add3A_1533 = arith.constant 3 : i32
          %add3A_1534 = arith.addi %add3A_1391, %add3A_1533 : i32
          %mul3A_1535 = arith.constant 128 : i32
          %mul3A_1536 = arith.muli %add3A_1534, %mul3A_1535 : i32
          %add3A_1537 = arith.addi %mul3A_2, %mul3A_1536 : i32
          %add3A_1538 = arith.constant 0 : i32
          %add3A_1539 = arith.addi %add3A_1537, %add3A_1538 : i32
          %add3A_1540 = vector.broadcast %add3A_1539 : i32 to vector<16xi32>
          %add3A_1541 = arith.addi %add3A_1540, %iota3A : vector<16xi32>
          %and3A_1542 = arith.constant 7 : i32
          %and3A_1543 = vector.broadcast %and3A_1542 : i32 to vector<16xi32>
          %and3A_1544 = arith.andi %add3A_1541, %and3A_1543 : vector<16xi32>
          %shift_right_arithmetic3A_1545 = arith.constant 3 : i32
          %shift_right_arithmetic3A_1546 = vector.broadcast %shift_right_arithmetic3A_1545 : i32 to vector<16xi32>
          %shift_right_arithmetic3A_1547 = arith.shrsi %add3A_1541, %shift_right_arithmetic3A_1546 : vector<16xi32>
          %mul3A_1548 = arith.constant 43691 : i32
          %mul3A_1549 = vector.broadcast %mul3A_1548 : i32 to vector<16xi32>
          %mul3A_1550 = arith.muli %shift_right_arithmetic3A_1547, %mul3A_1549 : vector<16xi32>
          %shift_right_logical3A_1551 = arith.constant 18 : i32
          %shift_right_logical3A_1552 = vector.broadcast %shift_right_logical3A_1551 : i32 to vector<16xi32>
          %shift_right_logical3A_1553 = arith.shrui %mul3A_1550, %shift_right_logical3A_1552 : vector<16xi32>
          %mul3A_1554 = arith.constant 6 : i32
          %mul3A_1555 = vector.broadcast %mul3A_1554 : i32 to vector<16xi32>
          %mul3A_1556 = arith.muli %shift_right_logical3A_1553, %mul3A_1555 : vector<16xi32>
          %sub3A_1557 = arith.subi %shift_right_arithmetic3A_1547, %mul3A_1556 : vector<16xi32>
          %shift_right_arithmetic3A_1558 = arith.constant 9 : i32
          %shift_right_arithmetic3A_1559 = vector.broadcast %shift_right_arithmetic3A_1558 : i32 to vector<16xi32>
          %shift_right_arithmetic3A_1560 = arith.shrsi %shift_right_logical3A_1553, %shift_right_arithmetic3A_1559 : vector<16xi32>
          %and3A_1561 = arith.constant 511 : i32
          %and3A_1562 = vector.broadcast %and3A_1561 : i32 to vector<16xi32>
          %and3A_1563 = arith.andi %shift_right_logical3A_1553, %and3A_1562 : vector<16xi32>
          %mul3A_1564 = arith.constant 8 : i32
          %mul3A_1565 = vector.broadcast %mul3A_1564 : i32 to vector<16xi32>
          %mul3A_1566 = arith.muli %and3A_1563, %mul3A_1565 : vector<16xi32>
          %add3A_1567 = arith.addi %mul3A_1566, %and3A_1544 : vector<16xi32>
          %gather3A_1568 = tpu.vector_load_idx %arg6[%add3A_1567] : memref<4096xi32, #tpu.memory_space<vmem>>[vector<16xi32>], vector<16xi32>,
          %mul3A_1569 = arith.constant 125 : i32
          %mul3A_1570 = vector.broadcast %mul3A_1569 : i32 to vector<16xi32>
          %mul3A_1571 = arith.muli %shift_right_arithmetic3A_1560, %mul3A_1570 : vector<16xi32>
          %shift_right_arithmetic3A_1572 = arith.constant 3 : i32
          %shift_right_arithmetic3A_1573 = vector.broadcast %shift_right_arithmetic3A_1572 : i32 to vector<16xi32>
          %shift_right_arithmetic3A_1574 = arith.shrsi %gather3A_1568, %shift_right_arithmetic3A_1573 : vector<16xi32>
          %add3A_1575 = arith.addi %mul3A_1571, %shift_right_arithmetic3A_1574 : vector<16xi32>
          %mul3A_1576 = arith.constant 6 : i32
          %mul3A_1577 = vector.broadcast %mul3A_1576 : i32 to vector<16xi32>
          %mul3A_1578 = arith.muli %add3A_1575, %mul3A_1577 : vector<16xi32>
          %add3A_1579 = arith.addi %mul3A_1578, %sub3A_1557 : vector<16xi32>
          %mul3A_1580 = arith.constant 8 : i32
          %mul3A_1581 = vector.broadcast %mul3A_1580 : i32 to vector<16xi32>
          %mul3A_1582 = arith.muli %add3A_1579, %mul3A_1581 : vector<16xi32>
          %and3A_1583 = arith.constant 7 : i32
          %and3A_1584 = vector.broadcast %and3A_1583 : i32 to vector<16xi32>
          %and3A_1585 = arith.andi %gather3A_1568, %and3A_1584 : vector<16xi32>
          %add3A_1586 = arith.addi %mul3A_1582, %and3A_1585 : vector<16xi32>
          %swap3A_1587 = arith.index_cast %add3A_1534 : i32 to index
          %swap3A_1588 = arith.constant 0 : index
          %swap3A_1589 = tpu.vector_load %arg7[%swap3A_1587, %swap3A_1588] {strides = array<i32>} : memref<120x128xi32, #tpu.memory_space<vmem>>, vector<16xi32>,
          tpu.vector_store %arg7[%swap3A_1587, %swap3A_1588], %add3A_1586 {strides = array<i32>} : memref<120x128xi32, #tpu.memory_space<vmem>>, vector<16xi32>,
          %mul3A_1590 = arith.constant 128 : i32
          %mul3A_1591 = arith.muli %add3A_1534, %mul3A_1590 : i32
          %add3A_1592 = arith.addi %mul3A_2, %mul3A_1591 : i32
          %add3A_1593 = arith.constant 16 : i32
          %add3A_1594 = arith.addi %add3A_1592, %add3A_1593 : i32
          %add3A_1595 = vector.broadcast %add3A_1594 : i32 to vector<16xi32>
          %add3A_1596 = arith.addi %add3A_1595, %iota3A : vector<16xi32>
          %and3A_1597 = arith.constant 7 : i32
          %and3A_1598 = vector.broadcast %and3A_1597 : i32 to vector<16xi32>
          %and3A_1599 = arith.andi %add3A_1596, %and3A_1598 : vector<16xi32>
          %shift_right_arithmetic3A_1600 = arith.constant 3 : i32
          %shift_right_arithmetic3A_1601 = vector.broadcast %shift_right_arithmetic3A_1600 : i32 to vector<16xi32>
          %shift_right_arithmetic3A_1602 = arith.shrsi %add3A_1596, %shift_right_arithmetic3A_1601 : vector<16xi32>
          %mul3A_1603 = arith.constant 43691 : i32
          %mul3A_1604 = vector.broadcast %mul3A_1603 : i32 to vector<16xi32>
          %mul3A_1605 = arith.muli %shift_right_arithmetic3A_1602, %mul3A_1604 : vector<16xi32>
          %shift_right_logical3A_1606 = arith.constant 18 : i32
          %shift_right_logical3A_1607 = vector.broadcast %shift_right_logical3A_1606 : i32 to vector<16xi32>
          %shift_right_logical3A_1608 = arith.shrui %mul3A_1605, %shift_right_logical3A_1607 : vector<16xi32>
          %mul3A_1609 = arith.constant 6 : i32
          %mul3A_1610 = vector.broadcast %mul3A_1609 : i32 to vector<16xi32>
          %mul3A_1611 = arith.muli %shift_right_logical3A_1608, %mul3A_1610 : vector<16xi32>
          %sub3A_1612 = arith.subi %shift_right_arithmetic3A_1602, %mul3A_1611 : vector<16xi32>
          %shift_right_arithmetic3A_1613 = arith.constant 9 : i32
          %shift_right_arithmetic3A_1614 = vector.broadcast %shift_right_arithmetic3A_1613 : i32 to vector<16xi32>
          %shift_right_arithmetic3A_1615 = arith.shrsi %shift_right_logical3A_1608, %shift_right_arithmetic3A_1614 : vector<16xi32>
          %and3A_1616 = arith.constant 511 : i32
          %and3A_1617 = vector.broadcast %and3A_1616 : i32 to vector<16xi32>
          %and3A_1618 = arith.andi %shift_right_logical3A_1608, %and3A_1617 : vector<16xi32>
          %mul3A_1619 = arith.constant 8 : i32
          %mul3A_1620 = vector.broadcast %mul3A_1619 : i32 to vector<16xi32>
          %mul3A_1621 = arith.muli %and3A_1618, %mul3A_1620 : vector<16xi32>
          %add3A_1622 = arith.addi %mul3A_1621, %and3A_1599 : vector<16xi32>
          %gather3A_1623 = tpu.vector_load_idx %arg6[%add3A_1622] : memref<4096xi32, #tpu.memory_space<vmem>>[vector<16xi32>], vector<16xi32>,
          %mul3A_1624 = arith.constant 125 : i32
          %mul3A_1625 = vector.broadcast %mul3A_1624 : i32 to vector<16xi32>
          %mul3A_1626 = arith.muli %shift_right_arithmetic3A_1615, %mul3A_1625 : vector<16xi32>
          %shift_right_arithmetic3A_1627 = arith.constant 3 : i32
          %shift_right_arithmetic3A_1628 = vector.broadcast %shift_right_arithmetic3A_1627 : i32 to vector<16xi32>
          %shift_right_arithmetic3A_1629 = arith.shrsi %gather3A_1623, %shift_right_arithmetic3A_1628 : vector<16xi32>
          %add3A_1630 = arith.addi %mul3A_1626, %shift_right_arithmetic3A_1629 : vector<16xi32>
          %mul3A_1631 = arith.constant 6 : i32
          %mul3A_1632 = vector.broadcast %mul3A_1631 : i32 to vector<16xi32>
          %mul3A_1633 = arith.muli %add3A_1630, %mul3A_1632 : vector<16xi32>
          %add3A_1634 = arith.addi %mul3A_1633, %sub3A_1612 : vector<16xi32>
          %mul3A_1635 = arith.constant 8 : i32
          %mul3A_1636 = vector.broadcast %mul3A_1635 : i32 to vector<16xi32>
          %mul3A_1637 = arith.muli %add3A_1634, %mul3A_1636 : vector<16xi32>
          %and3A_1638 = arith.constant 7 : i32
          %and3A_1639 = vector.broadcast %and3A_1638 : i32 to vector<16xi32>
          %and3A_1640 = arith.andi %gather3A_1623, %and3A_1639 : vector<16xi32>
          %add3A_1641 = arith.addi %mul3A_1637, %and3A_1640 : vector<16xi32>
          %swap3A_1642 = arith.index_cast %add3A_1534 : i32 to index
          %swap3A_1643 = arith.constant 16 : index
          %swap3A_1644 = tpu.vector_load %arg7[%swap3A_1642, %swap3A_1643] {strides = array<i32>} : memref<120x128xi32, #tpu.memory_space<vmem>>, vector<16xi32>,
          tpu.vector_store %arg7[%swap3A_1642, %swap3A_1643], %add3A_1641 {strides = array<i32>} : memref<120x128xi32, #tpu.memory_space<vmem>>, vector<16xi32>,
          %mul3A_1645 = arith.constant 128 : i32
          %mul3A_1646 = arith.muli %add3A_1534, %mul3A_1645 : i32
          %add3A_1647 = arith.addi %mul3A_2, %mul3A_1646 : i32
          %add3A_1648 = arith.constant 32 : i32
          %add3A_1649 = arith.addi %add3A_1647, %add3A_1648 : i32
          %add3A_1650 = vector.broadcast %add3A_1649 : i32 to vector<16xi32>
          %add3A_1651 = arith.addi %add3A_1650, %iota3A : vector<16xi32>
          %and3A_1652 = arith.constant 7 : i32
          %and3A_1653 = vector.broadcast %and3A_1652 : i32 to vector<16xi32>
          %and3A_1654 = arith.andi %add3A_1651, %and3A_1653 : vector<16xi32>
          %shift_right_arithmetic3A_1655 = arith.constant 3 : i32
          %shift_right_arithmetic3A_1656 = vector.broadcast %shift_right_arithmetic3A_1655 : i32 to vector<16xi32>
          %shift_right_arithmetic3A_1657 = arith.shrsi %add3A_1651, %shift_right_arithmetic3A_1656 : vector<16xi32>
          %mul3A_1658 = arith.constant 43691 : i32
          %mul3A_1659 = vector.broadcast %mul3A_1658 : i32 to vector<16xi32>
          %mul3A_1660 = arith.muli %shift_right_arithmetic3A_1657, %mul3A_1659 : vector<16xi32>
          %shift_right_logical3A_1661 = arith.constant 18 : i32
          %shift_right_logical3A_1662 = vector.broadcast %shift_right_logical3A_1661 : i32 to vector<16xi32>
          %shift_right_logical3A_1663 = arith.shrui %mul3A_1660, %shift_right_logical3A_1662 : vector<16xi32>
          %mul3A_1664 = arith.constant 6 : i32
          %mul3A_1665 = vector.broadcast %mul3A_1664 : i32 to vector<16xi32>
          %mul3A_1666 = arith.muli %shift_right_logical3A_1663, %mul3A_1665 : vector<16xi32>
          %sub3A_1667 = arith.subi %shift_right_arithmetic3A_1657, %mul3A_1666 : vector<16xi32>
          %shift_right_arithmetic3A_1668 = arith.constant 9 : i32
          %shift_right_arithmetic3A_1669 = vector.broadcast %shift_right_arithmetic3A_1668 : i32 to vector<16xi32>
          %shift_right_arithmetic3A_1670 = arith.shrsi %shift_right_logical3A_1663, %shift_right_arithmetic3A_1669 : vector<16xi32>
          %and3A_1671 = arith.constant 511 : i32
          %and3A_1672 = vector.broadcast %and3A_1671 : i32 to vector<16xi32>
          %and3A_1673 = arith.andi %shift_right_logical3A_1663, %and3A_1672 : vector<16xi32>
          %mul3A_1674 = arith.constant 8 : i32
          %mul3A_1675 = vector.broadcast %mul3A_1674 : i32 to vector<16xi32>
          %mul3A_1676 = arith.muli %and3A_1673, %mul3A_1675 : vector<16xi32>
          %add3A_1677 = arith.addi %mul3A_1676, %and3A_1654 : vector<16xi32>
          %gather3A_1678 = tpu.vector_load_idx %arg6[%add3A_1677] : memref<4096xi32, #tpu.memory_space<vmem>>[vector<16xi32>], vector<16xi32>,
          %mul3A_1679 = arith.constant 125 : i32
          %mul3A_1680 = vector.broadcast %mul3A_1679 : i32 to vector<16xi32>
          %mul3A_1681 = arith.muli %shift_right_arithmetic3A_1670, %mul3A_1680 : vector<16xi32>
          %shift_right_arithmetic3A_1682 = arith.constant 3 : i32
          %shift_right_arithmetic3A_1683 = vector.broadcast %shift_right_arithmetic3A_1682 : i32 to vector<16xi32>
          %shift_right_arithmetic3A_1684 = arith.shrsi %gather3A_1678, %shift_right_arithmetic3A_1683 : vector<16xi32>
          %add3A_1685 = arith.addi %mul3A_1681, %shift_right_arithmetic3A_1684 : vector<16xi32>
          %mul3A_1686 = arith.constant 6 : i32
          %mul3A_1687 = vector.broadcast %mul3A_1686 : i32 to vector<16xi32>
          %mul3A_1688 = arith.muli %add3A_1685, %mul3A_1687 : vector<16xi32>
          %add3A_1689 = arith.addi %mul3A_1688, %sub3A_1667 : vector<16xi32>
          %mul3A_1690 = arith.constant 8 : i32
          %mul3A_1691 = vector.broadcast %mul3A_1690 : i32 to vector<16xi32>
          %mul3A_1692 = arith.muli %add3A_1689, %mul3A_1691 : vector<16xi32>
          %and3A_1693 = arith.constant 7 : i32
          %and3A_1694 = vector.broadcast %and3A_1693 : i32 to vector<16xi32>
          %and3A_1695 = arith.andi %gather3A_1678, %and3A_1694 : vector<16xi32>
          %add3A_1696 = arith.addi %mul3A_1692, %and3A_1695 : vector<16xi32>
          %swap3A_1697 = arith.index_cast %add3A_1534 : i32 to index
          %swap3A_1698 = arith.constant 32 : index
          %swap3A_1699 = tpu.vector_load %arg7[%swap3A_1697, %swap3A_1698] {strides = array<i32>} : memref<120x128xi32, #tpu.memory_space<vmem>>, vector<16xi32>,
          tpu.vector_store %arg7[%swap3A_1697, %swap3A_1698], %add3A_1696 {strides = array<i32>} : memref<120x128xi32, #tpu.memory_space<vmem>>, vector<16xi32>,
          %mul3A_1700 = arith.constant 128 : i32
          %mul3A_1701 = arith.muli %add3A_1534, %mul3A_1700 : i32
          %add3A_1702 = arith.addi %mul3A_2, %mul3A_1701 : i32
          %add3A_1703 = arith.constant 48 : i32
          %add3A_1704 = arith.addi %add3A_1702, %add3A_1703 : i32
          %add3A_1705 = vector.broadcast %add3A_1704 : i32 to vector<16xi32>
          %add3A_1706 = arith.addi %add3A_1705, %iota3A : vector<16xi32>
          %and3A_1707 = arith.constant 7 : i32
          %and3A_1708 = vector.broadcast %and3A_1707 : i32 to vector<16xi32>
          %and3A_1709 = arith.andi %add3A_1706, %and3A_1708 : vector<16xi32>
          %shift_right_arithmetic3A_1710 = arith.constant 3 : i32
          %shift_right_arithmetic3A_1711 = vector.broadcast %shift_right_arithmetic3A_1710 : i32 to vector<16xi32>
          %shift_right_arithmetic3A_1712 = arith.shrsi %add3A_1706, %shift_right_arithmetic3A_1711 : vector<16xi32>
          %mul3A_1713 = arith.constant 43691 : i32
          %mul3A_1714 = vector.broadcast %mul3A_1713 : i32 to vector<16xi32>
          %mul3A_1715 = arith.muli %shift_right_arithmetic3A_1712, %mul3A_1714 : vector<16xi32>
          %shift_right_logical3A_1716 = arith.constant 18 : i32
          %shift_right_logical3A_1717 = vector.broadcast %shift_right_logical3A_1716 : i32 to vector<16xi32>
          %shift_right_logical3A_1718 = arith.shrui %mul3A_1715, %shift_right_logical3A_1717 : vector<16xi32>
          %mul3A_1719 = arith.constant 6 : i32
          %mul3A_1720 = vector.broadcast %mul3A_1719 : i32 to vector<16xi32>
          %mul3A_1721 = arith.muli %shift_right_logical3A_1718, %mul3A_1720 : vector<16xi32>
          %sub3A_1722 = arith.subi %shift_right_arithmetic3A_1712, %mul3A_1721 : vector<16xi32>
          %shift_right_arithmetic3A_1723 = arith.constant 9 : i32
          %shift_right_arithmetic3A_1724 = vector.broadcast %shift_right_arithmetic3A_1723 : i32 to vector<16xi32>
          %shift_right_arithmetic3A_1725 = arith.shrsi %shift_right_logical3A_1718, %shift_right_arithmetic3A_1724 : vector<16xi32>
          %and3A_1726 = arith.constant 511 : i32
          %and3A_1727 = vector.broadcast %and3A_1726 : i32 to vector<16xi32>
          %and3A_1728 = arith.andi %shift_right_logical3A_1718, %and3A_1727 : vector<16xi32>
          %mul3A_1729 = arith.constant 8 : i32
          %mul3A_1730 = vector.broadcast %mul3A_1729 : i32 to vector<16xi32>
          %mul3A_1731 = arith.muli %and3A_1728, %mul3A_1730 : vector<16xi32>
          %add3A_1732 = arith.addi %mul3A_1731, %and3A_1709 : vector<16xi32>
          %gather3A_1733 = tpu.vector_load_idx %arg6[%add3A_1732] : memref<4096xi32, #tpu.memory_space<vmem>>[vector<16xi32>], vector<16xi32>,
          %mul3A_1734 = arith.constant 125 : i32
          %mul3A_1735 = vector.broadcast %mul3A_1734 : i32 to vector<16xi32>
          %mul3A_1736 = arith.muli %shift_right_arithmetic3A_1725, %mul3A_1735 : vector<16xi32>
          %shift_right_arithmetic3A_1737 = arith.constant 3 : i32
          %shift_right_arithmetic3A_1738 = vector.broadcast %shift_right_arithmetic3A_1737 : i32 to vector<16xi32>
          %shift_right_arithmetic3A_1739 = arith.shrsi %gather3A_1733, %shift_right_arithmetic3A_1738 : vector<16xi32>
          %add3A_1740 = arith.addi %mul3A_1736, %shift_right_arithmetic3A_1739 : vector<16xi32>
          %mul3A_1741 = arith.constant 6 : i32
          %mul3A_1742 = vector.broadcast %mul3A_1741 : i32 to vector<16xi32>
          %mul3A_1743 = arith.muli %add3A_1740, %mul3A_1742 : vector<16xi32>
          %add3A_1744 = arith.addi %mul3A_1743, %sub3A_1722 : vector<16xi32>
          %mul3A_1745 = arith.constant 8 : i32
          %mul3A_1746 = vector.broadcast %mul3A_1745 : i32 to vector<16xi32>
          %mul3A_1747 = arith.muli %add3A_1744, %mul3A_1746 : vector<16xi32>
          %and3A_1748 = arith.constant 7 : i32
          %and3A_1749 = vector.broadcast %and3A_1748 : i32 to vector<16xi32>
          %and3A_1750 = arith.andi %gather3A_1733, %and3A_1749 : vector<16xi32>
          %add3A_1751 = arith.addi %mul3A_1747, %and3A_1750 : vector<16xi32>
          %swap3A_1752 = arith.index_cast %add3A_1534 : i32 to index
          %swap3A_1753 = arith.constant 48 : index
          %swap3A_1754 = tpu.vector_load %arg7[%swap3A_1752, %swap3A_1753] {strides = array<i32>} : memref<120x128xi32, #tpu.memory_space<vmem>>, vector<16xi32>,
          tpu.vector_store %arg7[%swap3A_1752, %swap3A_1753], %add3A_1751 {strides = array<i32>} : memref<120x128xi32, #tpu.memory_space<vmem>>, vector<16xi32>,
          %mul3A_1755 = arith.constant 128 : i32
          %mul3A_1756 = arith.muli %add3A_1534, %mul3A_1755 : i32
          %add3A_1757 = arith.addi %mul3A_2, %mul3A_1756 : i32
          %add3A_1758 = arith.constant 64 : i32
          %add3A_1759 = arith.addi %add3A_1757, %add3A_1758 : i32
          %add3A_1760 = vector.broadcast %add3A_1759 : i32 to vector<16xi32>
          %add3A_1761 = arith.addi %add3A_1760, %iota3A : vector<16xi32>
          %and3A_1762 = arith.constant 7 : i32
          %and3A_1763 = vector.broadcast %and3A_1762 : i32 to vector<16xi32>
          %and3A_1764 = arith.andi %add3A_1761, %and3A_1763 : vector<16xi32>
          %shift_right_arithmetic3A_1765 = arith.constant 3 : i32
          %shift_right_arithmetic3A_1766 = vector.broadcast %shift_right_arithmetic3A_1765 : i32 to vector<16xi32>
          %shift_right_arithmetic3A_1767 = arith.shrsi %add3A_1761, %shift_right_arithmetic3A_1766 : vector<16xi32>
          %mul3A_1768 = arith.constant 43691 : i32
          %mul3A_1769 = vector.broadcast %mul3A_1768 : i32 to vector<16xi32>
          %mul3A_1770 = arith.muli %shift_right_arithmetic3A_1767, %mul3A_1769 : vector<16xi32>
          %shift_right_logical3A_1771 = arith.constant 18 : i32
          %shift_right_logical3A_1772 = vector.broadcast %shift_right_logical3A_1771 : i32 to vector<16xi32>
          %shift_right_logical3A_1773 = arith.shrui %mul3A_1770, %shift_right_logical3A_1772 : vector<16xi32>
          %mul3A_1774 = arith.constant 6 : i32
          %mul3A_1775 = vector.broadcast %mul3A_1774 : i32 to vector<16xi32>
          %mul3A_1776 = arith.muli %shift_right_logical3A_1773, %mul3A_1775 : vector<16xi32>
          %sub3A_1777 = arith.subi %shift_right_arithmetic3A_1767, %mul3A_1776 : vector<16xi32>
          %shift_right_arithmetic3A_1778 = arith.constant 9 : i32
          %shift_right_arithmetic3A_1779 = vector.broadcast %shift_right_arithmetic3A_1778 : i32 to vector<16xi32>
          %shift_right_arithmetic3A_1780 = arith.shrsi %shift_right_logical3A_1773, %shift_right_arithmetic3A_1779 : vector<16xi32>
          %and3A_1781 = arith.constant 511 : i32
          %and3A_1782 = vector.broadcast %and3A_1781 : i32 to vector<16xi32>
          %and3A_1783 = arith.andi %shift_right_logical3A_1773, %and3A_1782 : vector<16xi32>
          %mul3A_1784 = arith.constant 8 : i32
          %mul3A_1785 = vector.broadcast %mul3A_1784 : i32 to vector<16xi32>
          %mul3A_1786 = arith.muli %and3A_1783, %mul3A_1785 : vector<16xi32>
          %add3A_1787 = arith.addi %mul3A_1786, %and3A_1764 : vector<16xi32>
          %gather3A_1788 = tpu.vector_load_idx %arg6[%add3A_1787] : memref<4096xi32, #tpu.memory_space<vmem>>[vector<16xi32>], vector<16xi32>,
          %mul3A_1789 = arith.constant 125 : i32
          %mul3A_1790 = vector.broadcast %mul3A_1789 : i32 to vector<16xi32>
          %mul3A_1791 = arith.muli %shift_right_arithmetic3A_1780, %mul3A_1790 : vector<16xi32>
          %shift_right_arithmetic3A_1792 = arith.constant 3 : i32
          %shift_right_arithmetic3A_1793 = vector.broadcast %shift_right_arithmetic3A_1792 : i32 to vector<16xi32>
          %shift_right_arithmetic3A_1794 = arith.shrsi %gather3A_1788, %shift_right_arithmetic3A_1793 : vector<16xi32>
          %add3A_1795 = arith.addi %mul3A_1791, %shift_right_arithmetic3A_1794 : vector<16xi32>
          %mul3A_1796 = arith.constant 6 : i32
          %mul3A_1797 = vector.broadcast %mul3A_1796 : i32 to vector<16xi32>
          %mul3A_1798 = arith.muli %add3A_1795, %mul3A_1797 : vector<16xi32>
          %add3A_1799 = arith.addi %mul3A_1798, %sub3A_1777 : vector<16xi32>
          %mul3A_1800 = arith.constant 8 : i32
          %mul3A_1801 = vector.broadcast %mul3A_1800 : i32 to vector<16xi32>
          %mul3A_1802 = arith.muli %add3A_1799, %mul3A_1801 : vector<16xi32>
          %and3A_1803 = arith.constant 7 : i32
          %and3A_1804 = vector.broadcast %and3A_1803 : i32 to vector<16xi32>
          %and3A_1805 = arith.andi %gather3A_1788, %and3A_1804 : vector<16xi32>
          %add3A_1806 = arith.addi %mul3A_1802, %and3A_1805 : vector<16xi32>
          %swap3A_1807 = arith.index_cast %add3A_1534 : i32 to index
          %swap3A_1808 = arith.constant 64 : index
          %swap3A_1809 = tpu.vector_load %arg7[%swap3A_1807, %swap3A_1808] {strides = array<i32>} : memref<120x128xi32, #tpu.memory_space<vmem>>, vector<16xi32>,
          tpu.vector_store %arg7[%swap3A_1807, %swap3A_1808], %add3A_1806 {strides = array<i32>} : memref<120x128xi32, #tpu.memory_space<vmem>>, vector<16xi32>,
          %mul3A_1810 = arith.constant 128 : i32
          %mul3A_1811 = arith.muli %add3A_1534, %mul3A_1810 : i32
          %add3A_1812 = arith.addi %mul3A_2, %mul3A_1811 : i32
          %add3A_1813 = arith.constant 80 : i32
          %add3A_1814 = arith.addi %add3A_1812, %add3A_1813 : i32
          %add3A_1815 = vector.broadcast %add3A_1814 : i32 to vector<16xi32>
          %add3A_1816 = arith.addi %add3A_1815, %iota3A : vector<16xi32>
          %and3A_1817 = arith.constant 7 : i32
          %and3A_1818 = vector.broadcast %and3A_1817 : i32 to vector<16xi32>
          %and3A_1819 = arith.andi %add3A_1816, %and3A_1818 : vector<16xi32>
          %shift_right_arithmetic3A_1820 = arith.constant 3 : i32
          %shift_right_arithmetic3A_1821 = vector.broadcast %shift_right_arithmetic3A_1820 : i32 to vector<16xi32>
          %shift_right_arithmetic3A_1822 = arith.shrsi %add3A_1816, %shift_right_arithmetic3A_1821 : vector<16xi32>
          %mul3A_1823 = arith.constant 43691 : i32
          %mul3A_1824 = vector.broadcast %mul3A_1823 : i32 to vector<16xi32>
          %mul3A_1825 = arith.muli %shift_right_arithmetic3A_1822, %mul3A_1824 : vector<16xi32>
          %shift_right_logical3A_1826 = arith.constant 18 : i32
          %shift_right_logical3A_1827 = vector.broadcast %shift_right_logical3A_1826 : i32 to vector<16xi32>
          %shift_right_logical3A_1828 = arith.shrui %mul3A_1825, %shift_right_logical3A_1827 : vector<16xi32>
          %mul3A_1829 = arith.constant 6 : i32
          %mul3A_1830 = vector.broadcast %mul3A_1829 : i32 to vector<16xi32>
          %mul3A_1831 = arith.muli %shift_right_logical3A_1828, %mul3A_1830 : vector<16xi32>
          %sub3A_1832 = arith.subi %shift_right_arithmetic3A_1822, %mul3A_1831 : vector<16xi32>
          %shift_right_arithmetic3A_1833 = arith.constant 9 : i32
          %shift_right_arithmetic3A_1834 = vector.broadcast %shift_right_arithmetic3A_1833 : i32 to vector<16xi32>
          %shift_right_arithmetic3A_1835 = arith.shrsi %shift_right_logical3A_1828, %shift_right_arithmetic3A_1834 : vector<16xi32>
          %and3A_1836 = arith.constant 511 : i32
          %and3A_1837 = vector.broadcast %and3A_1836 : i32 to vector<16xi32>
          %and3A_1838 = arith.andi %shift_right_logical3A_1828, %and3A_1837 : vector<16xi32>
          %mul3A_1839 = arith.constant 8 : i32
          %mul3A_1840 = vector.broadcast %mul3A_1839 : i32 to vector<16xi32>
          %mul3A_1841 = arith.muli %and3A_1838, %mul3A_1840 : vector<16xi32>
          %add3A_1842 = arith.addi %mul3A_1841, %and3A_1819 : vector<16xi32>
          %gather3A_1843 = tpu.vector_load_idx %arg6[%add3A_1842] : memref<4096xi32, #tpu.memory_space<vmem>>[vector<16xi32>], vector<16xi32>,
          %mul3A_1844 = arith.constant 125 : i32
          %mul3A_1845 = vector.broadcast %mul3A_1844 : i32 to vector<16xi32>
          %mul3A_1846 = arith.muli %shift_right_arithmetic3A_1835, %mul3A_1845 : vector<16xi32>
          %shift_right_arithmetic3A_1847 = arith.constant 3 : i32
          %shift_right_arithmetic3A_1848 = vector.broadcast %shift_right_arithmetic3A_1847 : i32 to vector<16xi32>
          %shift_right_arithmetic3A_1849 = arith.shrsi %gather3A_1843, %shift_right_arithmetic3A_1848 : vector<16xi32>
          %add3A_1850 = arith.addi %mul3A_1846, %shift_right_arithmetic3A_1849 : vector<16xi32>
          %mul3A_1851 = arith.constant 6 : i32
          %mul3A_1852 = vector.broadcast %mul3A_1851 : i32 to vector<16xi32>
          %mul3A_1853 = arith.muli %add3A_1850, %mul3A_1852 : vector<16xi32>
          %add3A_1854 = arith.addi %mul3A_1853, %sub3A_1832 : vector<16xi32>
          %mul3A_1855 = arith.constant 8 : i32
          %mul3A_1856 = vector.broadcast %mul3A_1855 : i32 to vector<16xi32>
          %mul3A_1857 = arith.muli %add3A_1854, %mul3A_1856 : vector<16xi32>
          %and3A_1858 = arith.constant 7 : i32
          %and3A_1859 = vector.broadcast %and3A_1858 : i32 to vector<16xi32>
          %and3A_1860 = arith.andi %gather3A_1843, %and3A_1859 : vector<16xi32>
          %add3A_1861 = arith.addi %mul3A_1857, %and3A_1860 : vector<16xi32>
          %swap3A_1862 = arith.index_cast %add3A_1534 : i32 to index
          %swap3A_1863 = arith.constant 80 : index
          %swap3A_1864 = tpu.vector_load %arg7[%swap3A_1862, %swap3A_1863] {strides = array<i32>} : memref<120x128xi32, #tpu.memory_space<vmem>>, vector<16xi32>,
          tpu.vector_store %arg7[%swap3A_1862, %swap3A_1863], %add3A_1861 {strides = array<i32>} : memref<120x128xi32, #tpu.memory_space<vmem>>, vector<16xi32>,
          %mul3A_1865 = arith.constant 128 : i32
          %mul3A_1866 = arith.muli %add3A_1534, %mul3A_1865 : i32
          %add3A_1867 = arith.addi %mul3A_2, %mul3A_1866 : i32
          %add3A_1868 = arith.constant 96 : i32
          %add3A_1869 = arith.addi %add3A_1867, %add3A_1868 : i32
          %add3A_1870 = vector.broadcast %add3A_1869 : i32 to vector<16xi32>
          %add3A_1871 = arith.addi %add3A_1870, %iota3A : vector<16xi32>
          %and3A_1872 = arith.constant 7 : i32
          %and3A_1873 = vector.broadcast %and3A_1872 : i32 to vector<16xi32>
          %and3A_1874 = arith.andi %add3A_1871, %and3A_1873 : vector<16xi32>
          %shift_right_arithmetic3A_1875 = arith.constant 3 : i32
          %shift_right_arithmetic3A_1876 = vector.broadcast %shift_right_arithmetic3A_1875 : i32 to vector<16xi32>
          %shift_right_arithmetic3A_1877 = arith.shrsi %add3A_1871, %shift_right_arithmetic3A_1876 : vector<16xi32>
          %mul3A_1878 = arith.constant 43691 : i32
          %mul3A_1879 = vector.broadcast %mul3A_1878 : i32 to vector<16xi32>
          %mul3A_1880 = arith.muli %shift_right_arithmetic3A_1877, %mul3A_1879 : vector<16xi32>
          %shift_right_logical3A_1881 = arith.constant 18 : i32
          %shift_right_logical3A_1882 = vector.broadcast %shift_right_logical3A_1881 : i32 to vector<16xi32>
          %shift_right_logical3A_1883 = arith.shrui %mul3A_1880, %shift_right_logical3A_1882 : vector<16xi32>
          %mul3A_1884 = arith.constant 6 : i32
          %mul3A_1885 = vector.broadcast %mul3A_1884 : i32 to vector<16xi32>
          %mul3A_1886 = arith.muli %shift_right_logical3A_1883, %mul3A_1885 : vector<16xi32>
          %sub3A_1887 = arith.subi %shift_right_arithmetic3A_1877, %mul3A_1886 : vector<16xi32>
          %shift_right_arithmetic3A_1888 = arith.constant 9 : i32
          %shift_right_arithmetic3A_1889 = vector.broadcast %shift_right_arithmetic3A_1888 : i32 to vector<16xi32>
          %shift_right_arithmetic3A_1890 = arith.shrsi %shift_right_logical3A_1883, %shift_right_arithmetic3A_1889 : vector<16xi32>
          %and3A_1891 = arith.constant 511 : i32
          %and3A_1892 = vector.broadcast %and3A_1891 : i32 to vector<16xi32>
          %and3A_1893 = arith.andi %shift_right_logical3A_1883, %and3A_1892 : vector<16xi32>
          %mul3A_1894 = arith.constant 8 : i32
          %mul3A_1895 = vector.broadcast %mul3A_1894 : i32 to vector<16xi32>
          %mul3A_1896 = arith.muli %and3A_1893, %mul3A_1895 : vector<16xi32>
          %add3A_1897 = arith.addi %mul3A_1896, %and3A_1874 : vector<16xi32>
          %gather3A_1898 = tpu.vector_load_idx %arg6[%add3A_1897] : memref<4096xi32, #tpu.memory_space<vmem>>[vector<16xi32>], vector<16xi32>,
          %mul3A_1899 = arith.constant 125 : i32
          %mul3A_1900 = vector.broadcast %mul3A_1899 : i32 to vector<16xi32>
          %mul3A_1901 = arith.muli %shift_right_arithmetic3A_1890, %mul3A_1900 : vector<16xi32>
          %shift_right_arithmetic3A_1902 = arith.constant 3 : i32
          %shift_right_arithmetic3A_1903 = vector.broadcast %shift_right_arithmetic3A_1902 : i32 to vector<16xi32>
          %shift_right_arithmetic3A_1904 = arith.shrsi %gather3A_1898, %shift_right_arithmetic3A_1903 : vector<16xi32>
          %add3A_1905 = arith.addi %mul3A_1901, %shift_right_arithmetic3A_1904 : vector<16xi32>
          %mul3A_1906 = arith.constant 6 : i32
          %mul3A_1907 = vector.broadcast %mul3A_1906 : i32 to vector<16xi32>
          %mul3A_1908 = arith.muli %add3A_1905, %mul3A_1907 : vector<16xi32>
          %add3A_1909 = arith.addi %mul3A_1908, %sub3A_1887 : vector<16xi32>
          %mul3A_1910 = arith.constant 8 : i32
          %mul3A_1911 = vector.broadcast %mul3A_1910 : i32 to vector<16xi32>
          %mul3A_1912 = arith.muli %add3A_1909, %mul3A_1911 : vector<16xi32>
          %and3A_1913 = arith.constant 7 : i32
          %and3A_1914 = vector.broadcast %and3A_1913 : i32 to vector<16xi32>
          %and3A_1915 = arith.andi %gather3A_1898, %and3A_1914 : vector<16xi32>
          %add3A_1916 = arith.addi %mul3A_1912, %and3A_1915 : vector<16xi32>
          %swap3A_1917 = arith.index_cast %add3A_1534 : i32 to index
          %swap3A_1918 = arith.constant 96 : index
          %swap3A_1919 = tpu.vector_load %arg7[%swap3A_1917, %swap3A_1918] {strides = array<i32>} : memref<120x128xi32, #tpu.memory_space<vmem>>, vector<16xi32>,
          tpu.vector_store %arg7[%swap3A_1917, %swap3A_1918], %add3A_1916 {strides = array<i32>} : memref<120x128xi32, #tpu.memory_space<vmem>>, vector<16xi32>,
          %mul3A_1920 = arith.constant 128 : i32
          %mul3A_1921 = arith.muli %add3A_1534, %mul3A_1920 : i32
          %add3A_1922 = arith.addi %mul3A_2, %mul3A_1921 : i32
          %add3A_1923 = arith.constant 112 : i32
          %add3A_1924 = arith.addi %add3A_1922, %add3A_1923 : i32
          %add3A_1925 = vector.broadcast %add3A_1924 : i32 to vector<16xi32>
          %add3A_1926 = arith.addi %add3A_1925, %iota3A : vector<16xi32>
          %and3A_1927 = arith.constant 7 : i32
          %and3A_1928 = vector.broadcast %and3A_1927 : i32 to vector<16xi32>
          %and3A_1929 = arith.andi %add3A_1926, %and3A_1928 : vector<16xi32>
          %shift_right_arithmetic3A_1930 = arith.constant 3 : i32
          %shift_right_arithmetic3A_1931 = vector.broadcast %shift_right_arithmetic3A_1930 : i32 to vector<16xi32>
          %shift_right_arithmetic3A_1932 = arith.shrsi %add3A_1926, %shift_right_arithmetic3A_1931 : vector<16xi32>
          %mul3A_1933 = arith.constant 43691 : i32
          %mul3A_1934 = vector.broadcast %mul3A_1933 : i32 to vector<16xi32>
          %mul3A_1935 = arith.muli %shift_right_arithmetic3A_1932, %mul3A_1934 : vector<16xi32>
          %shift_right_logical3A_1936 = arith.constant 18 : i32
          %shift_right_logical3A_1937 = vector.broadcast %shift_right_logical3A_1936 : i32 to vector<16xi32>
          %shift_right_logical3A_1938 = arith.shrui %mul3A_1935, %shift_right_logical3A_1937 : vector<16xi32>
          %mul3A_1939 = arith.constant 6 : i32
          %mul3A_1940 = vector.broadcast %mul3A_1939 : i32 to vector<16xi32>
          %mul3A_1941 = arith.muli %shift_right_logical3A_1938, %mul3A_1940 : vector<16xi32>
          %sub3A_1942 = arith.subi %shift_right_arithmetic3A_1932, %mul3A_1941 : vector<16xi32>
          %shift_right_arithmetic3A_1943 = arith.constant 9 : i32
          %shift_right_arithmetic3A_1944 = vector.broadcast %shift_right_arithmetic3A_1943 : i32 to vector<16xi32>
          %shift_right_arithmetic3A_1945 = arith.shrsi %shift_right_logical3A_1938, %shift_right_arithmetic3A_1944 : vector<16xi32>
          %and3A_1946 = arith.constant 511 : i32
          %and3A_1947 = vector.broadcast %and3A_1946 : i32 to vector<16xi32>
          %and3A_1948 = arith.andi %shift_right_logical3A_1938, %and3A_1947 : vector<16xi32>
          %mul3A_1949 = arith.constant 8 : i32
          %mul3A_1950 = vector.broadcast %mul3A_1949 : i32 to vector<16xi32>
          %mul3A_1951 = arith.muli %and3A_1948, %mul3A_1950 : vector<16xi32>
          %add3A_1952 = arith.addi %mul3A_1951, %and3A_1929 : vector<16xi32>
          %gather3A_1953 = tpu.vector_load_idx %arg6[%add3A_1952] : memref<4096xi32, #tpu.memory_space<vmem>>[vector<16xi32>], vector<16xi32>,
          %mul3A_1954 = arith.constant 125 : i32
          %mul3A_1955 = vector.broadcast %mul3A_1954 : i32 to vector<16xi32>
          %mul3A_1956 = arith.muli %shift_right_arithmetic3A_1945, %mul3A_1955 : vector<16xi32>
          %shift_right_arithmetic3A_1957 = arith.constant 3 : i32
          %shift_right_arithmetic3A_1958 = vector.broadcast %shift_right_arithmetic3A_1957 : i32 to vector<16xi32>
          %shift_right_arithmetic3A_1959 = arith.shrsi %gather3A_1953, %shift_right_arithmetic3A_1958 : vector<16xi32>
          %add3A_1960 = arith.addi %mul3A_1956, %shift_right_arithmetic3A_1959 : vector<16xi32>
          %mul3A_1961 = arith.constant 6 : i32
          %mul3A_1962 = vector.broadcast %mul3A_1961 : i32 to vector<16xi32>
          %mul3A_1963 = arith.muli %add3A_1960, %mul3A_1962 : vector<16xi32>
          %add3A_1964 = arith.addi %mul3A_1963, %sub3A_1942 : vector<16xi32>
          %mul3A_1965 = arith.constant 8 : i32
          %mul3A_1966 = vector.broadcast %mul3A_1965 : i32 to vector<16xi32>
          %mul3A_1967 = arith.muli %add3A_1964, %mul3A_1966 : vector<16xi32>
          %and3A_1968 = arith.constant 7 : i32
          %and3A_1969 = vector.broadcast %and3A_1968 : i32 to vector<16xi32>
          %and3A_1970 = arith.andi %gather3A_1953, %and3A_1969 : vector<16xi32>
          %add3A_1971 = arith.addi %mul3A_1967, %and3A_1970 : vector<16xi32>
          %swap3A_1972 = arith.index_cast %add3A_1534 : i32 to index
          %swap3A_1973 = arith.constant 112 : index
          %swap3A_1974 = tpu.vector_load %arg7[%swap3A_1972, %swap3A_1973] {strides = array<i32>} : memref<120x128xi32, #tpu.memory_space<vmem>>, vector<16xi32>,
          tpu.vector_store %arg7[%swap3A_1972, %swap3A_1973], %add3A_1971 {strides = array<i32>} : memref<120x128xi32, #tpu.memory_space<vmem>>, vector<16xi32>,
          %add3A_1975 = arith.constant 3 : i32
          %add3A_1976 = arith.addi %add3A_1391, %add3A_1975 : i32
          %dma_start3A_1977 = arith.constant 0 : i32
          %dma_start3A_1978 = tpu.memref_slice %arg7[%add3A_1976, %dma_start3A_1977] : memref<120x128xi32, #tpu.memory_space<vmem>> -> memref<1x128xi32, #tpu.memory_space<vmem>>
          %dma_start3A_1979 = tpu.memref_squeeze %dma_start3A_1978 : memref<1x128xi32, #tpu.memory_space<vmem>> -> memref<128xi32, #tpu.memory_space<vmem>>
          %dma_start3A_1980 = arith.constant 0 : i32
          %dma_start3A_1981 = arith.constant 0 : i32
          %dma_start3A_1982 = tpu.memref_slice %arg2[%dma_start3A_1980, %dma_start3A_1981] : memref<120000x128xf32, #tpu.memory_space<hbm>> -> memref<120000x128xf32, #tpu.memory_space<hbm>>
          tpu.enqueue_indirect_dma source(%dma_start3A_1982 : memref<120000x128xf32, #tpu.memory_space<hbm>>) target(%arg12 : memref<128x128xf32, #tpu.memory_space<vmem>>) offsets(%dma_start3A_1979 : memref<128xi32, #tpu.memory_space<vmem>>) semaphore(%arg19 : memref<!tpu.dma_semaphore, #tpu.memory_space<semaphore_mem>>)
        } else {
        }
        %mul3A_1417 = arith.constant 6 : i32
        %mul3A_1418 = arith.muli %mul3A_1417, %scan3A_1360 : i32
        %add3A_1419 = arith.constant 2 : i32
        %add3A_1420 = arith.addi %mul3A_1418, %add3A_1419 : i32
        %dma_wait3A_1421 = arith.constant 0 : i32
        %dma_wait3A_1422 = tpu.memref_slice %arg7[%add3A_1420, %dma_wait3A_1421] : memref<120x128xi32, #tpu.memory_space<vmem>> -> memref<1x128xi32, #tpu.memory_space<vmem>>
        %dma_wait3A_1423 = tpu.memref_squeeze %dma_wait3A_1422 : memref<1x128xi32, #tpu.memory_space<vmem>> -> memref<128xi32, #tpu.memory_space<vmem>>
        %dma_wait3A_1424 = arith.constant 0 : i32
        %dma_wait3A_1425 = arith.constant 0 : i32
        %dma_wait3A_1426 = tpu.memref_slice %arg2[%dma_wait3A_1424, %dma_wait3A_1425] : memref<120000x128xf32, #tpu.memory_space<hbm>> -> memref<120000x128xf32, #tpu.memory_space<hbm>>
        tpu.wait_indirect_dma semaphore(%arg17 : memref<!tpu.dma_semaphore, #tpu.memory_space<semaphore_mem>>) src(%dma_wait3A_1426 : memref<120000x128xf32, #tpu.memory_space<hbm>>) dst(%arg10 : memref<128x128xf32, #tpu.memory_space<vmem>>)
        %mul3A_1427 = arith.constant 128 : i32
        %mul3A_1428 = arith.muli %add3A_1420, %mul3A_1427 : i32
        %add3A_1429 = arith.addi %mul3A_2, %mul3A_1428 : i32
        %dma_start3A_1430 = arith.constant 0 : i32
        %dma_start3A_1431 = tpu.memref_slice %arg5[%add3A_1429, %dma_start3A_1430] : memref<491520x128xf32, #tpu.memory_space<hbm>> -> memref<128x128xf32, #tpu.memory_space<hbm>>
        %dma_start3A_1432 = arith.constant 0 : i32
        %dma_start3A_1433 = tpu.memref_slice %arg5[%add3A_1429, %dma_start3A_1432] : memref<491520x128xf32, #tpu.memory_space<hbm>> -> memref<128x128xf32, #tpu.memory_space<hbm>>
        tpu.enqueue_dma source(%arg10 : memref<128x128xf32, #tpu.memory_space<vmem>>) target(%dma_start3A_1433 : memref<128x128xf32, #tpu.memory_space<hbm>>) target_semaphore(%arg23 : memref<!tpu.dma_semaphore, #tpu.memory_space<semaphore_mem>>)
        %ge3A_1434 = arith.constant 3 : i32
        %ge3A_1435 = arith.cmpi sge, %add3A_1420, %ge3A_1434 : i32
        %convert_element_type3A_1436 = arith.extui %ge3A_1435 : i1 to i32
        %cond3A_1437 = arith.constant 0 : i32
        %cond3A_1438 = arith.cmpi ne, %convert_element_type3A_1436, %cond3A_1437 : i32
        scf.if %cond3A_1438 {
          %dma_wait3A_1533 = arith.constant 0 : i32
          %dma_wait3A_1534 = tpu.memref_slice %arg5[%mul3A_2, %dma_wait3A_1533] : memref<491520x128xf32, #tpu.memory_space<hbm>> -> memref<128x128xf32, #tpu.memory_space<hbm>>
          %dma_wait3A_1535 = arith.constant 0 : i32
          %dma_wait3A_1536 = tpu.memref_slice %arg5[%mul3A_2, %dma_wait3A_1535] : memref<491520x128xf32, #tpu.memory_space<hbm>> -> memref<128x128xf32, #tpu.memory_space<hbm>>
          tpu.wait_dma2 semaphore(%arg26 : memref<!tpu.dma_semaphore, #tpu.memory_space<semaphore_mem>>) src(%arg13 : memref<128x128xf32, #tpu.memory_space<vmem>>) dst(%dma_wait3A_1536 : memref<128x128xf32, #tpu.memory_space<hbm>>)
        } else {
        }
        %add3A_1439 = arith.constant 3 : i32
        %add3A_1440 = arith.addi %add3A_1420, %add3A_1439 : i32
        %lt3A_1441 = arith.constant 120 : i32
        %lt3A_1442 = arith.cmpi slt, %add3A_1440, %lt3A_1441 : i32
        %convert_element_type3A_1443 = arith.extui %lt3A_1442 : i1 to i32
        %cond3A_1444 = arith.constant 0 : i32
        %cond3A_1445 = arith.cmpi ne, %convert_element_type3A_1443, %cond3A_1444 : i32
        scf.if %cond3A_1445 {
          %add3A_1533 = arith.constant 3 : i32
          %add3A_1534 = arith.addi %add3A_1420, %add3A_1533 : i32
          %mul3A_1535 = arith.constant 128 : i32
          %mul3A_1536 = arith.muli %add3A_1534, %mul3A_1535 : i32
          %add3A_1537 = arith.addi %mul3A_2, %mul3A_1536 : i32
          %add3A_1538 = arith.constant 0 : i32
          %add3A_1539 = arith.addi %add3A_1537, %add3A_1538 : i32
          %add3A_1540 = vector.broadcast %add3A_1539 : i32 to vector<16xi32>
          %add3A_1541 = arith.addi %add3A_1540, %iota3A : vector<16xi32>
          %and3A_1542 = arith.constant 7 : i32
          %and3A_1543 = vector.broadcast %and3A_1542 : i32 to vector<16xi32>
          %and3A_1544 = arith.andi %add3A_1541, %and3A_1543 : vector<16xi32>
          %shift_right_arithmetic3A_1545 = arith.constant 3 : i32
          %shift_right_arithmetic3A_1546 = vector.broadcast %shift_right_arithmetic3A_1545 : i32 to vector<16xi32>
          %shift_right_arithmetic3A_1547 = arith.shrsi %add3A_1541, %shift_right_arithmetic3A_1546 : vector<16xi32>
          %mul3A_1548 = arith.constant 43691 : i32
          %mul3A_1549 = vector.broadcast %mul3A_1548 : i32 to vector<16xi32>
          %mul3A_1550 = arith.muli %shift_right_arithmetic3A_1547, %mul3A_1549 : vector<16xi32>
          %shift_right_logical3A_1551 = arith.constant 18 : i32
          %shift_right_logical3A_1552 = vector.broadcast %shift_right_logical3A_1551 : i32 to vector<16xi32>
          %shift_right_logical3A_1553 = arith.shrui %mul3A_1550, %shift_right_logical3A_1552 : vector<16xi32>
          %mul3A_1554 = arith.constant 6 : i32
          %mul3A_1555 = vector.broadcast %mul3A_1554 : i32 to vector<16xi32>
          %mul3A_1556 = arith.muli %shift_right_logical3A_1553, %mul3A_1555 : vector<16xi32>
          %sub3A_1557 = arith.subi %shift_right_arithmetic3A_1547, %mul3A_1556 : vector<16xi32>
          %shift_right_arithmetic3A_1558 = arith.constant 9 : i32
          %shift_right_arithmetic3A_1559 = vector.broadcast %shift_right_arithmetic3A_1558 : i32 to vector<16xi32>
          %shift_right_arithmetic3A_1560 = arith.shrsi %shift_right_logical3A_1553, %shift_right_arithmetic3A_1559 : vector<16xi32>
          %and3A_1561 = arith.constant 511 : i32
          %and3A_1562 = vector.broadcast %and3A_1561 : i32 to vector<16xi32>
          %and3A_1563 = arith.andi %shift_right_logical3A_1553, %and3A_1562 : vector<16xi32>
          %mul3A_1564 = arith.constant 8 : i32
          %mul3A_1565 = vector.broadcast %mul3A_1564 : i32 to vector<16xi32>
          %mul3A_1566 = arith.muli %and3A_1563, %mul3A_1565 : vector<16xi32>
          %add3A_1567 = arith.addi %mul3A_1566, %and3A_1544 : vector<16xi32>
          %gather3A_1568 = tpu.vector_load_idx %arg6[%add3A_1567] : memref<4096xi32, #tpu.memory_space<vmem>>[vector<16xi32>], vector<16xi32>,
          %mul3A_1569 = arith.constant 125 : i32
          %mul3A_1570 = vector.broadcast %mul3A_1569 : i32 to vector<16xi32>
          %mul3A_1571 = arith.muli %shift_right_arithmetic3A_1560, %mul3A_1570 : vector<16xi32>
          %shift_right_arithmetic3A_1572 = arith.constant 3 : i32
          %shift_right_arithmetic3A_1573 = vector.broadcast %shift_right_arithmetic3A_1572 : i32 to vector<16xi32>
          %shift_right_arithmetic3A_1574 = arith.shrsi %gather3A_1568, %shift_right_arithmetic3A_1573 : vector<16xi32>
          %add3A_1575 = arith.addi %mul3A_1571, %shift_right_arithmetic3A_1574 : vector<16xi32>
          %mul3A_1576 = arith.constant 6 : i32
          %mul3A_1577 = vector.broadcast %mul3A_1576 : i32 to vector<16xi32>
          %mul3A_1578 = arith.muli %add3A_1575, %mul3A_1577 : vector<16xi32>
          %add3A_1579 = arith.addi %mul3A_1578, %sub3A_1557 : vector<16xi32>
          %mul3A_1580 = arith.constant 8 : i32
          %mul3A_1581 = vector.broadcast %mul3A_1580 : i32 to vector<16xi32>
          %mul3A_1582 = arith.muli %add3A_1579, %mul3A_1581 : vector<16xi32>
          %and3A_1583 = arith.constant 7 : i32
          %and3A_1584 = vector.broadcast %and3A_1583 : i32 to vector<16xi32>
          %and3A_1585 = arith.andi %gather3A_1568, %and3A_1584 : vector<16xi32>
          %add3A_1586 = arith.addi %mul3A_1582, %and3A_1585 : vector<16xi32>
          %swap3A_1587 = arith.index_cast %add3A_1534 : i32 to index
          %swap3A_1588 = arith.constant 0 : index
          %swap3A_1589 = tpu.vector_load %arg7[%swap3A_1587, %swap3A_1588] {strides = array<i32>} : memref<120x128xi32, #tpu.memory_space<vmem>>, vector<16xi32>,
          tpu.vector_store %arg7[%swap3A_1587, %swap3A_1588], %add3A_1586 {strides = array<i32>} : memref<120x128xi32, #tpu.memory_space<vmem>>, vector<16xi32>,
          %mul3A_1590 = arith.constant 128 : i32
          %mul3A_1591 = arith.muli %add3A_1534, %mul3A_1590 : i32
          %add3A_1592 = arith.addi %mul3A_2, %mul3A_1591 : i32
          %add3A_1593 = arith.constant 16 : i32
          %add3A_1594 = arith.addi %add3A_1592, %add3A_1593 : i32
          %add3A_1595 = vector.broadcast %add3A_1594 : i32 to vector<16xi32>
          %add3A_1596 = arith.addi %add3A_1595, %iota3A : vector<16xi32>
          %and3A_1597 = arith.constant 7 : i32
          %and3A_1598 = vector.broadcast %and3A_1597 : i32 to vector<16xi32>
          %and3A_1599 = arith.andi %add3A_1596, %and3A_1598 : vector<16xi32>
          %shift_right_arithmetic3A_1600 = arith.constant 3 : i32
          %shift_right_arithmetic3A_1601 = vector.broadcast %shift_right_arithmetic3A_1600 : i32 to vector<16xi32>
          %shift_right_arithmetic3A_1602 = arith.shrsi %add3A_1596, %shift_right_arithmetic3A_1601 : vector<16xi32>
          %mul3A_1603 = arith.constant 43691 : i32
          %mul3A_1604 = vector.broadcast %mul3A_1603 : i32 to vector<16xi32>
          %mul3A_1605 = arith.muli %shift_right_arithmetic3A_1602, %mul3A_1604 : vector<16xi32>
          %shift_right_logical3A_1606 = arith.constant 18 : i32
          %shift_right_logical3A_1607 = vector.broadcast %shift_right_logical3A_1606 : i32 to vector<16xi32>
          %shift_right_logical3A_1608 = arith.shrui %mul3A_1605, %shift_right_logical3A_1607 : vector<16xi32>
          %mul3A_1609 = arith.constant 6 : i32
          %mul3A_1610 = vector.broadcast %mul3A_1609 : i32 to vector<16xi32>
          %mul3A_1611 = arith.muli %shift_right_logical3A_1608, %mul3A_1610 : vector<16xi32>
          %sub3A_1612 = arith.subi %shift_right_arithmetic3A_1602, %mul3A_1611 : vector<16xi32>
          %shift_right_arithmetic3A_1613 = arith.constant 9 : i32
          %shift_right_arithmetic3A_1614 = vector.broadcast %shift_right_arithmetic3A_1613 : i32 to vector<16xi32>
          %shift_right_arithmetic3A_1615 = arith.shrsi %shift_right_logical3A_1608, %shift_right_arithmetic3A_1614 : vector<16xi32>
          %and3A_1616 = arith.constant 511 : i32
          %and3A_1617 = vector.broadcast %and3A_1616 : i32 to vector<16xi32>
          %and3A_1618 = arith.andi %shift_right_logical3A_1608, %and3A_1617 : vector<16xi32>
          %mul3A_1619 = arith.constant 8 : i32
          %mul3A_1620 = vector.broadcast %mul3A_1619 : i32 to vector<16xi32>
          %mul3A_1621 = arith.muli %and3A_1618, %mul3A_1620 : vector<16xi32>
          %add3A_1622 = arith.addi %mul3A_1621, %and3A_1599 : vector<16xi32>
          %gather3A_1623 = tpu.vector_load_idx %arg6[%add3A_1622] : memref<4096xi32, #tpu.memory_space<vmem>>[vector<16xi32>], vector<16xi32>,
          %mul3A_1624 = arith.constant 125 : i32
          %mul3A_1625 = vector.broadcast %mul3A_1624 : i32 to vector<16xi32>
          %mul3A_1626 = arith.muli %shift_right_arithmetic3A_1615, %mul3A_1625 : vector<16xi32>
          %shift_right_arithmetic3A_1627 = arith.constant 3 : i32
          %shift_right_arithmetic3A_1628 = vector.broadcast %shift_right_arithmetic3A_1627 : i32 to vector<16xi32>
          %shift_right_arithmetic3A_1629 = arith.shrsi %gather3A_1623, %shift_right_arithmetic3A_1628 : vector<16xi32>
          %add3A_1630 = arith.addi %mul3A_1626, %shift_right_arithmetic3A_1629 : vector<16xi32>
          %mul3A_1631 = arith.constant 6 : i32
          %mul3A_1632 = vector.broadcast %mul3A_1631 : i32 to vector<16xi32>
          %mul3A_1633 = arith.muli %add3A_1630, %mul3A_1632 : vector<16xi32>
          %add3A_1634 = arith.addi %mul3A_1633, %sub3A_1612 : vector<16xi32>
          %mul3A_1635 = arith.constant 8 : i32
          %mul3A_1636 = vector.broadcast %mul3A_1635 : i32 to vector<16xi32>
          %mul3A_1637 = arith.muli %add3A_1634, %mul3A_1636 : vector<16xi32>
          %and3A_1638 = arith.constant 7 : i32
          %and3A_1639 = vector.broadcast %and3A_1638 : i32 to vector<16xi32>
          %and3A_1640 = arith.andi %gather3A_1623, %and3A_1639 : vector<16xi32>
          %add3A_1641 = arith.addi %mul3A_1637, %and3A_1640 : vector<16xi32>
          %swap3A_1642 = arith.index_cast %add3A_1534 : i32 to index
          %swap3A_1643 = arith.constant 16 : index
          %swap3A_1644 = tpu.vector_load %arg7[%swap3A_1642, %swap3A_1643] {strides = array<i32>} : memref<120x128xi32, #tpu.memory_space<vmem>>, vector<16xi32>,
          tpu.vector_store %arg7[%swap3A_1642, %swap3A_1643], %add3A_1641 {strides = array<i32>} : memref<120x128xi32, #tpu.memory_space<vmem>>, vector<16xi32>,
          %mul3A_1645 = arith.constant 128 : i32
          %mul3A_1646 = arith.muli %add3A_1534, %mul3A_1645 : i32
          %add3A_1647 = arith.addi %mul3A_2, %mul3A_1646 : i32
          %add3A_1648 = arith.constant 32 : i32
          %add3A_1649 = arith.addi %add3A_1647, %add3A_1648 : i32
          %add3A_1650 = vector.broadcast %add3A_1649 : i32 to vector<16xi32>
          %add3A_1651 = arith.addi %add3A_1650, %iota3A : vector<16xi32>
          %and3A_1652 = arith.constant 7 : i32
          %and3A_1653 = vector.broadcast %and3A_1652 : i32 to vector<16xi32>
          %and3A_1654 = arith.andi %add3A_1651, %and3A_1653 : vector<16xi32>
          %shift_right_arithmetic3A_1655 = arith.constant 3 : i32
          %shift_right_arithmetic3A_1656 = vector.broadcast %shift_right_arithmetic3A_1655 : i32 to vector<16xi32>
          %shift_right_arithmetic3A_1657 = arith.shrsi %add3A_1651, %shift_right_arithmetic3A_1656 : vector<16xi32>
          %mul3A_1658 = arith.constant 43691 : i32
          %mul3A_1659 = vector.broadcast %mul3A_1658 : i32 to vector<16xi32>
          %mul3A_1660 = arith.muli %shift_right_arithmetic3A_1657, %mul3A_1659 : vector<16xi32>
          %shift_right_logical3A_1661 = arith.constant 18 : i32
          %shift_right_logical3A_1662 = vector.broadcast %shift_right_logical3A_1661 : i32 to vector<16xi32>
          %shift_right_logical3A_1663 = arith.shrui %mul3A_1660, %shift_right_logical3A_1662 : vector<16xi32>
          %mul3A_1664 = arith.constant 6 : i32
          %mul3A_1665 = vector.broadcast %mul3A_1664 : i32 to vector<16xi32>
          %mul3A_1666 = arith.muli %shift_right_logical3A_1663, %mul3A_1665 : vector<16xi32>
          %sub3A_1667 = arith.subi %shift_right_arithmetic3A_1657, %mul3A_1666 : vector<16xi32>
          %shift_right_arithmetic3A_1668 = arith.constant 9 : i32
          %shift_right_arithmetic3A_1669 = vector.broadcast %shift_right_arithmetic3A_1668 : i32 to vector<16xi32>
          %shift_right_arithmetic3A_1670 = arith.shrsi %shift_right_logical3A_1663, %shift_right_arithmetic3A_1669 : vector<16xi32>
          %and3A_1671 = arith.constant 511 : i32
          %and3A_1672 = vector.broadcast %and3A_1671 : i32 to vector<16xi32>
          %and3A_1673 = arith.andi %shift_right_logical3A_1663, %and3A_1672 : vector<16xi32>
          %mul3A_1674 = arith.constant 8 : i32
          %mul3A_1675 = vector.broadcast %mul3A_1674 : i32 to vector<16xi32>
          %mul3A_1676 = arith.muli %and3A_1673, %mul3A_1675 : vector<16xi32>
          %add3A_1677 = arith.addi %mul3A_1676, %and3A_1654 : vector<16xi32>
          %gather3A_1678 = tpu.vector_load_idx %arg6[%add3A_1677] : memref<4096xi32, #tpu.memory_space<vmem>>[vector<16xi32>], vector<16xi32>,
          %mul3A_1679 = arith.constant 125 : i32
          %mul3A_1680 = vector.broadcast %mul3A_1679 : i32 to vector<16xi32>
          %mul3A_1681 = arith.muli %shift_right_arithmetic3A_1670, %mul3A_1680 : vector<16xi32>
          %shift_right_arithmetic3A_1682 = arith.constant 3 : i32
          %shift_right_arithmetic3A_1683 = vector.broadcast %shift_right_arithmetic3A_1682 : i32 to vector<16xi32>
          %shift_right_arithmetic3A_1684 = arith.shrsi %gather3A_1678, %shift_right_arithmetic3A_1683 : vector<16xi32>
          %add3A_1685 = arith.addi %mul3A_1681, %shift_right_arithmetic3A_1684 : vector<16xi32>
          %mul3A_1686 = arith.constant 6 : i32
          %mul3A_1687 = vector.broadcast %mul3A_1686 : i32 to vector<16xi32>
          %mul3A_1688 = arith.muli %add3A_1685, %mul3A_1687 : vector<16xi32>
          %add3A_1689 = arith.addi %mul3A_1688, %sub3A_1667 : vector<16xi32>
          %mul3A_1690 = arith.constant 8 : i32
          %mul3A_1691 = vector.broadcast %mul3A_1690 : i32 to vector<16xi32>
          %mul3A_1692 = arith.muli %add3A_1689, %mul3A_1691 : vector<16xi32>
          %and3A_1693 = arith.constant 7 : i32
          %and3A_1694 = vector.broadcast %and3A_1693 : i32 to vector<16xi32>
          %and3A_1695 = arith.andi %gather3A_1678, %and3A_1694 : vector<16xi32>
          %add3A_1696 = arith.addi %mul3A_1692, %and3A_1695 : vector<16xi32>
          %swap3A_1697 = arith.index_cast %add3A_1534 : i32 to index
          %swap3A_1698 = arith.constant 32 : index
          %swap3A_1699 = tpu.vector_load %arg7[%swap3A_1697, %swap3A_1698] {strides = array<i32>} : memref<120x128xi32, #tpu.memory_space<vmem>>, vector<16xi32>,
          tpu.vector_store %arg7[%swap3A_1697, %swap3A_1698], %add3A_1696 {strides = array<i32>} : memref<120x128xi32, #tpu.memory_space<vmem>>, vector<16xi32>,
          %mul3A_1700 = arith.constant 128 : i32
          %mul3A_1701 = arith.muli %add3A_1534, %mul3A_1700 : i32
          %add3A_1702 = arith.addi %mul3A_2, %mul3A_1701 : i32
          %add3A_1703 = arith.constant 48 : i32
          %add3A_1704 = arith.addi %add3A_1702, %add3A_1703 : i32
          %add3A_1705 = vector.broadcast %add3A_1704 : i32 to vector<16xi32>
          %add3A_1706 = arith.addi %add3A_1705, %iota3A : vector<16xi32>
          %and3A_1707 = arith.constant 7 : i32
          %and3A_1708 = vector.broadcast %and3A_1707 : i32 to vector<16xi32>
          %and3A_1709 = arith.andi %add3A_1706, %and3A_1708 : vector<16xi32>
          %shift_right_arithmetic3A_1710 = arith.constant 3 : i32
          %shift_right_arithmetic3A_1711 = vector.broadcast %shift_right_arithmetic3A_1710 : i32 to vector<16xi32>
          %shift_right_arithmetic3A_1712 = arith.shrsi %add3A_1706, %shift_right_arithmetic3A_1711 : vector<16xi32>
          %mul3A_1713 = arith.constant 43691 : i32
          %mul3A_1714 = vector.broadcast %mul3A_1713 : i32 to vector<16xi32>
          %mul3A_1715 = arith.muli %shift_right_arithmetic3A_1712, %mul3A_1714 : vector<16xi32>
          %shift_right_logical3A_1716 = arith.constant 18 : i32
          %shift_right_logical3A_1717 = vector.broadcast %shift_right_logical3A_1716 : i32 to vector<16xi32>
          %shift_right_logical3A_1718 = arith.shrui %mul3A_1715, %shift_right_logical3A_1717 : vector<16xi32>
          %mul3A_1719 = arith.constant 6 : i32
          %mul3A_1720 = vector.broadcast %mul3A_1719 : i32 to vector<16xi32>
          %mul3A_1721 = arith.muli %shift_right_logical3A_1718, %mul3A_1720 : vector<16xi32>
          %sub3A_1722 = arith.subi %shift_right_arithmetic3A_1712, %mul3A_1721 : vector<16xi32>
          %shift_right_arithmetic3A_1723 = arith.constant 9 : i32
          %shift_right_arithmetic3A_1724 = vector.broadcast %shift_right_arithmetic3A_1723 : i32 to vector<16xi32>
          %shift_right_arithmetic3A_1725 = arith.shrsi %shift_right_logical3A_1718, %shift_right_arithmetic3A_1724 : vector<16xi32>
          %and3A_1726 = arith.constant 511 : i32
          %and3A_1727 = vector.broadcast %and3A_1726 : i32 to vector<16xi32>
          %and3A_1728 = arith.andi %shift_right_logical3A_1718, %and3A_1727 : vector<16xi32>
          %mul3A_1729 = arith.constant 8 : i32
          %mul3A_1730 = vector.broadcast %mul3A_1729 : i32 to vector<16xi32>
          %mul3A_1731 = arith.muli %and3A_1728, %mul3A_1730 : vector<16xi32>
          %add3A_1732 = arith.addi %mul3A_1731, %and3A_1709 : vector<16xi32>
          %gather3A_1733 = tpu.vector_load_idx %arg6[%add3A_1732] : memref<4096xi32, #tpu.memory_space<vmem>>[vector<16xi32>], vector<16xi32>,
          %mul3A_1734 = arith.constant 125 : i32
          %mul3A_1735 = vector.broadcast %mul3A_1734 : i32 to vector<16xi32>
          %mul3A_1736 = arith.muli %shift_right_arithmetic3A_1725, %mul3A_1735 : vector<16xi32>
          %shift_right_arithmetic3A_1737 = arith.constant 3 : i32
          %shift_right_arithmetic3A_1738 = vector.broadcast %shift_right_arithmetic3A_1737 : i32 to vector<16xi32>
          %shift_right_arithmetic3A_1739 = arith.shrsi %gather3A_1733, %shift_right_arithmetic3A_1738 : vector<16xi32>
          %add3A_1740 = arith.addi %mul3A_1736, %shift_right_arithmetic3A_1739 : vector<16xi32>
          %mul3A_1741 = arith.constant 6 : i32
          %mul3A_1742 = vector.broadcast %mul3A_1741 : i32 to vector<16xi32>
          %mul3A_1743 = arith.muli %add3A_1740, %mul3A_1742 : vector<16xi32>
          %add3A_1744 = arith.addi %mul3A_1743, %sub3A_1722 : vector<16xi32>
          %mul3A_1745 = arith.constant 8 : i32
          %mul3A_1746 = vector.broadcast %mul3A_1745 : i32 to vector<16xi32>
          %mul3A_1747 = arith.muli %add3A_1744, %mul3A_1746 : vector<16xi32>
          %and3A_1748 = arith.constant 7 : i32
          %and3A_1749 = vector.broadcast %and3A_1748 : i32 to vector<16xi32>
          %and3A_1750 = arith.andi %gather3A_1733, %and3A_1749 : vector<16xi32>
          %add3A_1751 = arith.addi %mul3A_1747, %and3A_1750 : vector<16xi32>
          %swap3A_1752 = arith.index_cast %add3A_1534 : i32 to index
          %swap3A_1753 = arith.constant 48 : index
          %swap3A_1754 = tpu.vector_load %arg7[%swap3A_1752, %swap3A_1753] {strides = array<i32>} : memref<120x128xi32, #tpu.memory_space<vmem>>, vector<16xi32>,
          tpu.vector_store %arg7[%swap3A_1752, %swap3A_1753], %add3A_1751 {strides = array<i32>} : memref<120x128xi32, #tpu.memory_space<vmem>>, vector<16xi32>,
          %mul3A_1755 = arith.constant 128 : i32
          %mul3A_1756 = arith.muli %add3A_1534, %mul3A_1755 : i32
          %add3A_1757 = arith.addi %mul3A_2, %mul3A_1756 : i32
          %add3A_1758 = arith.constant 64 : i32
          %add3A_1759 = arith.addi %add3A_1757, %add3A_1758 : i32
          %add3A_1760 = vector.broadcast %add3A_1759 : i32 to vector<16xi32>
          %add3A_1761 = arith.addi %add3A_1760, %iota3A : vector<16xi32>
          %and3A_1762 = arith.constant 7 : i32
          %and3A_1763 = vector.broadcast %and3A_1762 : i32 to vector<16xi32>
          %and3A_1764 = arith.andi %add3A_1761, %and3A_1763 : vector<16xi32>
          %shift_right_arithmetic3A_1765 = arith.constant 3 : i32
          %shift_right_arithmetic3A_1766 = vector.broadcast %shift_right_arithmetic3A_1765 : i32 to vector<16xi32>
          %shift_right_arithmetic3A_1767 = arith.shrsi %add3A_1761, %shift_right_arithmetic3A_1766 : vector<16xi32>
          %mul3A_1768 = arith.constant 43691 : i32
          %mul3A_1769 = vector.broadcast %mul3A_1768 : i32 to vector<16xi32>
          %mul3A_1770 = arith.muli %shift_right_arithmetic3A_1767, %mul3A_1769 : vector<16xi32>
          %shift_right_logical3A_1771 = arith.constant 18 : i32
          %shift_right_logical3A_1772 = vector.broadcast %shift_right_logical3A_1771 : i32 to vector<16xi32>
          %shift_right_logical3A_1773 = arith.shrui %mul3A_1770, %shift_right_logical3A_1772 : vector<16xi32>
          %mul3A_1774 = arith.constant 6 : i32
          %mul3A_1775 = vector.broadcast %mul3A_1774 : i32 to vector<16xi32>
          %mul3A_1776 = arith.muli %shift_right_logical3A_1773, %mul3A_1775 : vector<16xi32>
          %sub3A_1777 = arith.subi %shift_right_arithmetic3A_1767, %mul3A_1776 : vector<16xi32>
          %shift_right_arithmetic3A_1778 = arith.constant 9 : i32
          %shift_right_arithmetic3A_1779 = vector.broadcast %shift_right_arithmetic3A_1778 : i32 to vector<16xi32>
          %shift_right_arithmetic3A_1780 = arith.shrsi %shift_right_logical3A_1773, %shift_right_arithmetic3A_1779 : vector<16xi32>
          %and3A_1781 = arith.constant 511 : i32
          %and3A_1782 = vector.broadcast %and3A_1781 : i32 to vector<16xi32>
          %and3A_1783 = arith.andi %shift_right_logical3A_1773, %and3A_1782 : vector<16xi32>
          %mul3A_1784 = arith.constant 8 : i32
          %mul3A_1785 = vector.broadcast %mul3A_1784 : i32 to vector<16xi32>
          %mul3A_1786 = arith.muli %and3A_1783, %mul3A_1785 : vector<16xi32>
          %add3A_1787 = arith.addi %mul3A_1786, %and3A_1764 : vector<16xi32>
          %gather3A_1788 = tpu.vector_load_idx %arg6[%add3A_1787] : memref<4096xi32, #tpu.memory_space<vmem>>[vector<16xi32>], vector<16xi32>,
          %mul3A_1789 = arith.constant 125 : i32
          %mul3A_1790 = vector.broadcast %mul3A_1789 : i32 to vector<16xi32>
          %mul3A_1791 = arith.muli %shift_right_arithmetic3A_1780, %mul3A_1790 : vector<16xi32>
          %shift_right_arithmetic3A_1792 = arith.constant 3 : i32
          %shift_right_arithmetic3A_1793 = vector.broadcast %shift_right_arithmetic3A_1792 : i32 to vector<16xi32>
          %shift_right_arithmetic3A_1794 = arith.shrsi %gather3A_1788, %shift_right_arithmetic3A_1793 : vector<16xi32>
          %add3A_1795 = arith.addi %mul3A_1791, %shift_right_arithmetic3A_1794 : vector<16xi32>
          %mul3A_1796 = arith.constant 6 : i32
          %mul3A_1797 = vector.broadcast %mul3A_1796 : i32 to vector<16xi32>
          %mul3A_1798 = arith.muli %add3A_1795, %mul3A_1797 : vector<16xi32>
          %add3A_1799 = arith.addi %mul3A_1798, %sub3A_1777 : vector<16xi32>
          %mul3A_1800 = arith.constant 8 : i32
          %mul3A_1801 = vector.broadcast %mul3A_1800 : i32 to vector<16xi32>
          %mul3A_1802 = arith.muli %add3A_1799, %mul3A_1801 : vector<16xi32>
          %and3A_1803 = arith.constant 7 : i32
          %and3A_1804 = vector.broadcast %and3A_1803 : i32 to vector<16xi32>
          %and3A_1805 = arith.andi %gather3A_1788, %and3A_1804 : vector<16xi32>
          %add3A_1806 = arith.addi %mul3A_1802, %and3A_1805 : vector<16xi32>
          %swap3A_1807 = arith.index_cast %add3A_1534 : i32 to index
          %swap3A_1808 = arith.constant 64 : index
          %swap3A_1809 = tpu.vector_load %arg7[%swap3A_1807, %swap3A_1808] {strides = array<i32>} : memref<120x128xi32, #tpu.memory_space<vmem>>, vector<16xi32>,
          tpu.vector_store %arg7[%swap3A_1807, %swap3A_1808], %add3A_1806 {strides = array<i32>} : memref<120x128xi32, #tpu.memory_space<vmem>>, vector<16xi32>,
          %mul3A_1810 = arith.constant 128 : i32
          %mul3A_1811 = arith.muli %add3A_1534, %mul3A_1810 : i32
          %add3A_1812 = arith.addi %mul3A_2, %mul3A_1811 : i32
          %add3A_1813 = arith.constant 80 : i32
          %add3A_1814 = arith.addi %add3A_1812, %add3A_1813 : i32
          %add3A_1815 = vector.broadcast %add3A_1814 : i32 to vector<16xi32>
          %add3A_1816 = arith.addi %add3A_1815, %iota3A : vector<16xi32>
          %and3A_1817 = arith.constant 7 : i32
          %and3A_1818 = vector.broadcast %and3A_1817 : i32 to vector<16xi32>
          %and3A_1819 = arith.andi %add3A_1816, %and3A_1818 : vector<16xi32>
          %shift_right_arithmetic3A_1820 = arith.constant 3 : i32
          %shift_right_arithmetic3A_1821 = vector.broadcast %shift_right_arithmetic3A_1820 : i32 to vector<16xi32>
          %shift_right_arithmetic3A_1822 = arith.shrsi %add3A_1816, %shift_right_arithmetic3A_1821 : vector<16xi32>
          %mul3A_1823 = arith.constant 43691 : i32
          %mul3A_1824 = vector.broadcast %mul3A_1823 : i32 to vector<16xi32>
          %mul3A_1825 = arith.muli %shift_right_arithmetic3A_1822, %mul3A_1824 : vector<16xi32>
          %shift_right_logical3A_1826 = arith.constant 18 : i32
          %shift_right_logical3A_1827 = vector.broadcast %shift_right_logical3A_1826 : i32 to vector<16xi32>
          %shift_right_logical3A_1828 = arith.shrui %mul3A_1825, %shift_right_logical3A_1827 : vector<16xi32>
          %mul3A_1829 = arith.constant 6 : i32
          %mul3A_1830 = vector.broadcast %mul3A_1829 : i32 to vector<16xi32>
          %mul3A_1831 = arith.muli %shift_right_logical3A_1828, %mul3A_1830 : vector<16xi32>
          %sub3A_1832 = arith.subi %shift_right_arithmetic3A_1822, %mul3A_1831 : vector<16xi32>
          %shift_right_arithmetic3A_1833 = arith.constant 9 : i32
          %shift_right_arithmetic3A_1834 = vector.broadcast %shift_right_arithmetic3A_1833 : i32 to vector<16xi32>
          %shift_right_arithmetic3A_1835 = arith.shrsi %shift_right_logical3A_1828, %shift_right_arithmetic3A_1834 : vector<16xi32>
          %and3A_1836 = arith.constant 511 : i32
          %and3A_1837 = vector.broadcast %and3A_1836 : i32 to vector<16xi32>
          %and3A_1838 = arith.andi %shift_right_logical3A_1828, %and3A_1837 : vector<16xi32>
          %mul3A_1839 = arith.constant 8 : i32
          %mul3A_1840 = vector.broadcast %mul3A_1839 : i32 to vector<16xi32>
          %mul3A_1841 = arith.muli %and3A_1838, %mul3A_1840 : vector<16xi32>
          %add3A_1842 = arith.addi %mul3A_1841, %and3A_1819 : vector<16xi32>
          %gather3A_1843 = tpu.vector_load_idx %arg6[%add3A_1842] : memref<4096xi32, #tpu.memory_space<vmem>>[vector<16xi32>], vector<16xi32>,
          %mul3A_1844 = arith.constant 125 : i32
          %mul3A_1845 = vector.broadcast %mul3A_1844 : i32 to vector<16xi32>
          %mul3A_1846 = arith.muli %shift_right_arithmetic3A_1835, %mul3A_1845 : vector<16xi32>
          %shift_right_arithmetic3A_1847 = arith.constant 3 : i32
          %shift_right_arithmetic3A_1848 = vector.broadcast %shift_right_arithmetic3A_1847 : i32 to vector<16xi32>
          %shift_right_arithmetic3A_1849 = arith.shrsi %gather3A_1843, %shift_right_arithmetic3A_1848 : vector<16xi32>
          %add3A_1850 = arith.addi %mul3A_1846, %shift_right_arithmetic3A_1849 : vector<16xi32>
          %mul3A_1851 = arith.constant 6 : i32
          %mul3A_1852 = vector.broadcast %mul3A_1851 : i32 to vector<16xi32>
          %mul3A_1853 = arith.muli %add3A_1850, %mul3A_1852 : vector<16xi32>
          %add3A_1854 = arith.addi %mul3A_1853, %sub3A_1832 : vector<16xi32>
          %mul3A_1855 = arith.constant 8 : i32
          %mul3A_1856 = vector.broadcast %mul3A_1855 : i32 to vector<16xi32>
          %mul3A_1857 = arith.muli %add3A_1854, %mul3A_1856 : vector<16xi32>
          %and3A_1858 = arith.constant 7 : i32
          %and3A_1859 = vector.broadcast %and3A_1858 : i32 to vector<16xi32>
          %and3A_1860 = arith.andi %gather3A_1843, %and3A_1859 : vector<16xi32>
          %add3A_1861 = arith.addi %mul3A_1857, %and3A_1860 : vector<16xi32>
          %swap3A_1862 = arith.index_cast %add3A_1534 : i32 to index
          %swap3A_1863 = arith.constant 80 : index
          %swap3A_1864 = tpu.vector_load %arg7[%swap3A_1862, %swap3A_1863] {strides = array<i32>} : memref<120x128xi32, #tpu.memory_space<vmem>>, vector<16xi32>,
          tpu.vector_store %arg7[%swap3A_1862, %swap3A_1863], %add3A_1861 {strides = array<i32>} : memref<120x128xi32, #tpu.memory_space<vmem>>, vector<16xi32>,
          %mul3A_1865 = arith.constant 128 : i32
          %mul3A_1866 = arith.muli %add3A_1534, %mul3A_1865 : i32
          %add3A_1867 = arith.addi %mul3A_2, %mul3A_1866 : i32
          %add3A_1868 = arith.constant 96 : i32
          %add3A_1869 = arith.addi %add3A_1867, %add3A_1868 : i32
          %add3A_1870 = vector.broadcast %add3A_1869 : i32 to vector<16xi32>
          %add3A_1871 = arith.addi %add3A_1870, %iota3A : vector<16xi32>
          %and3A_1872 = arith.constant 7 : i32
          %and3A_1873 = vector.broadcast %and3A_1872 : i32 to vector<16xi32>
          %and3A_1874 = arith.andi %add3A_1871, %and3A_1873 : vector<16xi32>
          %shift_right_arithmetic3A_1875 = arith.constant 3 : i32
          %shift_right_arithmetic3A_1876 = vector.broadcast %shift_right_arithmetic3A_1875 : i32 to vector<16xi32>
          %shift_right_arithmetic3A_1877 = arith.shrsi %add3A_1871, %shift_right_arithmetic3A_1876 : vector<16xi32>
          %mul3A_1878 = arith.constant 43691 : i32
          %mul3A_1879 = vector.broadcast %mul3A_1878 : i32 to vector<16xi32>
          %mul3A_1880 = arith.muli %shift_right_arithmetic3A_1877, %mul3A_1879 : vector<16xi32>
          %shift_right_logical3A_1881 = arith.constant 18 : i32
          %shift_right_logical3A_1882 = vector.broadcast %shift_right_logical3A_1881 : i32 to vector<16xi32>
          %shift_right_logical3A_1883 = arith.shrui %mul3A_1880, %shift_right_logical3A_1882 : vector<16xi32>
          %mul3A_1884 = arith.constant 6 : i32
          %mul3A_1885 = vector.broadcast %mul3A_1884 : i32 to vector<16xi32>
          %mul3A_1886 = arith.muli %shift_right_logical3A_1883, %mul3A_1885 : vector<16xi32>
          %sub3A_1887 = arith.subi %shift_right_arithmetic3A_1877, %mul3A_1886 : vector<16xi32>
          %shift_right_arithmetic3A_1888 = arith.constant 9 : i32
          %shift_right_arithmetic3A_1889 = vector.broadcast %shift_right_arithmetic3A_1888 : i32 to vector<16xi32>
          %shift_right_arithmetic3A_1890 = arith.shrsi %shift_right_logical3A_1883, %shift_right_arithmetic3A_1889 : vector<16xi32>
          %and3A_1891 = arith.constant 511 : i32
          %and3A_1892 = vector.broadcast %and3A_1891 : i32 to vector<16xi32>
          %and3A_1893 = arith.andi %shift_right_logical3A_1883, %and3A_1892 : vector<16xi32>
          %mul3A_1894 = arith.constant 8 : i32
          %mul3A_1895 = vector.broadcast %mul3A_1894 : i32 to vector<16xi32>
          %mul3A_1896 = arith.muli %and3A_1893, %mul3A_1895 : vector<16xi32>
          %add3A_1897 = arith.addi %mul3A_1896, %and3A_1874 : vector<16xi32>
          %gather3A_1898 = tpu.vector_load_idx %arg6[%add3A_1897] : memref<4096xi32, #tpu.memory_space<vmem>>[vector<16xi32>], vector<16xi32>,
          %mul3A_1899 = arith.constant 125 : i32
          %mul3A_1900 = vector.broadcast %mul3A_1899 : i32 to vector<16xi32>
          %mul3A_1901 = arith.muli %shift_right_arithmetic3A_1890, %mul3A_1900 : vector<16xi32>
          %shift_right_arithmetic3A_1902 = arith.constant 3 : i32
          %shift_right_arithmetic3A_1903 = vector.broadcast %shift_right_arithmetic3A_1902 : i32 to vector<16xi32>
          %shift_right_arithmetic3A_1904 = arith.shrsi %gather3A_1898, %shift_right_arithmetic3A_1903 : vector<16xi32>
          %add3A_1905 = arith.addi %mul3A_1901, %shift_right_arithmetic3A_1904 : vector<16xi32>
          %mul3A_1906 = arith.constant 6 : i32
          %mul3A_1907 = vector.broadcast %mul3A_1906 : i32 to vector<16xi32>
          %mul3A_1908 = arith.muli %add3A_1905, %mul3A_1907 : vector<16xi32>
          %add3A_1909 = arith.addi %mul3A_1908, %sub3A_1887 : vector<16xi32>
          %mul3A_1910 = arith.constant 8 : i32
          %mul3A_1911 = vector.broadcast %mul3A_1910 : i32 to vector<16xi32>
          %mul3A_1912 = arith.muli %add3A_1909, %mul3A_1911 : vector<16xi32>
          %and3A_1913 = arith.constant 7 : i32
          %and3A_1914 = vector.broadcast %and3A_1913 : i32 to vector<16xi32>
          %and3A_1915 = arith.andi %gather3A_1898, %and3A_1914 : vector<16xi32>
          %add3A_1916 = arith.addi %mul3A_1912, %and3A_1915 : vector<16xi32>
          %swap3A_1917 = arith.index_cast %add3A_1534 : i32 to index
          %swap3A_1918 = arith.constant 96 : index
          %swap3A_1919 = tpu.vector_load %arg7[%swap3A_1917, %swap3A_1918] {strides = array<i32>} : memref<120x128xi32, #tpu.memory_space<vmem>>, vector<16xi32>,
          tpu.vector_store %arg7[%swap3A_1917, %swap3A_1918], %add3A_1916 {strides = array<i32>} : memref<120x128xi32, #tpu.memory_space<vmem>>, vector<16xi32>,
          %mul3A_1920 = arith.constant 128 : i32
          %mul3A_1921 = arith.muli %add3A_1534, %mul3A_1920 : i32
          %add3A_1922 = arith.addi %mul3A_2, %mul3A_1921 : i32
          %add3A_1923 = arith.constant 112 : i32
          %add3A_1924 = arith.addi %add3A_1922, %add3A_1923 : i32
          %add3A_1925 = vector.broadcast %add3A_1924 : i32 to vector<16xi32>
          %add3A_1926 = arith.addi %add3A_1925, %iota3A : vector<16xi32>
          %and3A_1927 = arith.constant 7 : i32
          %and3A_1928 = vector.broadcast %and3A_1927 : i32 to vector<16xi32>
          %and3A_1929 = arith.andi %add3A_1926, %and3A_1928 : vector<16xi32>
          %shift_right_arithmetic3A_1930 = arith.constant 3 : i32
          %shift_right_arithmetic3A_1931 = vector.broadcast %shift_right_arithmetic3A_1930 : i32 to vector<16xi32>
          %shift_right_arithmetic3A_1932 = arith.shrsi %add3A_1926, %shift_right_arithmetic3A_1931 : vector<16xi32>
          %mul3A_1933 = arith.constant 43691 : i32
          %mul3A_1934 = vector.broadcast %mul3A_1933 : i32 to vector<16xi32>
          %mul3A_1935 = arith.muli %shift_right_arithmetic3A_1932, %mul3A_1934 : vector<16xi32>
          %shift_right_logical3A_1936 = arith.constant 18 : i32
          %shift_right_logical3A_1937 = vector.broadcast %shift_right_logical3A_1936 : i32 to vector<16xi32>
          %shift_right_logical3A_1938 = arith.shrui %mul3A_1935, %shift_right_logical3A_1937 : vector<16xi32>
          %mul3A_1939 = arith.constant 6 : i32
          %mul3A_1940 = vector.broadcast %mul3A_1939 : i32 to vector<16xi32>
          %mul3A_1941 = arith.muli %shift_right_logical3A_1938, %mul3A_1940 : vector<16xi32>
          %sub3A_1942 = arith.subi %shift_right_arithmetic3A_1932, %mul3A_1941 : vector<16xi32>
          %shift_right_arithmetic3A_1943 = arith.constant 9 : i32
          %shift_right_arithmetic3A_1944 = vector.broadcast %shift_right_arithmetic3A_1943 : i32 to vector<16xi32>
          %shift_right_arithmetic3A_1945 = arith.shrsi %shift_right_logical3A_1938, %shift_right_arithmetic3A_1944 : vector<16xi32>
          %and3A_1946 = arith.constant 511 : i32
          %and3A_1947 = vector.broadcast %and3A_1946 : i32 to vector<16xi32>
          %and3A_1948 = arith.andi %shift_right_logical3A_1938, %and3A_1947 : vector<16xi32>
          %mul3A_1949 = arith.constant 8 : i32
          %mul3A_1950 = vector.broadcast %mul3A_1949 : i32 to vector<16xi32>
          %mul3A_1951 = arith.muli %and3A_1948, %mul3A_1950 : vector<16xi32>
          %add3A_1952 = arith.addi %mul3A_1951, %and3A_1929 : vector<16xi32>
          %gather3A_1953 = tpu.vector_load_idx %arg6[%add3A_1952] : memref<4096xi32, #tpu.memory_space<vmem>>[vector<16xi32>], vector<16xi32>,
          %mul3A_1954 = arith.constant 125 : i32
          %mul3A_1955 = vector.broadcast %mul3A_1954 : i32 to vector<16xi32>
          %mul3A_1956 = arith.muli %shift_right_arithmetic3A_1945, %mul3A_1955 : vector<16xi32>
          %shift_right_arithmetic3A_1957 = arith.constant 3 : i32
          %shift_right_arithmetic3A_1958 = vector.broadcast %shift_right_arithmetic3A_1957 : i32 to vector<16xi32>
          %shift_right_arithmetic3A_1959 = arith.shrsi %gather3A_1953, %shift_right_arithmetic3A_1958 : vector<16xi32>
          %add3A_1960 = arith.addi %mul3A_1956, %shift_right_arithmetic3A_1959 : vector<16xi32>
          %mul3A_1961 = arith.constant 6 : i32
          %mul3A_1962 = vector.broadcast %mul3A_1961 : i32 to vector<16xi32>
          %mul3A_1963 = arith.muli %add3A_1960, %mul3A_1962 : vector<16xi32>
          %add3A_1964 = arith.addi %mul3A_1963, %sub3A_1942 : vector<16xi32>
          %mul3A_1965 = arith.constant 8 : i32
          %mul3A_1966 = vector.broadcast %mul3A_1965 : i32 to vector<16xi32>
          %mul3A_1967 = arith.muli %add3A_1964, %mul3A_1966 : vector<16xi32>
          %and3A_1968 = arith.constant 7 : i32
          %and3A_1969 = vector.broadcast %and3A_1968 : i32 to vector<16xi32>
          %and3A_1970 = arith.andi %gather3A_1953, %and3A_1969 : vector<16xi32>
          %add3A_1971 = arith.addi %mul3A_1967, %and3A_1970 : vector<16xi32>
          %swap3A_1972 = arith.index_cast %add3A_1534 : i32 to index
          %swap3A_1973 = arith.constant 112 : index
          %swap3A_1974 = tpu.vector_load %arg7[%swap3A_1972, %swap3A_1973] {strides = array<i32>} : memref<120x128xi32, #tpu.memory_space<vmem>>, vector<16xi32>,
          tpu.vector_store %arg7[%swap3A_1972, %swap3A_1973], %add3A_1971 {strides = array<i32>} : memref<120x128xi32, #tpu.memory_space<vmem>>, vector<16xi32>,
          %add3A_1975 = arith.constant 3 : i32
          %add3A_1976 = arith.addi %add3A_1420, %add3A_1975 : i32
          %dma_start3A_1977 = arith.constant 0 : i32
          %dma_start3A_1978 = tpu.memref_slice %arg7[%add3A_1976, %dma_start3A_1977] : memref<120x128xi32, #tpu.memory_space<vmem>> -> memref<1x128xi32, #tpu.memory_space<vmem>>
          %dma_start3A_1979 = tpu.memref_squeeze %dma_start3A_1978 : memref<1x128xi32, #tpu.memory_space<vmem>> -> memref<128xi32, #tpu.memory_space<vmem>>
          %dma_start3A_1980 = arith.constant 0 : i32
          %dma_start3A_1981 = arith.constant 0 : i32
          %dma_start3A_1982 = tpu.memref_slice %arg2[%dma_start3A_1980, %dma_start3A_1981] : memref<120000x128xf32, #tpu.memory_space<hbm>> -> memref<120000x128xf32, #tpu.memory_space<hbm>>
          tpu.enqueue_indirect_dma source(%dma_start3A_1982 : memref<120000x128xf32, #tpu.memory_space<hbm>>) target(%arg13 : memref<128x128xf32, #tpu.memory_space<vmem>>) offsets(%dma_start3A_1979 : memref<128xi32, #tpu.memory_space<vmem>>) semaphore(%arg20 : memref<!tpu.dma_semaphore, #tpu.memory_space<semaphore_mem>>)
        } else {
        }
        %mul3A_1446 = arith.constant 6 : i32
        %mul3A_1447 = arith.muli %mul3A_1446, %scan3A_1360 : i32
        %add3A_1448 = arith.constant 3 : i32
        %add3A_1449 = arith.addi %mul3A_1447, %add3A_1448 : i32
        %dma_wait3A_1450 = arith.constant 0 : i32
        %dma_wait3A_1451 = tpu.memref_slice %arg7[%add3A_1449, %dma_wait3A_1450] : memref<120x128xi32, #tpu.memory_space<vmem>> -> memref<1x128xi32, #tpu.memory_space<vmem>>
        %dma_wait3A_1452 = tpu.memref_squeeze %dma_wait3A_1451 : memref<1x128xi32, #tpu.memory_space<vmem>> -> memref<128xi32, #tpu.memory_space<vmem>>
        %dma_wait3A_1453 = arith.constant 0 : i32
        %dma_wait3A_1454 = arith.constant 0 : i32
        %dma_wait3A_1455 = tpu.memref_slice %arg2[%dma_wait3A_1453, %dma_wait3A_1454] : memref<120000x128xf32, #tpu.memory_space<hbm>> -> memref<120000x128xf32, #tpu.memory_space<hbm>>
        tpu.wait_indirect_dma semaphore(%arg18 : memref<!tpu.dma_semaphore, #tpu.memory_space<semaphore_mem>>) src(%dma_wait3A_1455 : memref<120000x128xf32, #tpu.memory_space<hbm>>) dst(%arg11 : memref<128x128xf32, #tpu.memory_space<vmem>>)
        %mul3A_1456 = arith.constant 128 : i32
        %mul3A_1457 = arith.muli %add3A_1449, %mul3A_1456 : i32
        %add3A_1458 = arith.addi %mul3A_2, %mul3A_1457 : i32
        %dma_start3A_1459 = arith.constant 0 : i32
        %dma_start3A_1460 = tpu.memref_slice %arg5[%add3A_1458, %dma_start3A_1459] : memref<491520x128xf32, #tpu.memory_space<hbm>> -> memref<128x128xf32, #tpu.memory_space<hbm>>
        %dma_start3A_1461 = arith.constant 0 : i32
        %dma_start3A_1462 = tpu.memref_slice %arg5[%add3A_1458, %dma_start3A_1461] : memref<491520x128xf32, #tpu.memory_space<hbm>> -> memref<128x128xf32, #tpu.memory_space<hbm>>
        tpu.enqueue_dma source(%arg11 : memref<128x128xf32, #tpu.memory_space<vmem>>) target(%dma_start3A_1462 : memref<128x128xf32, #tpu.memory_space<hbm>>) target_semaphore(%arg24 : memref<!tpu.dma_semaphore, #tpu.memory_space<semaphore_mem>>)
        %ge3A_1463 = arith.constant 3 : i32
        %ge3A_1464 = arith.cmpi sge, %add3A_1449, %ge3A_1463 : i32
        %convert_element_type3A_1465 = arith.extui %ge3A_1464 : i1 to i32
        %cond3A_1466 = arith.constant 0 : i32
        %cond3A_1467 = arith.cmpi ne, %convert_element_type3A_1465, %cond3A_1466 : i32
        scf.if %cond3A_1467 {
          %dma_wait3A_1533 = arith.constant 0 : i32
          %dma_wait3A_1534 = tpu.memref_slice %arg5[%mul3A_2, %dma_wait3A_1533] : memref<491520x128xf32, #tpu.memory_space<hbm>> -> memref<128x128xf32, #tpu.memory_space<hbm>>
          %dma_wait3A_1535 = arith.constant 0 : i32
          %dma_wait3A_1536 = tpu.memref_slice %arg5[%mul3A_2, %dma_wait3A_1535] : memref<491520x128xf32, #tpu.memory_space<hbm>> -> memref<128x128xf32, #tpu.memory_space<hbm>>
          tpu.wait_dma2 semaphore(%arg21 : memref<!tpu.dma_semaphore, #tpu.memory_space<semaphore_mem>>) src(%arg8 : memref<128x128xf32, #tpu.memory_space<vmem>>) dst(%dma_wait3A_1536 : memref<128x128xf32, #tpu.memory_space<hbm>>)
        } else {
        }
        %add3A_1468 = arith.constant 3 : i32
        %add3A_1469 = arith.addi %add3A_1449, %add3A_1468 : i32
        %lt3A_1470 = arith.constant 120 : i32
        %lt3A_1471 = arith.cmpi slt, %add3A_1469, %lt3A_1470 : i32
        %convert_element_type3A_1472 = arith.extui %lt3A_1471 : i1 to i32
        %cond3A_1473 = arith.constant 0 : i32
        %cond3A_1474 = arith.cmpi ne, %convert_element_type3A_1472, %cond3A_1473 : i32
        scf.if %cond3A_1474 {
          %add3A_1533 = arith.constant 3 : i32
          %add3A_1534 = arith.addi %add3A_1449, %add3A_1533 : i32
          %mul3A_1535 = arith.constant 128 : i32
          %mul3A_1536 = arith.muli %add3A_1534, %mul3A_1535 : i32
          %add3A_1537 = arith.addi %mul3A_2, %mul3A_1536 : i32
          %add3A_1538 = arith.constant 0 : i32
          %add3A_1539 = arith.addi %add3A_1537, %add3A_1538 : i32
          %add3A_1540 = vector.broadcast %add3A_1539 : i32 to vector<16xi32>
          %add3A_1541 = arith.addi %add3A_1540, %iota3A : vector<16xi32>
          %and3A_1542 = arith.constant 7 : i32
          %and3A_1543 = vector.broadcast %and3A_1542 : i32 to vector<16xi32>
          %and3A_1544 = arith.andi %add3A_1541, %and3A_1543 : vector<16xi32>
          %shift_right_arithmetic3A_1545 = arith.constant 3 : i32
          %shift_right_arithmetic3A_1546 = vector.broadcast %shift_right_arithmetic3A_1545 : i32 to vector<16xi32>
          %shift_right_arithmetic3A_1547 = arith.shrsi %add3A_1541, %shift_right_arithmetic3A_1546 : vector<16xi32>
          %mul3A_1548 = arith.constant 43691 : i32
          %mul3A_1549 = vector.broadcast %mul3A_1548 : i32 to vector<16xi32>
          %mul3A_1550 = arith.muli %shift_right_arithmetic3A_1547, %mul3A_1549 : vector<16xi32>
          %shift_right_logical3A_1551 = arith.constant 18 : i32
          %shift_right_logical3A_1552 = vector.broadcast %shift_right_logical3A_1551 : i32 to vector<16xi32>
          %shift_right_logical3A_1553 = arith.shrui %mul3A_1550, %shift_right_logical3A_1552 : vector<16xi32>
          %mul3A_1554 = arith.constant 6 : i32
          %mul3A_1555 = vector.broadcast %mul3A_1554 : i32 to vector<16xi32>
          %mul3A_1556 = arith.muli %shift_right_logical3A_1553, %mul3A_1555 : vector<16xi32>
          %sub3A_1557 = arith.subi %shift_right_arithmetic3A_1547, %mul3A_1556 : vector<16xi32>
          %shift_right_arithmetic3A_1558 = arith.constant 9 : i32
          %shift_right_arithmetic3A_1559 = vector.broadcast %shift_right_arithmetic3A_1558 : i32 to vector<16xi32>
          %shift_right_arithmetic3A_1560 = arith.shrsi %shift_right_logical3A_1553, %shift_right_arithmetic3A_1559 : vector<16xi32>
          %and3A_1561 = arith.constant 511 : i32
          %and3A_1562 = vector.broadcast %and3A_1561 : i32 to vector<16xi32>
          %and3A_1563 = arith.andi %shift_right_logical3A_1553, %and3A_1562 : vector<16xi32>
          %mul3A_1564 = arith.constant 8 : i32
          %mul3A_1565 = vector.broadcast %mul3A_1564 : i32 to vector<16xi32>
          %mul3A_1566 = arith.muli %and3A_1563, %mul3A_1565 : vector<16xi32>
          %add3A_1567 = arith.addi %mul3A_1566, %and3A_1544 : vector<16xi32>
          %gather3A_1568 = tpu.vector_load_idx %arg6[%add3A_1567] : memref<4096xi32, #tpu.memory_space<vmem>>[vector<16xi32>], vector<16xi32>,
          %mul3A_1569 = arith.constant 125 : i32
          %mul3A_1570 = vector.broadcast %mul3A_1569 : i32 to vector<16xi32>
          %mul3A_1571 = arith.muli %shift_right_arithmetic3A_1560, %mul3A_1570 : vector<16xi32>
          %shift_right_arithmetic3A_1572 = arith.constant 3 : i32
          %shift_right_arithmetic3A_1573 = vector.broadcast %shift_right_arithmetic3A_1572 : i32 to vector<16xi32>
          %shift_right_arithmetic3A_1574 = arith.shrsi %gather3A_1568, %shift_right_arithmetic3A_1573 : vector<16xi32>
          %add3A_1575 = arith.addi %mul3A_1571, %shift_right_arithmetic3A_1574 : vector<16xi32>
          %mul3A_1576 = arith.constant 6 : i32
          %mul3A_1577 = vector.broadcast %mul3A_1576 : i32 to vector<16xi32>
          %mul3A_1578 = arith.muli %add3A_1575, %mul3A_1577 : vector<16xi32>
          %add3A_1579 = arith.addi %mul3A_1578, %sub3A_1557 : vector<16xi32>
          %mul3A_1580 = arith.constant 8 : i32
          %mul3A_1581 = vector.broadcast %mul3A_1580 : i32 to vector<16xi32>
          %mul3A_1582 = arith.muli %add3A_1579, %mul3A_1581 : vector<16xi32>
          %and3A_1583 = arith.constant 7 : i32
          %and3A_1584 = vector.broadcast %and3A_1583 : i32 to vector<16xi32>
          %and3A_1585 = arith.andi %gather3A_1568, %and3A_1584 : vector<16xi32>
          %add3A_1586 = arith.addi %mul3A_1582, %and3A_1585 : vector<16xi32>
          %swap3A_1587 = arith.index_cast %add3A_1534 : i32 to index
          %swap3A_1588 = arith.constant 0 : index
          %swap3A_1589 = tpu.vector_load %arg7[%swap3A_1587, %swap3A_1588] {strides = array<i32>} : memref<120x128xi32, #tpu.memory_space<vmem>>, vector<16xi32>,
          tpu.vector_store %arg7[%swap3A_1587, %swap3A_1588], %add3A_1586 {strides = array<i32>} : memref<120x128xi32, #tpu.memory_space<vmem>>, vector<16xi32>,
          %mul3A_1590 = arith.constant 128 : i32
          %mul3A_1591 = arith.muli %add3A_1534, %mul3A_1590 : i32
          %add3A_1592 = arith.addi %mul3A_2, %mul3A_1591 : i32
          %add3A_1593 = arith.constant 16 : i32
          %add3A_1594 = arith.addi %add3A_1592, %add3A_1593 : i32
          %add3A_1595 = vector.broadcast %add3A_1594 : i32 to vector<16xi32>
          %add3A_1596 = arith.addi %add3A_1595, %iota3A : vector<16xi32>
          %and3A_1597 = arith.constant 7 : i32
          %and3A_1598 = vector.broadcast %and3A_1597 : i32 to vector<16xi32>
          %and3A_1599 = arith.andi %add3A_1596, %and3A_1598 : vector<16xi32>
          %shift_right_arithmetic3A_1600 = arith.constant 3 : i32
          %shift_right_arithmetic3A_1601 = vector.broadcast %shift_right_arithmetic3A_1600 : i32 to vector<16xi32>
          %shift_right_arithmetic3A_1602 = arith.shrsi %add3A_1596, %shift_right_arithmetic3A_1601 : vector<16xi32>
          %mul3A_1603 = arith.constant 43691 : i32
          %mul3A_1604 = vector.broadcast %mul3A_1603 : i32 to vector<16xi32>
          %mul3A_1605 = arith.muli %shift_right_arithmetic3A_1602, %mul3A_1604 : vector<16xi32>
          %shift_right_logical3A_1606 = arith.constant 18 : i32
          %shift_right_logical3A_1607 = vector.broadcast %shift_right_logical3A_1606 : i32 to vector<16xi32>
          %shift_right_logical3A_1608 = arith.shrui %mul3A_1605, %shift_right_logical3A_1607 : vector<16xi32>
          %mul3A_1609 = arith.constant 6 : i32
          %mul3A_1610 = vector.broadcast %mul3A_1609 : i32 to vector<16xi32>
          %mul3A_1611 = arith.muli %shift_right_logical3A_1608, %mul3A_1610 : vector<16xi32>
          %sub3A_1612 = arith.subi %shift_right_arithmetic3A_1602, %mul3A_1611 : vector<16xi32>
          %shift_right_arithmetic3A_1613 = arith.constant 9 : i32
          %shift_right_arithmetic3A_1614 = vector.broadcast %shift_right_arithmetic3A_1613 : i32 to vector<16xi32>
          %shift_right_arithmetic3A_1615 = arith.shrsi %shift_right_logical3A_1608, %shift_right_arithmetic3A_1614 : vector<16xi32>
          %and3A_1616 = arith.constant 511 : i32
          %and3A_1617 = vector.broadcast %and3A_1616 : i32 to vector<16xi32>
          %and3A_1618 = arith.andi %shift_right_logical3A_1608, %and3A_1617 : vector<16xi32>
          %mul3A_1619 = arith.constant 8 : i32
          %mul3A_1620 = vector.broadcast %mul3A_1619 : i32 to vector<16xi32>
          %mul3A_1621 = arith.muli %and3A_1618, %mul3A_1620 : vector<16xi32>
          %add3A_1622 = arith.addi %mul3A_1621, %and3A_1599 : vector<16xi32>
          %gather3A_1623 = tpu.vector_load_idx %arg6[%add3A_1622] : memref<4096xi32, #tpu.memory_space<vmem>>[vector<16xi32>], vector<16xi32>,
          %mul3A_1624 = arith.constant 125 : i32
          %mul3A_1625 = vector.broadcast %mul3A_1624 : i32 to vector<16xi32>
          %mul3A_1626 = arith.muli %shift_right_arithmetic3A_1615, %mul3A_1625 : vector<16xi32>
          %shift_right_arithmetic3A_1627 = arith.constant 3 : i32
          %shift_right_arithmetic3A_1628 = vector.broadcast %shift_right_arithmetic3A_1627 : i32 to vector<16xi32>
          %shift_right_arithmetic3A_1629 = arith.shrsi %gather3A_1623, %shift_right_arithmetic3A_1628 : vector<16xi32>
          %add3A_1630 = arith.addi %mul3A_1626, %shift_right_arithmetic3A_1629 : vector<16xi32>
          %mul3A_1631 = arith.constant 6 : i32
          %mul3A_1632 = vector.broadcast %mul3A_1631 : i32 to vector<16xi32>
          %mul3A_1633 = arith.muli %add3A_1630, %mul3A_1632 : vector<16xi32>
          %add3A_1634 = arith.addi %mul3A_1633, %sub3A_1612 : vector<16xi32>
          %mul3A_1635 = arith.constant 8 : i32
          %mul3A_1636 = vector.broadcast %mul3A_1635 : i32 to vector<16xi32>
          %mul3A_1637 = arith.muli %add3A_1634, %mul3A_1636 : vector<16xi32>
          %and3A_1638 = arith.constant 7 : i32
          %and3A_1639 = vector.broadcast %and3A_1638 : i32 to vector<16xi32>
          %and3A_1640 = arith.andi %gather3A_1623, %and3A_1639 : vector<16xi32>
          %add3A_1641 = arith.addi %mul3A_1637, %and3A_1640 : vector<16xi32>
          %swap3A_1642 = arith.index_cast %add3A_1534 : i32 to index
          %swap3A_1643 = arith.constant 16 : index
          %swap3A_1644 = tpu.vector_load %arg7[%swap3A_1642, %swap3A_1643] {strides = array<i32>} : memref<120x128xi32, #tpu.memory_space<vmem>>, vector<16xi32>,
          tpu.vector_store %arg7[%swap3A_1642, %swap3A_1643], %add3A_1641 {strides = array<i32>} : memref<120x128xi32, #tpu.memory_space<vmem>>, vector<16xi32>,
          %mul3A_1645 = arith.constant 128 : i32
          %mul3A_1646 = arith.muli %add3A_1534, %mul3A_1645 : i32
          %add3A_1647 = arith.addi %mul3A_2, %mul3A_1646 : i32
          %add3A_1648 = arith.constant 32 : i32
          %add3A_1649 = arith.addi %add3A_1647, %add3A_1648 : i32
          %add3A_1650 = vector.broadcast %add3A_1649 : i32 to vector<16xi32>
          %add3A_1651 = arith.addi %add3A_1650, %iota3A : vector<16xi32>
          %and3A_1652 = arith.constant 7 : i32
          %and3A_1653 = vector.broadcast %and3A_1652 : i32 to vector<16xi32>
          %and3A_1654 = arith.andi %add3A_1651, %and3A_1653 : vector<16xi32>
          %shift_right_arithmetic3A_1655 = arith.constant 3 : i32
          %shift_right_arithmetic3A_1656 = vector.broadcast %shift_right_arithmetic3A_1655 : i32 to vector<16xi32>
          %shift_right_arithmetic3A_1657 = arith.shrsi %add3A_1651, %shift_right_arithmetic3A_1656 : vector<16xi32>
          %mul3A_1658 = arith.constant 43691 : i32
          %mul3A_1659 = vector.broadcast %mul3A_1658 : i32 to vector<16xi32>
          %mul3A_1660 = arith.muli %shift_right_arithmetic3A_1657, %mul3A_1659 : vector<16xi32>
          %shift_right_logical3A_1661 = arith.constant 18 : i32
          %shift_right_logical3A_1662 = vector.broadcast %shift_right_logical3A_1661 : i32 to vector<16xi32>
          %shift_right_logical3A_1663 = arith.shrui %mul3A_1660, %shift_right_logical3A_1662 : vector<16xi32>
          %mul3A_1664 = arith.constant 6 : i32
          %mul3A_1665 = vector.broadcast %mul3A_1664 : i32 to vector<16xi32>
          %mul3A_1666 = arith.muli %shift_right_logical3A_1663, %mul3A_1665 : vector<16xi32>
          %sub3A_1667 = arith.subi %shift_right_arithmetic3A_1657, %mul3A_1666 : vector<16xi32>
          %shift_right_arithmetic3A_1668 = arith.constant 9 : i32
          %shift_right_arithmetic3A_1669 = vector.broadcast %shift_right_arithmetic3A_1668 : i32 to vector<16xi32>
          %shift_right_arithmetic3A_1670 = arith.shrsi %shift_right_logical3A_1663, %shift_right_arithmetic3A_1669 : vector<16xi32>
          %and3A_1671 = arith.constant 511 : i32
          %and3A_1672 = vector.broadcast %and3A_1671 : i32 to vector<16xi32>
          %and3A_1673 = arith.andi %shift_right_logical3A_1663, %and3A_1672 : vector<16xi32>
          %mul3A_1674 = arith.constant 8 : i32
          %mul3A_1675 = vector.broadcast %mul3A_1674 : i32 to vector<16xi32>
          %mul3A_1676 = arith.muli %and3A_1673, %mul3A_1675 : vector<16xi32>
          %add3A_1677 = arith.addi %mul3A_1676, %and3A_1654 : vector<16xi32>
          %gather3A_1678 = tpu.vector_load_idx %arg6[%add3A_1677] : memref<4096xi32, #tpu.memory_space<vmem>>[vector<16xi32>], vector<16xi32>,
          %mul3A_1679 = arith.constant 125 : i32
          %mul3A_1680 = vector.broadcast %mul3A_1679 : i32 to vector<16xi32>
          %mul3A_1681 = arith.muli %shift_right_arithmetic3A_1670, %mul3A_1680 : vector<16xi32>
          %shift_right_arithmetic3A_1682 = arith.constant 3 : i32
          %shift_right_arithmetic3A_1683 = vector.broadcast %shift_right_arithmetic3A_1682 : i32 to vector<16xi32>
          %shift_right_arithmetic3A_1684 = arith.shrsi %gather3A_1678, %shift_right_arithmetic3A_1683 : vector<16xi32>
          %add3A_1685 = arith.addi %mul3A_1681, %shift_right_arithmetic3A_1684 : vector<16xi32>
          %mul3A_1686 = arith.constant 6 : i32
          %mul3A_1687 = vector.broadcast %mul3A_1686 : i32 to vector<16xi32>
          %mul3A_1688 = arith.muli %add3A_1685, %mul3A_1687 : vector<16xi32>
          %add3A_1689 = arith.addi %mul3A_1688, %sub3A_1667 : vector<16xi32>
          %mul3A_1690 = arith.constant 8 : i32
          %mul3A_1691 = vector.broadcast %mul3A_1690 : i32 to vector<16xi32>
          %mul3A_1692 = arith.muli %add3A_1689, %mul3A_1691 : vector<16xi32>
          %and3A_1693 = arith.constant 7 : i32
          %and3A_1694 = vector.broadcast %and3A_1693 : i32 to vector<16xi32>
          %and3A_1695 = arith.andi %gather3A_1678, %and3A_1694 : vector<16xi32>
          %add3A_1696 = arith.addi %mul3A_1692, %and3A_1695 : vector<16xi32>
          %swap3A_1697 = arith.index_cast %add3A_1534 : i32 to index
          %swap3A_1698 = arith.constant 32 : index
          %swap3A_1699 = tpu.vector_load %arg7[%swap3A_1697, %swap3A_1698] {strides = array<i32>} : memref<120x128xi32, #tpu.memory_space<vmem>>, vector<16xi32>,
          tpu.vector_store %arg7[%swap3A_1697, %swap3A_1698], %add3A_1696 {strides = array<i32>} : memref<120x128xi32, #tpu.memory_space<vmem>>, vector<16xi32>,
          %mul3A_1700 = arith.constant 128 : i32
          %mul3A_1701 = arith.muli %add3A_1534, %mul3A_1700 : i32
          %add3A_1702 = arith.addi %mul3A_2, %mul3A_1701 : i32
          %add3A_1703 = arith.constant 48 : i32
          %add3A_1704 = arith.addi %add3A_1702, %add3A_1703 : i32
          %add3A_1705 = vector.broadcast %add3A_1704 : i32 to vector<16xi32>
          %add3A_1706 = arith.addi %add3A_1705, %iota3A : vector<16xi32>
          %and3A_1707 = arith.constant 7 : i32
          %and3A_1708 = vector.broadcast %and3A_1707 : i32 to vector<16xi32>
          %and3A_1709 = arith.andi %add3A_1706, %and3A_1708 : vector<16xi32>
          %shift_right_arithmetic3A_1710 = arith.constant 3 : i32
          %shift_right_arithmetic3A_1711 = vector.broadcast %shift_right_arithmetic3A_1710 : i32 to vector<16xi32>
          %shift_right_arithmetic3A_1712 = arith.shrsi %add3A_1706, %shift_right_arithmetic3A_1711 : vector<16xi32>
          %mul3A_1713 = arith.constant 43691 : i32
          %mul3A_1714 = vector.broadcast %mul3A_1713 : i32 to vector<16xi32>
          %mul3A_1715 = arith.muli %shift_right_arithmetic3A_1712, %mul3A_1714 : vector<16xi32>
          %shift_right_logical3A_1716 = arith.constant 18 : i32
          %shift_right_logical3A_1717 = vector.broadcast %shift_right_logical3A_1716 : i32 to vector<16xi32>
          %shift_right_logical3A_1718 = arith.shrui %mul3A_1715, %shift_right_logical3A_1717 : vector<16xi32>
          %mul3A_1719 = arith.constant 6 : i32
          %mul3A_1720 = vector.broadcast %mul3A_1719 : i32 to vector<16xi32>
          %mul3A_1721 = arith.muli %shift_right_logical3A_1718, %mul3A_1720 : vector<16xi32>
          %sub3A_1722 = arith.subi %shift_right_arithmetic3A_1712, %mul3A_1721 : vector<16xi32>
          %shift_right_arithmetic3A_1723 = arith.constant 9 : i32
          %shift_right_arithmetic3A_1724 = vector.broadcast %shift_right_arithmetic3A_1723 : i32 to vector<16xi32>
          %shift_right_arithmetic3A_1725 = arith.shrsi %shift_right_logical3A_1718, %shift_right_arithmetic3A_1724 : vector<16xi32>
          %and3A_1726 = arith.constant 511 : i32
          %and3A_1727 = vector.broadcast %and3A_1726 : i32 to vector<16xi32>
          %and3A_1728 = arith.andi %shift_right_logical3A_1718, %and3A_1727 : vector<16xi32>
          %mul3A_1729 = arith.constant 8 : i32
          %mul3A_1730 = vector.broadcast %mul3A_1729 : i32 to vector<16xi32>
          %mul3A_1731 = arith.muli %and3A_1728, %mul3A_1730 : vector<16xi32>
          %add3A_1732 = arith.addi %mul3A_1731, %and3A_1709 : vector<16xi32>
          %gather3A_1733 = tpu.vector_load_idx %arg6[%add3A_1732] : memref<4096xi32, #tpu.memory_space<vmem>>[vector<16xi32>], vector<16xi32>,
          %mul3A_1734 = arith.constant 125 : i32
          %mul3A_1735 = vector.broadcast %mul3A_1734 : i32 to vector<16xi32>
          %mul3A_1736 = arith.muli %shift_right_arithmetic3A_1725, %mul3A_1735 : vector<16xi32>
          %shift_right_arithmetic3A_1737 = arith.constant 3 : i32
          %shift_right_arithmetic3A_1738 = vector.broadcast %shift_right_arithmetic3A_1737 : i32 to vector<16xi32>
          %shift_right_arithmetic3A_1739 = arith.shrsi %gather3A_1733, %shift_right_arithmetic3A_1738 : vector<16xi32>
          %add3A_1740 = arith.addi %mul3A_1736, %shift_right_arithmetic3A_1739 : vector<16xi32>
          %mul3A_1741 = arith.constant 6 : i32
          %mul3A_1742 = vector.broadcast %mul3A_1741 : i32 to vector<16xi32>
          %mul3A_1743 = arith.muli %add3A_1740, %mul3A_1742 : vector<16xi32>
          %add3A_1744 = arith.addi %mul3A_1743, %sub3A_1722 : vector<16xi32>
          %mul3A_1745 = arith.constant 8 : i32
          %mul3A_1746 = vector.broadcast %mul3A_1745 : i32 to vector<16xi32>
          %mul3A_1747 = arith.muli %add3A_1744, %mul3A_1746 : vector<16xi32>
          %and3A_1748 = arith.constant 7 : i32
          %and3A_1749 = vector.broadcast %and3A_1748 : i32 to vector<16xi32>
          %and3A_1750 = arith.andi %gather3A_1733, %and3A_1749 : vector<16xi32>
          %add3A_1751 = arith.addi %mul3A_1747, %and3A_1750 : vector<16xi32>
          %swap3A_1752 = arith.index_cast %add3A_1534 : i32 to index
          %swap3A_1753 = arith.constant 48 : index
          %swap3A_1754 = tpu.vector_load %arg7[%swap3A_1752, %swap3A_1753] {strides = array<i32>} : memref<120x128xi32, #tpu.memory_space<vmem>>, vector<16xi32>,
          tpu.vector_store %arg7[%swap3A_1752, %swap3A_1753], %add3A_1751 {strides = array<i32>} : memref<120x128xi32, #tpu.memory_space<vmem>>, vector<16xi32>,
          %mul3A_1755 = arith.constant 128 : i32
          %mul3A_1756 = arith.muli %add3A_1534, %mul3A_1755 : i32
          %add3A_1757 = arith.addi %mul3A_2, %mul3A_1756 : i32
          %add3A_1758 = arith.constant 64 : i32
          %add3A_1759 = arith.addi %add3A_1757, %add3A_1758 : i32
          %add3A_1760 = vector.broadcast %add3A_1759 : i32 to vector<16xi32>
          %add3A_1761 = arith.addi %add3A_1760, %iota3A : vector<16xi32>
          %and3A_1762 = arith.constant 7 : i32
          %and3A_1763 = vector.broadcast %and3A_1762 : i32 to vector<16xi32>
          %and3A_1764 = arith.andi %add3A_1761, %and3A_1763 : vector<16xi32>
          %shift_right_arithmetic3A_1765 = arith.constant 3 : i32
          %shift_right_arithmetic3A_1766 = vector.broadcast %shift_right_arithmetic3A_1765 : i32 to vector<16xi32>
          %shift_right_arithmetic3A_1767 = arith.shrsi %add3A_1761, %shift_right_arithmetic3A_1766 : vector<16xi32>
          %mul3A_1768 = arith.constant 43691 : i32
          %mul3A_1769 = vector.broadcast %mul3A_1768 : i32 to vector<16xi32>
          %mul3A_1770 = arith.muli %shift_right_arithmetic3A_1767, %mul3A_1769 : vector<16xi32>
          %shift_right_logical3A_1771 = arith.constant 18 : i32
          %shift_right_logical3A_1772 = vector.broadcast %shift_right_logical3A_1771 : i32 to vector<16xi32>
          %shift_right_logical3A_1773 = arith.shrui %mul3A_1770, %shift_right_logical3A_1772 : vector<16xi32>
          %mul3A_1774 = arith.constant 6 : i32
          %mul3A_1775 = vector.broadcast %mul3A_1774 : i32 to vector<16xi32>
          %mul3A_1776 = arith.muli %shift_right_logical3A_1773, %mul3A_1775 : vector<16xi32>
          %sub3A_1777 = arith.subi %shift_right_arithmetic3A_1767, %mul3A_1776 : vector<16xi32>
          %shift_right_arithmetic3A_1778 = arith.constant 9 : i32
          %shift_right_arithmetic3A_1779 = vector.broadcast %shift_right_arithmetic3A_1778 : i32 to vector<16xi32>
          %shift_right_arithmetic3A_1780 = arith.shrsi %shift_right_logical3A_1773, %shift_right_arithmetic3A_1779 : vector<16xi32>
          %and3A_1781 = arith.constant 511 : i32
          %and3A_1782 = vector.broadcast %and3A_1781 : i32 to vector<16xi32>
          %and3A_1783 = arith.andi %shift_right_logical3A_1773, %and3A_1782 : vector<16xi32>
          %mul3A_1784 = arith.constant 8 : i32
          %mul3A_1785 = vector.broadcast %mul3A_1784 : i32 to vector<16xi32>
          %mul3A_1786 = arith.muli %and3A_1783, %mul3A_1785 : vector<16xi32>
          %add3A_1787 = arith.addi %mul3A_1786, %and3A_1764 : vector<16xi32>
          %gather3A_1788 = tpu.vector_load_idx %arg6[%add3A_1787] : memref<4096xi32, #tpu.memory_space<vmem>>[vector<16xi32>], vector<16xi32>,
          %mul3A_1789 = arith.constant 125 : i32
          %mul3A_1790 = vector.broadcast %mul3A_1789 : i32 to vector<16xi32>
          %mul3A_1791 = arith.muli %shift_right_arithmetic3A_1780, %mul3A_1790 : vector<16xi32>
          %shift_right_arithmetic3A_1792 = arith.constant 3 : i32
          %shift_right_arithmetic3A_1793 = vector.broadcast %shift_right_arithmetic3A_1792 : i32 to vector<16xi32>
          %shift_right_arithmetic3A_1794 = arith.shrsi %gather3A_1788, %shift_right_arithmetic3A_1793 : vector<16xi32>
          %add3A_1795 = arith.addi %mul3A_1791, %shift_right_arithmetic3A_1794 : vector<16xi32>
          %mul3A_1796 = arith.constant 6 : i32
          %mul3A_1797 = vector.broadcast %mul3A_1796 : i32 to vector<16xi32>
          %mul3A_1798 = arith.muli %add3A_1795, %mul3A_1797 : vector<16xi32>
          %add3A_1799 = arith.addi %mul3A_1798, %sub3A_1777 : vector<16xi32>
          %mul3A_1800 = arith.constant 8 : i32
          %mul3A_1801 = vector.broadcast %mul3A_1800 : i32 to vector<16xi32>
          %mul3A_1802 = arith.muli %add3A_1799, %mul3A_1801 : vector<16xi32>
          %and3A_1803 = arith.constant 7 : i32
          %and3A_1804 = vector.broadcast %and3A_1803 : i32 to vector<16xi32>
          %and3A_1805 = arith.andi %gather3A_1788, %and3A_1804 : vector<16xi32>
          %add3A_1806 = arith.addi %mul3A_1802, %and3A_1805 : vector<16xi32>
          %swap3A_1807 = arith.index_cast %add3A_1534 : i32 to index
          %swap3A_1808 = arith.constant 64 : index
          %swap3A_1809 = tpu.vector_load %arg7[%swap3A_1807, %swap3A_1808] {strides = array<i32>} : memref<120x128xi32, #tpu.memory_space<vmem>>, vector<16xi32>,
          tpu.vector_store %arg7[%swap3A_1807, %swap3A_1808], %add3A_1806 {strides = array<i32>} : memref<120x128xi32, #tpu.memory_space<vmem>>, vector<16xi32>,
          %mul3A_1810 = arith.constant 128 : i32
          %mul3A_1811 = arith.muli %add3A_1534, %mul3A_1810 : i32
          %add3A_1812 = arith.addi %mul3A_2, %mul3A_1811 : i32
          %add3A_1813 = arith.constant 80 : i32
          %add3A_1814 = arith.addi %add3A_1812, %add3A_1813 : i32
          %add3A_1815 = vector.broadcast %add3A_1814 : i32 to vector<16xi32>
          %add3A_1816 = arith.addi %add3A_1815, %iota3A : vector<16xi32>
          %and3A_1817 = arith.constant 7 : i32
          %and3A_1818 = vector.broadcast %and3A_1817 : i32 to vector<16xi32>
          %and3A_1819 = arith.andi %add3A_1816, %and3A_1818 : vector<16xi32>
          %shift_right_arithmetic3A_1820 = arith.constant 3 : i32
          %shift_right_arithmetic3A_1821 = vector.broadcast %shift_right_arithmetic3A_1820 : i32 to vector<16xi32>
          %shift_right_arithmetic3A_1822 = arith.shrsi %add3A_1816, %shift_right_arithmetic3A_1821 : vector<16xi32>
          %mul3A_1823 = arith.constant 43691 : i32
          %mul3A_1824 = vector.broadcast %mul3A_1823 : i32 to vector<16xi32>
          %mul3A_1825 = arith.muli %shift_right_arithmetic3A_1822, %mul3A_1824 : vector<16xi32>
          %shift_right_logical3A_1826 = arith.constant 18 : i32
          %shift_right_logical3A_1827 = vector.broadcast %shift_right_logical3A_1826 : i32 to vector<16xi32>
          %shift_right_logical3A_1828 = arith.shrui %mul3A_1825, %shift_right_logical3A_1827 : vector<16xi32>
          %mul3A_1829 = arith.constant 6 : i32
          %mul3A_1830 = vector.broadcast %mul3A_1829 : i32 to vector<16xi32>
          %mul3A_1831 = arith.muli %shift_right_logical3A_1828, %mul3A_1830 : vector<16xi32>
          %sub3A_1832 = arith.subi %shift_right_arithmetic3A_1822, %mul3A_1831 : vector<16xi32>
          %shift_right_arithmetic3A_1833 = arith.constant 9 : i32
          %shift_right_arithmetic3A_1834 = vector.broadcast %shift_right_arithmetic3A_1833 : i32 to vector<16xi32>
          %shift_right_arithmetic3A_1835 = arith.shrsi %shift_right_logical3A_1828, %shift_right_arithmetic3A_1834 : vector<16xi32>
          %and3A_1836 = arith.constant 511 : i32
          %and3A_1837 = vector.broadcast %and3A_1836 : i32 to vector<16xi32>
          %and3A_1838 = arith.andi %shift_right_logical3A_1828, %and3A_1837 : vector<16xi32>
          %mul3A_1839 = arith.constant 8 : i32
          %mul3A_1840 = vector.broadcast %mul3A_1839 : i32 to vector<16xi32>
          %mul3A_1841 = arith.muli %and3A_1838, %mul3A_1840 : vector<16xi32>
          %add3A_1842 = arith.addi %mul3A_1841, %and3A_1819 : vector<16xi32>
          %gather3A_1843 = tpu.vector_load_idx %arg6[%add3A_1842] : memref<4096xi32, #tpu.memory_space<vmem>>[vector<16xi32>], vector<16xi32>,
          %mul3A_1844 = arith.constant 125 : i32
          %mul3A_1845 = vector.broadcast %mul3A_1844 : i32 to vector<16xi32>
          %mul3A_1846 = arith.muli %shift_right_arithmetic3A_1835, %mul3A_1845 : vector<16xi32>
          %shift_right_arithmetic3A_1847 = arith.constant 3 : i32
          %shift_right_arithmetic3A_1848 = vector.broadcast %shift_right_arithmetic3A_1847 : i32 to vector<16xi32>
          %shift_right_arithmetic3A_1849 = arith.shrsi %gather3A_1843, %shift_right_arithmetic3A_1848 : vector<16xi32>
          %add3A_1850 = arith.addi %mul3A_1846, %shift_right_arithmetic3A_1849 : vector<16xi32>
          %mul3A_1851 = arith.constant 6 : i32
          %mul3A_1852 = vector.broadcast %mul3A_1851 : i32 to vector<16xi32>
          %mul3A_1853 = arith.muli %add3A_1850, %mul3A_1852 : vector<16xi32>
          %add3A_1854 = arith.addi %mul3A_1853, %sub3A_1832 : vector<16xi32>
          %mul3A_1855 = arith.constant 8 : i32
          %mul3A_1856 = vector.broadcast %mul3A_1855 : i32 to vector<16xi32>
          %mul3A_1857 = arith.muli %add3A_1854, %mul3A_1856 : vector<16xi32>
          %and3A_1858 = arith.constant 7 : i32
          %and3A_1859 = vector.broadcast %and3A_1858 : i32 to vector<16xi32>
          %and3A_1860 = arith.andi %gather3A_1843, %and3A_1859 : vector<16xi32>
          %add3A_1861 = arith.addi %mul3A_1857, %and3A_1860 : vector<16xi32>
          %swap3A_1862 = arith.index_cast %add3A_1534 : i32 to index
          %swap3A_1863 = arith.constant 80 : index
          %swap3A_1864 = tpu.vector_load %arg7[%swap3A_1862, %swap3A_1863] {strides = array<i32>} : memref<120x128xi32, #tpu.memory_space<vmem>>, vector<16xi32>,
          tpu.vector_store %arg7[%swap3A_1862, %swap3A_1863], %add3A_1861 {strides = array<i32>} : memref<120x128xi32, #tpu.memory_space<vmem>>, vector<16xi32>,
          %mul3A_1865 = arith.constant 128 : i32
          %mul3A_1866 = arith.muli %add3A_1534, %mul3A_1865 : i32
          %add3A_1867 = arith.addi %mul3A_2, %mul3A_1866 : i32
          %add3A_1868 = arith.constant 96 : i32
          %add3A_1869 = arith.addi %add3A_1867, %add3A_1868 : i32
          %add3A_1870 = vector.broadcast %add3A_1869 : i32 to vector<16xi32>
          %add3A_1871 = arith.addi %add3A_1870, %iota3A : vector<16xi32>
          %and3A_1872 = arith.constant 7 : i32
          %and3A_1873 = vector.broadcast %and3A_1872 : i32 to vector<16xi32>
          %and3A_1874 = arith.andi %add3A_1871, %and3A_1873 : vector<16xi32>
          %shift_right_arithmetic3A_1875 = arith.constant 3 : i32
          %shift_right_arithmetic3A_1876 = vector.broadcast %shift_right_arithmetic3A_1875 : i32 to vector<16xi32>
          %shift_right_arithmetic3A_1877 = arith.shrsi %add3A_1871, %shift_right_arithmetic3A_1876 : vector<16xi32>
          %mul3A_1878 = arith.constant 43691 : i32
          %mul3A_1879 = vector.broadcast %mul3A_1878 : i32 to vector<16xi32>
          %mul3A_1880 = arith.muli %shift_right_arithmetic3A_1877, %mul3A_1879 : vector<16xi32>
          %shift_right_logical3A_1881 = arith.constant 18 : i32
          %shift_right_logical3A_1882 = vector.broadcast %shift_right_logical3A_1881 : i32 to vector<16xi32>
          %shift_right_logical3A_1883 = arith.shrui %mul3A_1880, %shift_right_logical3A_1882 : vector<16xi32>
          %mul3A_1884 = arith.constant 6 : i32
          %mul3A_1885 = vector.broadcast %mul3A_1884 : i32 to vector<16xi32>
          %mul3A_1886 = arith.muli %shift_right_logical3A_1883, %mul3A_1885 : vector<16xi32>
          %sub3A_1887 = arith.subi %shift_right_arithmetic3A_1877, %mul3A_1886 : vector<16xi32>
          %shift_right_arithmetic3A_1888 = arith.constant 9 : i32
          %shift_right_arithmetic3A_1889 = vector.broadcast %shift_right_arithmetic3A_1888 : i32 to vector<16xi32>
          %shift_right_arithmetic3A_1890 = arith.shrsi %shift_right_logical3A_1883, %shift_right_arithmetic3A_1889 : vector<16xi32>
          %and3A_1891 = arith.constant 511 : i32
          %and3A_1892 = vector.broadcast %and3A_1891 : i32 to vector<16xi32>
          %and3A_1893 = arith.andi %shift_right_logical3A_1883, %and3A_1892 : vector<16xi32>
          %mul3A_1894 = arith.constant 8 : i32
          %mul3A_1895 = vector.broadcast %mul3A_1894 : i32 to vector<16xi32>
          %mul3A_1896 = arith.muli %and3A_1893, %mul3A_1895 : vector<16xi32>
          %add3A_1897 = arith.addi %mul3A_1896, %and3A_1874 : vector<16xi32>
          %gather3A_1898 = tpu.vector_load_idx %arg6[%add3A_1897] : memref<4096xi32, #tpu.memory_space<vmem>>[vector<16xi32>], vector<16xi32>,
          %mul3A_1899 = arith.constant 125 : i32
          %mul3A_1900 = vector.broadcast %mul3A_1899 : i32 to vector<16xi32>
          %mul3A_1901 = arith.muli %shift_right_arithmetic3A_1890, %mul3A_1900 : vector<16xi32>
          %shift_right_arithmetic3A_1902 = arith.constant 3 : i32
          %shift_right_arithmetic3A_1903 = vector.broadcast %shift_right_arithmetic3A_1902 : i32 to vector<16xi32>
          %shift_right_arithmetic3A_1904 = arith.shrsi %gather3A_1898, %shift_right_arithmetic3A_1903 : vector<16xi32>
          %add3A_1905 = arith.addi %mul3A_1901, %shift_right_arithmetic3A_1904 : vector<16xi32>
          %mul3A_1906 = arith.constant 6 : i32
          %mul3A_1907 = vector.broadcast %mul3A_1906 : i32 to vector<16xi32>
          %mul3A_1908 = arith.muli %add3A_1905, %mul3A_1907 : vector<16xi32>
          %add3A_1909 = arith.addi %mul3A_1908, %sub3A_1887 : vector<16xi32>
          %mul3A_1910 = arith.constant 8 : i32
          %mul3A_1911 = vector.broadcast %mul3A_1910 : i32 to vector<16xi32>
          %mul3A_1912 = arith.muli %add3A_1909, %mul3A_1911 : vector<16xi32>
          %and3A_1913 = arith.constant 7 : i32
          %and3A_1914 = vector.broadcast %and3A_1913 : i32 to vector<16xi32>
          %and3A_1915 = arith.andi %gather3A_1898, %and3A_1914 : vector<16xi32>
          %add3A_1916 = arith.addi %mul3A_1912, %and3A_1915 : vector<16xi32>
          %swap3A_1917 = arith.index_cast %add3A_1534 : i32 to index
          %swap3A_1918 = arith.constant 96 : index
          %swap3A_1919 = tpu.vector_load %arg7[%swap3A_1917, %swap3A_1918] {strides = array<i32>} : memref<120x128xi32, #tpu.memory_space<vmem>>, vector<16xi32>,
          tpu.vector_store %arg7[%swap3A_1917, %swap3A_1918], %add3A_1916 {strides = array<i32>} : memref<120x128xi32, #tpu.memory_space<vmem>>, vector<16xi32>,
          %mul3A_1920 = arith.constant 128 : i32
          %mul3A_1921 = arith.muli %add3A_1534, %mul3A_1920 : i32
          %add3A_1922 = arith.addi %mul3A_2, %mul3A_1921 : i32
          %add3A_1923 = arith.constant 112 : i32
          %add3A_1924 = arith.addi %add3A_1922, %add3A_1923 : i32
          %add3A_1925 = vector.broadcast %add3A_1924 : i32 to vector<16xi32>
          %add3A_1926 = arith.addi %add3A_1925, %iota3A : vector<16xi32>
          %and3A_1927 = arith.constant 7 : i32
          %and3A_1928 = vector.broadcast %and3A_1927 : i32 to vector<16xi32>
          %and3A_1929 = arith.andi %add3A_1926, %and3A_1928 : vector<16xi32>
          %shift_right_arithmetic3A_1930 = arith.constant 3 : i32
          %shift_right_arithmetic3A_1931 = vector.broadcast %shift_right_arithmetic3A_1930 : i32 to vector<16xi32>
          %shift_right_arithmetic3A_1932 = arith.shrsi %add3A_1926, %shift_right_arithmetic3A_1931 : vector<16xi32>
          %mul3A_1933 = arith.constant 43691 : i32
          %mul3A_1934 = vector.broadcast %mul3A_1933 : i32 to vector<16xi32>
          %mul3A_1935 = arith.muli %shift_right_arithmetic3A_1932, %mul3A_1934 : vector<16xi32>
          %shift_right_logical3A_1936 = arith.constant 18 : i32
          %shift_right_logical3A_1937 = vector.broadcast %shift_right_logical3A_1936 : i32 to vector<16xi32>
          %shift_right_logical3A_1938 = arith.shrui %mul3A_1935, %shift_right_logical3A_1937 : vector<16xi32>
          %mul3A_1939 = arith.constant 6 : i32
          %mul3A_1940 = vector.broadcast %mul3A_1939 : i32 to vector<16xi32>
          %mul3A_1941 = arith.muli %shift_right_logical3A_1938, %mul3A_1940 : vector<16xi32>
          %sub3A_1942 = arith.subi %shift_right_arithmetic3A_1932, %mul3A_1941 : vector<16xi32>
          %shift_right_arithmetic3A_1943 = arith.constant 9 : i32
          %shift_right_arithmetic3A_1944 = vector.broadcast %shift_right_arithmetic3A_1943 : i32 to vector<16xi32>
          %shift_right_arithmetic3A_1945 = arith.shrsi %shift_right_logical3A_1938, %shift_right_arithmetic3A_1944 : vector<16xi32>
          %and3A_1946 = arith.constant 511 : i32
          %and3A_1947 = vector.broadcast %and3A_1946 : i32 to vector<16xi32>
          %and3A_1948 = arith.andi %shift_right_logical3A_1938, %and3A_1947 : vector<16xi32>
          %mul3A_1949 = arith.constant 8 : i32
          %mul3A_1950 = vector.broadcast %mul3A_1949 : i32 to vector<16xi32>
          %mul3A_1951 = arith.muli %and3A_1948, %mul3A_1950 : vector<16xi32>
          %add3A_1952 = arith.addi %mul3A_1951, %and3A_1929 : vector<16xi32>
          %gather3A_1953 = tpu.vector_load_idx %arg6[%add3A_1952] : memref<4096xi32, #tpu.memory_space<vmem>>[vector<16xi32>], vector<16xi32>,
          %mul3A_1954 = arith.constant 125 : i32
          %mul3A_1955 = vector.broadcast %mul3A_1954 : i32 to vector<16xi32>
          %mul3A_1956 = arith.muli %shift_right_arithmetic3A_1945, %mul3A_1955 : vector<16xi32>
          %shift_right_arithmetic3A_1957 = arith.constant 3 : i32
          %shift_right_arithmetic3A_1958 = vector.broadcast %shift_right_arithmetic3A_1957 : i32 to vector<16xi32>
          %shift_right_arithmetic3A_1959 = arith.shrsi %gather3A_1953, %shift_right_arithmetic3A_1958 : vector<16xi32>
          %add3A_1960 = arith.addi %mul3A_1956, %shift_right_arithmetic3A_1959 : vector<16xi32>
          %mul3A_1961 = arith.constant 6 : i32
          %mul3A_1962 = vector.broadcast %mul3A_1961 : i32 to vector<16xi32>
          %mul3A_1963 = arith.muli %add3A_1960, %mul3A_1962 : vector<16xi32>
          %add3A_1964 = arith.addi %mul3A_1963, %sub3A_1942 : vector<16xi32>
          %mul3A_1965 = arith.constant 8 : i32
          %mul3A_1966 = vector.broadcast %mul3A_1965 : i32 to vector<16xi32>
          %mul3A_1967 = arith.muli %add3A_1964, %mul3A_1966 : vector<16xi32>
          %and3A_1968 = arith.constant 7 : i32
          %and3A_1969 = vector.broadcast %and3A_1968 : i32 to vector<16xi32>
          %and3A_1970 = arith.andi %gather3A_1953, %and3A_1969 : vector<16xi32>
          %add3A_1971 = arith.addi %mul3A_1967, %and3A_1970 : vector<16xi32>
          %swap3A_1972 = arith.index_cast %add3A_1534 : i32 to index
          %swap3A_1973 = arith.constant 112 : index
          %swap3A_1974 = tpu.vector_load %arg7[%swap3A_1972, %swap3A_1973] {strides = array<i32>} : memref<120x128xi32, #tpu.memory_space<vmem>>, vector<16xi32>,
          tpu.vector_store %arg7[%swap3A_1972, %swap3A_1973], %add3A_1971 {strides = array<i32>} : memref<120x128xi32, #tpu.memory_space<vmem>>, vector<16xi32>,
          %add3A_1975 = arith.constant 3 : i32
          %add3A_1976 = arith.addi %add3A_1449, %add3A_1975 : i32
          %dma_start3A_1977 = arith.constant 0 : i32
          %dma_start3A_1978 = tpu.memref_slice %arg7[%add3A_1976, %dma_start3A_1977] : memref<120x128xi32, #tpu.memory_space<vmem>> -> memref<1x128xi32, #tpu.memory_space<vmem>>
          %dma_start3A_1979 = tpu.memref_squeeze %dma_start3A_1978 : memref<1x128xi32, #tpu.memory_space<vmem>> -> memref<128xi32, #tpu.memory_space<vmem>>
          %dma_start3A_1980 = arith.constant 0 : i32
          %dma_start3A_1981 = arith.constant 0 : i32
          %dma_start3A_1982 = tpu.memref_slice %arg2[%dma_start3A_1980, %dma_start3A_1981] : memref<120000x128xf32, #tpu.memory_space<hbm>> -> memref<120000x128xf32, #tpu.memory_space<hbm>>
          tpu.enqueue_indirect_dma source(%dma_start3A_1982 : memref<120000x128xf32, #tpu.memory_space<hbm>>) target(%arg8 : memref<128x128xf32, #tpu.memory_space<vmem>>) offsets(%dma_start3A_1979 : memref<128xi32, #tpu.memory_space<vmem>>) semaphore(%arg15 : memref<!tpu.dma_semaphore, #tpu.memory_space<semaphore_mem>>)
        } else {
        }
        %mul3A_1475 = arith.constant 6 : i32
        %mul3A_1476 = arith.muli %mul3A_1475, %scan3A_1360 : i32
        %add3A_1477 = arith.constant 4 : i32
        %add3A_1478 = arith.addi %mul3A_1476, %add3A_1477 : i32
        %dma_wait3A_1479 = arith.constant 0 : i32
        %dma_wait3A_1480 = tpu.memref_slice %arg7[%add3A_1478, %dma_wait3A_1479] : memref<120x128xi32, #tpu.memory_space<vmem>> -> memref<1x128xi32, #tpu.memory_space<vmem>>
        %dma_wait3A_1481 = tpu.memref_squeeze %dma_wait3A_1480 : memref<1x128xi32, #tpu.memory_space<vmem>> -> memref<128xi32, #tpu.memory_space<vmem>>
        %dma_wait3A_1482 = arith.constant 0 : i32
        %dma_wait3A_1483 = arith.constant 0 : i32
        %dma_wait3A_1484 = tpu.memref_slice %arg2[%dma_wait3A_1482, %dma_wait3A_1483] : memref<120000x128xf32, #tpu.memory_space<hbm>> -> memref<120000x128xf32, #tpu.memory_space<hbm>>
        tpu.wait_indirect_dma semaphore(%arg19 : memref<!tpu.dma_semaphore, #tpu.memory_space<semaphore_mem>>) src(%dma_wait3A_1484 : memref<120000x128xf32, #tpu.memory_space<hbm>>) dst(%arg12 : memref<128x128xf32, #tpu.memory_space<vmem>>)
        %mul3A_1485 = arith.constant 128 : i32
        %mul3A_1486 = arith.muli %add3A_1478, %mul3A_1485 : i32
        %add3A_1487 = arith.addi %mul3A_2, %mul3A_1486 : i32
        %dma_start3A_1488 = arith.constant 0 : i32
        %dma_start3A_1489 = tpu.memref_slice %arg5[%add3A_1487, %dma_start3A_1488] : memref<491520x128xf32, #tpu.memory_space<hbm>> -> memref<128x128xf32, #tpu.memory_space<hbm>>
        %dma_start3A_1490 = arith.constant 0 : i32
        %dma_start3A_1491 = tpu.memref_slice %arg5[%add3A_1487, %dma_start3A_1490] : memref<491520x128xf32, #tpu.memory_space<hbm>> -> memref<128x128xf32, #tpu.memory_space<hbm>>
        tpu.enqueue_dma source(%arg12 : memref<128x128xf32, #tpu.memory_space<vmem>>) target(%dma_start3A_1491 : memref<128x128xf32, #tpu.memory_space<hbm>>) target_semaphore(%arg25 : memref<!tpu.dma_semaphore, #tpu.memory_space<semaphore_mem>>)
        %ge3A_1492 = arith.constant 3 : i32
        %ge3A_1493 = arith.cmpi sge, %add3A_1478, %ge3A_1492 : i32
        %convert_element_type3A_1494 = arith.extui %ge3A_1493 : i1 to i32
        %cond3A_1495 = arith.constant 0 : i32
        %cond3A_1496 = arith.cmpi ne, %convert_element_type3A_1494, %cond3A_1495 : i32
        scf.if %cond3A_1496 {
          %dma_wait3A_1533 = arith.constant 0 : i32
          %dma_wait3A_1534 = tpu.memref_slice %arg5[%mul3A_2, %dma_wait3A_1533] : memref<491520x128xf32, #tpu.memory_space<hbm>> -> memref<128x128xf32, #tpu.memory_space<hbm>>
          %dma_wait3A_1535 = arith.constant 0 : i32
          %dma_wait3A_1536 = tpu.memref_slice %arg5[%mul3A_2, %dma_wait3A_1535] : memref<491520x128xf32, #tpu.memory_space<hbm>> -> memref<128x128xf32, #tpu.memory_space<hbm>>
          tpu.wait_dma2 semaphore(%arg22 : memref<!tpu.dma_semaphore, #tpu.memory_space<semaphore_mem>>) src(%arg9 : memref<128x128xf32, #tpu.memory_space<vmem>>) dst(%dma_wait3A_1536 : memref<128x128xf32, #tpu.memory_space<hbm>>)
        } else {
        }
        %add3A_1497 = arith.constant 3 : i32
        %add3A_1498 = arith.addi %add3A_1478, %add3A_1497 : i32
        %lt3A_1499 = arith.constant 120 : i32
        %lt3A_1500 = arith.cmpi slt, %add3A_1498, %lt3A_1499 : i32
        %convert_element_type3A_1501 = arith.extui %lt3A_1500 : i1 to i32
        %cond3A_1502 = arith.constant 0 : i32
        %cond3A_1503 = arith.cmpi ne, %convert_element_type3A_1501, %cond3A_1502 : i32
        scf.if %cond3A_1503 {
          %add3A_1533 = arith.constant 3 : i32
          %add3A_1534 = arith.addi %add3A_1478, %add3A_1533 : i32
          %mul3A_1535 = arith.constant 128 : i32
          %mul3A_1536 = arith.muli %add3A_1534, %mul3A_1535 : i32
          %add3A_1537 = arith.addi %mul3A_2, %mul3A_1536 : i32
          %add3A_1538 = arith.constant 0 : i32
          %add3A_1539 = arith.addi %add3A_1537, %add3A_1538 : i32
          %add3A_1540 = vector.broadcast %add3A_1539 : i32 to vector<16xi32>
          %add3A_1541 = arith.addi %add3A_1540, %iota3A : vector<16xi32>
          %and3A_1542 = arith.constant 7 : i32
          %and3A_1543 = vector.broadcast %and3A_1542 : i32 to vector<16xi32>
          %and3A_1544 = arith.andi %add3A_1541, %and3A_1543 : vector<16xi32>
          %shift_right_arithmetic3A_1545 = arith.constant 3 : i32
          %shift_right_arithmetic3A_1546 = vector.broadcast %shift_right_arithmetic3A_1545 : i32 to vector<16xi32>
          %shift_right_arithmetic3A_1547 = arith.shrsi %add3A_1541, %shift_right_arithmetic3A_1546 : vector<16xi32>
          %mul3A_1548 = arith.constant 43691 : i32
          %mul3A_1549 = vector.broadcast %mul3A_1548 : i32 to vector<16xi32>
          %mul3A_1550 = arith.muli %shift_right_arithmetic3A_1547, %mul3A_1549 : vector<16xi32>
          %shift_right_logical3A_1551 = arith.constant 18 : i32
          %shift_right_logical3A_1552 = vector.broadcast %shift_right_logical3A_1551 : i32 to vector<16xi32>
          %shift_right_logical3A_1553 = arith.shrui %mul3A_1550, %shift_right_logical3A_1552 : vector<16xi32>
          %mul3A_1554 = arith.constant 6 : i32
          %mul3A_1555 = vector.broadcast %mul3A_1554 : i32 to vector<16xi32>
          %mul3A_1556 = arith.muli %shift_right_logical3A_1553, %mul3A_1555 : vector<16xi32>
          %sub3A_1557 = arith.subi %shift_right_arithmetic3A_1547, %mul3A_1556 : vector<16xi32>
          %shift_right_arithmetic3A_1558 = arith.constant 9 : i32
          %shift_right_arithmetic3A_1559 = vector.broadcast %shift_right_arithmetic3A_1558 : i32 to vector<16xi32>
          %shift_right_arithmetic3A_1560 = arith.shrsi %shift_right_logical3A_1553, %shift_right_arithmetic3A_1559 : vector<16xi32>
          %and3A_1561 = arith.constant 511 : i32
          %and3A_1562 = vector.broadcast %and3A_1561 : i32 to vector<16xi32>
          %and3A_1563 = arith.andi %shift_right_logical3A_1553, %and3A_1562 : vector<16xi32>
          %mul3A_1564 = arith.constant 8 : i32
          %mul3A_1565 = vector.broadcast %mul3A_1564 : i32 to vector<16xi32>
          %mul3A_1566 = arith.muli %and3A_1563, %mul3A_1565 : vector<16xi32>
          %add3A_1567 = arith.addi %mul3A_1566, %and3A_1544 : vector<16xi32>
          %gather3A_1568 = tpu.vector_load_idx %arg6[%add3A_1567] : memref<4096xi32, #tpu.memory_space<vmem>>[vector<16xi32>], vector<16xi32>,
          %mul3A_1569 = arith.constant 125 : i32
          %mul3A_1570 = vector.broadcast %mul3A_1569 : i32 to vector<16xi32>
          %mul3A_1571 = arith.muli %shift_right_arithmetic3A_1560, %mul3A_1570 : vector<16xi32>
          %shift_right_arithmetic3A_1572 = arith.constant 3 : i32
          %shift_right_arithmetic3A_1573 = vector.broadcast %shift_right_arithmetic3A_1572 : i32 to vector<16xi32>
          %shift_right_arithmetic3A_1574 = arith.shrsi %gather3A_1568, %shift_right_arithmetic3A_1573 : vector<16xi32>
          %add3A_1575 = arith.addi %mul3A_1571, %shift_right_arithmetic3A_1574 : vector<16xi32>
          %mul3A_1576 = arith.constant 6 : i32
          %mul3A_1577 = vector.broadcast %mul3A_1576 : i32 to vector<16xi32>
          %mul3A_1578 = arith.muli %add3A_1575, %mul3A_1577 : vector<16xi32>
          %add3A_1579 = arith.addi %mul3A_1578, %sub3A_1557 : vector<16xi32>
          %mul3A_1580 = arith.constant 8 : i32
          %mul3A_1581 = vector.broadcast %mul3A_1580 : i32 to vector<16xi32>
          %mul3A_1582 = arith.muli %add3A_1579, %mul3A_1581 : vector<16xi32>
          %and3A_1583 = arith.constant 7 : i32
          %and3A_1584 = vector.broadcast %and3A_1583 : i32 to vector<16xi32>
          %and3A_1585 = arith.andi %gather3A_1568, %and3A_1584 : vector<16xi32>
          %add3A_1586 = arith.addi %mul3A_1582, %and3A_1585 : vector<16xi32>
          %swap3A_1587 = arith.index_cast %add3A_1534 : i32 to index
          %swap3A_1588 = arith.constant 0 : index
          %swap3A_1589 = tpu.vector_load %arg7[%swap3A_1587, %swap3A_1588] {strides = array<i32>} : memref<120x128xi32, #tpu.memory_space<vmem>>, vector<16xi32>,
          tpu.vector_store %arg7[%swap3A_1587, %swap3A_1588], %add3A_1586 {strides = array<i32>} : memref<120x128xi32, #tpu.memory_space<vmem>>, vector<16xi32>,
          %mul3A_1590 = arith.constant 128 : i32
          %mul3A_1591 = arith.muli %add3A_1534, %mul3A_1590 : i32
          %add3A_1592 = arith.addi %mul3A_2, %mul3A_1591 : i32
          %add3A_1593 = arith.constant 16 : i32
          %add3A_1594 = arith.addi %add3A_1592, %add3A_1593 : i32
          %add3A_1595 = vector.broadcast %add3A_1594 : i32 to vector<16xi32>
          %add3A_1596 = arith.addi %add3A_1595, %iota3A : vector<16xi32>
          %and3A_1597 = arith.constant 7 : i32
          %and3A_1598 = vector.broadcast %and3A_1597 : i32 to vector<16xi32>
          %and3A_1599 = arith.andi %add3A_1596, %and3A_1598 : vector<16xi32>
          %shift_right_arithmetic3A_1600 = arith.constant 3 : i32
          %shift_right_arithmetic3A_1601 = vector.broadcast %shift_right_arithmetic3A_1600 : i32 to vector<16xi32>
          %shift_right_arithmetic3A_1602 = arith.shrsi %add3A_1596, %shift_right_arithmetic3A_1601 : vector<16xi32>
          %mul3A_1603 = arith.constant 43691 : i32
          %mul3A_1604 = vector.broadcast %mul3A_1603 : i32 to vector<16xi32>
          %mul3A_1605 = arith.muli %shift_right_arithmetic3A_1602, %mul3A_1604 : vector<16xi32>
          %shift_right_logical3A_1606 = arith.constant 18 : i32
          %shift_right_logical3A_1607 = vector.broadcast %shift_right_logical3A_1606 : i32 to vector<16xi32>
          %shift_right_logical3A_1608 = arith.shrui %mul3A_1605, %shift_right_logical3A_1607 : vector<16xi32>
          %mul3A_1609 = arith.constant 6 : i32
          %mul3A_1610 = vector.broadcast %mul3A_1609 : i32 to vector<16xi32>
          %mul3A_1611 = arith.muli %shift_right_logical3A_1608, %mul3A_1610 : vector<16xi32>
          %sub3A_1612 = arith.subi %shift_right_arithmetic3A_1602, %mul3A_1611 : vector<16xi32>
          %shift_right_arithmetic3A_1613 = arith.constant 9 : i32
          %shift_right_arithmetic3A_1614 = vector.broadcast %shift_right_arithmetic3A_1613 : i32 to vector<16xi32>
          %shift_right_arithmetic3A_1615 = arith.shrsi %shift_right_logical3A_1608, %shift_right_arithmetic3A_1614 : vector<16xi32>
          %and3A_1616 = arith.constant 511 : i32
          %and3A_1617 = vector.broadcast %and3A_1616 : i32 to vector<16xi32>
          %and3A_1618 = arith.andi %shift_right_logical3A_1608, %and3A_1617 : vector<16xi32>
          %mul3A_1619 = arith.constant 8 : i32
          %mul3A_1620 = vector.broadcast %mul3A_1619 : i32 to vector<16xi32>
          %mul3A_1621 = arith.muli %and3A_1618, %mul3A_1620 : vector<16xi32>
          %add3A_1622 = arith.addi %mul3A_1621, %and3A_1599 : vector<16xi32>
          %gather3A_1623 = tpu.vector_load_idx %arg6[%add3A_1622] : memref<4096xi32, #tpu.memory_space<vmem>>[vector<16xi32>], vector<16xi32>,
          %mul3A_1624 = arith.constant 125 : i32
          %mul3A_1625 = vector.broadcast %mul3A_1624 : i32 to vector<16xi32>
          %mul3A_1626 = arith.muli %shift_right_arithmetic3A_1615, %mul3A_1625 : vector<16xi32>
          %shift_right_arithmetic3A_1627 = arith.constant 3 : i32
          %shift_right_arithmetic3A_1628 = vector.broadcast %shift_right_arithmetic3A_1627 : i32 to vector<16xi32>
          %shift_right_arithmetic3A_1629 = arith.shrsi %gather3A_1623, %shift_right_arithmetic3A_1628 : vector<16xi32>
          %add3A_1630 = arith.addi %mul3A_1626, %shift_right_arithmetic3A_1629 : vector<16xi32>
          %mul3A_1631 = arith.constant 6 : i32
          %mul3A_1632 = vector.broadcast %mul3A_1631 : i32 to vector<16xi32>
          %mul3A_1633 = arith.muli %add3A_1630, %mul3A_1632 : vector<16xi32>
          %add3A_1634 = arith.addi %mul3A_1633, %sub3A_1612 : vector<16xi32>
          %mul3A_1635 = arith.constant 8 : i32
          %mul3A_1636 = vector.broadcast %mul3A_1635 : i32 to vector<16xi32>
          %mul3A_1637 = arith.muli %add3A_1634, %mul3A_1636 : vector<16xi32>
          %and3A_1638 = arith.constant 7 : i32
          %and3A_1639 = vector.broadcast %and3A_1638 : i32 to vector<16xi32>
          %and3A_1640 = arith.andi %gather3A_1623, %and3A_1639 : vector<16xi32>
          %add3A_1641 = arith.addi %mul3A_1637, %and3A_1640 : vector<16xi32>
          %swap3A_1642 = arith.index_cast %add3A_1534 : i32 to index
          %swap3A_1643 = arith.constant 16 : index
          %swap3A_1644 = tpu.vector_load %arg7[%swap3A_1642, %swap3A_1643] {strides = array<i32>} : memref<120x128xi32, #tpu.memory_space<vmem>>, vector<16xi32>,
          tpu.vector_store %arg7[%swap3A_1642, %swap3A_1643], %add3A_1641 {strides = array<i32>} : memref<120x128xi32, #tpu.memory_space<vmem>>, vector<16xi32>,
          %mul3A_1645 = arith.constant 128 : i32
          %mul3A_1646 = arith.muli %add3A_1534, %mul3A_1645 : i32
          %add3A_1647 = arith.addi %mul3A_2, %mul3A_1646 : i32
          %add3A_1648 = arith.constant 32 : i32
          %add3A_1649 = arith.addi %add3A_1647, %add3A_1648 : i32
          %add3A_1650 = vector.broadcast %add3A_1649 : i32 to vector<16xi32>
          %add3A_1651 = arith.addi %add3A_1650, %iota3A : vector<16xi32>
          %and3A_1652 = arith.constant 7 : i32
          %and3A_1653 = vector.broadcast %and3A_1652 : i32 to vector<16xi32>
          %and3A_1654 = arith.andi %add3A_1651, %and3A_1653 : vector<16xi32>
          %shift_right_arithmetic3A_1655 = arith.constant 3 : i32
          %shift_right_arithmetic3A_1656 = vector.broadcast %shift_right_arithmetic3A_1655 : i32 to vector<16xi32>
          %shift_right_arithmetic3A_1657 = arith.shrsi %add3A_1651, %shift_right_arithmetic3A_1656 : vector<16xi32>
          %mul3A_1658 = arith.constant 43691 : i32
          %mul3A_1659 = vector.broadcast %mul3A_1658 : i32 to vector<16xi32>
          %mul3A_1660 = arith.muli %shift_right_arithmetic3A_1657, %mul3A_1659 : vector<16xi32>
          %shift_right_logical3A_1661 = arith.constant 18 : i32
          %shift_right_logical3A_1662 = vector.broadcast %shift_right_logical3A_1661 : i32 to vector<16xi32>
          %shift_right_logical3A_1663 = arith.shrui %mul3A_1660, %shift_right_logical3A_1662 : vector<16xi32>
          %mul3A_1664 = arith.constant 6 : i32
          %mul3A_1665 = vector.broadcast %mul3A_1664 : i32 to vector<16xi32>
          %mul3A_1666 = arith.muli %shift_right_logical3A_1663, %mul3A_1665 : vector<16xi32>
          %sub3A_1667 = arith.subi %shift_right_arithmetic3A_1657, %mul3A_1666 : vector<16xi32>
          %shift_right_arithmetic3A_1668 = arith.constant 9 : i32
          %shift_right_arithmetic3A_1669 = vector.broadcast %shift_right_arithmetic3A_1668 : i32 to vector<16xi32>
          %shift_right_arithmetic3A_1670 = arith.shrsi %shift_right_logical3A_1663, %shift_right_arithmetic3A_1669 : vector<16xi32>
          %and3A_1671 = arith.constant 511 : i32
          %and3A_1672 = vector.broadcast %and3A_1671 : i32 to vector<16xi32>
          %and3A_1673 = arith.andi %shift_right_logical3A_1663, %and3A_1672 : vector<16xi32>
          %mul3A_1674 = arith.constant 8 : i32
          %mul3A_1675 = vector.broadcast %mul3A_1674 : i32 to vector<16xi32>
          %mul3A_1676 = arith.muli %and3A_1673, %mul3A_1675 : vector<16xi32>
          %add3A_1677 = arith.addi %mul3A_1676, %and3A_1654 : vector<16xi32>
          %gather3A_1678 = tpu.vector_load_idx %arg6[%add3A_1677] : memref<4096xi32, #tpu.memory_space<vmem>>[vector<16xi32>], vector<16xi32>,
          %mul3A_1679 = arith.constant 125 : i32
          %mul3A_1680 = vector.broadcast %mul3A_1679 : i32 to vector<16xi32>
          %mul3A_1681 = arith.muli %shift_right_arithmetic3A_1670, %mul3A_1680 : vector<16xi32>
          %shift_right_arithmetic3A_1682 = arith.constant 3 : i32
          %shift_right_arithmetic3A_1683 = vector.broadcast %shift_right_arithmetic3A_1682 : i32 to vector<16xi32>
          %shift_right_arithmetic3A_1684 = arith.shrsi %gather3A_1678, %shift_right_arithmetic3A_1683 : vector<16xi32>
          %add3A_1685 = arith.addi %mul3A_1681, %shift_right_arithmetic3A_1684 : vector<16xi32>
          %mul3A_1686 = arith.constant 6 : i32
          %mul3A_1687 = vector.broadcast %mul3A_1686 : i32 to vector<16xi32>
          %mul3A_1688 = arith.muli %add3A_1685, %mul3A_1687 : vector<16xi32>
          %add3A_1689 = arith.addi %mul3A_1688, %sub3A_1667 : vector<16xi32>
          %mul3A_1690 = arith.constant 8 : i32
          %mul3A_1691 = vector.broadcast %mul3A_1690 : i32 to vector<16xi32>
          %mul3A_1692 = arith.muli %add3A_1689, %mul3A_1691 : vector<16xi32>
          %and3A_1693 = arith.constant 7 : i32
          %and3A_1694 = vector.broadcast %and3A_1693 : i32 to vector<16xi32>
          %and3A_1695 = arith.andi %gather3A_1678, %and3A_1694 : vector<16xi32>
          %add3A_1696 = arith.addi %mul3A_1692, %and3A_1695 : vector<16xi32>
          %swap3A_1697 = arith.index_cast %add3A_1534 : i32 to index
          %swap3A_1698 = arith.constant 32 : index
          %swap3A_1699 = tpu.vector_load %arg7[%swap3A_1697, %swap3A_1698] {strides = array<i32>} : memref<120x128xi32, #tpu.memory_space<vmem>>, vector<16xi32>,
          tpu.vector_store %arg7[%swap3A_1697, %swap3A_1698], %add3A_1696 {strides = array<i32>} : memref<120x128xi32, #tpu.memory_space<vmem>>, vector<16xi32>,
          %mul3A_1700 = arith.constant 128 : i32
          %mul3A_1701 = arith.muli %add3A_1534, %mul3A_1700 : i32
          %add3A_1702 = arith.addi %mul3A_2, %mul3A_1701 : i32
          %add3A_1703 = arith.constant 48 : i32
          %add3A_1704 = arith.addi %add3A_1702, %add3A_1703 : i32
          %add3A_1705 = vector.broadcast %add3A_1704 : i32 to vector<16xi32>
          %add3A_1706 = arith.addi %add3A_1705, %iota3A : vector<16xi32>
          %and3A_1707 = arith.constant 7 : i32
          %and3A_1708 = vector.broadcast %and3A_1707 : i32 to vector<16xi32>
          %and3A_1709 = arith.andi %add3A_1706, %and3A_1708 : vector<16xi32>
          %shift_right_arithmetic3A_1710 = arith.constant 3 : i32
          %shift_right_arithmetic3A_1711 = vector.broadcast %shift_right_arithmetic3A_1710 : i32 to vector<16xi32>
          %shift_right_arithmetic3A_1712 = arith.shrsi %add3A_1706, %shift_right_arithmetic3A_1711 : vector<16xi32>
          %mul3A_1713 = arith.constant 43691 : i32
          %mul3A_1714 = vector.broadcast %mul3A_1713 : i32 to vector<16xi32>
          %mul3A_1715 = arith.muli %shift_right_arithmetic3A_1712, %mul3A_1714 : vector<16xi32>
          %shift_right_logical3A_1716 = arith.constant 18 : i32
          %shift_right_logical3A_1717 = vector.broadcast %shift_right_logical3A_1716 : i32 to vector<16xi32>
          %shift_right_logical3A_1718 = arith.shrui %mul3A_1715, %shift_right_logical3A_1717 : vector<16xi32>
          %mul3A_1719 = arith.constant 6 : i32
          %mul3A_1720 = vector.broadcast %mul3A_1719 : i32 to vector<16xi32>
          %mul3A_1721 = arith.muli %shift_right_logical3A_1718, %mul3A_1720 : vector<16xi32>
          %sub3A_1722 = arith.subi %shift_right_arithmetic3A_1712, %mul3A_1721 : vector<16xi32>
          %shift_right_arithmetic3A_1723 = arith.constant 9 : i32
          %shift_right_arithmetic3A_1724 = vector.broadcast %shift_right_arithmetic3A_1723 : i32 to vector<16xi32>
          %shift_right_arithmetic3A_1725 = arith.shrsi %shift_right_logical3A_1718, %shift_right_arithmetic3A_1724 : vector<16xi32>
          %and3A_1726 = arith.constant 511 : i32
          %and3A_1727 = vector.broadcast %and3A_1726 : i32 to vector<16xi32>
          %and3A_1728 = arith.andi %shift_right_logical3A_1718, %and3A_1727 : vector<16xi32>
          %mul3A_1729 = arith.constant 8 : i32
          %mul3A_1730 = vector.broadcast %mul3A_1729 : i32 to vector<16xi32>
          %mul3A_1731 = arith.muli %and3A_1728, %mul3A_1730 : vector<16xi32>
          %add3A_1732 = arith.addi %mul3A_1731, %and3A_1709 : vector<16xi32>
          %gather3A_1733 = tpu.vector_load_idx %arg6[%add3A_1732] : memref<4096xi32, #tpu.memory_space<vmem>>[vector<16xi32>], vector<16xi32>,
          %mul3A_1734 = arith.constant 125 : i32
          %mul3A_1735 = vector.broadcast %mul3A_1734 : i32 to vector<16xi32>
          %mul3A_1736 = arith.muli %shift_right_arithmetic3A_1725, %mul3A_1735 : vector<16xi32>
          %shift_right_arithmetic3A_1737 = arith.constant 3 : i32
          %shift_right_arithmetic3A_1738 = vector.broadcast %shift_right_arithmetic3A_1737 : i32 to vector<16xi32>
          %shift_right_arithmetic3A_1739 = arith.shrsi %gather3A_1733, %shift_right_arithmetic3A_1738 : vector<16xi32>
          %add3A_1740 = arith.addi %mul3A_1736, %shift_right_arithmetic3A_1739 : vector<16xi32>
          %mul3A_1741 = arith.constant 6 : i32
          %mul3A_1742 = vector.broadcast %mul3A_1741 : i32 to vector<16xi32>
          %mul3A_1743 = arith.muli %add3A_1740, %mul3A_1742 : vector<16xi32>
          %add3A_1744 = arith.addi %mul3A_1743, %sub3A_1722 : vector<16xi32>
          %mul3A_1745 = arith.constant 8 : i32
          %mul3A_1746 = vector.broadcast %mul3A_1745 : i32 to vector<16xi32>
          %mul3A_1747 = arith.muli %add3A_1744, %mul3A_1746 : vector<16xi32>
          %and3A_1748 = arith.constant 7 : i32
          %and3A_1749 = vector.broadcast %and3A_1748 : i32 to vector<16xi32>
          %and3A_1750 = arith.andi %gather3A_1733, %and3A_1749 : vector<16xi32>
          %add3A_1751 = arith.addi %mul3A_1747, %and3A_1750 : vector<16xi32>
          %swap3A_1752 = arith.index_cast %add3A_1534 : i32 to index
          %swap3A_1753 = arith.constant 48 : index
          %swap3A_1754 = tpu.vector_load %arg7[%swap3A_1752, %swap3A_1753] {strides = array<i32>} : memref<120x128xi32, #tpu.memory_space<vmem>>, vector<16xi32>,
          tpu.vector_store %arg7[%swap3A_1752, %swap3A_1753], %add3A_1751 {strides = array<i32>} : memref<120x128xi32, #tpu.memory_space<vmem>>, vector<16xi32>,
          %mul3A_1755 = arith.constant 128 : i32
          %mul3A_1756 = arith.muli %add3A_1534, %mul3A_1755 : i32
          %add3A_1757 = arith.addi %mul3A_2, %mul3A_1756 : i32
          %add3A_1758 = arith.constant 64 : i32
          %add3A_1759 = arith.addi %add3A_1757, %add3A_1758 : i32
          %add3A_1760 = vector.broadcast %add3A_1759 : i32 to vector<16xi32>
          %add3A_1761 = arith.addi %add3A_1760, %iota3A : vector<16xi32>
          %and3A_1762 = arith.constant 7 : i32
          %and3A_1763 = vector.broadcast %and3A_1762 : i32 to vector<16xi32>
          %and3A_1764 = arith.andi %add3A_1761, %and3A_1763 : vector<16xi32>
          %shift_right_arithmetic3A_1765 = arith.constant 3 : i32
          %shift_right_arithmetic3A_1766 = vector.broadcast %shift_right_arithmetic3A_1765 : i32 to vector<16xi32>
          %shift_right_arithmetic3A_1767 = arith.shrsi %add3A_1761, %shift_right_arithmetic3A_1766 : vector<16xi32>
          %mul3A_1768 = arith.constant 43691 : i32
          %mul3A_1769 = vector.broadcast %mul3A_1768 : i32 to vector<16xi32>
          %mul3A_1770 = arith.muli %shift_right_arithmetic3A_1767, %mul3A_1769 : vector<16xi32>
          %shift_right_logical3A_1771 = arith.constant 18 : i32
          %shift_right_logical3A_1772 = vector.broadcast %shift_right_logical3A_1771 : i32 to vector<16xi32>
          %shift_right_logical3A_1773 = arith.shrui %mul3A_1770, %shift_right_logical3A_1772 : vector<16xi32>
          %mul3A_1774 = arith.constant 6 : i32
          %mul3A_1775 = vector.broadcast %mul3A_1774 : i32 to vector<16xi32>
          %mul3A_1776 = arith.muli %shift_right_logical3A_1773, %mul3A_1775 : vector<16xi32>
          %sub3A_1777 = arith.subi %shift_right_arithmetic3A_1767, %mul3A_1776 : vector<16xi32>
          %shift_right_arithmetic3A_1778 = arith.constant 9 : i32
          %shift_right_arithmetic3A_1779 = vector.broadcast %shift_right_arithmetic3A_1778 : i32 to vector<16xi32>
          %shift_right_arithmetic3A_1780 = arith.shrsi %shift_right_logical3A_1773, %shift_right_arithmetic3A_1779 : vector<16xi32>
          %and3A_1781 = arith.constant 511 : i32
          %and3A_1782 = vector.broadcast %and3A_1781 : i32 to vector<16xi32>
          %and3A_1783 = arith.andi %shift_right_logical3A_1773, %and3A_1782 : vector<16xi32>
          %mul3A_1784 = arith.constant 8 : i32
          %mul3A_1785 = vector.broadcast %mul3A_1784 : i32 to vector<16xi32>
          %mul3A_1786 = arith.muli %and3A_1783, %mul3A_1785 : vector<16xi32>
          %add3A_1787 = arith.addi %mul3A_1786, %and3A_1764 : vector<16xi32>
          %gather3A_1788 = tpu.vector_load_idx %arg6[%add3A_1787] : memref<4096xi32, #tpu.memory_space<vmem>>[vector<16xi32>], vector<16xi32>,
          %mul3A_1789 = arith.constant 125 : i32
          %mul3A_1790 = vector.broadcast %mul3A_1789 : i32 to vector<16xi32>
          %mul3A_1791 = arith.muli %shift_right_arithmetic3A_1780, %mul3A_1790 : vector<16xi32>
          %shift_right_arithmetic3A_1792 = arith.constant 3 : i32
          %shift_right_arithmetic3A_1793 = vector.broadcast %shift_right_arithmetic3A_1792 : i32 to vector<16xi32>
          %shift_right_arithmetic3A_1794 = arith.shrsi %gather3A_1788, %shift_right_arithmetic3A_1793 : vector<16xi32>
          %add3A_1795 = arith.addi %mul3A_1791, %shift_right_arithmetic3A_1794 : vector<16xi32>
          %mul3A_1796 = arith.constant 6 : i32
          %mul3A_1797 = vector.broadcast %mul3A_1796 : i32 to vector<16xi32>
          %mul3A_1798 = arith.muli %add3A_1795, %mul3A_1797 : vector<16xi32>
          %add3A_1799 = arith.addi %mul3A_1798, %sub3A_1777 : vector<16xi32>
          %mul3A_1800 = arith.constant 8 : i32
          %mul3A_1801 = vector.broadcast %mul3A_1800 : i32 to vector<16xi32>
          %mul3A_1802 = arith.muli %add3A_1799, %mul3A_1801 : vector<16xi32>
          %and3A_1803 = arith.constant 7 : i32
          %and3A_1804 = vector.broadcast %and3A_1803 : i32 to vector<16xi32>
          %and3A_1805 = arith.andi %gather3A_1788, %and3A_1804 : vector<16xi32>
          %add3A_1806 = arith.addi %mul3A_1802, %and3A_1805 : vector<16xi32>
          %swap3A_1807 = arith.index_cast %add3A_1534 : i32 to index
          %swap3A_1808 = arith.constant 64 : index
          %swap3A_1809 = tpu.vector_load %arg7[%swap3A_1807, %swap3A_1808] {strides = array<i32>} : memref<120x128xi32, #tpu.memory_space<vmem>>, vector<16xi32>,
          tpu.vector_store %arg7[%swap3A_1807, %swap3A_1808], %add3A_1806 {strides = array<i32>} : memref<120x128xi32, #tpu.memory_space<vmem>>, vector<16xi32>,
          %mul3A_1810 = arith.constant 128 : i32
          %mul3A_1811 = arith.muli %add3A_1534, %mul3A_1810 : i32
          %add3A_1812 = arith.addi %mul3A_2, %mul3A_1811 : i32
          %add3A_1813 = arith.constant 80 : i32
          %add3A_1814 = arith.addi %add3A_1812, %add3A_1813 : i32
          %add3A_1815 = vector.broadcast %add3A_1814 : i32 to vector<16xi32>
          %add3A_1816 = arith.addi %add3A_1815, %iota3A : vector<16xi32>
          %and3A_1817 = arith.constant 7 : i32
          %and3A_1818 = vector.broadcast %and3A_1817 : i32 to vector<16xi32>
          %and3A_1819 = arith.andi %add3A_1816, %and3A_1818 : vector<16xi32>
          %shift_right_arithmetic3A_1820 = arith.constant 3 : i32
          %shift_right_arithmetic3A_1821 = vector.broadcast %shift_right_arithmetic3A_1820 : i32 to vector<16xi32>
          %shift_right_arithmetic3A_1822 = arith.shrsi %add3A_1816, %shift_right_arithmetic3A_1821 : vector<16xi32>
          %mul3A_1823 = arith.constant 43691 : i32
          %mul3A_1824 = vector.broadcast %mul3A_1823 : i32 to vector<16xi32>
          %mul3A_1825 = arith.muli %shift_right_arithmetic3A_1822, %mul3A_1824 : vector<16xi32>
          %shift_right_logical3A_1826 = arith.constant 18 : i32
          %shift_right_logical3A_1827 = vector.broadcast %shift_right_logical3A_1826 : i32 to vector<16xi32>
          %shift_right_logical3A_1828 = arith.shrui %mul3A_1825, %shift_right_logical3A_1827 : vector<16xi32>
          %mul3A_1829 = arith.constant 6 : i32
          %mul3A_1830 = vector.broadcast %mul3A_1829 : i32 to vector<16xi32>
          %mul3A_1831 = arith.muli %shift_right_logical3A_1828, %mul3A_1830 : vector<16xi32>
          %sub3A_1832 = arith.subi %shift_right_arithmetic3A_1822, %mul3A_1831 : vector<16xi32>
          %shift_right_arithmetic3A_1833 = arith.constant 9 : i32
          %shift_right_arithmetic3A_1834 = vector.broadcast %shift_right_arithmetic3A_1833 : i32 to vector<16xi32>
          %shift_right_arithmetic3A_1835 = arith.shrsi %shift_right_logical3A_1828, %shift_right_arithmetic3A_1834 : vector<16xi32>
          %and3A_1836 = arith.constant 511 : i32
          %and3A_1837 = vector.broadcast %and3A_1836 : i32 to vector<16xi32>
          %and3A_1838 = arith.andi %shift_right_logical3A_1828, %and3A_1837 : vector<16xi32>
          %mul3A_1839 = arith.constant 8 : i32
          %mul3A_1840 = vector.broadcast %mul3A_1839 : i32 to vector<16xi32>
          %mul3A_1841 = arith.muli %and3A_1838, %mul3A_1840 : vector<16xi32>
          %add3A_1842 = arith.addi %mul3A_1841, %and3A_1819 : vector<16xi32>
          %gather3A_1843 = tpu.vector_load_idx %arg6[%add3A_1842] : memref<4096xi32, #tpu.memory_space<vmem>>[vector<16xi32>], vector<16xi32>,
          %mul3A_1844 = arith.constant 125 : i32
          %mul3A_1845 = vector.broadcast %mul3A_1844 : i32 to vector<16xi32>
          %mul3A_1846 = arith.muli %shift_right_arithmetic3A_1835, %mul3A_1845 : vector<16xi32>
          %shift_right_arithmetic3A_1847 = arith.constant 3 : i32
          %shift_right_arithmetic3A_1848 = vector.broadcast %shift_right_arithmetic3A_1847 : i32 to vector<16xi32>
          %shift_right_arithmetic3A_1849 = arith.shrsi %gather3A_1843, %shift_right_arithmetic3A_1848 : vector<16xi32>
          %add3A_1850 = arith.addi %mul3A_1846, %shift_right_arithmetic3A_1849 : vector<16xi32>
          %mul3A_1851 = arith.constant 6 : i32
          %mul3A_1852 = vector.broadcast %mul3A_1851 : i32 to vector<16xi32>
          %mul3A_1853 = arith.muli %add3A_1850, %mul3A_1852 : vector<16xi32>
          %add3A_1854 = arith.addi %mul3A_1853, %sub3A_1832 : vector<16xi32>
          %mul3A_1855 = arith.constant 8 : i32
          %mul3A_1856 = vector.broadcast %mul3A_1855 : i32 to vector<16xi32>
          %mul3A_1857 = arith.muli %add3A_1854, %mul3A_1856 : vector<16xi32>
          %and3A_1858 = arith.constant 7 : i32
          %and3A_1859 = vector.broadcast %and3A_1858 : i32 to vector<16xi32>
          %and3A_1860 = arith.andi %gather3A_1843, %and3A_1859 : vector<16xi32>
          %add3A_1861 = arith.addi %mul3A_1857, %and3A_1860 : vector<16xi32>
          %swap3A_1862 = arith.index_cast %add3A_1534 : i32 to index
          %swap3A_1863 = arith.constant 80 : index
          %swap3A_1864 = tpu.vector_load %arg7[%swap3A_1862, %swap3A_1863] {strides = array<i32>} : memref<120x128xi32, #tpu.memory_space<vmem>>, vector<16xi32>,
          tpu.vector_store %arg7[%swap3A_1862, %swap3A_1863], %add3A_1861 {strides = array<i32>} : memref<120x128xi32, #tpu.memory_space<vmem>>, vector<16xi32>,
          %mul3A_1865 = arith.constant 128 : i32
          %mul3A_1866 = arith.muli %add3A_1534, %mul3A_1865 : i32
          %add3A_1867 = arith.addi %mul3A_2, %mul3A_1866 : i32
          %add3A_1868 = arith.constant 96 : i32
          %add3A_1869 = arith.addi %add3A_1867, %add3A_1868 : i32
          %add3A_1870 = vector.broadcast %add3A_1869 : i32 to vector<16xi32>
          %add3A_1871 = arith.addi %add3A_1870, %iota3A : vector<16xi32>
          %and3A_1872 = arith.constant 7 : i32
          %and3A_1873 = vector.broadcast %and3A_1872 : i32 to vector<16xi32>
          %and3A_1874 = arith.andi %add3A_1871, %and3A_1873 : vector<16xi32>
          %shift_right_arithmetic3A_1875 = arith.constant 3 : i32
          %shift_right_arithmetic3A_1876 = vector.broadcast %shift_right_arithmetic3A_1875 : i32 to vector<16xi32>
          %shift_right_arithmetic3A_1877 = arith.shrsi %add3A_1871, %shift_right_arithmetic3A_1876 : vector<16xi32>
          %mul3A_1878 = arith.constant 43691 : i32
          %mul3A_1879 = vector.broadcast %mul3A_1878 : i32 to vector<16xi32>
          %mul3A_1880 = arith.muli %shift_right_arithmetic3A_1877, %mul3A_1879 : vector<16xi32>
          %shift_right_logical3A_1881 = arith.constant 18 : i32
          %shift_right_logical3A_1882 = vector.broadcast %shift_right_logical3A_1881 : i32 to vector<16xi32>
          %shift_right_logical3A_1883 = arith.shrui %mul3A_1880, %shift_right_logical3A_1882 : vector<16xi32>
          %mul3A_1884 = arith.constant 6 : i32
          %mul3A_1885 = vector.broadcast %mul3A_1884 : i32 to vector<16xi32>
          %mul3A_1886 = arith.muli %shift_right_logical3A_1883, %mul3A_1885 : vector<16xi32>
          %sub3A_1887 = arith.subi %shift_right_arithmetic3A_1877, %mul3A_1886 : vector<16xi32>
          %shift_right_arithmetic3A_1888 = arith.constant 9 : i32
          %shift_right_arithmetic3A_1889 = vector.broadcast %shift_right_arithmetic3A_1888 : i32 to vector<16xi32>
          %shift_right_arithmetic3A_1890 = arith.shrsi %shift_right_logical3A_1883, %shift_right_arithmetic3A_1889 : vector<16xi32>
          %and3A_1891 = arith.constant 511 : i32
          %and3A_1892 = vector.broadcast %and3A_1891 : i32 to vector<16xi32>
          %and3A_1893 = arith.andi %shift_right_logical3A_1883, %and3A_1892 : vector<16xi32>
          %mul3A_1894 = arith.constant 8 : i32
          %mul3A_1895 = vector.broadcast %mul3A_1894 : i32 to vector<16xi32>
          %mul3A_1896 = arith.muli %and3A_1893, %mul3A_1895 : vector<16xi32>
          %add3A_1897 = arith.addi %mul3A_1896, %and3A_1874 : vector<16xi32>
          %gather3A_1898 = tpu.vector_load_idx %arg6[%add3A_1897] : memref<4096xi32, #tpu.memory_space<vmem>>[vector<16xi32>], vector<16xi32>,
          %mul3A_1899 = arith.constant 125 : i32
          %mul3A_1900 = vector.broadcast %mul3A_1899 : i32 to vector<16xi32>
          %mul3A_1901 = arith.muli %shift_right_arithmetic3A_1890, %mul3A_1900 : vector<16xi32>
          %shift_right_arithmetic3A_1902 = arith.constant 3 : i32
          %shift_right_arithmetic3A_1903 = vector.broadcast %shift_right_arithmetic3A_1902 : i32 to vector<16xi32>
          %shift_right_arithmetic3A_1904 = arith.shrsi %gather3A_1898, %shift_right_arithmetic3A_1903 : vector<16xi32>
          %add3A_1905 = arith.addi %mul3A_1901, %shift_right_arithmetic3A_1904 : vector<16xi32>
          %mul3A_1906 = arith.constant 6 : i32
          %mul3A_1907 = vector.broadcast %mul3A_1906 : i32 to vector<16xi32>
          %mul3A_1908 = arith.muli %add3A_1905, %mul3A_1907 : vector<16xi32>
          %add3A_1909 = arith.addi %mul3A_1908, %sub3A_1887 : vector<16xi32>
          %mul3A_1910 = arith.constant 8 : i32
          %mul3A_1911 = vector.broadcast %mul3A_1910 : i32 to vector<16xi32>
          %mul3A_1912 = arith.muli %add3A_1909, %mul3A_1911 : vector<16xi32>
          %and3A_1913 = arith.constant 7 : i32
          %and3A_1914 = vector.broadcast %and3A_1913 : i32 to vector<16xi32>
          %and3A_1915 = arith.andi %gather3A_1898, %and3A_1914 : vector<16xi32>
          %add3A_1916 = arith.addi %mul3A_1912, %and3A_1915 : vector<16xi32>
          %swap3A_1917 = arith.index_cast %add3A_1534 : i32 to index
          %swap3A_1918 = arith.constant 96 : index
          %swap3A_1919 = tpu.vector_load %arg7[%swap3A_1917, %swap3A_1918] {strides = array<i32>} : memref<120x128xi32, #tpu.memory_space<vmem>>, vector<16xi32>,
          tpu.vector_store %arg7[%swap3A_1917, %swap3A_1918], %add3A_1916 {strides = array<i32>} : memref<120x128xi32, #tpu.memory_space<vmem>>, vector<16xi32>,
          %mul3A_1920 = arith.constant 128 : i32
          %mul3A_1921 = arith.muli %add3A_1534, %mul3A_1920 : i32
          %add3A_1922 = arith.addi %mul3A_2, %mul3A_1921 : i32
          %add3A_1923 = arith.constant 112 : i32
          %add3A_1924 = arith.addi %add3A_1922, %add3A_1923 : i32
          %add3A_1925 = vector.broadcast %add3A_1924 : i32 to vector<16xi32>
          %add3A_1926 = arith.addi %add3A_1925, %iota3A : vector<16xi32>
          %and3A_1927 = arith.constant 7 : i32
          %and3A_1928 = vector.broadcast %and3A_1927 : i32 to vector<16xi32>
          %and3A_1929 = arith.andi %add3A_1926, %and3A_1928 : vector<16xi32>
          %shift_right_arithmetic3A_1930 = arith.constant 3 : i32
          %shift_right_arithmetic3A_1931 = vector.broadcast %shift_right_arithmetic3A_1930 : i32 to vector<16xi32>
          %shift_right_arithmetic3A_1932 = arith.shrsi %add3A_1926, %shift_right_arithmetic3A_1931 : vector<16xi32>
          %mul3A_1933 = arith.constant 43691 : i32
          %mul3A_1934 = vector.broadcast %mul3A_1933 : i32 to vector<16xi32>
          %mul3A_1935 = arith.muli %shift_right_arithmetic3A_1932, %mul3A_1934 : vector<16xi32>
          %shift_right_logical3A_1936 = arith.constant 18 : i32
          %shift_right_logical3A_1937 = vector.broadcast %shift_right_logical3A_1936 : i32 to vector<16xi32>
          %shift_right_logical3A_1938 = arith.shrui %mul3A_1935, %shift_right_logical3A_1937 : vector<16xi32>
          %mul3A_1939 = arith.constant 6 : i32
          %mul3A_1940 = vector.broadcast %mul3A_1939 : i32 to vector<16xi32>
          %mul3A_1941 = arith.muli %shift_right_logical3A_1938, %mul3A_1940 : vector<16xi32>
          %sub3A_1942 = arith.subi %shift_right_arithmetic3A_1932, %mul3A_1941 : vector<16xi32>
          %shift_right_arithmetic3A_1943 = arith.constant 9 : i32
          %shift_right_arithmetic3A_1944 = vector.broadcast %shift_right_arithmetic3A_1943 : i32 to vector<16xi32>
          %shift_right_arithmetic3A_1945 = arith.shrsi %shift_right_logical3A_1938, %shift_right_arithmetic3A_1944 : vector<16xi32>
          %and3A_1946 = arith.constant 511 : i32
          %and3A_1947 = vector.broadcast %and3A_1946 : i32 to vector<16xi32>
          %and3A_1948 = arith.andi %shift_right_logical3A_1938, %and3A_1947 : vector<16xi32>
          %mul3A_1949 = arith.constant 8 : i32
          %mul3A_1950 = vector.broadcast %mul3A_1949 : i32 to vector<16xi32>
          %mul3A_1951 = arith.muli %and3A_1948, %mul3A_1950 : vector<16xi32>
          %add3A_1952 = arith.addi %mul3A_1951, %and3A_1929 : vector<16xi32>
          %gather3A_1953 = tpu.vector_load_idx %arg6[%add3A_1952] : memref<4096xi32, #tpu.memory_space<vmem>>[vector<16xi32>], vector<16xi32>,
          %mul3A_1954 = arith.constant 125 : i32
          %mul3A_1955 = vector.broadcast %mul3A_1954 : i32 to vector<16xi32>
          %mul3A_1956 = arith.muli %shift_right_arithmetic3A_1945, %mul3A_1955 : vector<16xi32>
          %shift_right_arithmetic3A_1957 = arith.constant 3 : i32
          %shift_right_arithmetic3A_1958 = vector.broadcast %shift_right_arithmetic3A_1957 : i32 to vector<16xi32>
          %shift_right_arithmetic3A_1959 = arith.shrsi %gather3A_1953, %shift_right_arithmetic3A_1958 : vector<16xi32>
          %add3A_1960 = arith.addi %mul3A_1956, %shift_right_arithmetic3A_1959 : vector<16xi32>
          %mul3A_1961 = arith.constant 6 : i32
          %mul3A_1962 = vector.broadcast %mul3A_1961 : i32 to vector<16xi32>
          %mul3A_1963 = arith.muli %add3A_1960, %mul3A_1962 : vector<16xi32>
          %add3A_1964 = arith.addi %mul3A_1963, %sub3A_1942 : vector<16xi32>
          %mul3A_1965 = arith.constant 8 : i32
          %mul3A_1966 = vector.broadcast %mul3A_1965 : i32 to vector<16xi32>
          %mul3A_1967 = arith.muli %add3A_1964, %mul3A_1966 : vector<16xi32>
          %and3A_1968 = arith.constant 7 : i32
          %and3A_1969 = vector.broadcast %and3A_1968 : i32 to vector<16xi32>
          %and3A_1970 = arith.andi %gather3A_1953, %and3A_1969 : vector<16xi32>
          %add3A_1971 = arith.addi %mul3A_1967, %and3A_1970 : vector<16xi32>
          %swap3A_1972 = arith.index_cast %add3A_1534 : i32 to index
          %swap3A_1973 = arith.constant 112 : index
          %swap3A_1974 = tpu.vector_load %arg7[%swap3A_1972, %swap3A_1973] {strides = array<i32>} : memref<120x128xi32, #tpu.memory_space<vmem>>, vector<16xi32>,
          tpu.vector_store %arg7[%swap3A_1972, %swap3A_1973], %add3A_1971 {strides = array<i32>} : memref<120x128xi32, #tpu.memory_space<vmem>>, vector<16xi32>,
          %add3A_1975 = arith.constant 3 : i32
          %add3A_1976 = arith.addi %add3A_1478, %add3A_1975 : i32
          %dma_start3A_1977 = arith.constant 0 : i32
          %dma_start3A_1978 = tpu.memref_slice %arg7[%add3A_1976, %dma_start3A_1977] : memref<120x128xi32, #tpu.memory_space<vmem>> -> memref<1x128xi32, #tpu.memory_space<vmem>>
          %dma_start3A_1979 = tpu.memref_squeeze %dma_start3A_1978 : memref<1x128xi32, #tpu.memory_space<vmem>> -> memref<128xi32, #tpu.memory_space<vmem>>
          %dma_start3A_1980 = arith.constant 0 : i32
          %dma_start3A_1981 = arith.constant 0 : i32
          %dma_start3A_1982 = tpu.memref_slice %arg2[%dma_start3A_1980, %dma_start3A_1981] : memref<120000x128xf32, #tpu.memory_space<hbm>> -> memref<120000x128xf32, #tpu.memory_space<hbm>>
          tpu.enqueue_indirect_dma source(%dma_start3A_1982 : memref<120000x128xf32, #tpu.memory_space<hbm>>) target(%arg9 : memref<128x128xf32, #tpu.memory_space<vmem>>) offsets(%dma_start3A_1979 : memref<128xi32, #tpu.memory_space<vmem>>) semaphore(%arg16 : memref<!tpu.dma_semaphore, #tpu.memory_space<semaphore_mem>>)
        } else {
        }
        %mul3A_1504 = arith.constant 6 : i32
        %mul3A_1505 = arith.muli %mul3A_1504, %scan3A_1360 : i32
        %add3A_1506 = arith.constant 5 : i32
        %add3A_1507 = arith.addi %mul3A_1505, %add3A_1506 : i32
        %dma_wait3A_1508 = arith.constant 0 : i32
        %dma_wait3A_1509 = tpu.memref_slice %arg7[%add3A_1507, %dma_wait3A_1508] : memref<120x128xi32, #tpu.memory_space<vmem>> -> memref<1x128xi32, #tpu.memory_space<vmem>>
        %dma_wait3A_1510 = tpu.memref_squeeze %dma_wait3A_1509 : memref<1x128xi32, #tpu.memory_space<vmem>> -> memref<128xi32, #tpu.memory_space<vmem>>
        %dma_wait3A_1511 = arith.constant 0 : i32
        %dma_wait3A_1512 = arith.constant 0 : i32
        %dma_wait3A_1513 = tpu.memref_slice %arg2[%dma_wait3A_1511, %dma_wait3A_1512] : memref<120000x128xf32, #tpu.memory_space<hbm>> -> memref<120000x128xf32, #tpu.memory_space<hbm>>
        tpu.wait_indirect_dma semaphore(%arg20 : memref<!tpu.dma_semaphore, #tpu.memory_space<semaphore_mem>>) src(%dma_wait3A_1513 : memref<120000x128xf32, #tpu.memory_space<hbm>>) dst(%arg13 : memref<128x128xf32, #tpu.memory_space<vmem>>)
        %mul3A_1514 = arith.constant 128 : i32
        %mul3A_1515 = arith.muli %add3A_1507, %mul3A_1514 : i32
        %add3A_1516 = arith.addi %mul3A_2, %mul3A_1515 : i32
        %dma_start3A_1517 = arith.constant 0 : i32
        %dma_start3A_1518 = tpu.memref_slice %arg5[%add3A_1516, %dma_start3A_1517] : memref<491520x128xf32, #tpu.memory_space<hbm>> -> memref<128x128xf32, #tpu.memory_space<hbm>>
        %dma_start3A_1519 = arith.constant 0 : i32
        %dma_start3A_1520 = tpu.memref_slice %arg5[%add3A_1516, %dma_start3A_1519] : memref<491520x128xf32, #tpu.memory_space<hbm>> -> memref<128x128xf32, #tpu.memory_space<hbm>>
        tpu.enqueue_dma source(%arg13 : memref<128x128xf32, #tpu.memory_space<vmem>>) target(%dma_start3A_1520 : memref<128x128xf32, #tpu.memory_space<hbm>>) target_semaphore(%arg26 : memref<!tpu.dma_semaphore, #tpu.memory_space<semaphore_mem>>)
        %ge3A_1521 = arith.constant 3 : i32
        %ge3A_1522 = arith.cmpi sge, %add3A_1507, %ge3A_1521 : i32
        %convert_element_type3A_1523 = arith.extui %ge3A_1522 : i1 to i32
        %cond3A_1524 = arith.constant 0 : i32
        %cond3A_1525 = arith.cmpi ne, %convert_element_type3A_1523, %cond3A_1524 : i32
        scf.if %cond3A_1525 {
          %dma_wait3A_1533 = arith.constant 0 : i32
          %dma_wait3A_1534 = tpu.memref_slice %arg5[%mul3A_2, %dma_wait3A_1533] : memref<491520x128xf32, #tpu.memory_space<hbm>> -> memref<128x128xf32, #tpu.memory_space<hbm>>
          %dma_wait3A_1535 = arith.constant 0 : i32
          %dma_wait3A_1536 = tpu.memref_slice %arg5[%mul3A_2, %dma_wait3A_1535] : memref<491520x128xf32, #tpu.memory_space<hbm>> -> memref<128x128xf32, #tpu.memory_space<hbm>>
          tpu.wait_dma2 semaphore(%arg23 : memref<!tpu.dma_semaphore, #tpu.memory_space<semaphore_mem>>) src(%arg10 : memref<128x128xf32, #tpu.memory_space<vmem>>) dst(%dma_wait3A_1536 : memref<128x128xf32, #tpu.memory_space<hbm>>)
        } else {
        }
        %add3A_1526 = arith.constant 3 : i32
        %add3A_1527 = arith.addi %add3A_1507, %add3A_1526 : i32
        %lt3A_1528 = arith.constant 120 : i32
        %lt3A_1529 = arith.cmpi slt, %add3A_1527, %lt3A_1528 : i32
        %convert_element_type3A_1530 = arith.extui %lt3A_1529 : i1 to i32
        %cond3A_1531 = arith.constant 0 : i32
        %cond3A_1532 = arith.cmpi ne, %convert_element_type3A_1530, %cond3A_1531 : i32
        scf.if %cond3A_1532 {
          %add3A_1533 = arith.constant 3 : i32
          %add3A_1534 = arith.addi %add3A_1507, %add3A_1533 : i32
          %mul3A_1535 = arith.constant 128 : i32
          %mul3A_1536 = arith.muli %add3A_1534, %mul3A_1535 : i32
          %add3A_1537 = arith.addi %mul3A_2, %mul3A_1536 : i32
          %add3A_1538 = arith.constant 0 : i32
          %add3A_1539 = arith.addi %add3A_1537, %add3A_1538 : i32
          %add3A_1540 = vector.broadcast %add3A_1539 : i32 to vector<16xi32>
          %add3A_1541 = arith.addi %add3A_1540, %iota3A : vector<16xi32>
          %and3A_1542 = arith.constant 7 : i32
          %and3A_1543 = vector.broadcast %and3A_1542 : i32 to vector<16xi32>
          %and3A_1544 = arith.andi %add3A_1541, %and3A_1543 : vector<16xi32>
          %shift_right_arithmetic3A_1545 = arith.constant 3 : i32
          %shift_right_arithmetic3A_1546 = vector.broadcast %shift_right_arithmetic3A_1545 : i32 to vector<16xi32>
          %shift_right_arithmetic3A_1547 = arith.shrsi %add3A_1541, %shift_right_arithmetic3A_1546 : vector<16xi32>
          %mul3A_1548 = arith.constant 43691 : i32
          %mul3A_1549 = vector.broadcast %mul3A_1548 : i32 to vector<16xi32>
          %mul3A_1550 = arith.muli %shift_right_arithmetic3A_1547, %mul3A_1549 : vector<16xi32>
          %shift_right_logical3A_1551 = arith.constant 18 : i32
          %shift_right_logical3A_1552 = vector.broadcast %shift_right_logical3A_1551 : i32 to vector<16xi32>
          %shift_right_logical3A_1553 = arith.shrui %mul3A_1550, %shift_right_logical3A_1552 : vector<16xi32>
          %mul3A_1554 = arith.constant 6 : i32
          %mul3A_1555 = vector.broadcast %mul3A_1554 : i32 to vector<16xi32>
          %mul3A_1556 = arith.muli %shift_right_logical3A_1553, %mul3A_1555 : vector<16xi32>
          %sub3A_1557 = arith.subi %shift_right_arithmetic3A_1547, %mul3A_1556 : vector<16xi32>
          %shift_right_arithmetic3A_1558 = arith.constant 9 : i32
          %shift_right_arithmetic3A_1559 = vector.broadcast %shift_right_arithmetic3A_1558 : i32 to vector<16xi32>
          %shift_right_arithmetic3A_1560 = arith.shrsi %shift_right_logical3A_1553, %shift_right_arithmetic3A_1559 : vector<16xi32>
          %and3A_1561 = arith.constant 511 : i32
          %and3A_1562 = vector.broadcast %and3A_1561 : i32 to vector<16xi32>
          %and3A_1563 = arith.andi %shift_right_logical3A_1553, %and3A_1562 : vector<16xi32>
          %mul3A_1564 = arith.constant 8 : i32
          %mul3A_1565 = vector.broadcast %mul3A_1564 : i32 to vector<16xi32>
          %mul3A_1566 = arith.muli %and3A_1563, %mul3A_1565 : vector<16xi32>
          %add3A_1567 = arith.addi %mul3A_1566, %and3A_1544 : vector<16xi32>
          %gather3A_1568 = tpu.vector_load_idx %arg6[%add3A_1567] : memref<4096xi32, #tpu.memory_space<vmem>>[vector<16xi32>], vector<16xi32>,
          %mul3A_1569 = arith.constant 125 : i32
          %mul3A_1570 = vector.broadcast %mul3A_1569 : i32 to vector<16xi32>
          %mul3A_1571 = arith.muli %shift_right_arithmetic3A_1560, %mul3A_1570 : vector<16xi32>
          %shift_right_arithmetic3A_1572 = arith.constant 3 : i32
          %shift_right_arithmetic3A_1573 = vector.broadcast %shift_right_arithmetic3A_1572 : i32 to vector<16xi32>
          %shift_right_arithmetic3A_1574 = arith.shrsi %gather3A_1568, %shift_right_arithmetic3A_1573 : vector<16xi32>
          %add3A_1575 = arith.addi %mul3A_1571, %shift_right_arithmetic3A_1574 : vector<16xi32>
          %mul3A_1576 = arith.constant 6 : i32
          %mul3A_1577 = vector.broadcast %mul3A_1576 : i32 to vector<16xi32>
          %mul3A_1578 = arith.muli %add3A_1575, %mul3A_1577 : vector<16xi32>
          %add3A_1579 = arith.addi %mul3A_1578, %sub3A_1557 : vector<16xi32>
          %mul3A_1580 = arith.constant 8 : i32
          %mul3A_1581 = vector.broadcast %mul3A_1580 : i32 to vector<16xi32>
          %mul3A_1582 = arith.muli %add3A_1579, %mul3A_1581 : vector<16xi32>
          %and3A_1583 = arith.constant 7 : i32
          %and3A_1584 = vector.broadcast %and3A_1583 : i32 to vector<16xi32>
          %and3A_1585 = arith.andi %gather3A_1568, %and3A_1584 : vector<16xi32>
          %add3A_1586 = arith.addi %mul3A_1582, %and3A_1585 : vector<16xi32>
          %swap3A_1587 = arith.index_cast %add3A_1534 : i32 to index
          %swap3A_1588 = arith.constant 0 : index
          %swap3A_1589 = tpu.vector_load %arg7[%swap3A_1587, %swap3A_1588] {strides = array<i32>} : memref<120x128xi32, #tpu.memory_space<vmem>>, vector<16xi32>,
          tpu.vector_store %arg7[%swap3A_1587, %swap3A_1588], %add3A_1586 {strides = array<i32>} : memref<120x128xi32, #tpu.memory_space<vmem>>, vector<16xi32>,
          %mul3A_1590 = arith.constant 128 : i32
          %mul3A_1591 = arith.muli %add3A_1534, %mul3A_1590 : i32
          %add3A_1592 = arith.addi %mul3A_2, %mul3A_1591 : i32
          %add3A_1593 = arith.constant 16 : i32
          %add3A_1594 = arith.addi %add3A_1592, %add3A_1593 : i32
          %add3A_1595 = vector.broadcast %add3A_1594 : i32 to vector<16xi32>
          %add3A_1596 = arith.addi %add3A_1595, %iota3A : vector<16xi32>
          %and3A_1597 = arith.constant 7 : i32
          %and3A_1598 = vector.broadcast %and3A_1597 : i32 to vector<16xi32>
          %and3A_1599 = arith.andi %add3A_1596, %and3A_1598 : vector<16xi32>
          %shift_right_arithmetic3A_1600 = arith.constant 3 : i32
          %shift_right_arithmetic3A_1601 = vector.broadcast %shift_right_arithmetic3A_1600 : i32 to vector<16xi32>
          %shift_right_arithmetic3A_1602 = arith.shrsi %add3A_1596, %shift_right_arithmetic3A_1601 : vector<16xi32>
          %mul3A_1603 = arith.constant 43691 : i32
          %mul3A_1604 = vector.broadcast %mul3A_1603 : i32 to vector<16xi32>
          %mul3A_1605 = arith.muli %shift_right_arithmetic3A_1602, %mul3A_1604 : vector<16xi32>
          %shift_right_logical3A_1606 = arith.constant 18 : i32
          %shift_right_logical3A_1607 = vector.broadcast %shift_right_logical3A_1606 : i32 to vector<16xi32>
          %shift_right_logical3A_1608 = arith.shrui %mul3A_1605, %shift_right_logical3A_1607 : vector<16xi32>
          %mul3A_1609 = arith.constant 6 : i32
          %mul3A_1610 = vector.broadcast %mul3A_1609 : i32 to vector<16xi32>
          %mul3A_1611 = arith.muli %shift_right_logical3A_1608, %mul3A_1610 : vector<16xi32>
          %sub3A_1612 = arith.subi %shift_right_arithmetic3A_1602, %mul3A_1611 : vector<16xi32>
          %shift_right_arithmetic3A_1613 = arith.constant 9 : i32
          %shift_right_arithmetic3A_1614 = vector.broadcast %shift_right_arithmetic3A_1613 : i32 to vector<16xi32>
          %shift_right_arithmetic3A_1615 = arith.shrsi %shift_right_logical3A_1608, %shift_right_arithmetic3A_1614 : vector<16xi32>
          %and3A_1616 = arith.constant 511 : i32
          %and3A_1617 = vector.broadcast %and3A_1616 : i32 to vector<16xi32>
          %and3A_1618 = arith.andi %shift_right_logical3A_1608, %and3A_1617 : vector<16xi32>
          %mul3A_1619 = arith.constant 8 : i32
          %mul3A_1620 = vector.broadcast %mul3A_1619 : i32 to vector<16xi32>
          %mul3A_1621 = arith.muli %and3A_1618, %mul3A_1620 : vector<16xi32>
          %add3A_1622 = arith.addi %mul3A_1621, %and3A_1599 : vector<16xi32>
          %gather3A_1623 = tpu.vector_load_idx %arg6[%add3A_1622] : memref<4096xi32, #tpu.memory_space<vmem>>[vector<16xi32>], vector<16xi32>,
          %mul3A_1624 = arith.constant 125 : i32
          %mul3A_1625 = vector.broadcast %mul3A_1624 : i32 to vector<16xi32>
          %mul3A_1626 = arith.muli %shift_right_arithmetic3A_1615, %mul3A_1625 : vector<16xi32>
          %shift_right_arithmetic3A_1627 = arith.constant 3 : i32
          %shift_right_arithmetic3A_1628 = vector.broadcast %shift_right_arithmetic3A_1627 : i32 to vector<16xi32>
          %shift_right_arithmetic3A_1629 = arith.shrsi %gather3A_1623, %shift_right_arithmetic3A_1628 : vector<16xi32>
          %add3A_1630 = arith.addi %mul3A_1626, %shift_right_arithmetic3A_1629 : vector<16xi32>
          %mul3A_1631 = arith.constant 6 : i32
          %mul3A_1632 = vector.broadcast %mul3A_1631 : i32 to vector<16xi32>
          %mul3A_1633 = arith.muli %add3A_1630, %mul3A_1632 : vector<16xi32>
          %add3A_1634 = arith.addi %mul3A_1633, %sub3A_1612 : vector<16xi32>
          %mul3A_1635 = arith.constant 8 : i32
          %mul3A_1636 = vector.broadcast %mul3A_1635 : i32 to vector<16xi32>
          %mul3A_1637 = arith.muli %add3A_1634, %mul3A_1636 : vector<16xi32>
          %and3A_1638 = arith.constant 7 : i32
          %and3A_1639 = vector.broadcast %and3A_1638 : i32 to vector<16xi32>
          %and3A_1640 = arith.andi %gather3A_1623, %and3A_1639 : vector<16xi32>
          %add3A_1641 = arith.addi %mul3A_1637, %and3A_1640 : vector<16xi32>
          %swap3A_1642 = arith.index_cast %add3A_1534 : i32 to index
          %swap3A_1643 = arith.constant 16 : index
          %swap3A_1644 = tpu.vector_load %arg7[%swap3A_1642, %swap3A_1643] {strides = array<i32>} : memref<120x128xi32, #tpu.memory_space<vmem>>, vector<16xi32>,
          tpu.vector_store %arg7[%swap3A_1642, %swap3A_1643], %add3A_1641 {strides = array<i32>} : memref<120x128xi32, #tpu.memory_space<vmem>>, vector<16xi32>,
          %mul3A_1645 = arith.constant 128 : i32
          %mul3A_1646 = arith.muli %add3A_1534, %mul3A_1645 : i32
          %add3A_1647 = arith.addi %mul3A_2, %mul3A_1646 : i32
          %add3A_1648 = arith.constant 32 : i32
          %add3A_1649 = arith.addi %add3A_1647, %add3A_1648 : i32
          %add3A_1650 = vector.broadcast %add3A_1649 : i32 to vector<16xi32>
          %add3A_1651 = arith.addi %add3A_1650, %iota3A : vector<16xi32>
          %and3A_1652 = arith.constant 7 : i32
          %and3A_1653 = vector.broadcast %and3A_1652 : i32 to vector<16xi32>
          %and3A_1654 = arith.andi %add3A_1651, %and3A_1653 : vector<16xi32>
          %shift_right_arithmetic3A_1655 = arith.constant 3 : i32
          %shift_right_arithmetic3A_1656 = vector.broadcast %shift_right_arithmetic3A_1655 : i32 to vector<16xi32>
          %shift_right_arithmetic3A_1657 = arith.shrsi %add3A_1651, %shift_right_arithmetic3A_1656 : vector<16xi32>
          %mul3A_1658 = arith.constant 43691 : i32
          %mul3A_1659 = vector.broadcast %mul3A_1658 : i32 to vector<16xi32>
          %mul3A_1660 = arith.muli %shift_right_arithmetic3A_1657, %mul3A_1659 : vector<16xi32>
          %shift_right_logical3A_1661 = arith.constant 18 : i32
          %shift_right_logical3A_1662 = vector.broadcast %shift_right_logical3A_1661 : i32 to vector<16xi32>
          %shift_right_logical3A_1663 = arith.shrui %mul3A_1660, %shift_right_logical3A_1662 : vector<16xi32>
          %mul3A_1664 = arith.constant 6 : i32
          %mul3A_1665 = vector.broadcast %mul3A_1664 : i32 to vector<16xi32>
          %mul3A_1666 = arith.muli %shift_right_logical3A_1663, %mul3A_1665 : vector<16xi32>
          %sub3A_1667 = arith.subi %shift_right_arithmetic3A_1657, %mul3A_1666 : vector<16xi32>
          %shift_right_arithmetic3A_1668 = arith.constant 9 : i32
          %shift_right_arithmetic3A_1669 = vector.broadcast %shift_right_arithmetic3A_1668 : i32 to vector<16xi32>
          %shift_right_arithmetic3A_1670 = arith.shrsi %shift_right_logical3A_1663, %shift_right_arithmetic3A_1669 : vector<16xi32>
          %and3A_1671 = arith.constant 511 : i32
          %and3A_1672 = vector.broadcast %and3A_1671 : i32 to vector<16xi32>
          %and3A_1673 = arith.andi %shift_right_logical3A_1663, %and3A_1672 : vector<16xi32>
          %mul3A_1674 = arith.constant 8 : i32
          %mul3A_1675 = vector.broadcast %mul3A_1674 : i32 to vector<16xi32>
          %mul3A_1676 = arith.muli %and3A_1673, %mul3A_1675 : vector<16xi32>
          %add3A_1677 = arith.addi %mul3A_1676, %and3A_1654 : vector<16xi32>
          %gather3A_1678 = tpu.vector_load_idx %arg6[%add3A_1677] : memref<4096xi32, #tpu.memory_space<vmem>>[vector<16xi32>], vector<16xi32>,
          %mul3A_1679 = arith.constant 125 : i32
          %mul3A_1680 = vector.broadcast %mul3A_1679 : i32 to vector<16xi32>
          %mul3A_1681 = arith.muli %shift_right_arithmetic3A_1670, %mul3A_1680 : vector<16xi32>
          %shift_right_arithmetic3A_1682 = arith.constant 3 : i32
          %shift_right_arithmetic3A_1683 = vector.broadcast %shift_right_arithmetic3A_1682 : i32 to vector<16xi32>
          %shift_right_arithmetic3A_1684 = arith.shrsi %gather3A_1678, %shift_right_arithmetic3A_1683 : vector<16xi32>
          %add3A_1685 = arith.addi %mul3A_1681, %shift_right_arithmetic3A_1684 : vector<16xi32>
          %mul3A_1686 = arith.constant 6 : i32
          %mul3A_1687 = vector.broadcast %mul3A_1686 : i32 to vector<16xi32>
          %mul3A_1688 = arith.muli %add3A_1685, %mul3A_1687 : vector<16xi32>
          %add3A_1689 = arith.addi %mul3A_1688, %sub3A_1667 : vector<16xi32>
          %mul3A_1690 = arith.constant 8 : i32
          %mul3A_1691 = vector.broadcast %mul3A_1690 : i32 to vector<16xi32>
          %mul3A_1692 = arith.muli %add3A_1689, %mul3A_1691 : vector<16xi32>
          %and3A_1693 = arith.constant 7 : i32
          %and3A_1694 = vector.broadcast %and3A_1693 : i32 to vector<16xi32>
          %and3A_1695 = arith.andi %gather3A_1678, %and3A_1694 : vector<16xi32>
          %add3A_1696 = arith.addi %mul3A_1692, %and3A_1695 : vector<16xi32>
          %swap3A_1697 = arith.index_cast %add3A_1534 : i32 to index
          %swap3A_1698 = arith.constant 32 : index
          %swap3A_1699 = tpu.vector_load %arg7[%swap3A_1697, %swap3A_1698] {strides = array<i32>} : memref<120x128xi32, #tpu.memory_space<vmem>>, vector<16xi32>,
          tpu.vector_store %arg7[%swap3A_1697, %swap3A_1698], %add3A_1696 {strides = array<i32>} : memref<120x128xi32, #tpu.memory_space<vmem>>, vector<16xi32>,
          %mul3A_1700 = arith.constant 128 : i32
          %mul3A_1701 = arith.muli %add3A_1534, %mul3A_1700 : i32
          %add3A_1702 = arith.addi %mul3A_2, %mul3A_1701 : i32
          %add3A_1703 = arith.constant 48 : i32
          %add3A_1704 = arith.addi %add3A_1702, %add3A_1703 : i32
          %add3A_1705 = vector.broadcast %add3A_1704 : i32 to vector<16xi32>
          %add3A_1706 = arith.addi %add3A_1705, %iota3A : vector<16xi32>
          %and3A_1707 = arith.constant 7 : i32
          %and3A_1708 = vector.broadcast %and3A_1707 : i32 to vector<16xi32>
          %and3A_1709 = arith.andi %add3A_1706, %and3A_1708 : vector<16xi32>
          %shift_right_arithmetic3A_1710 = arith.constant 3 : i32
          %shift_right_arithmetic3A_1711 = vector.broadcast %shift_right_arithmetic3A_1710 : i32 to vector<16xi32>
          %shift_right_arithmetic3A_1712 = arith.shrsi %add3A_1706, %shift_right_arithmetic3A_1711 : vector<16xi32>
          %mul3A_1713 = arith.constant 43691 : i32
          %mul3A_1714 = vector.broadcast %mul3A_1713 : i32 to vector<16xi32>
          %mul3A_1715 = arith.muli %shift_right_arithmetic3A_1712, %mul3A_1714 : vector<16xi32>
          %shift_right_logical3A_1716 = arith.constant 18 : i32
          %shift_right_logical3A_1717 = vector.broadcast %shift_right_logical3A_1716 : i32 to vector<16xi32>
          %shift_right_logical3A_1718 = arith.shrui %mul3A_1715, %shift_right_logical3A_1717 : vector<16xi32>
          %mul3A_1719 = arith.constant 6 : i32
          %mul3A_1720 = vector.broadcast %mul3A_1719 : i32 to vector<16xi32>
          %mul3A_1721 = arith.muli %shift_right_logical3A_1718, %mul3A_1720 : vector<16xi32>
          %sub3A_1722 = arith.subi %shift_right_arithmetic3A_1712, %mul3A_1721 : vector<16xi32>
          %shift_right_arithmetic3A_1723 = arith.constant 9 : i32
          %shift_right_arithmetic3A_1724 = vector.broadcast %shift_right_arithmetic3A_1723 : i32 to vector<16xi32>
          %shift_right_arithmetic3A_1725 = arith.shrsi %shift_right_logical3A_1718, %shift_right_arithmetic3A_1724 : vector<16xi32>
          %and3A_1726 = arith.constant 511 : i32
          %and3A_1727 = vector.broadcast %and3A_1726 : i32 to vector<16xi32>
          %and3A_1728 = arith.andi %shift_right_logical3A_1718, %and3A_1727 : vector<16xi32>
          %mul3A_1729 = arith.constant 8 : i32
          %mul3A_1730 = vector.broadcast %mul3A_1729 : i32 to vector<16xi32>
          %mul3A_1731 = arith.muli %and3A_1728, %mul3A_1730 : vector<16xi32>
          %add3A_1732 = arith.addi %mul3A_1731, %and3A_1709 : vector<16xi32>
          %gather3A_1733 = tpu.vector_load_idx %arg6[%add3A_1732] : memref<4096xi32, #tpu.memory_space<vmem>>[vector<16xi32>], vector<16xi32>,
          %mul3A_1734 = arith.constant 125 : i32
          %mul3A_1735 = vector.broadcast %mul3A_1734 : i32 to vector<16xi32>
          %mul3A_1736 = arith.muli %shift_right_arithmetic3A_1725, %mul3A_1735 : vector<16xi32>
          %shift_right_arithmetic3A_1737 = arith.constant 3 : i32
          %shift_right_arithmetic3A_1738 = vector.broadcast %shift_right_arithmetic3A_1737 : i32 to vector<16xi32>
          %shift_right_arithmetic3A_1739 = arith.shrsi %gather3A_1733, %shift_right_arithmetic3A_1738 : vector<16xi32>
          %add3A_1740 = arith.addi %mul3A_1736, %shift_right_arithmetic3A_1739 : vector<16xi32>
          %mul3A_1741 = arith.constant 6 : i32
          %mul3A_1742 = vector.broadcast %mul3A_1741 : i32 to vector<16xi32>
          %mul3A_1743 = arith.muli %add3A_1740, %mul3A_1742 : vector<16xi32>
          %add3A_1744 = arith.addi %mul3A_1743, %sub3A_1722 : vector<16xi32>
          %mul3A_1745 = arith.constant 8 : i32
          %mul3A_1746 = vector.broadcast %mul3A_1745 : i32 to vector<16xi32>
          %mul3A_1747 = arith.muli %add3A_1744, %mul3A_1746 : vector<16xi32>
          %and3A_1748 = arith.constant 7 : i32
          %and3A_1749 = vector.broadcast %and3A_1748 : i32 to vector<16xi32>
          %and3A_1750 = arith.andi %gather3A_1733, %and3A_1749 : vector<16xi32>
          %add3A_1751 = arith.addi %mul3A_1747, %and3A_1750 : vector<16xi32>
          %swap3A_1752 = arith.index_cast %add3A_1534 : i32 to index
          %swap3A_1753 = arith.constant 48 : index
          %swap3A_1754 = tpu.vector_load %arg7[%swap3A_1752, %swap3A_1753] {strides = array<i32>} : memref<120x128xi32, #tpu.memory_space<vmem>>, vector<16xi32>,
          tpu.vector_store %arg7[%swap3A_1752, %swap3A_1753], %add3A_1751 {strides = array<i32>} : memref<120x128xi32, #tpu.memory_space<vmem>>, vector<16xi32>,
          %mul3A_1755 = arith.constant 128 : i32
          %mul3A_1756 = arith.muli %add3A_1534, %mul3A_1755 : i32
          %add3A_1757 = arith.addi %mul3A_2, %mul3A_1756 : i32
          %add3A_1758 = arith.constant 64 : i32
          %add3A_1759 = arith.addi %add3A_1757, %add3A_1758 : i32
          %add3A_1760 = vector.broadcast %add3A_1759 : i32 to vector<16xi32>
          %add3A_1761 = arith.addi %add3A_1760, %iota3A : vector<16xi32>
          %and3A_1762 = arith.constant 7 : i32
          %and3A_1763 = vector.broadcast %and3A_1762 : i32 to vector<16xi32>
          %and3A_1764 = arith.andi %add3A_1761, %and3A_1763 : vector<16xi32>
          %shift_right_arithmetic3A_1765 = arith.constant 3 : i32
          %shift_right_arithmetic3A_1766 = vector.broadcast %shift_right_arithmetic3A_1765 : i32 to vector<16xi32>
          %shift_right_arithmetic3A_1767 = arith.shrsi %add3A_1761, %shift_right_arithmetic3A_1766 : vector<16xi32>
          %mul3A_1768 = arith.constant 43691 : i32
          %mul3A_1769 = vector.broadcast %mul3A_1768 : i32 to vector<16xi32>
          %mul3A_1770 = arith.muli %shift_right_arithmetic3A_1767, %mul3A_1769 : vector<16xi32>
          %shift_right_logical3A_1771 = arith.constant 18 : i32
          %shift_right_logical3A_1772 = vector.broadcast %shift_right_logical3A_1771 : i32 to vector<16xi32>
          %shift_right_logical3A_1773 = arith.shrui %mul3A_1770, %shift_right_logical3A_1772 : vector<16xi32>
          %mul3A_1774 = arith.constant 6 : i32
          %mul3A_1775 = vector.broadcast %mul3A_1774 : i32 to vector<16xi32>
          %mul3A_1776 = arith.muli %shift_right_logical3A_1773, %mul3A_1775 : vector<16xi32>
          %sub3A_1777 = arith.subi %shift_right_arithmetic3A_1767, %mul3A_1776 : vector<16xi32>
          %shift_right_arithmetic3A_1778 = arith.constant 9 : i32
          %shift_right_arithmetic3A_1779 = vector.broadcast %shift_right_arithmetic3A_1778 : i32 to vector<16xi32>
          %shift_right_arithmetic3A_1780 = arith.shrsi %shift_right_logical3A_1773, %shift_right_arithmetic3A_1779 : vector<16xi32>
          %and3A_1781 = arith.constant 511 : i32
          %and3A_1782 = vector.broadcast %and3A_1781 : i32 to vector<16xi32>
          %and3A_1783 = arith.andi %shift_right_logical3A_1773, %and3A_1782 : vector<16xi32>
          %mul3A_1784 = arith.constant 8 : i32
          %mul3A_1785 = vector.broadcast %mul3A_1784 : i32 to vector<16xi32>
          %mul3A_1786 = arith.muli %and3A_1783, %mul3A_1785 : vector<16xi32>
          %add3A_1787 = arith.addi %mul3A_1786, %and3A_1764 : vector<16xi32>
          %gather3A_1788 = tpu.vector_load_idx %arg6[%add3A_1787] : memref<4096xi32, #tpu.memory_space<vmem>>[vector<16xi32>], vector<16xi32>,
          %mul3A_1789 = arith.constant 125 : i32
          %mul3A_1790 = vector.broadcast %mul3A_1789 : i32 to vector<16xi32>
          %mul3A_1791 = arith.muli %shift_right_arithmetic3A_1780, %mul3A_1790 : vector<16xi32>
          %shift_right_arithmetic3A_1792 = arith.constant 3 : i32
          %shift_right_arithmetic3A_1793 = vector.broadcast %shift_right_arithmetic3A_1792 : i32 to vector<16xi32>
          %shift_right_arithmetic3A_1794 = arith.shrsi %gather3A_1788, %shift_right_arithmetic3A_1793 : vector<16xi32>
          %add3A_1795 = arith.addi %mul3A_1791, %shift_right_arithmetic3A_1794 : vector<16xi32>
          %mul3A_1796 = arith.constant 6 : i32
          %mul3A_1797 = vector.broadcast %mul3A_1796 : i32 to vector<16xi32>
          %mul3A_1798 = arith.muli %add3A_1795, %mul3A_1797 : vector<16xi32>
          %add3A_1799 = arith.addi %mul3A_1798, %sub3A_1777 : vector<16xi32>
          %mul3A_1800 = arith.constant 8 : i32
          %mul3A_1801 = vector.broadcast %mul3A_1800 : i32 to vector<16xi32>
          %mul3A_1802 = arith.muli %add3A_1799, %mul3A_1801 : vector<16xi32>
          %and3A_1803 = arith.constant 7 : i32
          %and3A_1804 = vector.broadcast %and3A_1803 : i32 to vector<16xi32>
          %and3A_1805 = arith.andi %gather3A_1788, %and3A_1804 : vector<16xi32>
          %add3A_1806 = arith.addi %mul3A_1802, %and3A_1805 : vector<16xi32>
          %swap3A_1807 = arith.index_cast %add3A_1534 : i32 to index
          %swap3A_1808 = arith.constant 64 : index
          %swap3A_1809 = tpu.vector_load %arg7[%swap3A_1807, %swap3A_1808] {strides = array<i32>} : memref<120x128xi32, #tpu.memory_space<vmem>>, vector<16xi32>,
          tpu.vector_store %arg7[%swap3A_1807, %swap3A_1808], %add3A_1806 {strides = array<i32>} : memref<120x128xi32, #tpu.memory_space<vmem>>, vector<16xi32>,
          %mul3A_1810 = arith.constant 128 : i32
          %mul3A_1811 = arith.muli %add3A_1534, %mul3A_1810 : i32
          %add3A_1812 = arith.addi %mul3A_2, %mul3A_1811 : i32
          %add3A_1813 = arith.constant 80 : i32
          %add3A_1814 = arith.addi %add3A_1812, %add3A_1813 : i32
          %add3A_1815 = vector.broadcast %add3A_1814 : i32 to vector<16xi32>
          %add3A_1816 = arith.addi %add3A_1815, %iota3A : vector<16xi32>
          %and3A_1817 = arith.constant 7 : i32
          %and3A_1818 = vector.broadcast %and3A_1817 : i32 to vector<16xi32>
          %and3A_1819 = arith.andi %add3A_1816, %and3A_1818 : vector<16xi32>
          %shift_right_arithmetic3A_1820 = arith.constant 3 : i32
          %shift_right_arithmetic3A_1821 = vector.broadcast %shift_right_arithmetic3A_1820 : i32 to vector<16xi32>
          %shift_right_arithmetic3A_1822 = arith.shrsi %add3A_1816, %shift_right_arithmetic3A_1821 : vector<16xi32>
          %mul3A_1823 = arith.constant 43691 : i32
          %mul3A_1824 = vector.broadcast %mul3A_1823 : i32 to vector<16xi32>
          %mul3A_1825 = arith.muli %shift_right_arithmetic3A_1822, %mul3A_1824 : vector<16xi32>
          %shift_right_logical3A_1826 = arith.constant 18 : i32
          %shift_right_logical3A_1827 = vector.broadcast %shift_right_logical3A_1826 : i32 to vector<16xi32>
          %shift_right_logical3A_1828 = arith.shrui %mul3A_1825, %shift_right_logical3A_1827 : vector<16xi32>
          %mul3A_1829 = arith.constant 6 : i32
          %mul3A_1830 = vector.broadcast %mul3A_1829 : i32 to vector<16xi32>
          %mul3A_1831 = arith.muli %shift_right_logical3A_1828, %mul3A_1830 : vector<16xi32>
          %sub3A_1832 = arith.subi %shift_right_arithmetic3A_1822, %mul3A_1831 : vector<16xi32>
          %shift_right_arithmetic3A_1833 = arith.constant 9 : i32
          %shift_right_arithmetic3A_1834 = vector.broadcast %shift_right_arithmetic3A_1833 : i32 to vector<16xi32>
          %shift_right_arithmetic3A_1835 = arith.shrsi %shift_right_logical3A_1828, %shift_right_arithmetic3A_1834 : vector<16xi32>
          %and3A_1836 = arith.constant 511 : i32
          %and3A_1837 = vector.broadcast %and3A_1836 : i32 to vector<16xi32>
          %and3A_1838 = arith.andi %shift_right_logical3A_1828, %and3A_1837 : vector<16xi32>
          %mul3A_1839 = arith.constant 8 : i32
          %mul3A_1840 = vector.broadcast %mul3A_1839 : i32 to vector<16xi32>
          %mul3A_1841 = arith.muli %and3A_1838, %mul3A_1840 : vector<16xi32>
          %add3A_1842 = arith.addi %mul3A_1841, %and3A_1819 : vector<16xi32>
          %gather3A_1843 = tpu.vector_load_idx %arg6[%add3A_1842] : memref<4096xi32, #tpu.memory_space<vmem>>[vector<16xi32>], vector<16xi32>,
          %mul3A_1844 = arith.constant 125 : i32
          %mul3A_1845 = vector.broadcast %mul3A_1844 : i32 to vector<16xi32>
          %mul3A_1846 = arith.muli %shift_right_arithmetic3A_1835, %mul3A_1845 : vector<16xi32>
          %shift_right_arithmetic3A_1847 = arith.constant 3 : i32
          %shift_right_arithmetic3A_1848 = vector.broadcast %shift_right_arithmetic3A_1847 : i32 to vector<16xi32>
          %shift_right_arithmetic3A_1849 = arith.shrsi %gather3A_1843, %shift_right_arithmetic3A_1848 : vector<16xi32>
          %add3A_1850 = arith.addi %mul3A_1846, %shift_right_arithmetic3A_1849 : vector<16xi32>
          %mul3A_1851 = arith.constant 6 : i32
          %mul3A_1852 = vector.broadcast %mul3A_1851 : i32 to vector<16xi32>
          %mul3A_1853 = arith.muli %add3A_1850, %mul3A_1852 : vector<16xi32>
          %add3A_1854 = arith.addi %mul3A_1853, %sub3A_1832 : vector<16xi32>
          %mul3A_1855 = arith.constant 8 : i32
          %mul3A_1856 = vector.broadcast %mul3A_1855 : i32 to vector<16xi32>
          %mul3A_1857 = arith.muli %add3A_1854, %mul3A_1856 : vector<16xi32>
          %and3A_1858 = arith.constant 7 : i32
          %and3A_1859 = vector.broadcast %and3A_1858 : i32 to vector<16xi32>
          %and3A_1860 = arith.andi %gather3A_1843, %and3A_1859 : vector<16xi32>
          %add3A_1861 = arith.addi %mul3A_1857, %and3A_1860 : vector<16xi32>
          %swap3A_1862 = arith.index_cast %add3A_1534 : i32 to index
          %swap3A_1863 = arith.constant 80 : index
          %swap3A_1864 = tpu.vector_load %arg7[%swap3A_1862, %swap3A_1863] {strides = array<i32>} : memref<120x128xi32, #tpu.memory_space<vmem>>, vector<16xi32>,
          tpu.vector_store %arg7[%swap3A_1862, %swap3A_1863], %add3A_1861 {strides = array<i32>} : memref<120x128xi32, #tpu.memory_space<vmem>>, vector<16xi32>,
          %mul3A_1865 = arith.constant 128 : i32
          %mul3A_1866 = arith.muli %add3A_1534, %mul3A_1865 : i32
          %add3A_1867 = arith.addi %mul3A_2, %mul3A_1866 : i32
          %add3A_1868 = arith.constant 96 : i32
          %add3A_1869 = arith.addi %add3A_1867, %add3A_1868 : i32
          %add3A_1870 = vector.broadcast %add3A_1869 : i32 to vector<16xi32>
          %add3A_1871 = arith.addi %add3A_1870, %iota3A : vector<16xi32>
          %and3A_1872 = arith.constant 7 : i32
          %and3A_1873 = vector.broadcast %and3A_1872 : i32 to vector<16xi32>
          %and3A_1874 = arith.andi %add3A_1871, %and3A_1873 : vector<16xi32>
          %shift_right_arithmetic3A_1875 = arith.constant 3 : i32
          %shift_right_arithmetic3A_1876 = vector.broadcast %shift_right_arithmetic3A_1875 : i32 to vector<16xi32>
          %shift_right_arithmetic3A_1877 = arith.shrsi %add3A_1871, %shift_right_arithmetic3A_1876 : vector<16xi32>
          %mul3A_1878 = arith.constant 43691 : i32
          %mul3A_1879 = vector.broadcast %mul3A_1878 : i32 to vector<16xi32>
          %mul3A_1880 = arith.muli %shift_right_arithmetic3A_1877, %mul3A_1879 : vector<16xi32>
          %shift_right_logical3A_1881 = arith.constant 18 : i32
          %shift_right_logical3A_1882 = vector.broadcast %shift_right_logical3A_1881 : i32 to vector<16xi32>
          %shift_right_logical3A_1883 = arith.shrui %mul3A_1880, %shift_right_logical3A_1882 : vector<16xi32>
          %mul3A_1884 = arith.constant 6 : i32
          %mul3A_1885 = vector.broadcast %mul3A_1884 : i32 to vector<16xi32>
          %mul3A_1886 = arith.muli %shift_right_logical3A_1883, %mul3A_1885 : vector<16xi32>
          %sub3A_1887 = arith.subi %shift_right_arithmetic3A_1877, %mul3A_1886 : vector<16xi32>
          %shift_right_arithmetic3A_1888 = arith.constant 9 : i32
          %shift_right_arithmetic3A_1889 = vector.broadcast %shift_right_arithmetic3A_1888 : i32 to vector<16xi32>
          %shift_right_arithmetic3A_1890 = arith.shrsi %shift_right_logical3A_1883, %shift_right_arithmetic3A_1889 : vector<16xi32>
          %and3A_1891 = arith.constant 511 : i32
          %and3A_1892 = vector.broadcast %and3A_1891 : i32 to vector<16xi32>
          %and3A_1893 = arith.andi %shift_right_logical3A_1883, %and3A_1892 : vector<16xi32>
          %mul3A_1894 = arith.constant 8 : i32
          %mul3A_1895 = vector.broadcast %mul3A_1894 : i32 to vector<16xi32>
          %mul3A_1896 = arith.muli %and3A_1893, %mul3A_1895 : vector<16xi32>
          %add3A_1897 = arith.addi %mul3A_1896, %and3A_1874 : vector<16xi32>
          %gather3A_1898 = tpu.vector_load_idx %arg6[%add3A_1897] : memref<4096xi32, #tpu.memory_space<vmem>>[vector<16xi32>], vector<16xi32>,
          %mul3A_1899 = arith.constant 125 : i32
          %mul3A_1900 = vector.broadcast %mul3A_1899 : i32 to vector<16xi32>
          %mul3A_1901 = arith.muli %shift_right_arithmetic3A_1890, %mul3A_1900 : vector<16xi32>
          %shift_right_arithmetic3A_1902 = arith.constant 3 : i32
          %shift_right_arithmetic3A_1903 = vector.broadcast %shift_right_arithmetic3A_1902 : i32 to vector<16xi32>
          %shift_right_arithmetic3A_1904 = arith.shrsi %gather3A_1898, %shift_right_arithmetic3A_1903 : vector<16xi32>
          %add3A_1905 = arith.addi %mul3A_1901, %shift_right_arithmetic3A_1904 : vector<16xi32>
          %mul3A_1906 = arith.constant 6 : i32
          %mul3A_1907 = vector.broadcast %mul3A_1906 : i32 to vector<16xi32>
          %mul3A_1908 = arith.muli %add3A_1905, %mul3A_1907 : vector<16xi32>
          %add3A_1909 = arith.addi %mul3A_1908, %sub3A_1887 : vector<16xi32>
          %mul3A_1910 = arith.constant 8 : i32
          %mul3A_1911 = vector.broadcast %mul3A_1910 : i32 to vector<16xi32>
          %mul3A_1912 = arith.muli %add3A_1909, %mul3A_1911 : vector<16xi32>
          %and3A_1913 = arith.constant 7 : i32
          %and3A_1914 = vector.broadcast %and3A_1913 : i32 to vector<16xi32>
          %and3A_1915 = arith.andi %gather3A_1898, %and3A_1914 : vector<16xi32>
          %add3A_1916 = arith.addi %mul3A_1912, %and3A_1915 : vector<16xi32>
          %swap3A_1917 = arith.index_cast %add3A_1534 : i32 to index
          %swap3A_1918 = arith.constant 96 : index
          %swap3A_1919 = tpu.vector_load %arg7[%swap3A_1917, %swap3A_1918] {strides = array<i32>} : memref<120x128xi32, #tpu.memory_space<vmem>>, vector<16xi32>,
          tpu.vector_store %arg7[%swap3A_1917, %swap3A_1918], %add3A_1916 {strides = array<i32>} : memref<120x128xi32, #tpu.memory_space<vmem>>, vector<16xi32>,
          %mul3A_1920 = arith.constant 128 : i32
          %mul3A_1921 = arith.muli %add3A_1534, %mul3A_1920 : i32
          %add3A_1922 = arith.addi %mul3A_2, %mul3A_1921 : i32
          %add3A_1923 = arith.constant 112 : i32
          %add3A_1924 = arith.addi %add3A_1922, %add3A_1923 : i32
          %add3A_1925 = vector.broadcast %add3A_1924 : i32 to vector<16xi32>
          %add3A_1926 = arith.addi %add3A_1925, %iota3A : vector<16xi32>
          %and3A_1927 = arith.constant 7 : i32
          %and3A_1928 = vector.broadcast %and3A_1927 : i32 to vector<16xi32>
          %and3A_1929 = arith.andi %add3A_1926, %and3A_1928 : vector<16xi32>
          %shift_right_arithmetic3A_1930 = arith.constant 3 : i32
          %shift_right_arithmetic3A_1931 = vector.broadcast %shift_right_arithmetic3A_1930 : i32 to vector<16xi32>
          %shift_right_arithmetic3A_1932 = arith.shrsi %add3A_1926, %shift_right_arithmetic3A_1931 : vector<16xi32>
          %mul3A_1933 = arith.constant 43691 : i32
          %mul3A_1934 = vector.broadcast %mul3A_1933 : i32 to vector<16xi32>
          %mul3A_1935 = arith.muli %shift_right_arithmetic3A_1932, %mul3A_1934 : vector<16xi32>
          %shift_right_logical3A_1936 = arith.constant 18 : i32
          %shift_right_logical3A_1937 = vector.broadcast %shift_right_logical3A_1936 : i32 to vector<16xi32>
          %shift_right_logical3A_1938 = arith.shrui %mul3A_1935, %shift_right_logical3A_1937 : vector<16xi32>
          %mul3A_1939 = arith.constant 6 : i32
          %mul3A_1940 = vector.broadcast %mul3A_1939 : i32 to vector<16xi32>
          %mul3A_1941 = arith.muli %shift_right_logical3A_1938, %mul3A_1940 : vector<16xi32>
          %sub3A_1942 = arith.subi %shift_right_arithmetic3A_1932, %mul3A_1941 : vector<16xi32>
          %shift_right_arithmetic3A_1943 = arith.constant 9 : i32
          %shift_right_arithmetic3A_1944 = vector.broadcast %shift_right_arithmetic3A_1943 : i32 to vector<16xi32>
          %shift_right_arithmetic3A_1945 = arith.shrsi %shift_right_logical3A_1938, %shift_right_arithmetic3A_1944 : vector<16xi32>
          %and3A_1946 = arith.constant 511 : i32
          %and3A_1947 = vector.broadcast %and3A_1946 : i32 to vector<16xi32>
          %and3A_1948 = arith.andi %shift_right_logical3A_1938, %and3A_1947 : vector<16xi32>
          %mul3A_1949 = arith.constant 8 : i32
          %mul3A_1950 = vector.broadcast %mul3A_1949 : i32 to vector<16xi32>
          %mul3A_1951 = arith.muli %and3A_1948, %mul3A_1950 : vector<16xi32>
          %add3A_1952 = arith.addi %mul3A_1951, %and3A_1929 : vector<16xi32>
          %gather3A_1953 = tpu.vector_load_idx %arg6[%add3A_1952] : memref<4096xi32, #tpu.memory_space<vmem>>[vector<16xi32>], vector<16xi32>,
          %mul3A_1954 = arith.constant 125 : i32
          %mul3A_1955 = vector.broadcast %mul3A_1954 : i32 to vector<16xi32>
          %mul3A_1956 = arith.muli %shift_right_arithmetic3A_1945, %mul3A_1955 : vector<16xi32>
          %shift_right_arithmetic3A_1957 = arith.constant 3 : i32
          %shift_right_arithmetic3A_1958 = vector.broadcast %shift_right_arithmetic3A_1957 : i32 to vector<16xi32>
          %shift_right_arithmetic3A_1959 = arith.shrsi %gather3A_1953, %shift_right_arithmetic3A_1958 : vector<16xi32>
          %add3A_1960 = arith.addi %mul3A_1956, %shift_right_arithmetic3A_1959 : vector<16xi32>
          %mul3A_1961 = arith.constant 6 : i32
          %mul3A_1962 = vector.broadcast %mul3A_1961 : i32 to vector<16xi32>
          %mul3A_1963 = arith.muli %add3A_1960, %mul3A_1962 : vector<16xi32>
          %add3A_1964 = arith.addi %mul3A_1963, %sub3A_1942 : vector<16xi32>
          %mul3A_1965 = arith.constant 8 : i32
          %mul3A_1966 = vector.broadcast %mul3A_1965 : i32 to vector<16xi32>
          %mul3A_1967 = arith.muli %add3A_1964, %mul3A_1966 : vector<16xi32>
          %and3A_1968 = arith.constant 7 : i32
          %and3A_1969 = vector.broadcast %and3A_1968 : i32 to vector<16xi32>
          %and3A_1970 = arith.andi %gather3A_1953, %and3A_1969 : vector<16xi32>
          %add3A_1971 = arith.addi %mul3A_1967, %and3A_1970 : vector<16xi32>
          %swap3A_1972 = arith.index_cast %add3A_1534 : i32 to index
          %swap3A_1973 = arith.constant 112 : index
          %swap3A_1974 = tpu.vector_load %arg7[%swap3A_1972, %swap3A_1973] {strides = array<i32>} : memref<120x128xi32, #tpu.memory_space<vmem>>, vector<16xi32>,
          tpu.vector_store %arg7[%swap3A_1972, %swap3A_1973], %add3A_1971 {strides = array<i32>} : memref<120x128xi32, #tpu.memory_space<vmem>>, vector<16xi32>,
          %add3A_1975 = arith.constant 3 : i32
          %add3A_1976 = arith.addi %add3A_1507, %add3A_1975 : i32
          %dma_start3A_1977 = arith.constant 0 : i32
          %dma_start3A_1978 = tpu.memref_slice %arg7[%add3A_1976, %dma_start3A_1977] : memref<120x128xi32, #tpu.memory_space<vmem>> -> memref<1x128xi32, #tpu.memory_space<vmem>>
          %dma_start3A_1979 = tpu.memref_squeeze %dma_start3A_1978 : memref<1x128xi32, #tpu.memory_space<vmem>> -> memref<128xi32, #tpu.memory_space<vmem>>
          %dma_start3A_1980 = arith.constant 0 : i32
          %dma_start3A_1981 = arith.constant 0 : i32
          %dma_start3A_1982 = tpu.memref_slice %arg2[%dma_start3A_1980, %dma_start3A_1981] : memref<120000x128xf32, #tpu.memory_space<hbm>> -> memref<120000x128xf32, #tpu.memory_space<hbm>>
          tpu.enqueue_indirect_dma source(%dma_start3A_1982 : memref<120000x128xf32, #tpu.memory_space<hbm>>) target(%arg10 : memref<128x128xf32, #tpu.memory_space<vmem>>) offsets(%dma_start3A_1979 : memref<128xi32, #tpu.memory_space<vmem>>) semaphore(%arg17 : memref<!tpu.dma_semaphore, #tpu.memory_space<semaphore_mem>>)
        } else {
        }
      }
      %scan3A_1348 = arith.constant 20 : i32
      %dma_wait3A = arith.constant 0 : i32
      %dma_wait3A_1349 = tpu.memref_slice %arg5[%mul3A_2, %dma_wait3A] : memref<491520x128xf32, #tpu.memory_space<hbm>> -> memref<128x128xf32, #tpu.memory_space<hbm>>
      %dma_wait3A_1350 = arith.constant 0 : i32
      %dma_wait3A_1351 = tpu.memref_slice %arg5[%mul3A_2, %dma_wait3A_1350] : memref<491520x128xf32, #tpu.memory_space<hbm>> -> memref<128x128xf32, #tpu.memory_space<hbm>>
      tpu.wait_dma2 semaphore(%arg24 : memref<!tpu.dma_semaphore, #tpu.memory_space<semaphore_mem>>) src(%arg11 : memref<128x128xf32, #tpu.memory_space<vmem>>) dst(%dma_wait3A_1351 : memref<128x128xf32, #tpu.memory_space<hbm>>)
      %dma_wait3A_1352 = arith.constant 0 : i32
      %dma_wait3A_1353 = tpu.memref_slice %arg5[%mul3A_2, %dma_wait3A_1352] : memref<491520x128xf32, #tpu.memory_space<hbm>> -> memref<128x128xf32, #tpu.memory_space<hbm>>
      %dma_wait3A_1354 = arith.constant 0 : i32
      %dma_wait3A_1355 = tpu.memref_slice %arg5[%mul3A_2, %dma_wait3A_1354] : memref<491520x128xf32, #tpu.memory_space<hbm>> -> memref<128x128xf32, #tpu.memory_space<hbm>>
      tpu.wait_dma2 semaphore(%arg25 : memref<!tpu.dma_semaphore, #tpu.memory_space<semaphore_mem>>) src(%arg12 : memref<128x128xf32, #tpu.memory_space<vmem>>) dst(%dma_wait3A_1355 : memref<128x128xf32, #tpu.memory_space<hbm>>)
      %dma_wait3A_1356 = arith.constant 0 : i32
      %dma_wait3A_1357 = tpu.memref_slice %arg5[%mul3A_2, %dma_wait3A_1356] : memref<491520x128xf32, #tpu.memory_space<hbm>> -> memref<128x128xf32, #tpu.memory_space<hbm>>
      %dma_wait3A_1358 = arith.constant 0 : i32
      %dma_wait3A_1359 = tpu.memref_slice %arg5[%mul3A_2, %dma_wait3A_1358] : memref<491520x128xf32, #tpu.memory_space<hbm>> -> memref<128x128xf32, #tpu.memory_space<hbm>>
      tpu.wait_dma2 semaphore(%arg26 : memref<!tpu.dma_semaphore, #tpu.memory_space<semaphore_mem>>) src(%arg13 : memref<128x128xf32, #tpu.memory_space<vmem>>) dst(%dma_wait3A_1359 : memref<128x128xf32, #tpu.memory_space<hbm>>)
    } else {
    }
    %eq3A = arith.constant 0 : i32
    %eq3A_6 = arith.cmpi eq, %squeeze3A, %eq3A : i32
    %convert_element_type3A_7 = arith.extui %eq3A_6 : i1 to i32
    %cond3A_8 = arith.constant 0 : i32
    %cond3A_9 = arith.cmpi ne, %convert_element_type3A_7, %cond3A_8 : i32
    scf.if %cond3A_9 {
      %broadcast_in_dim3A = arith.constant 0.000000e+00 : f32
      %broadcast_in_dim3A_10 = vector.broadcast %broadcast_in_dim3A : f32 to vector<16xf32>
      %scan3A = arith.constant 0 : i32
      %scan3A_11 = arith.constant 0 : i32
      %scan3A_12 = arith.constant 1024 : i32
      %scan3A_13 = arith.addi %scan3A_11, %scan3A_12 : i32
      %scan3A_14 = arith.constant 1 : i32
      scf.for %scan3A_22 = %scan3A_11 to %scan3A_13 step %scan3A_14  : i32 {
        %jit3A = arith.constant 8 : i32
        %div3A = arith.divsi %scan3A_22, %jit3A : i32
        %sign3A = arith.constant 0 : i32
        %sign3A_23 = arith.cmpi sgt, %scan3A_22, %sign3A : i32
        %sign3A_24 = arith.extui %sign3A_23 : i1 to i32
        %sign3A_25 = arith.constant 0 : i32
        %sign3A_26 = arith.cmpi slt, %scan3A_22, %sign3A_25 : i32
        %sign3A_27 = arith.extui %sign3A_26 : i1 to i32
        %sign3A_28 = arith.subi %sign3A_24, %sign3A_27 : i32
        %sign3A_29 = arith.constant 0 : i32
        %sign3A_30 = arith.cmpi sgt, %jit3A, %sign3A_29 : i32
        %sign3A_31 = arith.extui %sign3A_30 : i1 to i32
        %sign3A_32 = arith.constant 0 : i32
        %sign3A_33 = arith.cmpi slt, %jit3A, %sign3A_32 : i32
        %sign3A_34 = arith.extui %sign3A_33 : i1 to i32
        %sign3A_35 = arith.subi %sign3A_31, %sign3A_34 : i32
        %ne3A_36 = arith.cmpi ne, %sign3A_28, %sign3A_35 : i32
        %rem3A = arith.remsi %scan3A_22, %jit3A : i32
        %ne3A_37 = arith.constant 0 : i32
        %ne3A_38 = arith.cmpi ne, %rem3A, %ne3A_37 : i32
        %and3A = arith.andi %ne3A_36, %ne3A_38 : i1
        %sub3A = arith.constant 1 : i32
        %sub3A_39 = arith.subi %div3A, %sub3A : i32
        %select_n3A = arith.select %and3A, %sub3A_39, %div3A : i32
        %jit3A_40 = arith.constant 8 : i32
        %eq3A_41 = arith.constant 0 : i32
        %eq3A_42 = arith.cmpi eq, %jit3A_40, %eq3A_41 : i32
        %jit3A_43 = arith.constant 1 : i32
        %select_n3A_44 = arith.select %eq3A_42, %jit3A_43, %jit3A_40 : i32
        %rem3A_45 = arith.remsi %scan3A_22, %select_n3A_44 : i32
        %ne3A_46 = arith.constant 0 : i32
        %ne3A_47 = arith.cmpi ne, %rem3A_45, %ne3A_46 : i32
        %lt3A = arith.constant 0 : i32
        %lt3A_48 = arith.cmpi slt, %rem3A_45, %lt3A : i32
        %lt3A_49 = arith.constant 0 : i32
        %lt3A_50 = arith.cmpi slt, %select_n3A_44, %lt3A_49 : i32
        %ne3A_51 = arith.xori %lt3A_48, %lt3A_50 : i1
        %and3A_52 = arith.andi %ne3A_51, %ne3A_47 : i1
        %add3A_53 = arith.addi %rem3A_45, %select_n3A_44 : i32
        %select_n3A_54 = arith.select %and3A_52, %add3A_53, %rem3A_45 : i32
        %mul3A_55 = arith.constant 16 : i32
        %mul3A_56 = arith.muli %select_n3A_54, %mul3A_55 : i32
        %swap3A = arith.index_cast %select_n3A : i32 to index
        %swap3A_57 = arith.index_cast %mul3A_56 : i32 to index
        %swap3A_58 = tpu.vector_load %arg8[%swap3A, %swap3A_57] {strides = array<i32>} : memref<128x128xf32, #tpu.memory_space<vmem>>, vector<16xf32>,
        tpu.vector_store %arg8[%swap3A, %swap3A_57], %broadcast_in_dim3A_10 {strides = array<i32>} : memref<128x128xf32, #tpu.memory_space<vmem>>, vector<16xf32>,
      }
      %scan3A_15 = arith.constant 1024 : i32
      %scan3A_16 = arith.constant 0 : i32
      %scan3A_17 = arith.constant 0 : i32
      %scan3A_18 = arith.constant 120 : i32
      %scan3A_19 = arith.addi %scan3A_17, %scan3A_18 : i32
      %scan3A_20 = arith.constant 1 : i32
      scf.for %scan3A_22 = %scan3A_17 to %scan3A_19 step %scan3A_20  : i32 {
        %mul3A_23 = arith.constant 128 : i32
        %mul3A_24 = arith.muli %scan3A_22, %mul3A_23 : i32
        %add3A_25 = arith.addi %mul3A_2, %mul3A_24 : i32
        "tpu.region"() ({
          %run_scoped3A = tpu.sem_alloc : memref<!tpu.dma_semaphore, #tpu.memory_space<semaphore_mem>>
          %dma_start3A = arith.constant 0 : i32
          %dma_start3A_26 = tpu.memref_slice %arg5[%add3A_25, %dma_start3A] : memref<491520x128xf32, #tpu.memory_space<hbm>> -> memref<128x128xf32, #tpu.memory_space<hbm>>
          %dma_start3A_27 = arith.constant 0 : i32
          %dma_start3A_28 = tpu.memref_slice %arg5[%add3A_25, %dma_start3A_27] : memref<491520x128xf32, #tpu.memory_space<hbm>> -> memref<128x128xf32, #tpu.memory_space<hbm>>
          tpu.enqueue_dma source(%arg8 : memref<128x128xf32, #tpu.memory_space<vmem>>) target(%dma_start3A_28 : memref<128x128xf32, #tpu.memory_space<hbm>>) target_semaphore(%run_scoped3A : memref<!tpu.dma_semaphore, #tpu.memory_space<semaphore_mem>>)
          %dma_wait3A = arith.constant 0 : i32
          %dma_wait3A_29 = tpu.memref_slice %arg5[%add3A_25, %dma_wait3A] : memref<491520x128xf32, #tpu.memory_space<hbm>> -> memref<128x128xf32, #tpu.memory_space<hbm>>
          %dma_wait3A_30 = arith.constant 0 : i32
          %dma_wait3A_31 = tpu.memref_slice %arg5[%add3A_25, %dma_wait3A_30] : memref<491520x128xf32, #tpu.memory_space<hbm>> -> memref<128x128xf32, #tpu.memory_space<hbm>>
          tpu.wait_dma2 semaphore(%run_scoped3A : memref<!tpu.dma_semaphore, #tpu.memory_space<semaphore_mem>>) src(%arg8 : memref<128x128xf32, #tpu.memory_space<vmem>>) dst(%dma_wait3A_31 : memref<128x128xf32, #tpu.memory_space<hbm>>)
          tpu.yield
        }) : () -> ()
      }
      %scan3A_21 = arith.constant 120 : i32
    } else {
    }
    return
  }
}

</mosaic_0001>

<sc_bundles>
// kernel: kernel.3.cloned.1.call-start
scs
__scs_entry_jumppad:
0x0: {  	(pc) =	sbr.rel $0x88, $3  }
0x1: {  	(tag) =	ssettag $0x0;
	lr =	simm.s32 $0x1  }
0x2: {  	[smem:$0x3F9E] =	sst lr;
	_ =	strace $0xD0000000  }
0x3: {  	_ = 	snop  }
0x4: {  	_ = 	snop  }
0x5: {  	_ = 	snop  }
0x6: {  	_ = 	snop  }
0x7: {  	_ = 	snop  }
__scs_overlays_trampoline_lowered:
0x8: {  	[smem:$0x3FAD] =	sst s0  }
0x9: {  	[smem:$0x3FAE] =	sst s1  }
0xa: {  	[smem:$0x3FAF] =	sst s2  }
0xb: {  	[smem:$0x3FB0] =	sst s3  }
0xc: {  	[smem:$0x3FB1] =	sst s4  }
0xd: {  	[smem:$0x3FB2] =	sst s5  }
0xe: {  	[smem:$0x3FB3] =	sst s6  }
0xf: {  	[smem:$0x3FB4] =	sst s7  }
0x10: {  	[smem:$0x3FB5] =	sst s8  }
0x11: {  	[smem:$0x3FB6] =	sst s9;
	s0 =	simm.s32 @!p0 $0x0  }
0x12: {  	s1 =	sld [smem:$0x3F9C];
	s0 =	simm.s32 @p0 $0x1  }
0x13: {  	[smem:$0x3FB7] =	sst s0;
	s0 =	simm.s32 @!p1 $0x0  }
0x14: {  	s2 =	sld [smem:$0x3F9B];
	s0 =	simm.s32 @p1 $0x1  }
0x15: {  	[smem:$0x3FB8] =	sst s0;
	s0 =	simm.s32 @!p2 $0x0  }
0x16: {  	s3 =	sld [smem:$0x3FDB];
	s0 =	simm.s32 @p2 $0x1  }
0x17: {  	s4 =	simm.s32 $0x1BF5;
	[smem:$0x3FBA] =	sst s0  }
0x18: {  	s0 =	sld [smem:$0x3F9D];
	_ =	swait.ge [sflag:s4], $0x0  }
0x19: {  	s7 =	sld [smem:$0x3F9E]  }
0x1a: {  	s8 =	sadd.s32 $0xFFFFE003, lr  }
0x1b: {  	s9 =	sadd.s32 $0xFFFFFEF7, lr;
	s5 =	simm.s32 $0xFFFFFFFF;
	p2 =	slt.u32 s8, $0xFFFFF086  }
0x1c: {  	p1 =	slt.u32 s9, $0xF7A;
	s5 =	simm.s32 @!p2 $0x0  }
0x1d: {  	s5 =	simm.s32 @p1 $0x1;
	p0 =	seq.s32 s7, s2  }
0x1e: {  	s7 =	smul.u32 @!p0 $0xF7A, s2;
	p2 =	seq.s32 @!p0 s5, $0x0  }
0x1f: {  	s9 =	smul.u32 $0xF7A, s1;
	s8 =	simm.s32 @!p0 $0x1BF5;
	p2 =	por !p2, p0  }
0x20: {  	[sflag:s8] =	ssyncset.s32 @!p0 $0xFFFFF086;
	s6 =	sadd.s32 @!p0 s3, s7;
	s7 =	simm.s32 @!p0 $0x108  }
0x21: {  	s3 =	sadd.s32 s3, s9;
	s6 =	sadd.s32 @!p0 $0x88, s6;
	s7 =	simm.s32 @p2 $0x1082  }
0x22: {  	[simem:s7], [sflag:s8] =	dma.local @!p0 [hbm:s6], $0xF7A  }
0x23: {  	s9 =	sor.u32 $0xD0000000, s2;
	s6 =	simm.s32 $0x108;
	_ =	swait.ge @!p0 [sflag:s8], $0x0  }
0x24: {  	s3 =	sadd.s32 $0x88, s3;
	s6 =	simm.s32 @!p1 $0x1082;
	[sflag:s4] =	ssyncset.s32 $0xFFFFF086  }
0x25: {  	[simem:s6], [sflag:s4] =	dma.local [hbm:s3], $0xF7A  }
0x26: {  	[smem:$0x3F9E] =	sst s1;
	(tag) =	ssettag s2;
	_ =	strace s9  }
0x27: {  	s1 =	sld [smem:$0x3FAE]  }
0x28: {  	s2 =	sld [smem:$0x3FAF]  }
0x29: {  	s4 =	sld [smem:$0x3FB1]  }
0x2a: {  	p0 =	seq.s32 s5, $0x0;
	s5 =	sld [smem:$0x3FB2]  }
0x2b: {  	s6 =	sld [smem:$0x3FB3]  }
0x2c: {  	s7 =	sld [smem:$0x3FB4]  }
0x2d: {  	s3 =	simm.s32 $0x108;
	s8 =	sld [smem:$0x3FB5]  }
0x2e: {  	s3 =	simm.s32 @!p0 $0x1082;
	s9 =	sld [smem:$0x3FB6]  }
0x2f: {  	lr =	sadd.s32 s0, s3;
	s0 =	sld [smem:$0x3FAD]  }
0x30: {  	s3 =	sld [smem:$0x3FB0]  }
0x31: {  	[smem:$0x3FB9] =	sst s10  }
0x32: {  	s10 =	sld [smem:$0x3FB7];
	_ =	sdelay $0x3  }
0x33: {  	p0 =	seq.s32 s10, $0x1;
	s10 =	sld [smem:$0x3FB9];
	_ =	sdelay $0x3  }
0x34: {  	[smem:$0x3FB9] =	sst s10  }
0x35: {  	s10 =	sld [smem:$0x3FB8];
	_ =	sdelay $0x3  }
0x36: {  	p1 =	seq.s32 s10, $0x1;
	s10 =	sld [smem:$0x3FB9];
	_ =	sdelay $0x3  }
0x37: {  	[smem:$0x3FB9] =	sst s10  }
0x38: {  	s10 =	sld [smem:$0x3FBA]  }
0x39: {  	_ = 	snop;
	(pc) =	sbr.ind lr, $3  }
0x3a: {  	_ = 	snop  }
0x3b: {  	_ = 	snop  }
0x3c: {  	p2 =	seq.s32 s10, $0x1;
	s10 =	sld [smem:$0x3FB9]  }
0x3d: {  	_ =	shalt  }
0x3e: {  	_ =	shalt  }
0x3f: {  	_ =	shalt  }
0x40: {  	_ =	shalt  }
0x41: {  	_ =	shalt  }
0x42: {  	_ =	shalt  }
0x43: {  	_ =	shalt  }
0x44: {  	_ =	shalt  }
0x45: {  	_ =	shalt  }
0x46: {  	_ =	shalt  }
0x47: {  	_ =	shalt  }
0x48: {  	_ =	shalt  }
0x49: {  	_ =	shalt  }
0x4a: {  	_ =	shalt  }
0x4b: {  	_ =	shalt  }
0x4c: {  	_ =	shalt  }
0x4d: {  	_ =	shalt  }
0x4e: {  	_ =	shalt  }
0x4f: {  	_ =	shalt  }
0x50: {  	_ =	shalt  }
0x51: {  	_ =	shalt  }
0x52: {  	_ =	shalt  }
0x53: {  	_ =	shalt  }
0x54: {  	_ =	shalt  }
0x55: {  	_ =	shalt  }
0x56: {  	_ =	shalt  }
0x57: {  	_ =	shalt  }
0x58: {  	_ =	shalt  }
0x59: {  	_ =	shalt  }
0x5a: {  	_ =	shalt  }
0x5b: {  	_ =	shalt  }
0x5c: {  	_ =	shalt  }
0x5d: {  	_ =	shalt  }
0x5e: {  	_ =	shalt  }
0x5f: {  	_ =	shalt  }
0x60: {  	_ =	shalt  }
0x61: {  	_ =	shalt  }
0x62: {  	_ =	shalt  }
0x63: {  	_ =	shalt  }
0x64: {  	_ =	shalt  }
0x65: {  	_ =	shalt  }
0x66: {  	_ =	shalt  }
0x67: {  	_ =	shalt  }
0x68: {  	_ =	shalt  }
0x69: {  	_ =	shalt  }
0x6a: {  	_ =	shalt  }
0x6b: {  	_ =	shalt  }
0x6c: {  	_ =	shalt  }
0x6d: {  	_ =	shalt  }
0x6e: {  	_ =	shalt  }
0x6f: {  	_ =	shalt  }
0x70: {  	_ =	shalt  }
0x71: {  	_ =	shalt  }
0x72: {  	_ =	shalt  }
0x73: {  	_ =	shalt  }
0x74: {  	_ =	shalt  }
0x75: {  	_ =	shalt  }
0x76: {  	_ =	shalt  }
0x77: {  	_ =	shalt  }
0x78: {  	_ =	shalt  }
0x79: {  	_ =	shalt  }
0x7a: {  	_ =	shalt  }
0x7b: {  	_ =	shalt  }
0x7c: {  	_ =	shalt  }
0x7d: {  	_ =	shalt  }
0x7e: {  	_ =	shalt  }
0x7f: {  	_ =	shalt  }
0x80: {  	_ =	shalt  }
0x81: {  	_ =	shalt  }
0x82: {  	_ =	shalt  }
0x83: {  	_ =	shalt  }
0x84: {  	_ =	shalt  }
0x85: {  	_ =	shalt  }
0x86: {  	_ =	shalt  }
0x87: {  	_ =	shalt  }
.Lfunc_end0:
.L_simem_size_0:
called_computation_lowered:
.L_overlay_start_0:
0x88: {  	s2 =	sld [smem:$0x3FD9]  }
0x89: {  	s3 =	sld [smem:$0x3FFE];
	_ =	sdelay $0x1  }
0x8a: {  	s1 =	srdreg.scid  }
0x8b: {  	s0 =	sand.u32 $0x1, s1  }
0x8c: {  	s17 =	sshll.u32 s0, $0xA;
	s2 =	sadd.s32 s3, s2  }
0x8d: {  	s2 =	sadd.s32 s2, s17  }
0x8e: {  	[smem:$0x3FC5] =	sst s2  }
0x8f: {  	_ = 	snop  }
0x90: {  	s2 =	sld [smem:$0x3FC9]  }
0x91: {  	s18 =	sld [smem:$0x3FC7]  }
0x92: {  	s4 =	sld [smem:$0x3FD0];
	(tm) =	ssettm $0x1  }
0x93: {  	s5 =	sld [smem:$0x3FFB];
	_ =	sdelay $0x3  }
0x94: {  	_ =	strace s5  }
0x95: {  	s5 =	sld [smem:$0x3FFC];
	_ =	sdelay $0x3  }
0x96: {  	_ =	strace s5  }
0x97: {  	s5 =	sld [smem:$0x3FFD];
	_ =	sdelay $0x3  }
0x98: {  	_ =	strace s5  }
0x99: {  	_ =	strace $0x8FFFFFFF  }
0x9a: {  	s19 =	sld [smem:$0x3FDB];
	_ =	sdelay $0x1  }
0x9b: {  	s6 =	simm.s32 $_scs_section_size  }
0x9c: {  	s7 =	simm.s32 $_size__tile_overlayer_lowered;
	s8 =	simm.s32 $_tile_overlayer_lowered  }
0x9d: {  	s22 =	simm.s32 $0x1BFF;
	s21 =	sshll.u32 s8, $0x1;
	s5 =	sadd.s32 s6, s19  }
0x9e: {  	s9 =	simm.s32 $0x0;
	s20 =	sshll.u32 s7, $0x1;
	s7 =	sadd.s32 s21, s5  }
0x9f: {  	[timem:s9], [sflag:s22] =	dma.local [hbm:s7], s20  }
0xa0: {  	_ =	swait.ge [sflag:s22], s20  }
0xa1: {  	s6 =	ssub.s32 $0x0, s20;
	[sflag:s22] =	ssyncset.done $0x0  }
0xa2: {  	[sflag:s22] =	ssyncadd.s32 s6;
	_ =	sdelay $0x1  }
0xa3: {  	s23 =	simm.s32 $0x1B8B  }
0xa4: {  	_ =	swait.ge [sflag:s23], $0x1  }
0xa5: {  	[sflag:s23] =	ssyncset.done $0x0  }
0xa6: {  	s25 =	simm.s32 $0x1B8E;
	s24 =	sld [smem:$0x3FFE];
	[sflag:s23] =	ssyncadd.s32 $0xFFFFFFFF  }
0xa7: {  	s26 =	simm.s32 $execute0_lowered;
	[smem:$0x3FD2] =	sst s25  }
0xa8: {  	s7 =	sshll.u32 s26, $0x1;
	_ =	strace $0x80000046;
	[dreg:$0x1] =	wrdreg $0xFFFFFFFF  }
0xa9: {  	s28 =	simm.s32 $_size_execute0_lowered;
	s5 =	sadd.s32 s5, s7;
	[dreg:$0x0] =	wrdreg $0x0  }
0xaa: {  	s7 =	sshll.u32 s28, $0x1;
	[dreg:$0x2] =	wrdreg s5  }
0xab: {  	[dreg:$0x3] =	wrdreg s7  }
0xac: {  	[dreg:$0x4] =	wrdreg $0xC0  }
0xad: {  	_ =	task [dreg:s9], $0x5FFFF  }
0xae: {  	[dreg:$0x1] =	wrdreg $0xFFFFFFFF  }
0xaf: {  	[dreg:$0x0] =	wrdreg $0x60  }
0xb0: {  	[dreg:$0x2] =	wrdreg s2  }
0xb1: {  	[dreg:$0x3] =	wrdreg s18  }
0xb2: {  	[dreg:$0x4] =	wrdreg s24  }
0xb3: {  	[dreg:$0x5] =	wrdreg s4  }
0xb4: {  	[dreg:$0x6] =	wrdreg $0x9  }
0xb5: {  	_ =	task.clear_ibuf [dreg:s9], $0x7FFFF;
	_ =	strace $0x90000046  }
0xb6: {  	s29 =	simm.s32 $0x9;
	_ =	strace $0x80000048  }
0xb7: {  	_ =	swait.ge [sflag:s29], $0x1  }
0xb8: {  	[sflag:s29] =	ssyncadd.s32 $0xFFFFFFFF  }
0xb9: {  	_ =	strace $0x90000048  }
0xba: {  	_ =	sfence  }
0xbb: {  	s30 =	sld [smem:$0x0];
	_ =	sdelay $0x2  }
0xbc: {  	s31 =	sshll.u32 s1, $0xD;
	s1 =	sshrl.u32 s1, $0x2  }
0xbd: {  	s3 =	sand.u32 $0x4000, s31;
	s1 =	sadd.s32 s1, s30  }
0xbe: {  	s0 =	sor.u32 s3, s0;
	s1 =	sshll.u32 s1, $0x11  }
0xbf: {  	s0 =	sor.u32 s1, s0  }
0xc0: {  	s0 =	sadd.s32 $0x8F2B, s0  }
0xc1: {  	[sflag:s0] =	ssyncadd.remote.s32 $0x1  }
0xc2: {  	_ =	sfence.sel $0xFFFF  }
0xc3: {  	[dreg:$0x0] =	wrdreg $0xFFFFFFFF;
	(pc) =	sbr.abs _section_cstart, $3  }
0xc4: {  	[dreg:$0x1] =	wrdreg $0xFFFFFFFF  }
0xc5: {  	_ =	task.clear_ibuf [dreg:s9], $0x2FFFF;
	_ =	strace $0x9FFFFFFF  }
0xc6: {  	(tm) =	ssettm $0x7FFFFFFF  }
0xc7: {  	_ =	shalt  }
tec
execute0_lowered:
.L_overlay_start_1:
0x0: {  	(tag) =	ssettag $0x1  }
0x1: {  	s0 =	srdreg.scid;
	s10 =	stileid.u32  }
0x2: {  	s0 =	sand.u32 $0x1, s0;
	s1 =	sshll.u32 s10, $0x1  }
0x3: {  	s1 =	sor.u32 s0, s1  }
0x4: {  	s1 =	smul.u32 $0x3C00, s1  }
0x5: {  	v0 =	vlaneseq.u32  }
0x6: {  	v1 =	vor.u32 s1, v0  }
0x7: {  	s2 =	sor.u32 $0x10, s1;
	s16 =	sor.u32 $0x20, s1;
	v2 =	vshrl.u32 v1, $0x3  }
0x8: {  	s25 =	sor.u32 $0xB0, s1;
	s3 =	sor.u32 $0xD0, s1;
	s5 =	sor.u32 $0xF0, s1;
	v3 =	vor.u32 s2, v0;
	v7 =	vor.u32 s16, v0;
	v1 =	vmul.u32 $0xAAAB, v2  }
0x9: {  	s6 =	sor.u32 $0x100, s1;
	v55 =	vor.u32 s25, v0;
	v32 =	vor.u32 s3, v0;
	v38 =	vor.u32 s5, v0  }
0xa: {  	s7 =	sor.u32 $0x110, s1;
	v42 =	vor.u32 s6, v0;
	v6 =	vshrl.u32 v3, $0x3;
	v4 =	vshrl.u32 v1, $0x12  }
0xb: {  	s11 =	sor.u32 $0x140, s1;
	s12 =	sor.u32 $0x150, s1;
	v45 =	vor.u32 s7, v0;
	v3 =	vmul.u32 $0xAAAB, v6;
	v5 =	vmul.u32 $0x1FFFFFFA, v4  }
0xc: {  	v48 =	vor.u32 s11, v0;
	v50 =	vor.u32 s12, v0;
	v7 =	vshrl.u32 v7, $0x3  }
0xd: {  	v8 =	vshrl.u32 v1, $0xF;
	v2 =	vadd.s32 v2, v5;
	v5 =	vshrl.u32 v3, $0x12  }
0xe: {  	v4 =	vshll.u32 v4, $0x3;
	[tilespmem:$0x1FFF0] =	vst v2;
	v2 =	vand.u32 $0x7, v0;
	v9 =	vmul.u32 $0x1FFFFFFA, v5  }
0xf: {  	v8 =	vand.u32 $0xF80, v8;
	v5 =	vshll.u32 v5, $0x3;
	v4 =	vor.u32 v2, v4  }
0x10: {  	v10 =	vand.u32 $0x7F, v4;
	v4 =	vmul.u32 $0xAAAB, v7;
	v6 =	vadd.s32 v6, v9  }
0x11: {  	s17 =	sor.u32 $0x30, s1;
	v5 =	vor.u32 v2, v5;
	v9 =	vshrl.u32 v3, $0xF;
	v8 =	vor.u32 v8, v10;
	[tilespmem:$0x1FEC0] =	vst v6  }
0x12: {  	v11 =	vand.u32 $0x7F, v5;
	[tilespmem:$0x1FEB0] =	vst v8;
	v6 =	vshrl.u32 v4, $0x12;
	v8 =	vor.u32 s17, v0  }
0x13: {  	v9 =	vand.u32 $0xF80, v9;
	v10 =	vmul.u32 $0x1FFFFFFA, v6;
	v8 =	vshrl.u32 v8, $0x3  }
0x14: {  	s18 =	sor.u32 $0x40, s1;
	v9 =	vor.u32 v9, v11;
	v6 =	vshll.u32 v6, $0x3;
	v5 =	vmul.u32 $0xAAAB, v8  }
0x15: {  	[tilespmem:$0x1FED0] =	vst v9;
	v9 =	vor.u32 s18, v0;
	v6 =	vor.u32 v2, v6;
	v7 =	vadd.s32 v7, v10  }
0x16: {  	v9 =	vshrl.u32 v9, $0x3;
	v10 =	vshrl.u32 v4, $0xF;
	[tilespmem:$0x1FEE0] =	vst v7;
	v7 =	vshrl.u32 v5, $0x12  }
0x17: {  	v12 =	vand.u32 $0x7F, v6;
	v10 =	vand.u32 $0xF80, v10;
	v11 =	vmul.u32 $0x1FFFFFFA, v7  }
0x18: {  	s19 =	sor.u32 $0x50, s1;
	v6 =	vmul.u32 $0xAAAB, v9;
	v10 =	vor.u32 v10, v12;
	v7 =	vshll.u32 v7, $0x3  }
0x19: {  	[tilespmem:$0x1FEF0] =	vst v10;
	v7 =	vor.u32 v2, v7;
	v10 =	vor.u32 s19, v0;
	v8 =	vadd.s32 v8, v11  }
0x1a: {  	v11 =	vshrl.u32 v5, $0xF;
	v10 =	vshrl.u32 v10, $0x3;
	[tilespmem:$0x1FF00] =	vst v8;
	v8 =	vshrl.u32 v6, $0x12  }
0x1b: {  	v13 =	vand.u32 $0x7F, v7;
	v11 =	vand.u32 $0xF80, v11;
	v12 =	vmul.u32 $0x1FFFFFFA, v8  }
0x1c: {  	s20 =	sor.u32 $0x60, s1;
	v7 =	vmul.u32 $0xAAAB, v10;
	v11 =	vor.u32 v11, v13;
	v8 =	vshll.u32 v8, $0x3  }
0x1d: {  	[tilespmem:$0x1FF10] =	vst v11;
	v8 =	vor.u32 v2, v8;
	v11 =	vor.u32 s20, v0;
	v9 =	vadd.s32 v9, v12  }
0x1e: {  	v12 =	vshrl.u32 v6, $0xF;
	v11 =	vshrl.u32 v11, $0x3;
	[tilespmem:$0x1FF20] =	vst v9;
	v9 =	vshrl.u32 v7, $0x12  }
0x1f: {  	v14 =	vand.u32 $0x7F, v8;
	v12 =	vand.u32 $0xF80, v12;
	v13 =	vmul.u32 $0x1FFFFFFA, v9  }
0x20: {  	s21 =	sor.u32 $0x70, s1;
	v8 =	vmul.u32 $0xAAAB, v11;
	v12 =	vor.u32 v12, v14;
	v9 =	vshll.u32 v9, $0x3  }
0x21: {  	[tilespmem:$0x1FF30] =	vst v12;
	v9 =	vor.u32 v2, v9;
	v12 =	vor.u32 s21, v0;
	v10 =	vadd.s32 v10, v13  }
0x22: {  	v13 =	vshrl.u32 v7, $0xF;
	v12 =	vshrl.u32 v12, $0x3;
	[tilespmem:$0x1FF40] =	vst v10;
	v10 =	vshrl.u32 v8, $0x12  }
0x23: {  	v15 =	vand.u32 $0x7F, v9;
	v13 =	vand.u32 $0xF80, v13;
	v14 =	vmul.u32 $0x1FFFFFFA, v10  }
0x24: {  	s22 =	sor.u32 $0x80, s1;
	v9 =	vmul.u32 $0xAAAB, v12;
	v13 =	vor.u32 v13, v15;
	v10 =	vshll.u32 v10, $0x3  }
0x25: {  	[tilespmem:$0x1FF50] =	vst v13;
	v10 =	vor.u32 v2, v10;
	v13 =	vor.u32 s22, v0;
	v11 =	vadd.s32 v11, v14  }
0x26: {  	v14 =	vshrl.u32 v8, $0xF;
	v13 =	vshrl.u32 v13, $0x3;
	[tilespmem:$0x1FF60] =	vst v11;
	v11 =	vshrl.u32 v9, $0x12  }
0x27: {  	v16 =	vand.u32 $0x7F, v10;
	v14 =	vand.u32 $0xF80, v14;
	v15 =	vmul.u32 $0x1FFFFFFA, v11  }
0x28: {  	s23 =	sor.u32 $0x90, s1;
	v10 =	vmul.u32 $0xAAAB, v13;
	v14 =	vor.u32 v14, v16;
	v11 =	vshll.u32 v11, $0x3  }
0x29: {  	[tilespmem:$0x1FF70] =	vst v14;
	v11 =	vor.u32 v2, v11;
	v14 =	vor.u32 s23, v0;
	v12 =	vadd.s32 v12, v15  }
0x2a: {  	v15 =	vshrl.u32 v9, $0xF;
	v14 =	vshrl.u32 v14, $0x3;
	[tilespmem:$0x1FF80] =	vst v12;
	v12 =	vshrl.u32 v10, $0x12  }
0x2b: {  	v17 =	vand.u32 $0x7F, v11;
	v15 =	vand.u32 $0xF80, v15;
	v52 =	vmul.u32 $0x1FFFFFFA, v12  }
0x2c: {  	v53 =	vshrl.u32 v10, $0xF;
	v11 =	vmul.u32 $0xAAAB, v14;
	v15 =	vor.u32 v15, v17  }
0x2d: {  	s24 =	sor.u32 $0xA0, s1;
	v1 =	vshrl.u32 v1, $0x1B;
	v16 =	vand.u32 $0xF80, v53;
	[tilespmem:$0x1FF90] =	vst v15;
	v13 =	vadd.s32 v13, v52  }
0x2e: {  	v12 =	vshll.u32 v12, $0x3;
	v15 =	vor.u32 s24, v0;
	[tilespmem:$0x1FFA0] =	vst v13;
	v13 =	vshrl.u32 v11, $0x12  }
0x2f: {  	v12 =	vor.u32 v2, v12;
	v15 =	vshrl.u32 v15, $0x3;
	v54 =	vmul.u32 $0x1FFFFFFA, v13  }
0x30: {  	v56 =	vshrl.u32 v11, $0xF;
	v18 =	vand.u32 $0x7F, v12;
	v12 =	vmul.u32 $0xAAAB, v15  }
0x31: {  	v17 =	vand.u32 $0xF80, v56;
	v13 =	vshll.u32 v13, $0x3;
	v14 =	vadd.s32 v14, v54  }
0x32: {  	s26 =	sor.u32 $0xC0, s1;
	v16 =	vor.u32 v16, v18;
	v13 =	vor.u32 v2, v13;
	[tilespmem:$0x1FFC0] =	vst v14;
	v14 =	vshrl.u32 v12, $0x12  }
0x33: {  	s4 =	sor.u32 $0xE0, s1;
	s13 =	sor.u32 $0x160, s1;
	[tilespmem:$0x1FFB0] =	vst v16;
	v16 =	vshrl.u32 v55, $0x3;
	v13 =	vand.u32 $0x7F, v13;
	v57 =	vmul.u32 $0x1FFFFFFA, v14  }
0x34: {  	s8 =	sor.u32 $0x120, s1;
	s9 =	sor.u32 $0x130, s1;
	s1 =	sor.u32 $0x170, s1;
	v53 =	vor.u32 s13, v0;
	v60 =	vmul.u32 $0xAAAB, v16;
	v13 =	vor.u32 v17, v13  }
0x35: {  	v56 =	vor.u32 s1, v0;
	v58 =	vshrl.u32 v12, $0xF;
	[tilespmem:$0x1FFD0] =	vst v13;
	v13 =	vadd.s32 v15, v57  }
0x36: {  	v15 =	vor.u32 s26, v0;
	[tilespmem:$0x1FFE0] =	vst v13;
	v13 =	vshll.u32 v14, $0x3;
	v14 =	vshrl.u32 v60, $0x12  }
0x37: {  	v15 =	vshrl.u32 v15, $0x3;
	v13 =	vor.u32 v2, v13;
	v59 =	vmul.u32 $0x1FFFFFFA, v14  }
0x38: {  	v17 =	vand.u32 $0xF80, v58;
	v62 =	vmul.u32 $0xAAAB, v15;
	v13 =	vand.u32 $0x7F, v13  }
0x39: {  	v33 =	vshrl.u32 v60, $0xF;
	v23 =	vor.u32 v17, v13;
	v24 =	vadd.s32 v16, v59  }
0x3a: {  	v13 =	vshll.u32 v14, $0x3;
	v14 =	vshrl.u32 v62, $0x12;
	v16 =	vshrl.u32 v32, $0x3  }
0x3b: {  	v17 =	vand.u32 $0xF80, v33;
	v13 =	vor.u32 v2, v13;
	v34 =	vmul.u32 $0x1FFFFFFA, v14  }
0x3c: {  	v35 =	vshrl.u32 v62, $0xF;
	v63 =	vmul.u32 $0xAAAB, v16;
	v13 =	vand.u32 $0x7F, v13  }
0x3d: {  	v25 =	vor.u32 v17, v13;
	v26 =	vadd.s32 v15, v34;
	v13 =	vshll.u32 v14, $0x3  }
0x3e: {  	v14 =	vshrl.u32 v63, $0x12;
	v15 =	vor.u32 s4, v0;
	v17 =	vand.u32 $0xF80, v35  }
0x3f: {  	v39 =	vshrl.u32 v63, $0xF;
	v13 =	vor.u32 v2, v13;
	v36 =	vmul.u32 $0x1FFFFFFA, v14  }
0x40: {  	v15 =	vshrl.u32 v15, $0x3;
	v14 =	vshll.u32 v14, $0x3;
	v18 =	vand.u32 $0xF80, v39  }
0x41: {  	v19 =	vand.u32 $0x7F, v13;
	v13 =	vmul.u32 $0xAAAB, v15;
	v14 =	vor.u32 v2, v14  }
0x42: {  	v27 =	vor.u32 v17, v19;
	v28 =	vadd.s32 v16, v36;
	v17 =	vshrl.u32 v38, $0x3  }
0x43: {  	v20 =	vand.u32 $0x7F, v14;
	v37 =	vshrl.u32 v13, $0x12;
	v14 =	vmul.u32 $0xAAAB, v17  }
0x44: {  	v29 =	vor.u32 v18, v20;
	v43 =	vshrl.u32 v13, $0xF;
	v40 =	vmul.u32 $0x1FFFFFFA, v37  }
0x45: {  	v18 =	vshrl.u32 v42, $0x3;
	v42 =	vshrl.u32 v48, $0x3;
	v19 =	vand.u32 $0xF80, v43  }
0x46: {  	v41 =	vshrl.u32 v14, $0x12;
	v30 =	vadd.s32 v15, v40;
	v15 =	vshll.u32 v37, $0x3  }
0x47: {  	v20 =	vmul.u32 $0x1FFFFFFA, v41;
	v16 =	vshll.u32 v41, $0x3;
	v15 =	vor.u32 v2, v15  }
0x48: {  	v16 =	vor.u32 v2, v16;
	v21 =	vand.u32 $0x7F, v15;
	v15 =	vmul.u32 $0xAAAB, v18  }
0x49: {  	v32 =	vadd.s32 v17, v20;
	v20 =	vshrl.u32 v14, $0xF;
	v33 =	vand.u32 $0x7F, v16  }
0x4a: {  	v31 =	vor.u32 v19, v21;
	v19 =	vshrl.u32 v45, $0x3;
	v20 =	vand.u32 $0xF80, v20  }
0x4b: {  	v44 =	vshrl.u32 v15, $0x12;
	v16 =	vmul.u32 $0xAAAB, v19;
	v33 =	vor.u32 v20, v33  }
0x4c: {  	v20 =	vor.u32 s8, v0;
	v21 =	vmul.u32 $0x1FFFFFFA, v44;
	v17 =	vshll.u32 v44, $0x3  }
0x4d: {  	v20 =	vshrl.u32 v20, $0x3;
	v44 =	vshrl.u32 v50, $0x3;
	v17 =	vor.u32 v2, v17  }
0x4e: {  	v46 =	vshrl.u32 v16, $0x12;
	v37 =	vshrl.u32 v16, $0xF;
	v34 =	vadd.s32 v18, v21  }
0x4f: {  	v21 =	vshrl.u32 v15, $0xF;
	v36 =	vmul.u32 $0x1FFFFFFA, v46;
	v35 =	vand.u32 $0x7F, v17  }
0x50: {  	v17 =	vmul.u32 $0xAAAB, v20;
	v18 =	vshll.u32 v46, $0x3;
	v37 =	vand.u32 $0xF80, v37  }
0x51: {  	v46 =	vshrl.u32 v53, $0x3;
	v21 =	vand.u32 $0xF80, v21;
	v18 =	vor.u32 v2, v18  }
0x52: {  	v35 =	vor.u32 v21, v35;
	v36 =	vadd.s32 v19, v36;
	v21 =	vor.u32 s9, v0  }
0x53: {  	v47 =	vshrl.u32 v17, $0x12;
	v39 =	vand.u32 $0x7F, v18;
	v21 =	vshrl.u32 v21, $0x3  }
0x54: {  	v40 =	vshrl.u32 v17, $0xF;
	v38 =	vmul.u32 $0x1FFFFFFA, v47;
	v18 =	vmul.u32 $0xAAAB, v21  }
0x55: {  	v37 =	vor.u32 v37, v39;
	v19 =	vshll.u32 v47, $0x3;
	v40 =	vand.u32 $0xF80, v40  }
0x56: {  	v19 =	vor.u32 v2, v19;
	v38 =	vadd.s32 v20, v38;
	v20 =	vshrl.u32 v18, $0x12  }
0x57: {  	v49 =	vand.u32 $0x7F, v19;
	v19 =	vmul.u32 $0xAAAB, v42;
	v41 =	vmul.u32 $0x1FFFFFFA, v20  }
0x58: {  	v39 =	vor.u32 v40, v49;
	v51 =	vshrl.u32 v18, $0xF;
	v20 =	vshll.u32 v20, $0x3  }
0x59: {  	v54 =	vshrl.u32 v19, $0xF;
	v20 =	vor.u32 v2, v20;
	v40 =	vadd.s32 v21, v41  }
0x5a: {  	v21 =	vshrl.u32 v19, $0x12;
	v45 =	vand.u32 $0x7F, v20;
	v20 =	vmul.u32 $0xAAAB, v44  }
0x5b: {  	v41 =	vand.u32 $0xF80, v51;
	v43 =	vmul.u32 $0x1FFFFFFA, v21;
	v21 =	vshll.u32 v21, $0x3  }
0x5c: {  	v41 =	vor.u32 v41, v45;
	v21 =	vor.u32 v2, v21;
	v52 =	vshrl.u32 v20, $0x12  }
0x5d: {  	v49 =	vshrl.u32 v20, $0xF;
	v42 =	vadd.s32 v42, v43;
	v47 =	vmul.u32 $0x1FFFFFFA, v52  }
0x5e: {  	v48 =	vand.u32 $0x7F, v21;
	v43 =	vand.u32 $0xF80, v54;
	v21 =	vmul.u32 $0xAAAB, v46  }
0x5f: {  	v45 =	vshll.u32 v52, $0x3;
	v49 =	vand.u32 $0xF80, v49;
	v43 =	vor.u32 v43, v48  }
0x60: {  	v45 =	vor.u32 v2, v45;
	v48 =	vshrl.u32 v56, $0x3;
	v44 =	vadd.s32 v44, v47  }
0x61: {  	v55 =	vshrl.u32 v21, $0x12;
	v45 =	vand.u32 $0x7F, v45;
	v22 =	vmul.u32 $0xAAAB, v48  }
0x62: {  	v57 =	vshrl.u32 v21, $0xF;
	v50 =	vmul.u32 $0x1FFFFFFA, v55;
	v47 =	vshll.u32 v55, $0x3  }
0x63: {  	s14 =	rddreg [dreg:$0x3];
	s28 =	simm.s32 $0x14C00;
	v45 =	vor.u32 v49, v45;
	v49 =	vand.u32 $0xF80, v57;
	v47 =	vor.u32 v2, v47  }
0x64: {  	s29 =	simm.s32 $0x3;
	s30 =	simm.s32 $0x18C00;
	s3 =	smul.u32 $0x3C0000, s10;
	v58 =	vshrl.u32 v22, $0x12;
	v52 =	vshrl.u32 v22, $0xF;
	v46 =	vadd.s32 v46, v50  }
0x65: {  	s31 =	simm.s32 $0x4;
	s6 =	ssub.s32 $0x2, s0;
	s17 =	smul.u32 $0x7800, s10;
	v47 =	vand.u32 $0x7F, v47;
	v51 =	vshll.u32 v58, $0x3;
	v50 =	vmul.u32 $0x1FFFFFFA, v58  }
0x66: {  	s5 =	simm.s32 $0x0;
	s7 =	sshrl.u32 s6, $0x1;
	s22 =	smul.u32 $0x78000, s10;
	v61 =	vand.u32 $0xF80, v52;
	v51 =	vor.u32 v2, v51;
	v47 =	vor.u32 v49, v47  }
0x67: {  	[smem:$0x7FF] =	sst s5;
	s15 =	ssub.s32 s6, s7;
	s4 =	smul.u32 $0x1E0000, s0;
	v59 =	vand.u32 $0x7F, v51;
	v48 =	vadd.s32 v48, v50;
	v50 =	vmul.u32 $0x7D, v1  }
0x68: {  	s24 =	sadd.s32 s22, s14;
	s22 =	simm.s32 $0x9;
	s1 =	rddreg [dreg:$0x0];
	v1 =	vshrl.u32 v3, $0x1B;
	v3 =	vshrl.u32 v4, $0x1B;
	v4 =	vshrl.u32 v15, $0x1B  }
0x69: {  	_ =	strace $0x80000047;
	s3 =	sadd.s32 s4, s3;
	s4 =	smax.u32 s15, $0x1;
	v49 =	vor.u32 v61, v59;
	v51 =	vmul.u32 $0x7D, v1;
	v52 =	vmul.u32 $0x7D, v3  }
0x6a: {  	s15 =	simm.s32 $0xD;
	s16 =	sor.u32 $0x8000, s3;
	[dreg:$0x5] =	wrdreg s4;
	v1 =	vshrl.u32 v5, $0x1B;
	v3 =	vshrl.u32 v7, $0x1B;
	v5 =	vshrl.u32 v16, $0x1B  }
0x6b: {  	s20 =	sor.u32 $0xC000, s3;
	s21 =	sor.u32 $0x10000, s3;
	s25 =	sor.u32 $0x14000, s3;
	v4 =	vmul.u32 $0x7D, v4;
	v7 =	vshrl.u32 v18, $0x1B;
	v53 =	vmul.u32 $0x7D, v1  }
0x6c: {  	s6 =	sshrl.u32 s16, $0x3;
	s23 =	sshrl.u32 s21, $0x3;
	s26 =	sshrl.u32 s25, $0x3;
	v1 =	vshrl.u32 v6, $0x1B;
	v55 =	vmul.u32 $0x7D, v3;
	v3 =	vshrl.u32 v10, $0x1B  }
0x6d: {  	s21 =	simm.s32 $0x8C00;
	s18 =	sadd.s32 s6, s14;
	s8 =	sor.u32 $0x4000, s3;
	v5 =	vmul.u32 $0x7D, v5;
	v6 =	vshrl.u32 v17, $0x1B;
	v7 =	vmul.u32 $0x7D, v7  }
0x6e: {  	s25 =	simm.s32 $0x10C00;
	[dreg:$0x6] =	wrdreg s18;
	s19 =	sshrl.u32 s8, $0x3;
	v10 =	vshrl.u32 v21, $0x1B;
	v54 =	vmul.u32 $0x7D, v1;
	v1 =	vshrl.u32 v8, $0x1B  }
0x6f: {  	s18 =	simm.s32 $0x80;
	s3 =	sshrl.u32 s3, $0x3;
	s4 =	sadd.s32 s19, s14;
	v58 =	vmul.u32 $0x7D, v3;
	v3 =	vshrl.u32 v60, $0x1B;
	v6 =	vmul.u32 $0x7D, v6  }
0x70: {  	s8 =	simm.s32 $0x0;
	[dreg:$0x7] =	wrdreg s4;
	s4 =	sshrl.u32 s20, $0x3;
	v8 =	vshrl.u32 v19, $0x1B;
	v10 =	vmul.u32 $0x7D, v10;
	v56 =	vmul.u32 $0x7D, v1  }
0x71: {  	s19 =	simm.s32 $0x8;
	s4 =	sadd.s32 s4, s14;
	s9 =	smul.u32 $0x3C00, s0;
	v1 =	vshrl.u32 v9, $0x1B;
	v61 =	vmul.u32 $0x7D, v3;
	v3 =	vshrl.u32 v13, $0x1B  }
0x72: {  	s20 =	simm.s32 $0x6;
	[dreg:$0x8] =	wrdreg s4;
	s0 =	smul.u32 $0x3C000, s0;
	v8 =	vmul.u32 $0x7D, v8;
	v57 =	vmul.u32 $0x7D, v1;
	v1 =	vshrl.u32 v11, $0x1B  }
.Ltmp0:
0x73: {  	s4 =	sadd.s32 s23, s14;
	s23 =	simm.s32 $0xCC00;
	v9 =	vshrl.u32 v20, $0x1B;
	v59 =	vmul.u32 $0x7D, v1;
	v1 =	vshrl.u32 v12, $0x1B;
	(pc) =	sbr.rel .LBB2_1-.Ltmp0, $4  }
0x74: {  	[dreg:$0x9] =	wrdreg s4;
	s4 =	simm.s32 $0x7;
	s9 =	sadd.s32 s9, s17;
	v9 =	vmul.u32 $0x7D, v9;
	v60 =	vmul.u32 $0x7D, v1;
	v1 =	vshrl.u32 v62, $0x1B  }
0x75: {  	s0 =	sadd.s32 s0, s24;
	s17 =	simm.s32 $0x4C00;
	s24 =	simm.s32 $0x1;
	v11 =	vshrl.u32 v22, $0x1B;
	v62 =	vmul.u32 $0x7D, v1;
	v1 =	vshrl.u32 v63, $0x1B  }
0x76: {  	[dreg:$0xa] =	wrdreg s0;
	s0 =	sadd.s32 s26, s14;
	s14 =	sadd.s32 s3, s14;
	v63 =	vmul.u32 $0x7D, v1;
	v1 =	vmul.u32 $0x7D, v3;
	v3 =	vshrl.u32 v14, $0x1B  }
0x77: {  	s26 =	simm.s32 $0x2;
	[dreg:$0xb] =	wrdreg s0;
	s0 =	simm.s32 $0x5;
	v22 =	vld [tilespmem:$0x1FFF0];
	v11 =	vmul.u32 $0x7D, v11;
	v12 =	vimm.f32 $0.0e+00;
	v3 =	vmul.u32 $0x7D, v3  }
.LBB2_9:
0x78: {  	s2 =	simm.s32 $0xA  }
0x79: {  	_ =	swait.ge [sflag:s2], $0x4000  }
0x7a: {  	[sflag:s2] =	ssyncset.done $0x0  }
0x7b: {  	s13 =	simm.s32 $0xB;
	[sflag:s2] =	ssyncadd.s32 $0xFFFFC000  }
0x7c: {  	_ =	swait.ge [sflag:s13], $0x4000  }
0x7d: {  	[sflag:s13] =	ssyncset.done $0x0  }
0x7e: {  	s16 =	simm.s32 $0xC;
	[sflag:s13] =	ssyncadd.s32 $0xFFFFC000  }
0x7f: {  	_ =	swait.ge [sflag:s16], $0x4000  }
0x80: {  	[sflag:s16] =	ssyncset.done $0x0  }
0x81: {  	s8 =	rddreg [dreg:$0xc];
	[sflag:s16] =	ssyncadd.s32 $0xFFFFC000  }
.LBB2_14:
0x82: {  	s8 =	sadd.s32 $0x1, s8;
	s2 =	rddreg [dreg:$0x5]  }
0x83: {  	p0 =	sne.s32 s8, s2  }
.Ltmp1:
0x84: {  	_ = 	snop;
	(pc) =	sbr.rel @!p0 .LBB2_15-.Ltmp1, $1  }
0x85: {  	_ =	sdelay $0x3  }
.LBB2_1:
0x86: {  	s2 =	rddreg [dreg:$0x1]  }
0x87: {  	[tilespmem:s5], [sflag:$0xD] =	stream.linear.gather [hbm4b:s2+s5], $0x1000, $0x38;
	[tilespmem:$0x1CC80] =	vst v63  }
0x88: {  	_ =	swait.ge [sflag:s15], $0x1000  }
0x89: {  	[sflag:s15] =	ssyncset.done $0x0  }
0x8a: {  	[sflag:s15] =	ssyncadd.s32 $0xFFFFF000  }
0x8b: {  	s3 =	simm.s32 $0x1CC00;
	s13 =	rddreg [dreg:$0x2]  }
0x8c: {  	[tilespmem:s3], [sflag:$0xD] =	stream.linear.gather [hbm4b:s13+s5], $0x80, $0x38;
	[tilespmem:$0x1CC80] =	vst v63  }
0x8d: {  	_ =	swait.ge [sflag:s15], $0x80  }
0x8e: {  	[sflag:s15] =	ssyncset.done $0x0  }
0x8f: {  	[sflag:s15] =	ssyncadd.s32 $0xFFFFFF80  }
0x90: {  	v13 =	vld [tilespmem:$0x1CC00];
	_ =	sdelay $0x4  }
0x91: {  	(v2sf) =	vpush v13, $0x0;
	_ =	sdelay $0xe  }
0x92: {  	s16 =	spop (v2sf)  }
0x93: {  	p0 =	seq.s32 s16, $0x0  }
.Ltmp2:
0x94: {  	_ = 	snop;
	(pc) =	sbr.rel @p0 .LBB2_10-.Ltmp2, $2  }
0x95: {  	_ =	sdelay $0x2  }
0x96: {  	s2 =	simm.s32 $0x0;
	s3 =	simm.s32 $0x0  }
0x97: {  	v13 =	vld [tilespmem:$0x1FEB0];
	_ =	sdelay $0x6  }
0x98: {  	[dreg:$0xc] =	wrdreg s8;
	s8 =	simm.s32 $0x0  }
0x99: {  	v13 =	vld.idx.msk [tilespmem:v13+s8+$0x0], $0xffff;
	_ =	sdelay $0x4  }
0x9a: {  	v14 =	vshrl.u32 v13, $0x3  }
0x9b: {  	v14 =	vadd.s32 v50, v14  }
0x9c: {  	v14 =	vmul.u32 $0x6, v14;
	_ =	sdelay $0x1  }
0x9d: {  	v14 =	vadd.s32 v14, v22  }
0x9e: {  	v13 =	vand.u32 $0x7, v13;
	v14 =	vshll.u32 v14, $0x3  }
0x9f: {  	v13 =	vor.u32 v13, v14  }
0xa0: {  	[tilespmem:$0x1000] =	vst v13;
	v13 =	vld [tilespmem:$0x1FED0];
	_ =	sdelay $0x7  }
0xa1: {  	v13 =	vld.idx.msk [tilespmem:v13+s8+$0x0], $0xffff;
	_ =	sdelay $0x3  }
0xa2: {  	v15 =	vld [tilespmem:$0x1FEC0]  }
0xa3: {  	v14 =	vshrl.u32 v13, $0x3  }
0xa4: {  	v14 =	vadd.s32 v51, v14  }
0xa5: {  	v14 =	vmul.u32 $0x6, v14;
	_ =	sdelay $0x1  }
0xa6: {  	v14 =	vadd.s32 v14, v15  }
0xa7: {  	v13 =	vand.u32 $0x7, v13;
	v14 =	vshll.u32 v14, $0x3  }
0xa8: {  	v13 =	vor.u32 v13, v14  }
0xa9: {  	[tilespmem:$0x1010] =	vst v13;
	v13 =	vld [tilespmem:$0x1FEF0];
	_ =	sdelay $0x7  }
0xaa: {  	v13 =	vld.idx.msk [tilespmem:v13+s8+$0x0], $0xffff;
	_ =	sdelay $0x3  }
0xab: {  	v15 =	vld [tilespmem:$0x1FEE0]  }
0xac: {  	v14 =	vshrl.u32 v13, $0x3  }
0xad: {  	v14 =	vadd.s32 v52, v14  }
0xae: {  	v14 =	vmul.u32 $0x6, v14;
	_ =	sdelay $0x1  }
0xaf: {  	v14 =	vadd.s32 v14, v15  }
0xb0: {  	v13 =	vand.u32 $0x7, v13;
	v14 =	vshll.u32 v14, $0x3  }
0xb1: {  	v13 =	vor.u32 v13, v14  }
0xb2: {  	[tilespmem:$0x1020] =	vst v13;
	v13 =	vld [tilespmem:$0x1FF10];
	_ =	sdelay $0x7  }
0xb3: {  	v13 =	vld.idx.msk [tilespmem:v13+s8+$0x0], $0xffff;
	_ =	sdelay $0x3  }
0xb4: {  	v15 =	vld [tilespmem:$0x1FF00]  }
0xb5: {  	v14 =	vshrl.u32 v13, $0x3  }
0xb6: {  	v14 =	vadd.s32 v53, v14  }
0xb7: {  	v14 =	vmul.u32 $0x6, v14;
	_ =	sdelay $0x1  }
0xb8: {  	v14 =	vadd.s32 v14, v15  }
0xb9: {  	v13 =	vand.u32 $0x7, v13;
	v14 =	vshll.u32 v14, $0x3  }
0xba: {  	v13 =	vor.u32 v13, v14  }
0xbb: {  	[tilespmem:$0x1030] =	vst v13;
	v13 =	vld [tilespmem:$0x1FF30];
	_ =	sdelay $0x7  }
0xbc: {  	v13 =	vld.idx.msk [tilespmem:v13+s8+$0x0], $0xffff;
	_ =	sdelay $0x3  }
0xbd: {  	v15 =	vld [tilespmem:$0x1FF20]  }
0xbe: {  	v14 =	vshrl.u32 v13, $0x3  }
0xbf: {  	v14 =	vadd.s32 v54, v14  }
0xc0: {  	v14 =	vmul.u32 $0x6, v14;
	_ =	sdelay $0x1  }
0xc1: {  	v14 =	vadd.s32 v14, v15  }
0xc2: {  	v13 =	vand.u32 $0x7, v13;
	v14 =	vshll.u32 v14, $0x3  }
0xc3: {  	v13 =	vor.u32 v13, v14  }
0xc4: {  	[tilespmem:$0x1040] =	vst v13;
	v13 =	vld [tilespmem:$0x1FF50];
	_ =	sdelay $0x7  }
0xc5: {  	v13 =	vld.idx.msk [tilespmem:v13+s8+$0x0], $0xffff;
	_ =	sdelay $0x3  }
0xc6: {  	v15 =	vld [tilespmem:$0x1FF40]  }
0xc7: {  	v14 =	vshrl.u32 v13, $0x3  }
0xc8: {  	v14 =	vadd.s32 v55, v14  }
0xc9: {  	v14 =	vmul.u32 $0x6, v14;
	_ =	sdelay $0x1  }
0xca: {  	v14 =	vadd.s32 v14, v15  }
0xcb: {  	v13 =	vand.u32 $0x7, v13;
	v14 =	vshll.u32 v14, $0x3  }
0xcc: {  	v13 =	vor.u32 v13, v14  }
0xcd: {  	[tilespmem:$0x1050] =	vst v13;
	v13 =	vld [tilespmem:$0x1FF70];
	_ =	sdelay $0x7  }
0xce: {  	v13 =	vld.idx.msk [tilespmem:v13+s8+$0x0], $0xffff;
	_ =	sdelay $0x3  }
0xcf: {  	v15 =	vld [tilespmem:$0x1FF60]  }
0xd0: {  	v14 =	vshrl.u32 v13, $0x3  }
0xd1: {  	v14 =	vadd.s32 v56, v14  }
0xd2: {  	v14 =	vmul.u32 $0x6, v14;
	_ =	sdelay $0x1  }
0xd3: {  	v14 =	vadd.s32 v14, v15  }
0xd4: {  	v13 =	vand.u32 $0x7, v13;
	v14 =	vshll.u32 v14, $0x3  }
0xd5: {  	v13 =	vor.u32 v13, v14  }
0xd6: {  	[tilespmem:$0x1060] =	vst v13;
	v13 =	vld [tilespmem:$0x1FF90];
	_ =	sdelay $0x7  }
0xd7: {  	v13 =	vld.idx.msk [tilespmem:v13+s8+$0x0], $0xffff;
	_ =	sdelay $0x3  }
0xd8: {  	v15 =	vld [tilespmem:$0x1FF80]  }
0xd9: {  	v14 =	vshrl.u32 v13, $0x3  }
0xda: {  	v14 =	vadd.s32 v57, v14  }
0xdb: {  	v14 =	vmul.u32 $0x6, v14;
	_ =	sdelay $0x1  }
0xdc: {  	v14 =	vadd.s32 v14, v15  }
0xdd: {  	v13 =	vand.u32 $0x7, v13;
	v14 =	vshll.u32 v14, $0x3  }
0xde: {  	v13 =	vor.u32 v13, v14  }
0xdf: {  	[tilespmem:$0x1070] =	vst v13;
	v13 =	vld [tilespmem:$0x1FFB0];
	_ =	sdelay $0x5  }
0xe0: {  	s2 =	simm.s32 $0x1000  }
0xe1: {  	[tilespmem:s17], [sflag:$0x1] =	stream.indirect.gather [hbm4b:s1+s18], $0x80, s2, s18, $0xb8;
	[tilespmem:$0x1CC80] =	vst v63  }
0xe2: {  	v13 =	vld.idx.msk [tilespmem:v13+s8+$0x0], $0xffff;
	_ =	sdelay $0x3  }
0xe3: {  	v15 =	vld [tilespmem:$0x1FFA0]  }
0xe4: {  	v14 =	vshrl.u32 v13, $0x3  }
0xe5: {  	v14 =	vadd.s32 v58, v14  }
0xe6: {  	v14 =	vmul.u32 $0x6, v14;
	_ =	sdelay $0x1  }
0xe7: {  	v14 =	vadd.s32 v14, v15  }
0xe8: {  	v13 =	vand.u32 $0x7, v13;
	v14 =	vshll.u32 v14, $0x3  }
0xe9: {  	v13 =	vor.u32 v13, v14  }
0xea: {  	[tilespmem:$0x1080] =	vst v13;
	v13 =	vld [tilespmem:$0x1FFD0];
	_ =	sdelay $0x7  }
0xeb: {  	v13 =	vld.idx.msk [tilespmem:v13+s8+$0x0], $0xffff;
	_ =	sdelay $0x3  }
0xec: {  	v15 =	vld [tilespmem:$0x1FFC0]  }
0xed: {  	v14 =	vshrl.u32 v13, $0x3  }
0xee: {  	v14 =	vadd.s32 v59, v14  }
0xef: {  	v14 =	vmul.u32 $0x6, v14;
	_ =	sdelay $0x1  }
0xf0: {  	v14 =	vadd.s32 v14, v15  }
0xf1: {  	v13 =	vand.u32 $0x7, v13;
	v14 =	vshll.u32 v14, $0x3  }
0xf2: {  	v13 =	vor.u32 v13, v14  }
0xf3: {  	[tilespmem:$0x1090] =	vst v13  }
0xf4: {  	v13 =	vld.idx.msk [tilespmem:v23+s8+$0x0], $0xffff;
	_ =	sdelay $0x3  }
0xf5: {  	v15 =	vld [tilespmem:$0x1FFE0]  }
0xf6: {  	v14 =	vshrl.u32 v13, $0x3  }
0xf7: {  	v14 =	vadd.s32 v60, v14  }
0xf8: {  	v14 =	vmul.u32 $0x6, v14;
	_ =	sdelay $0x1  }
0xf9: {  	v14 =	vadd.s32 v14, v15  }
0xfa: {  	v13 =	vand.u32 $0x7, v13;
	v14 =	vshll.u32 v14, $0x3  }
0xfb: {  	v13 =	vor.u32 v13, v14  }
0xfc: {  	[tilespmem:$0x10A0] =	vst v13  }
0xfd: {  	v13 =	vld.idx.msk [tilespmem:v25+s8+$0x0], $0xffff;
	_ =	sdelay $0x4  }
0xfe: {  	v14 =	vshrl.u32 v13, $0x3  }
0xff: {  	v14 =	vadd.s32 v61, v14  }
0x100: {  	v14 =	vmul.u32 $0x6, v14;
	_ =	sdelay $0x1  }
0x101: {  	v14 =	vadd.s32 v14, v24  }
0x102: {  	v13 =	vand.u32 $0x7, v13;
	v14 =	vshll.u32 v14, $0x3  }
0x103: {  	v13 =	vor.u32 v13, v14  }
0x104: {  	[tilespmem:$0x10B0] =	vst v13  }
0x105: {  	v13 =	vld.idx.msk [tilespmem:v27+s8+$0x0], $0xffff;
	_ =	sdelay $0x4  }
0x106: {  	v14 =	vshrl.u32 v13, $0x3  }
0x107: {  	v14 =	vadd.s32 v62, v14  }
0x108: {  	v14 =	vmul.u32 $0x6, v14;
	_ =	sdelay $0x1  }
0x109: {  	v14 =	vadd.s32 v14, v26  }
0x10a: {  	v13 =	vand.u32 $0x7, v13;
	v14 =	vshll.u32 v14, $0x3  }
0x10b: {  	v13 =	vor.u32 v13, v14  }
0x10c: {  	[tilespmem:$0x10C0] =	vst v13  }
0x10d: {  	v13 =	vld.idx.msk [tilespmem:v29+s8+$0x0], $0xffff;
	_ =	sdelay $0x4  }
0x10e: {  	v14 =	vshrl.u32 v13, $0x3  }
0x10f: {  	v14 =	vadd.s32 v63, v14  }
0x110: {  	v14 =	vmul.u32 $0x6, v14;
	_ =	sdelay $0x1  }
0x111: {  	v14 =	vadd.s32 v14, v28  }
0x112: {  	v13 =	vand.u32 $0x7, v13;
	v14 =	vshll.u32 v14, $0x3  }
0x113: {  	v13 =	vor.u32 v13, v14  }
0x114: {  	[tilespmem:$0x10D0] =	vst v13  }
0x115: {  	v13 =	vld.idx.msk [tilespmem:v31+s8+$0x0], $0xffff;
	_ =	sdelay $0x4  }
0x116: {  	v14 =	vshrl.u32 v13, $0x3  }
0x117: {  	v14 =	vadd.s32 v1, v14  }
0x118: {  	v14 =	vmul.u32 $0x6, v14;
	_ =	sdelay $0x1  }
0x119: {  	v14 =	vadd.s32 v14, v30  }
0x11a: {  	v13 =	vand.u32 $0x7, v13;
	v14 =	vshll.u32 v14, $0x3  }
0x11b: {  	v13 =	vor.u32 v13, v14  }
0x11c: {  	[tilespmem:$0x10E0] =	vst v13  }
0x11d: {  	v13 =	vld.idx.msk [tilespmem:v33+s8+$0x0], $0xffff;
	_ =	sdelay $0x4  }
0x11e: {  	v14 =	vshrl.u32 v13, $0x3  }
0x11f: {  	v14 =	vadd.s32 v3, v14  }
0x120: {  	v14 =	vmul.u32 $0x6, v14;
	_ =	sdelay $0x1  }
0x121: {  	v14 =	vadd.s32 v14, v32  }
0x122: {  	v13 =	vand.u32 $0x7, v13;
	v14 =	vshll.u32 v14, $0x3  }
0x123: {  	v13 =	vor.u32 v13, v14  }
0x124: {  	s13 =	simm.s32 $0x1080;
	[tilespmem:$0x10F0] =	vst v13  }
0x125: {  	[tilespmem:s21], [sflag:$0x2] =	stream.indirect.gather [hbm4b:s1+s18], $0x80, s13, s18, $0xb8;
	[tilespmem:$0x1CC80] =	vst v63  }
0x126: {  	v13 =	vld.idx.msk [tilespmem:v35+s8+$0x0], $0xffff;
	_ =	sdelay $0x4  }
0x127: {  	v14 =	vshrl.u32 v13, $0x3  }
0x128: {  	v14 =	vadd.s32 v4, v14  }
0x129: {  	v14 =	vmul.u32 $0x6, v14;
	_ =	sdelay $0x1  }
0x12a: {  	v14 =	vadd.s32 v14, v34  }
0x12b: {  	v13 =	vand.u32 $0x7, v13;
	v14 =	vshll.u32 v14, $0x3  }
0x12c: {  	v13 =	vor.u32 v13, v14  }
0x12d: {  	[tilespmem:$0x1100] =	vst v13  }
0x12e: {  	v13 =	vld.idx.msk [tilespmem:v37+s8+$0x0], $0xffff;
	_ =	sdelay $0x4  }
0x12f: {  	v14 =	vshrl.u32 v13, $0x3  }
0x130: {  	v14 =	vadd.s32 v5, v14  }
0x131: {  	v14 =	vmul.u32 $0x6, v14;
	_ =	sdelay $0x1  }
0x132: {  	v14 =	vadd.s32 v14, v36  }
0x133: {  	v13 =	vand.u32 $0x7, v13;
	v14 =	vshll.u32 v14, $0x3  }
0x134: {  	v13 =	vor.u32 v13, v14  }
0x135: {  	[tilespmem:$0x1110] =	vst v13  }
0x136: {  	v13 =	vld.idx.msk [tilespmem:v39+s8+$0x0], $0xffff;
	_ =	sdelay $0x4  }
0x137: {  	v14 =	vshrl.u32 v13, $0x3  }
0x138: {  	v14 =	vadd.s32 v6, v14  }
0x139: {  	v14 =	vmul.u32 $0x6, v14;
	_ =	sdelay $0x1  }
0x13a: {  	v14 =	vadd.s32 v14, v38  }
0x13b: {  	v13 =	vand.u32 $0x7, v13;
	v14 =	vshll.u32 v14, $0x3  }
0x13c: {  	v13 =	vor.u32 v13, v14  }
0x13d: {  	[tilespmem:$0x1120] =	vst v13  }
0x13e: {  	v13 =	vld.idx.msk [tilespmem:v41+s8+$0x0], $0xffff;
	_ =	sdelay $0x4  }
0x13f: {  	v14 =	vshrl.u32 v13, $0x3  }
0x140: {  	v14 =	vadd.s32 v7, v14  }
0x141: {  	v14 =	vmul.u32 $0x6, v14;
	_ =	sdelay $0x1  }
0x142: {  	v14 =	vadd.s32 v14, v40  }
0x143: {  	v13 =	vand.u32 $0x7, v13;
	v14 =	vshll.u32 v14, $0x3  }
0x144: {  	v13 =	vor.u32 v13, v14  }
0x145: {  	[tilespmem:$0x1130] =	vst v13  }
0x146: {  	v13 =	vld.idx.msk [tilespmem:v43+s8+$0x0], $0xffff;
	_ =	sdelay $0x4  }
0x147: {  	v14 =	vshrl.u32 v13, $0x3  }
0x148: {  	v14 =	vadd.s32 v8, v14  }
0x149: {  	v14 =	vmul.u32 $0x6, v14;
	_ =	sdelay $0x1  }
0x14a: {  	v14 =	vadd.s32 v14, v42  }
0x14b: {  	v13 =	vand.u32 $0x7, v13;
	v14 =	vshll.u32 v14, $0x3  }
0x14c: {  	v13 =	vor.u32 v13, v14  }
0x14d: {  	[tilespmem:$0x1140] =	vst v13  }
0x14e: {  	v13 =	vld.idx.msk [tilespmem:v45+s8+$0x0], $0xffff;
	_ =	sdelay $0x4  }
0x14f: {  	v14 =	vshrl.u32 v13, $0x3  }
0x150: {  	v14 =	vadd.s32 v9, v14  }
0x151: {  	v14 =	vmul.u32 $0x6, v14;
	_ =	sdelay $0x1  }
0x152: {  	v14 =	vadd.s32 v14, v44  }
0x153: {  	v13 =	vand.u32 $0x7, v13;
	v14 =	vshll.u32 v14, $0x3  }
0x154: {  	v13 =	vor.u32 v13, v14  }
0x155: {  	[tilespmem:$0x1150] =	vst v13  }
0x156: {  	v13 =	vld.idx.msk [tilespmem:v47+s8+$0x0], $0xffff;
	_ =	sdelay $0x4  }
0x157: {  	v14 =	vshrl.u32 v13, $0x3  }
0x158: {  	v14 =	vadd.s32 v10, v14  }
0x159: {  	v14 =	vmul.u32 $0x6, v14;
	_ =	sdelay $0x1  }
0x15a: {  	v14 =	vadd.s32 v14, v46  }
0x15b: {  	v13 =	vand.u32 $0x7, v13;
	v14 =	vshll.u32 v14, $0x3  }
0x15c: {  	v13 =	vor.u32 v13, v14  }
0x15d: {  	[tilespmem:$0x1160] =	vst v13  }
0x15e: {  	v13 =	vld.idx.msk [tilespmem:v49+s8+$0x0], $0xffff;
	_ =	sdelay $0x4  }
0x15f: {  	v14 =	vshrl.u32 v13, $0x3  }
0x160: {  	v14 =	vadd.s32 v11, v14  }
0x161: {  	v14 =	vmul.u32 $0x6, v14  }
0x162: {  	s12 =	rddreg [dreg:$0xa]  }
0x163: {  	s11 =	rddreg [dreg:$0x9];
	v14 =	vadd.s32 v14, v48  }
0x164: {  	s3 =	rddreg [dreg:$0x7];
	v13 =	vand.u32 $0x7, v13;
	v14 =	vshll.u32 v14, $0x3  }
0x165: {  	s2 =	rddreg [dreg:$0x8];
	v13 =	vor.u32 v13, v14  }
0x166: {  	s16 =	simm.s32 $0x1100;
	s13 =	rddreg [dreg:$0xb];
	[tilespmem:$0x1170] =	vst v13  }
0x167: {  	[tilespmem:s23], [sflag:$0x3] =	stream.indirect.gather [hbm4b:s1+s18], $0x80, s16, s18, $0xb8;
	[tilespmem:$0x1CC80] =	vst v63  }
0x168: {  	s10 =	simm.s32 $0x1470;
	s16 =	rddreg [dreg:$0x6]  }
.LBB2_3:
0x169: {  	s6 =	sadd.s32 s8, s9  }
0x16a: {  	s7 =	sadd.s32 $0x180, s6  }
0x16b: {  	v13 =	vor.u32 s7, v0  }
0x16c: {  	v13 =	vshrl.u32 v13, $0x3  }
0x16d: {  	v14 =	vmul.u32 $0xAAAB, v13;
	_ =	sdelay $0x1  }
0x16e: {  	v15 =	vshrl.u32 v14, $0x12  }
0x16f: {  	v16 =	vshll.u32 v15, $0x3  }
0x170: {  	_ =	swait.ge [sflag:s24], $0x4000;
	v17 =	vshrl.u32 v14, $0xF;
	v16 =	vor.u32 v2, v16  }
0x171: {  	p0 =	seq.s32 s8, $0x0;
	[sflag:s24] =	ssyncset.done $0x0;
	v17 =	vand.u32 $0xF80, v17;
	v16 =	vand.u32 $0x7F, v16  }
0x172: {  	[sflag:s24] =	ssyncadd.s32 $0xFFFFC000;
	s7 =	simm.s32 @!p0 $0xA;
	v16 =	vor.u32 v17, v16  }
0x173: {  	[hbm4b:s12+s5] =	stream.linear.scatter [tilespmem:s17], [sflag:$0x7], $0x4000, $0x38;
	[tilespmem:$0x1CC80] =	vst v63  }
0x174: {  	_ =	swait.ge @!p0 [sflag:s7], $0x4000  }
0x175: {  	[sflag:s7] =	ssyncset.done @!p0 $0x0  }
0x176: {  	[sflag:s7] =	ssyncadd.s32 @!p0 $0xFFFFC000;
	s7 =	sadd.s32 $0x190, s6  }
0x177: {  	v17 =	vor.u32 s7, v0;
	v16 =	vld.idx.msk [tilespmem:v16+s5+$0x0], $0xffff  }
0x178: {  	v17 =	vshrl.u32 v17, $0x3  }
0x179: {  	v18 =	vmul.u32 $0xAAAB, v17  }
0x17a: {  	v14 =	vshrl.u32 v14, $0x1B  }
0x17b: {  	v14 =	vmul.u32 $0x7D, v14;
	v19 =	vshrl.u32 v18, $0x12  }
0x17c: {  	v15 =	vmul.u32 $0x1FFFFFFA, v15;
	v21 =	vshll.u32 v19, $0x3;
	v20 =	vshrl.u32 v16, $0x3  }
0x17d: {  	v14 =	vadd.s32 v14, v20;
	v20 =	vor.u32 v2, v21;
	v21 =	vshrl.u32 v18, $0xF  }
0x17e: {  	v14 =	vmul.u32 $0x6, v14;
	v20 =	vand.u32 $0x7F, v20;
	v21 =	vand.u32 $0xF80, v21  }
0x17f: {  	v13 =	vadd.s32 v13, v15;
	v15 =	vor.u32 v21, v20  }
0x180: {  	v13 =	vadd.s32 v14, v13  }
0x181: {  	v14 =	vand.u32 $0x7, v16;
	v13 =	vshll.u32 v13, $0x3  }
0x182: {  	v13 =	vor.u32 v14, v13  }
0x183: {  	s7 =	sadd.s32 $0x1A0, s6;
	[tilespmem:s10+$0xFFFFFD10] =	vst v13  }
0x184: {  	v14 =	vor.u32 s7, v0;
	v13 =	vld.idx.msk [tilespmem:v15+s5+$0x0], $0xffff  }
0x185: {  	v14 =	vshrl.u32 v14, $0x3  }
0x186: {  	v15 =	vmul.u32 $0xAAAB, v14  }
0x187: {  	v16 =	vshrl.u32 v18, $0x1B  }
0x188: {  	v16 =	vmul.u32 $0x7D, v16;
	v18 =	vshrl.u32 v15, $0x12  }
0x189: {  	v19 =	vmul.u32 $0x1FFFFFFA, v19;
	v21 =	vshll.u32 v18, $0x3;
	v20 =	vshrl.u32 v13, $0x3  }
0x18a: {  	v16 =	vadd.s32 v16, v20;
	v20 =	vor.u32 v2, v21;
	v21 =	vshrl.u32 v15, $0xF  }
0x18b: {  	v16 =	vmul.u32 $0x6, v16;
	v20 =	vand.u32 $0x7F, v20;
	v21 =	vand.u32 $0xF80, v21  }
0x18c: {  	v17 =	vadd.s32 v17, v19;
	v19 =	vor.u32 v21, v20  }
0x18d: {  	v16 =	vadd.s32 v16, v17  }
0x18e: {  	v13 =	vand.u32 $0x7, v13;
	v16 =	vshll.u32 v16, $0x3  }
0x18f: {  	v13 =	vor.u32 v13, v16  }
0x190: {  	s7 =	sadd.s32 $0x1B0, s6;
	[tilespmem:s10+$0xFFFFFD20] =	vst v13  }
0x191: {  	v16 =	vor.u32 s7, v0;
	v13 =	vld.idx.msk [tilespmem:v19+s5+$0x0], $0xffff  }
0x192: {  	v16 =	vshrl.u32 v16, $0x3  }
0x193: {  	v17 =	vmul.u32 $0xAAAB, v16  }
0x194: {  	v15 =	vshrl.u32 v15, $0x1B  }
0x195: {  	v15 =	vmul.u32 $0x7D, v15;
	v19 =	vshrl.u32 v17, $0x12  }
0x196: {  	v18 =	vmul.u32 $0x1FFFFFFA, v18;
	v21 =	vshll.u32 v19, $0x3;
	v20 =	vshrl.u32 v13, $0x3  }
0x197: {  	v15 =	vadd.s32 v15, v20;
	v20 =	vor.u32 v2, v21;
	v21 =	vshrl.u32 v17, $0xF  }
0x198: {  	v15 =	vmul.u32 $0x6, v15;
	v20 =	vand.u32 $0x7F, v20;
	v21 =	vand.u32 $0xF80, v21  }
0x199: {  	v14 =	vadd.s32 v14, v18;
	v18 =	vor.u32 v21, v20  }
0x19a: {  	v14 =	vadd.s32 v15, v14  }
0x19b: {  	v13 =	vand.u32 $0x7, v13;
	v14 =	vshll.u32 v14, $0x3  }
0x19c: {  	v13 =	vor.u32 v13, v14  }
0x19d: {  	s7 =	sadd.s32 $0x1C0, s6;
	[tilespmem:s10+$0xFFFFFD30] =	vst v13  }
0x19e: {  	v14 =	vor.u32 s7, v0;
	v13 =	vld.idx.msk [tilespmem:v18+s5+$0x0], $0xffff  }
0x19f: {  	v14 =	vshrl.u32 v14, $0x3  }
0x1a0: {  	v15 =	vmul.u32 $0xAAAB, v14  }
0x1a1: {  	v17 =	vshrl.u32 v17, $0x1B  }
0x1a2: {  	v17 =	vmul.u32 $0x7D, v17;
	v18 =	vshrl.u32 v15, $0x12  }
0x1a3: {  	v19 =	vmul.u32 $0x1FFFFFFA, v19;
	v21 =	vshll.u32 v18, $0x3;
	v20 =	vshrl.u32 v13, $0x3  }
0x1a4: {  	v17 =	vadd.s32 v17, v20;
	v20 =	vor.u32 v2, v21;
	v21 =	vshrl.u32 v15, $0xF  }
0x1a5: {  	v17 =	vmul.u32 $0x6, v17;
	v20 =	vand.u32 $0x7F, v20;
	v21 =	vand.u32 $0xF80, v21  }
0x1a6: {  	v16 =	vadd.s32 v16, v19;
	v19 =	vor.u32 v21, v20  }
0x1a7: {  	v16 =	vadd.s32 v17, v16  }
0x1a8: {  	v13 =	vand.u32 $0x7, v13;
	v16 =	vshll.u32 v16, $0x3  }
0x1a9: {  	v13 =	vor.u32 v13, v16  }
0x1aa: {  	s7 =	sadd.s32 $0x1D0, s6;
	[tilespmem:s10+$0xFFFFFD40] =	vst v13  }
0x1ab: {  	v16 =	vor.u32 s7, v0;
	v13 =	vld.idx.msk [tilespmem:v19+s5+$0x0], $0xffff  }
0x1ac: {  	v16 =	vshrl.u32 v16, $0x3  }
0x1ad: {  	v17 =	vmul.u32 $0xAAAB, v16  }
0x1ae: {  	v15 =	vshrl.u32 v15, $0x1B  }
0x1af: {  	v15 =	vmul.u32 $0x7D, v15;
	v19 =	vshrl.u32 v17, $0x12  }
0x1b0: {  	v18 =	vmul.u32 $0x1FFFFFFA, v18;
	v21 =	vshll.u32 v19, $0x3;
	v20 =	vshrl.u32 v13, $0x3  }
0x1b1: {  	v15 =	vadd.s32 v15, v20;
	v20 =	vor.u32 v2, v21;
	v21 =	vshrl.u32 v17, $0xF  }
0x1b2: {  	v15 =	vmul.u32 $0x6, v15;
	v20 =	vand.u32 $0x7F, v20;
	v21 =	vand.u32 $0xF80, v21  }
0x1b3: {  	v14 =	vadd.s32 v14, v18;
	v18 =	vor.u32 v21, v20  }
0x1b4: {  	v14 =	vadd.s32 v15, v14  }
0x1b5: {  	v13 =	vand.u32 $0x7, v13;
	v14 =	vshll.u32 v14, $0x3  }
0x1b6: {  	v13 =	vor.u32 v13, v14  }
0x1b7: {  	s7 =	sadd.s32 $0x1E0, s6;
	[tilespmem:s10+$0xFFFFFD50] =	vst v13  }
0x1b8: {  	v14 =	vor.u32 s7, v0;
	v13 =	vld.idx.msk [tilespmem:v18+s5+$0x0], $0xffff  }
0x1b9: {  	v14 =	vshrl.u32 v14, $0x3  }
0x1ba: {  	v15 =	vmul.u32 $0xAAAB, v14  }
0x1bb: {  	v17 =	vshrl.u32 v17, $0x1B  }
0x1bc: {  	v17 =	vmul.u32 $0x7D, v17;
	v18 =	vshrl.u32 v15, $0x12  }
0x1bd: {  	v19 =	vmul.u32 $0x1FFFFFFA, v19;
	v21 =	vshll.u32 v18, $0x3;
	v20 =	vshrl.u32 v13, $0x3  }
0x1be: {  	v17 =	vadd.s32 v17, v20;
	v20 =	vor.u32 v2, v21;
	v21 =	vshrl.u32 v15, $0xF  }
0x1bf: {  	v17 =	vmul.u32 $0x6, v17;
	v20 =	vand.u32 $0x7F, v20;
	v21 =	vand.u32 $0xF80, v21  }
0x1c0: {  	v16 =	vadd.s32 v16, v19;
	v19 =	vor.u32 v21, v20  }
0x1c1: {  	v16 =	vadd.s32 v17, v16  }
0x1c2: {  	v13 =	vand.u32 $0x7, v13;
	v16 =	vshll.u32 v16, $0x3  }
0x1c3: {  	v13 =	vor.u32 v13, v16  }
0x1c4: {  	s7 =	sadd.s32 $0x1F0, s6;
	[tilespmem:s10+$0xFFFFFD60] =	vst v13  }
0x1c5: {  	v16 =	vor.u32 s7, v0;
	v13 =	vld.idx.msk [tilespmem:v19+s5+$0x0], $0xffff  }
0x1c6: {  	v16 =	vshrl.u32 v16, $0x3  }
0x1c7: {  	v17 =	vmul.u32 $0xAAAB, v16  }
0x1c8: {  	v15 =	vshrl.u32 v15, $0x1B  }
0x1c9: {  	v15 =	vmul.u32 $0x7D, v15;
	v19 =	vshrl.u32 v17, $0x12  }
0x1ca: {  	v18 =	vmul.u32 $0x1FFFFFFA, v18;
	v21 =	vshll.u32 v19, $0x3;
	v20 =	vshrl.u32 v13, $0x3  }
0x1cb: {  	v15 =	vadd.s32 v15, v20;
	v20 =	vor.u32 v2, v21;
	v21 =	vshrl.u32 v17, $0xF  }
0x1cc: {  	v15 =	vmul.u32 $0x6, v15;
	v20 =	vand.u32 $0x7F, v20;
	v21 =	vand.u32 $0xF80, v21  }
0x1cd: {  	v14 =	vadd.s32 v14, v18;
	v18 =	vor.u32 v21, v20  }
0x1ce: {  	v14 =	vadd.s32 v15, v14  }
0x1cf: {  	v13 =	vand.u32 $0x7, v13;
	v14 =	vshll.u32 v14, $0x3  }
0x1d0: {  	v13 =	vor.u32 v13, v14  }
0x1d1: {  	[tilespmem:s10+$0xFFFFFD70] =	vst v13  }
0x1d2: {  	v13 =	vld.idx.msk [tilespmem:v18+s5+$0x0], $0xffff;
	_ =	sdelay $0x2  }
0x1d3: {  	v14 =	vshrl.u32 v17, $0x1B  }
0x1d4: {  	v14 =	vmul.u32 $0x7D, v14  }
0x1d5: {  	v15 =	vshrl.u32 v13, $0x3  }
0x1d6: {  	v17 =	vmul.u32 $0x1FFFFFFA, v19;
	v14 =	vadd.s32 v14, v15  }
0x1d7: {  	v14 =	vmul.u32 $0x6, v14  }
0x1d8: {  	s7 =	sadd.s32 $0x200, s6;
	v15 =	vadd.s32 v16, v17  }
0x1d9: {  	v14 =	vadd.s32 v14, v15;
	v15 =	vor.u32 s7, v0  }
0x1da: {  	v13 =	vand.u32 $0x7, v13;
	v14 =	vshll.u32 v14, $0x3;
	v15 =	vshrl.u32 v15, $0x3  }
0x1db: {  	v13 =	vor.u32 v13, v14;
	v14 =	vmul.u32 $0xAAAB, v15;
	_ =	sdelay $0x1  }
0x1dc: {  	s7 =	sadd.s32 $0xFFFFFD10, s10;
	[tilespmem:s10+$0xFFFFFD80] =	vst v13;
	v13 =	vshrl.u32 v14, $0x12  }
0x1dd: {  	[tilespmem:s25], [sflag:$0x4] =	stream.indirect.gather [hbm4b:s1+s18], $0x80, s7, s18, $0xb8;
	v16 =	vshll.u32 v13, $0x3;
	[tilespmem:$0x1CC80] =	vst v63  }
0x1de: {  	v17 =	vshrl.u32 v14, $0xF;
	_ =	swait.ge [sflag:s26], $0x4000;
	v16 =	vor.u32 v2, v16  }
0x1df: {  	v17 =	vand.u32 $0xF80, v17;
	[sflag:s26] =	ssyncset.done $0x0;
	v16 =	vand.u32 $0x7F, v16  }
0x1e0: {  	s7 =	simm.s32 @!p0 $0xB;
	[sflag:s26] =	ssyncadd.s32 $0xFFFFC000;
	v16 =	vor.u32 v17, v16  }
0x1e1: {  	[hbm4b:s3+s5] =	stream.linear.scatter [tilespmem:s21], [sflag:$0x8], $0x4000, $0x38;
	[tilespmem:$0x1CC80] =	vst v63  }
0x1e2: {  	_ =	swait.ge @!p0 [sflag:s7], $0x4000  }
0x1e3: {  	[sflag:s7] =	ssyncset.done @!p0 $0x0  }
0x1e4: {  	[sflag:s7] =	ssyncadd.s32 @!p0 $0xFFFFC000;
	s7 =	sadd.s32 $0x210, s6  }
0x1e5: {  	v17 =	vor.u32 s7, v0;
	v16 =	vld.idx.msk [tilespmem:v16+s5+$0x0], $0xffff  }
0x1e6: {  	v17 =	vshrl.u32 v17, $0x3  }
0x1e7: {  	v18 =	vmul.u32 $0xAAAB, v17  }
0x1e8: {  	v14 =	vshrl.u32 v14, $0x1B  }
0x1e9: {  	v14 =	vmul.u32 $0x7D, v14;
	v19 =	vshrl.u32 v18, $0x12  }
0x1ea: {  	v13 =	vmul.u32 $0x1FFFFFFA, v13;
	v21 =	vshll.u32 v19, $0x3;
	v20 =	vshrl.u32 v16, $0x3  }
0x1eb: {  	v14 =	vadd.s32 v14, v20;
	v20 =	vor.u32 v2, v21;
	v21 =	vshrl.u32 v18, $0xF  }
0x1ec: {  	v14 =	vmul.u32 $0x6, v14;
	v20 =	vand.u32 $0x7F, v20;
	v21 =	vand.u32 $0xF80, v21  }
0x1ed: {  	v13 =	vadd.s32 v15, v13;
	v15 =	vor.u32 v21, v20  }
0x1ee: {  	v13 =	vadd.s32 v14, v13  }
0x1ef: {  	v14 =	vand.u32 $0x7, v16;
	v13 =	vshll.u32 v13, $0x3  }
0x1f0: {  	v13 =	vor.u32 v14, v13  }
0x1f1: {  	s7 =	sadd.s32 $0x220, s6;
	[tilespmem:s10+$0xFFFFFD90] =	vst v13  }
0x1f2: {  	v14 =	vor.u32 s7, v0;
	v13 =	vld.idx.msk [tilespmem:v15+s5+$0x0], $0xffff  }
0x1f3: {  	v14 =	vshrl.u32 v14, $0x3  }
0x1f4: {  	v15 =	vmul.u32 $0xAAAB, v14  }
0x1f5: {  	v16 =	vshrl.u32 v18, $0x1B  }
0x1f6: {  	v16 =	vmul.u32 $0x7D, v16;
	v18 =	vshrl.u32 v15, $0x12  }
0x1f7: {  	v19 =	vmul.u32 $0x1FFFFFFA, v19;
	v21 =	vshll.u32 v18, $0x3;
	v20 =	vshrl.u32 v13, $0x3  }
0x1f8: {  	v16 =	vadd.s32 v16, v20;
	v20 =	vor.u32 v2, v21;
	v21 =	vshrl.u32 v15, $0xF  }
0x1f9: {  	v16 =	vmul.u32 $0x6, v16;
	v20 =	vand.u32 $0x7F, v20;
	v21 =	vand.u32 $0xF80, v21  }
0x1fa: {  	v17 =	vadd.s32 v17, v19;
	v19 =	vor.u32 v21, v20  }
0x1fb: {  	v16 =	vadd.s32 v16, v17  }
0x1fc: {  	v13 =	vand.u32 $0x7, v13;
	v16 =	vshll.u32 v16, $0x3  }
0x1fd: {  	v13 =	vor.u32 v13, v16  }
0x1fe: {  	s7 =	sadd.s32 $0x230, s6;
	[tilespmem:s10+$0xFFFFFDA0] =	vst v13  }
0x1ff: {  	v16 =	vor.u32 s7, v0;
	v13 =	vld.idx.msk [tilespmem:v19+s5+$0x0], $0xffff  }
0x200: {  	v16 =	vshrl.u32 v16, $0x3  }
0x201: {  	v17 =	vmul.u32 $0xAAAB, v16  }
0x202: {  	v15 =	vshrl.u32 v15, $0x1B  }
0x203: {  	v15 =	vmul.u32 $0x7D, v15;
	v19 =	vshrl.u32 v17, $0x12  }
0x204: {  	v18 =	vmul.u32 $0x1FFFFFFA, v18;
	v21 =	vshll.u32 v19, $0x3;
	v20 =	vshrl.u32 v13, $0x3  }
0x205: {  	v15 =	vadd.s32 v15, v20;
	v20 =	vor.u32 v2, v21;
	v21 =	vshrl.u32 v17, $0xF  }
0x206: {  	v15 =	vmul.u32 $0x6, v15;
	v20 =	vand.u32 $0x7F, v20;
	v21 =	vand.u32 $0xF80, v21  }
0x207: {  	v14 =	vadd.s32 v14, v18;
	v18 =	vor.u32 v21, v20  }
0x208: {  	v14 =	vadd.s32 v15, v14  }
0x209: {  	v13 =	vand.u32 $0x7, v13;
	v14 =	vshll.u32 v14, $0x3  }
0x20a: {  	v13 =	vor.u32 v13, v14  }
0x20b: {  	s7 =	sadd.s32 $0x240, s6;
	[tilespmem:s10+$0xFFFFFDB0] =	vst v13  }
0x20c: {  	v14 =	vor.u32 s7, v0;
	v13 =	vld.idx.msk [tilespmem:v18+s5+$0x0], $0xffff  }
0x20d: {  	v14 =	vshrl.u32 v14, $0x3  }
0x20e: {  	v15 =	vmul.u32 $0xAAAB, v14  }
0x20f: {  	v17 =	vshrl.u32 v17, $0x1B  }
0x210: {  	v17 =	vmul.u32 $0x7D, v17;
	v18 =	vshrl.u32 v15, $0x12  }
0x211: {  	v19 =	vmul.u32 $0x1FFFFFFA, v19;
	v21 =	vshll.u32 v18, $0x3;
	v20 =	vshrl.u32 v13, $0x3  }
0x212: {  	v17 =	vadd.s32 v17, v20;
	v20 =	vor.u32 v2, v21;
	v21 =	vshrl.u32 v15, $0xF  }
0x213: {  	v17 =	vmul.u32 $0x6, v17;
	v20 =	vand.u32 $0x7F, v20;
	v21 =	vand.u32 $0xF80, v21  }
0x214: {  	v16 =	vadd.s32 v16, v19;
	v19 =	vor.u32 v21, v20  }
0x215: {  	v16 =	vadd.s32 v17, v16  }
0x216: {  	v13 =	vand.u32 $0x7, v13;
	v16 =	vshll.u32 v16, $0x3  }
0x217: {  	v13 =	vor.u32 v13, v16  }
0x218: {  	s7 =	sadd.s32 $0x250, s6;
	[tilespmem:s10+$0xFFFFFDC0] =	vst v13  }
0x219: {  	v16 =	vor.u32 s7, v0;
	v13 =	vld.idx.msk [tilespmem:v19+s5+$0x0], $0xffff  }
0x21a: {  	v16 =	vshrl.u32 v16, $0x3  }
0x21b: {  	v17 =	vmul.u32 $0xAAAB, v16  }
0x21c: {  	v15 =	vshrl.u32 v15, $0x1B  }
0x21d: {  	v15 =	vmul.u32 $0x7D, v15;
	v19 =	vshrl.u32 v17, $0x12  }
0x21e: {  	v18 =	vmul.u32 $0x1FFFFFFA, v18;
	v21 =	vshll.u32 v19, $0x3;
	v20 =	vshrl.u32 v13, $0x3  }
0x21f: {  	v15 =	vadd.s32 v15, v20;
	v20 =	vor.u32 v2, v21;
	v21 =	vshrl.u32 v17, $0xF  }
0x220: {  	v15 =	vmul.u32 $0x6, v15;
	v20 =	vand.u32 $0x7F, v20;
	v21 =	vand.u32 $0xF80, v21  }
0x221: {  	v14 =	vadd.s32 v14, v18;
	v18 =	vor.u32 v21, v20  }
0x222: {  	v14 =	vadd.s32 v15, v14  }
0x223: {  	v13 =	vand.u32 $0x7, v13;
	v14 =	vshll.u32 v14, $0x3  }
0x224: {  	v13 =	vor.u32 v13, v14  }
0x225: {  	s7 =	sadd.s32 $0x260, s6;
	[tilespmem:s10+$0xFFFFFDD0] =	vst v13  }
0x226: {  	v14 =	vor.u32 s7, v0;
	v13 =	vld.idx.msk [tilespmem:v18+s5+$0x0], $0xffff  }
0x227: {  	v14 =	vshrl.u32 v14, $0x3  }
0x228: {  	v15 =	vmul.u32 $0xAAAB, v14  }
0x229: {  	v17 =	vshrl.u32 v17, $0x1B  }
0x22a: {  	v17 =	vmul.u32 $0x7D, v17;
	v18 =	vshrl.u32 v15, $0x12  }
0x22b: {  	v19 =	vmul.u32 $0x1FFFFFFA, v19;
	v21 =	vshll.u32 v18, $0x3;
	v20 =	vshrl.u32 v13, $0x3  }
0x22c: {  	v17 =	vadd.s32 v17, v20;
	v20 =	vor.u32 v2, v21;
	v21 =	vshrl.u32 v15, $0xF  }
0x22d: {  	v17 =	vmul.u32 $0x6, v17;
	v20 =	vand.u32 $0x7F, v20;
	v21 =	vand.u32 $0xF80, v21  }
0x22e: {  	v16 =	vadd.s32 v16, v19;
	v19 =	vor.u32 v21, v20  }
0x22f: {  	v16 =	vadd.s32 v17, v16  }
0x230: {  	v13 =	vand.u32 $0x7, v13;
	v16 =	vshll.u32 v16, $0x3  }
0x231: {  	v13 =	vor.u32 v13, v16  }
0x232: {  	s7 =	sadd.s32 $0x270, s6;
	[tilespmem:s10+$0xFFFFFDE0] =	vst v13  }
0x233: {  	v16 =	vor.u32 s7, v0;
	v13 =	vld.idx.msk [tilespmem:v19+s5+$0x0], $0xffff  }
0x234: {  	v16 =	vshrl.u32 v16, $0x3  }
0x235: {  	v17 =	vmul.u32 $0xAAAB, v16  }
0x236: {  	v15 =	vshrl.u32 v15, $0x1B  }
0x237: {  	v15 =	vmul.u32 $0x7D, v15;
	v19 =	vshrl.u32 v17, $0x12  }
0x238: {  	v18 =	vmul.u32 $0x1FFFFFFA, v18;
	v21 =	vshll.u32 v19, $0x3;
	v20 =	vshrl.u32 v13, $0x3  }
0x239: {  	v15 =	vadd.s32 v15, v20;
	v20 =	vor.u32 v2, v21;
	v21 =	vshrl.u32 v17, $0xF  }
0x23a: {  	v15 =	vmul.u32 $0x6, v15;
	v20 =	vand.u32 $0x7F, v20;
	v21 =	vand.u32 $0xF80, v21  }
0x23b: {  	v14 =	vadd.s32 v14, v18;
	v18 =	vor.u32 v21, v20  }
0x23c: {  	v14 =	vadd.s32 v15, v14  }
0x23d: {  	v13 =	vand.u32 $0x7, v13;
	v14 =	vshll.u32 v14, $0x3  }
0x23e: {  	v13 =	vor.u32 v13, v14  }
0x23f: {  	[tilespmem:s10+$0xFFFFFDF0] =	vst v13  }
0x240: {  	v13 =	vld.idx.msk [tilespmem:v18+s5+$0x0], $0xffff;
	_ =	sdelay $0x2  }
0x241: {  	v14 =	vshrl.u32 v17, $0x1B  }
0x242: {  	v14 =	vmul.u32 $0x7D, v14  }
0x243: {  	v15 =	vshrl.u32 v13, $0x3  }
0x244: {  	v17 =	vmul.u32 $0x1FFFFFFA, v19;
	v14 =	vadd.s32 v14, v15  }
0x245: {  	v14 =	vmul.u32 $0x6, v14  }
0x246: {  	s7 =	sadd.s32 $0x280, s6;
	v15 =	vadd.s32 v16, v17  }
0x247: {  	v14 =	vadd.s32 v14, v15;
	v15 =	vor.u32 s7, v0  }
0x248: {  	v13 =	vand.u32 $0x7, v13;
	v14 =	vshll.u32 v14, $0x3;
	v15 =	vshrl.u32 v15, $0x3  }
0x249: {  	v13 =	vor.u32 v13, v14;
	v14 =	vmul.u32 $0xAAAB, v15;
	_ =	sdelay $0x1  }
0x24a: {  	s7 =	sadd.s32 $0xFFFFFD90, s10;
	[tilespmem:s10+$0xFFFFFE00] =	vst v13;
	v13 =	vshrl.u32 v14, $0x12  }
0x24b: {  	[tilespmem:s28], [sflag:$0x5] =	stream.indirect.gather [hbm4b:s1+s18], $0x80, s7, s18, $0xb8;
	v16 =	vshll.u32 v13, $0x3;
	[tilespmem:$0x1CC80] =	vst v63  }
0x24c: {  	v17 =	vshrl.u32 v14, $0xF;
	_ =	swait.ge [sflag:s29], $0x4000;
	v16 =	vor.u32 v2, v16  }
0x24d: {  	v17 =	vand.u32 $0xF80, v17;
	[sflag:s29] =	ssyncset.done $0x0;
	v16 =	vand.u32 $0x7F, v16  }
0x24e: {  	s7 =	simm.s32 @!p0 $0xC;
	[sflag:s29] =	ssyncadd.s32 $0xFFFFC000;
	v16 =	vor.u32 v17, v16  }
0x24f: {  	[hbm4b:s16+s5] =	stream.linear.scatter [tilespmem:s23], [sflag:$0x9], $0x4000, $0x38;
	[tilespmem:$0x1CC80] =	vst v63  }
0x250: {  	_ =	swait.ge @!p0 [sflag:s7], $0x4000  }
0x251: {  	[sflag:s7] =	ssyncset.done @!p0 $0x0  }
0x252: {  	[sflag:s7] =	ssyncadd.s32 @!p0 $0xFFFFC000;
	s7 =	sadd.s32 $0x290, s6  }
0x253: {  	v17 =	vor.u32 s7, v0;
	v16 =	vld.idx.msk [tilespmem:v16+s5+$0x0], $0xffff  }
0x254: {  	v17 =	vshrl.u32 v17, $0x3  }
0x255: {  	v18 =	vmul.u32 $0xAAAB, v17  }
0x256: {  	v14 =	vshrl.u32 v14, $0x1B  }
0x257: {  	v14 =	vmul.u32 $0x7D, v14;
	v19 =	vshrl.u32 v18, $0x12  }
0x258: {  	v13 =	vmul.u32 $0x1FFFFFFA, v13;
	v21 =	vshll.u32 v19, $0x3;
	v20 =	vshrl.u32 v16, $0x3  }
0x259: {  	v14 =	vadd.s32 v14, v20;
	v20 =	vor.u32 v2, v21;
	v21 =	vshrl.u32 v18, $0xF  }
0x25a: {  	v14 =	vmul.u32 $0x6, v14;
	v20 =	vand.u32 $0x7F, v20;
	v21 =	vand.u32 $0xF80, v21  }
0x25b: {  	v13 =	vadd.s32 v15, v13;
	v15 =	vor.u32 v21, v20  }
0x25c: {  	v13 =	vadd.s32 v14, v13  }
0x25d: {  	v14 =	vand.u32 $0x7, v16;
	v13 =	vshll.u32 v13, $0x3  }
0x25e: {  	v13 =	vor.u32 v14, v13  }
0x25f: {  	s7 =	sadd.s32 $0x2A0, s6;
	[tilespmem:s10+$0xFFFFFE10] =	vst v13  }
0x260: {  	v14 =	vor.u32 s7, v0;
	v13 =	vld.idx.msk [tilespmem:v15+s5+$0x0], $0xffff  }
0x261: {  	v14 =	vshrl.u32 v14, $0x3  }
0x262: {  	v15 =	vmul.u32 $0xAAAB, v14  }
0x263: {  	v16 =	vshrl.u32 v18, $0x1B  }
0x264: {  	v16 =	vmul.u32 $0x7D, v16;
	v18 =	vshrl.u32 v15, $0x12  }
0x265: {  	v19 =	vmul.u32 $0x1FFFFFFA, v19;
	v21 =	vshll.u32 v18, $0x3;
	v20 =	vshrl.u32 v13, $0x3  }
0x266: {  	v16 =	vadd.s32 v16, v20;
	v20 =	vor.u32 v2, v21;
	v21 =	vshrl.u32 v15, $0xF  }
0x267: {  	v16 =	vmul.u32 $0x6, v16;
	v20 =	vand.u32 $0x7F, v20;
	v21 =	vand.u32 $0xF80, v21  }
0x268: {  	v17 =	vadd.s32 v17, v19;
	v19 =	vor.u32 v21, v20  }
0x269: {  	v16 =	vadd.s32 v16, v17  }
0x26a: {  	v13 =	vand.u32 $0x7, v13;
	v16 =	vshll.u32 v16, $0x3  }
0x26b: {  	v13 =	vor.u32 v13, v16  }
0x26c: {  	s7 =	sadd.s32 $0x2B0, s6;
	[tilespmem:s10+$0xFFFFFE20] =	vst v13  }
0x26d: {  	v16 =	vor.u32 s7, v0;
	v13 =	vld.idx.msk [tilespmem:v19+s5+$0x0], $0xffff  }
0x26e: {  	v16 =	vshrl.u32 v16, $0x3  }
0x26f: {  	v17 =	vmul.u32 $0xAAAB, v16  }
0x270: {  	v15 =	vshrl.u32 v15, $0x1B  }
0x271: {  	v15 =	vmul.u32 $0x7D, v15;
	v19 =	vshrl.u32 v17, $0x12  }
0x272: {  	v18 =	vmul.u32 $0x1FFFFFFA, v18;
	v21 =	vshll.u32 v19, $0x3;
	v20 =	vshrl.u32 v13, $0x3  }
0x273: {  	v15 =	vadd.s32 v15, v20;
	v20 =	vor.u32 v2, v21;
	v21 =	vshrl.u32 v17, $0xF  }
0x274: {  	v15 =	vmul.u32 $0x6, v15;
	v20 =	vand.u32 $0x7F, v20;
	v21 =	vand.u32 $0xF80, v21  }
0x275: {  	v14 =	vadd.s32 v14, v18;
	v18 =	vor.u32 v21, v20  }
0x276: {  	v14 =	vadd.s32 v15, v14  }
0x277: {  	v13 =	vand.u32 $0x7, v13;
	v14 =	vshll.u32 v14, $0x3  }
0x278: {  	v13 =	vor.u32 v13, v14  }
0x279: {  	s7 =	sadd.s32 $0x2C0, s6;
	[tilespmem:s10+$0xFFFFFE30] =	vst v13  }
0x27a: {  	v14 =	vor.u32 s7, v0;
	v13 =	vld.idx.msk [tilespmem:v18+s5+$0x0], $0xffff  }
0x27b: {  	v14 =	vshrl.u32 v14, $0x3  }
0x27c: {  	v15 =	vmul.u32 $0xAAAB, v14  }
0x27d: {  	v17 =	vshrl.u32 v17, $0x1B  }
0x27e: {  	v17 =	vmul.u32 $0x7D, v17;
	v18 =	vshrl.u32 v15, $0x12  }
0x27f: {  	v19 =	vmul.u32 $0x1FFFFFFA, v19;
	v21 =	vshll.u32 v18, $0x3;
	v20 =	vshrl.u32 v13, $0x3  }
0x280: {  	v17 =	vadd.s32 v17, v20;
	v20 =	vor.u32 v2, v21;
	v21 =	vshrl.u32 v15, $0xF  }
0x281: {  	v17 =	vmul.u32 $0x6, v17;
	v20 =	vand.u32 $0x7F, v20;
	v21 =	vand.u32 $0xF80, v21  }
0x282: {  	v16 =	vadd.s32 v16, v19;
	v19 =	vor.u32 v21, v20  }
0x283: {  	v16 =	vadd.s32 v17, v16  }
0x284: {  	v13 =	vand.u32 $0x7, v13;
	v16 =	vshll.u32 v16, $0x3  }
0x285: {  	v13 =	vor.u32 v13, v16  }
0x286: {  	s7 =	sadd.s32 $0x2D0, s6;
	[tilespmem:s10+$0xFFFFFE40] =	vst v13  }
0x287: {  	v16 =	vor.u32 s7, v0;
	v13 =	vld.idx.msk [tilespmem:v19+s5+$0x0], $0xffff  }
0x288: {  	v16 =	vshrl.u32 v16, $0x3  }
0x289: {  	v17 =	vmul.u32 $0xAAAB, v16  }
0x28a: {  	v15 =	vshrl.u32 v15, $0x1B  }
0x28b: {  	v15 =	vmul.u32 $0x7D, v15;
	v19 =	vshrl.u32 v17, $0x12  }
0x28c: {  	v18 =	vmul.u32 $0x1FFFFFFA, v18;
	v21 =	vshll.u32 v19, $0x3;
	v20 =	vshrl.u32 v13, $0x3  }
0x28d: {  	v15 =	vadd.s32 v15, v20;
	v20 =	vor.u32 v2, v21;
	v21 =	vshrl.u32 v17, $0xF  }
0x28e: {  	v15 =	vmul.u32 $0x6, v15;
	v20 =	vand.u32 $0x7F, v20;
	v21 =	vand.u32 $0xF80, v21  }
0x28f: {  	v14 =	vadd.s32 v14, v18;
	v18 =	vor.u32 v21, v20  }
0x290: {  	v14 =	vadd.s32 v15, v14  }
0x291: {  	v13 =	vand.u32 $0x7, v13;
	v14 =	vshll.u32 v14, $0x3  }
0x292: {  	v13 =	vor.u32 v13, v14  }
0x293: {  	s7 =	sadd.s32 $0x2E0, s6;
	[tilespmem:s10+$0xFFFFFE50] =	vst v13  }
0x294: {  	v14 =	vor.u32 s7, v0;
	v13 =	vld.idx.msk [tilespmem:v18+s5+$0x0], $0xffff  }
0x295: {  	v14 =	vshrl.u32 v14, $0x3  }
0x296: {  	v15 =	vmul.u32 $0xAAAB, v14  }
0x297: {  	v17 =	vshrl.u32 v17, $0x1B  }
0x298: {  	v17 =	vmul.u32 $0x7D, v17;
	v18 =	vshrl.u32 v15, $0x12  }
0x299: {  	v19 =	vmul.u32 $0x1FFFFFFA, v19;
	v21 =	vshll.u32 v18, $0x3;
	v20 =	vshrl.u32 v13, $0x3  }
0x29a: {  	v17 =	vadd.s32 v17, v20;
	v20 =	vor.u32 v2, v21;
	v21 =	vshrl.u32 v15, $0xF  }
0x29b: {  	v17 =	vmul.u32 $0x6, v17;
	v20 =	vand.u32 $0x7F, v20;
	v21 =	vand.u32 $0xF80, v21  }
0x29c: {  	v16 =	vadd.s32 v16, v19;
	v19 =	vor.u32 v21, v20  }
0x29d: {  	v16 =	vadd.s32 v17, v16  }
0x29e: {  	v13 =	vand.u32 $0x7, v13;
	v16 =	vshll.u32 v16, $0x3  }
0x29f: {  	v13 =	vor.u32 v13, v16  }
0x2a0: {  	s7 =	sadd.s32 $0x2F0, s6;
	[tilespmem:s10+$0xFFFFFE60] =	vst v13  }
0x2a1: {  	v16 =	vor.u32 s7, v0;
	v13 =	vld.idx.msk [tilespmem:v19+s5+$0x0], $0xffff  }
0x2a2: {  	v16 =	vshrl.u32 v16, $0x3  }
0x2a3: {  	v17 =	vmul.u32 $0xAAAB, v16  }
0x2a4: {  	v15 =	vshrl.u32 v15, $0x1B  }
0x2a5: {  	v15 =	vmul.u32 $0x7D, v15;
	v19 =	vshrl.u32 v17, $0x12  }
0x2a6: {  	v18 =	vmul.u32 $0x1FFFFFFA, v18;
	v21 =	vshll.u32 v19, $0x3;
	v20 =	vshrl.u32 v13, $0x3  }
0x2a7: {  	v15 =	vadd.s32 v15, v20;
	v20 =	vor.u32 v2, v21;
	v21 =	vshrl.u32 v17, $0xF  }
0x2a8: {  	v15 =	vmul.u32 $0x6, v15;
	v20 =	vand.u32 $0x7F, v20;
	v21 =	vand.u32 $0xF80, v21  }
0x2a9: {  	v14 =	vadd.s32 v14, v18;
	v18 =	vor.u32 v21, v20  }
0x2aa: {  	v14 =	vadd.s32 v15, v14  }
0x2ab: {  	v13 =	vand.u32 $0x7, v13;
	v14 =	vshll.u32 v14, $0x3  }
0x2ac: {  	v13 =	vor.u32 v13, v14  }
0x2ad: {  	[tilespmem:s10+$0xFFFFFE70] =	vst v13  }
0x2ae: {  	v13 =	vld.idx.msk [tilespmem:v18+s5+$0x0], $0xffff;
	_ =	sdelay $0x2  }
0x2af: {  	v14 =	vshrl.u32 v17, $0x1B  }
0x2b0: {  	v14 =	vmul.u32 $0x7D, v14  }
0x2b1: {  	v15 =	vshrl.u32 v13, $0x3  }
0x2b2: {  	v14 =	vadd.s32 v14, v15;
	v15 =	vmul.u32 $0x1FFFFFFA, v19  }
0x2b3: {  	v14 =	vmul.u32 $0x6, v14  }
0x2b4: {  	v15 =	vadd.s32 v16, v15  }
0x2b5: {  	v14 =	vadd.s32 v14, v15  }
0x2b6: {  	v13 =	vand.u32 $0x7, v13;
	v14 =	vshll.u32 v14, $0x3  }
0x2b7: {  	v13 =	vor.u32 v13, v14  }
0x2b8: {  	s7 =	sadd.s32 $0xFFFFFE10, s10;
	[tilespmem:s10+$0xFFFFFE80] =	vst v13  }
0x2b9: {  	[tilespmem:s30], [sflag:$0x6] =	stream.indirect.gather [hbm4b:s1+s18], $0x80, s7, s18, $0xb8;
	[tilespmem:$0x1CC80] =	vst v63  }
0x2ba: {  	_ =	swait.ge [sflag:s31], $0x4000  }
0x2bb: {  	p0 =	seq.s32 s8, $0x3900;
	[sflag:s31] =	ssyncset.done $0x0  }
.Ltmp3:
0x2bc: {  	[sflag:s31] =	ssyncadd.s32 $0xFFFFC000;
	(pc) =	sbr.rel @p0 .LBB2_5-.Ltmp3, $4  }
0x2bd: {  	[hbm4b:s2+s5] =	stream.linear.scatter [tilespmem:s25], [sflag:$0xA], $0x4000, $0x38;
	[tilespmem:$0x1CC80] =	vst v63  }
0x2be: {  	_ =	swait.ge [sflag:s4], $0x4000  }
0x2bf: {  	[sflag:s4] =	ssyncset.done $0x0  }
0x2c0: {  	[sflag:s4] =	ssyncadd.s32 $0xFFFFC000  }
0x2c1: {  	s7 =	sadd.s32 $0x300, s6  }
0x2c2: {  	v13 =	vor.u32 s7, v0  }
0x2c3: {  	v13 =	vshrl.u32 v13, $0x3  }
0x2c4: {  	v14 =	vmul.u32 $0xAAAB, v13;
	_ =	sdelay $0x1  }
0x2c5: {  	v15 =	vshrl.u32 v14, $0x12  }
0x2c6: {  	v16 =	vshll.u32 v15, $0x3  }
0x2c7: {  	v17 =	vshrl.u32 v14, $0xF;
	v16 =	vor.u32 v2, v16  }
0x2c8: {  	v17 =	vand.u32 $0xF80, v17;
	v16 =	vand.u32 $0x7F, v16  }
0x2c9: {  	v16 =	vor.u32 v17, v16;
	_ =	sdelay $0x3  }
0x2ca: {  	s7 =	sadd.s32 $0x310, s6  }
0x2cb: {  	v17 =	vor.u32 s7, v0;
	v16 =	vld.idx.msk [tilespmem:v16+s5+$0x0], $0xffff  }
0x2cc: {  	v17 =	vshrl.u32 v17, $0x3  }
0x2cd: {  	v18 =	vmul.u32 $0xAAAB, v17  }
0x2ce: {  	v14 =	vshrl.u32 v14, $0x1B  }
0x2cf: {  	v14 =	vmul.u32 $0x7D, v14;
	v19 =	vshrl.u32 v18, $0x12  }
0x2d0: {  	v15 =	vmul.u32 $0x1FFFFFFA, v15;
	v21 =	vshll.u32 v19, $0x3;
	v20 =	vshrl.u32 v16, $0x3  }
0x2d1: {  	v14 =	vadd.s32 v14, v20;
	v20 =	vor.u32 v2, v21;
	v21 =	vshrl.u32 v18, $0xF  }
0x2d2: {  	v14 =	vmul.u32 $0x6, v14;
	v20 =	vand.u32 $0x7F, v20;
	v21 =	vand.u32 $0xF80, v21  }
0x2d3: {  	v13 =	vadd.s32 v13, v15;
	v15 =	vor.u32 v21, v20  }
0x2d4: {  	v13 =	vadd.s32 v14, v13  }
0x2d5: {  	v14 =	vand.u32 $0x7, v16;
	v13 =	vshll.u32 v13, $0x3  }
0x2d6: {  	v13 =	vor.u32 v14, v13  }
0x2d7: {  	s7 =	sadd.s32 $0x320, s6;
	[tilespmem:s10+$0xFFFFFE90] =	vst v13  }
0x2d8: {  	v14 =	vor.u32 s7, v0;
	v13 =	vld.idx.msk [tilespmem:v15+s5+$0x0], $0xffff  }
0x2d9: {  	v14 =	vshrl.u32 v14, $0x3  }
0x2da: {  	v15 =	vmul.u32 $0xAAAB, v14  }
0x2db: {  	v16 =	vshrl.u32 v18, $0x1B  }
0x2dc: {  	v16 =	vmul.u32 $0x7D, v16;
	v18 =	vshrl.u32 v15, $0x12  }
0x2dd: {  	v19 =	vmul.u32 $0x1FFFFFFA, v19;
	v21 =	vshll.u32 v18, $0x3;
	v20 =	vshrl.u32 v13, $0x3  }
0x2de: {  	v16 =	vadd.s32 v16, v20;
	v20 =	vor.u32 v2, v21;
	v21 =	vshrl.u32 v15, $0xF  }
0x2df: {  	v16 =	vmul.u32 $0x6, v16;
	v20 =	vand.u32 $0x7F, v20;
	v21 =	vand.u32 $0xF80, v21  }
0x2e0: {  	v17 =	vadd.s32 v17, v19;
	v19 =	vor.u32 v21, v20  }
0x2e1: {  	v16 =	vadd.s32 v16, v17  }
0x2e2: {  	v13 =	vand.u32 $0x7, v13;
	v16 =	vshll.u32 v16, $0x3  }
0x2e3: {  	v13 =	vor.u32 v13, v16  }
0x2e4: {  	s7 =	sadd.s32 $0x330, s6;
	[tilespmem:s10+$0xFFFFFEA0] =	vst v13  }
0x2e5: {  	v16 =	vor.u32 s7, v0;
	v13 =	vld.idx.msk [tilespmem:v19+s5+$0x0], $0xffff  }
0x2e6: {  	v16 =	vshrl.u32 v16, $0x3  }
0x2e7: {  	v17 =	vmul.u32 $0xAAAB, v16  }
0x2e8: {  	v15 =	vshrl.u32 v15, $0x1B  }
0x2e9: {  	v15 =	vmul.u32 $0x7D, v15;
	v19 =	vshrl.u32 v17, $0x12  }
0x2ea: {  	v18 =	vmul.u32 $0x1FFFFFFA, v18;
	v21 =	vshll.u32 v19, $0x3;
	v20 =	vshrl.u32 v13, $0x3  }
0x2eb: {  	v15 =	vadd.s32 v15, v20;
	v20 =	vor.u32 v2, v21;
	v21 =	vshrl.u32 v17, $0xF  }
0x2ec: {  	v15 =	vmul.u32 $0x6, v15;
	v20 =	vand.u32 $0x7F, v20;
	v21 =	vand.u32 $0xF80, v21  }
0x2ed: {  	v14 =	vadd.s32 v14, v18;
	v18 =	vor.u32 v21, v20  }
0x2ee: {  	v14 =	vadd.s32 v15, v14  }
0x2ef: {  	v13 =	vand.u32 $0x7, v13;
	v14 =	vshll.u32 v14, $0x3  }
0x2f0: {  	v13 =	vor.u32 v13, v14  }
0x2f1: {  	s7 =	sadd.s32 $0x340, s6;
	[tilespmem:s10+$0xFFFFFEB0] =	vst v13  }
0x2f2: {  	v14 =	vor.u32 s7, v0;
	v13 =	vld.idx.msk [tilespmem:v18+s5+$0x0], $0xffff  }
0x2f3: {  	v14 =	vshrl.u32 v14, $0x3  }
0x2f4: {  	v15 =	vmul.u32 $0xAAAB, v14  }
0x2f5: {  	v17 =	vshrl.u32 v17, $0x1B  }
0x2f6: {  	v17 =	vmul.u32 $0x7D, v17;
	v18 =	vshrl.u32 v15, $0x12  }
0x2f7: {  	v19 =	vmul.u32 $0x1FFFFFFA, v19;
	v21 =	vshll.u32 v18, $0x3;
	v20 =	vshrl.u32 v13, $0x3  }
0x2f8: {  	v17 =	vadd.s32 v17, v20;
	v20 =	vor.u32 v2, v21;
	v21 =	vshrl.u32 v15, $0xF  }
0x2f9: {  	v17 =	vmul.u32 $0x6, v17;
	v20 =	vand.u32 $0x7F, v20;
	v21 =	vand.u32 $0xF80, v21  }
0x2fa: {  	v16 =	vadd.s32 v16, v19;
	v19 =	vor.u32 v21, v20  }
0x2fb: {  	v16 =	vadd.s32 v17, v16  }
0x2fc: {  	v13 =	vand.u32 $0x7, v13;
	v16 =	vshll.u32 v16, $0x3  }
0x2fd: {  	v13 =	vor.u32 v13, v16  }
0x2fe: {  	s7 =	sadd.s32 $0x350, s6;
	[tilespmem:s10+$0xFFFFFEC0] =	vst v13  }
0x2ff: {  	v16 =	vor.u32 s7, v0;
	v13 =	vld.idx.msk [tilespmem:v19+s5+$0x0], $0xffff  }
0x300: {  	v16 =	vshrl.u32 v16, $0x3  }
0x301: {  	v17 =	vmul.u32 $0xAAAB, v16  }
0x302: {  	v15 =	vshrl.u32 v15, $0x1B  }
0x303: {  	v15 =	vmul.u32 $0x7D, v15;
	v19 =	vshrl.u32 v17, $0x12  }
0x304: {  	v18 =	vmul.u32 $0x1FFFFFFA, v18;
	v21 =	vshll.u32 v19, $0x3;
	v20 =	vshrl.u32 v13, $0x3  }
0x305: {  	v15 =	vadd.s32 v15, v20;
	v20 =	vor.u32 v2, v21;
	v21 =	vshrl.u32 v17, $0xF  }
0x306: {  	v15 =	vmul.u32 $0x6, v15;
	v20 =	vand.u32 $0x7F, v20;
	v21 =	vand.u32 $0xF80, v21  }
0x307: {  	v14 =	vadd.s32 v14, v18;
	v18 =	vor.u32 v21, v20  }
0x308: {  	v14 =	vadd.s32 v15, v14  }
0x309: {  	v13 =	vand.u32 $0x7, v13;
	v14 =	vshll.u32 v14, $0x3  }
0x30a: {  	v13 =	vor.u32 v13, v14  }
0x30b: {  	s7 =	sadd.s32 $0x360, s6;
	[tilespmem:s10+$0xFFFFFED0] =	vst v13  }
0x30c: {  	v14 =	vor.u32 s7, v0;
	v13 =	vld.idx.msk [tilespmem:v18+s5+$0x0], $0xffff  }
0x30d: {  	v14 =	vshrl.u32 v14, $0x3  }
0x30e: {  	v15 =	vmul.u32 $0xAAAB, v14  }
0x30f: {  	v17 =	vshrl.u32 v17, $0x1B  }
0x310: {  	v17 =	vmul.u32 $0x7D, v17;
	v18 =	vshrl.u32 v15, $0x12  }
0x311: {  	v19 =	vmul.u32 $0x1FFFFFFA, v19;
	v21 =	vshll.u32 v18, $0x3;
	v20 =	vshrl.u32 v13, $0x3  }
0x312: {  	v17 =	vadd.s32 v17, v20;
	v20 =	vor.u32 v2, v21;
	v21 =	vshrl.u32 v15, $0xF  }
0x313: {  	v17 =	vmul.u32 $0x6, v17;
	v20 =	vand.u32 $0x7F, v20;
	v21 =	vand.u32 $0xF80, v21  }
0x314: {  	v16 =	vadd.s32 v16, v19;
	v19 =	vor.u32 v21, v20  }
0x315: {  	v16 =	vadd.s32 v17, v16  }
0x316: {  	v13 =	vand.u32 $0x7, v13;
	v16 =	vshll.u32 v16, $0x3  }
0x317: {  	v13 =	vor.u32 v13, v16  }
0x318: {  	s7 =	sadd.s32 $0x370, s6;
	[tilespmem:s10+$0xFFFFFEE0] =	vst v13  }
0x319: {  	v16 =	vor.u32 s7, v0;
	v13 =	vld.idx.msk [tilespmem:v19+s5+$0x0], $0xffff  }
0x31a: {  	v16 =	vshrl.u32 v16, $0x3  }
0x31b: {  	v17 =	vmul.u32 $0xAAAB, v16  }
0x31c: {  	v15 =	vshrl.u32 v15, $0x1B  }
0x31d: {  	v15 =	vmul.u32 $0x7D, v15;
	v19 =	vshrl.u32 v17, $0x12  }
0x31e: {  	v18 =	vmul.u32 $0x1FFFFFFA, v18;
	v21 =	vshll.u32 v19, $0x3;
	v20 =	vshrl.u32 v13, $0x3  }
0x31f: {  	v15 =	vadd.s32 v15, v20;
	v20 =	vor.u32 v2, v21;
	v21 =	vshrl.u32 v17, $0xF  }
0x320: {  	v15 =	vmul.u32 $0x6, v15;
	v20 =	vand.u32 $0x7F, v20;
	v21 =	vand.u32 $0xF80, v21  }
0x321: {  	v14 =	vadd.s32 v14, v18;
	v18 =	vor.u32 v21, v20  }
0x322: {  	v14 =	vadd.s32 v15, v14  }
0x323: {  	v13 =	vand.u32 $0x7, v13;
	v14 =	vshll.u32 v14, $0x3  }
0x324: {  	v13 =	vor.u32 v13, v14  }
0x325: {  	[tilespmem:s10+$0xFFFFFEF0] =	vst v13  }
0x326: {  	v13 =	vld.idx.msk [tilespmem:v18+s5+$0x0], $0xffff;
	_ =	sdelay $0x2  }
0x327: {  	v14 =	vshrl.u32 v17, $0x1B  }
0x328: {  	v14 =	vmul.u32 $0x7D, v14  }
0x329: {  	v15 =	vshrl.u32 v13, $0x3  }
0x32a: {  	v14 =	vadd.s32 v14, v15;
	v15 =	vmul.u32 $0x1FFFFFFA, v19  }
0x32b: {  	v14 =	vmul.u32 $0x6, v14  }
0x32c: {  	v15 =	vadd.s32 v16, v15  }
0x32d: {  	v14 =	vadd.s32 v14, v15  }
0x32e: {  	v13 =	vand.u32 $0x7, v13;
	v14 =	vshll.u32 v14, $0x3  }
0x32f: {  	v13 =	vor.u32 v13, v14  }
0x330: {  	s7 =	sadd.s32 $0xFFFFFE90, s10;
	[tilespmem:s10+$0xFFFFFF00] =	vst v13  }
0x331: {  	[tilespmem:s17], [sflag:$0x1] =	stream.indirect.gather [hbm4b:s1+s18], $0x80, s7, s18, $0xb8;
	[tilespmem:$0x1CC80] =	vst v63  }
.LBB2_5:
0x332: {  	_ =	swait.ge [sflag:s0], $0x4000  }
0x333: {  	[sflag:s0] =	ssyncset.done $0x0  }
.Ltmp4:
0x334: {  	[sflag:s0] =	ssyncadd.s32 $0xFFFFC000;
	(pc) =	sbr.rel @p0 .LBB2_7-.Ltmp4, $4  }
0x335: {  	[hbm4b:s11+s5] =	stream.linear.scatter [tilespmem:s28], [sflag:$0xB], $0x4000, $0x38;
	[tilespmem:$0x1CC80] =	vst v63  }
0x336: {  	_ =	swait.ge [sflag:s19], $0x4000  }
0x337: {  	[sflag:s19] =	ssyncset.done $0x0  }
0x338: {  	[sflag:s19] =	ssyncadd.s32 $0xFFFFC000  }
0x339: {  	s7 =	sadd.s32 $0x380, s6  }
0x33a: {  	v13 =	vor.u32 s7, v0  }
0x33b: {  	v13 =	vshrl.u32 v13, $0x3  }
0x33c: {  	v14 =	vmul.u32 $0xAAAB, v13;
	_ =	sdelay $0x1  }
0x33d: {  	v15 =	vshrl.u32 v14, $0x12  }
0x33e: {  	v16 =	vshll.u32 v15, $0x3  }
0x33f: {  	v17 =	vshrl.u32 v14, $0xF;
	v16 =	vor.u32 v2, v16  }
0x340: {  	v17 =	vand.u32 $0xF80, v17;
	v16 =	vand.u32 $0x7F, v16  }
0x341: {  	v16 =	vor.u32 v17, v16;
	_ =	sdelay $0x3  }
0x342: {  	s7 =	sadd.s32 $0x390, s6  }
0x343: {  	v17 =	vor.u32 s7, v0;
	v16 =	vld.idx.msk [tilespmem:v16+s5+$0x0], $0xffff  }
0x344: {  	v17 =	vshrl.u32 v17, $0x3  }
0x345: {  	v18 =	vmul.u32 $0xAAAB, v17  }
0x346: {  	v14 =	vshrl.u32 v14, $0x1B  }
0x347: {  	v14 =	vmul.u32 $0x7D, v14;
	v19 =	vshrl.u32 v18, $0x12  }
0x348: {  	v15 =	vmul.u32 $0x1FFFFFFA, v15;
	v21 =	vshll.u32 v19, $0x3;
	v20 =	vshrl.u32 v16, $0x3  }
0x349: {  	v14 =	vadd.s32 v14, v20;
	v20 =	vor.u32 v2, v21;
	v21 =	vshrl.u32 v18, $0xF  }
0x34a: {  	v14 =	vmul.u32 $0x6, v14;
	v20 =	vand.u32 $0x7F, v20;
	v21 =	vand.u32 $0xF80, v21  }
0x34b: {  	v13 =	vadd.s32 v13, v15;
	v15 =	vor.u32 v21, v20  }
0x34c: {  	v13 =	vadd.s32 v14, v13  }
0x34d: {  	v14 =	vand.u32 $0x7, v16;
	v13 =	vshll.u32 v13, $0x3  }
0x34e: {  	v13 =	vor.u32 v14, v13  }
0x34f: {  	s7 =	sadd.s32 $0x3A0, s6;
	[tilespmem:s10+$0xFFFFFF10] =	vst v13  }
0x350: {  	v14 =	vor.u32 s7, v0;
	v13 =	vld.idx.msk [tilespmem:v15+s5+$0x0], $0xffff  }
0x351: {  	v14 =	vshrl.u32 v14, $0x3  }
0x352: {  	v15 =	vmul.u32 $0xAAAB, v14  }
0x353: {  	v16 =	vshrl.u32 v18, $0x1B  }
0x354: {  	v16 =	vmul.u32 $0x7D, v16;
	v18 =	vshrl.u32 v15, $0x12  }
0x355: {  	v19 =	vmul.u32 $0x1FFFFFFA, v19;
	v21 =	vshll.u32 v18, $0x3;
	v20 =	vshrl.u32 v13, $0x3  }
0x356: {  	v16 =	vadd.s32 v16, v20;
	v20 =	vor.u32 v2, v21;
	v21 =	vshrl.u32 v15, $0xF  }
0x357: {  	v16 =	vmul.u32 $0x6, v16;
	v20 =	vand.u32 $0x7F, v20;
	v21 =	vand.u32 $0xF80, v21  }
0x358: {  	v17 =	vadd.s32 v17, v19;
	v19 =	vor.u32 v21, v20  }
0x359: {  	v16 =	vadd.s32 v16, v17  }
0x35a: {  	v13 =	vand.u32 $0x7, v13;
	v16 =	vshll.u32 v16, $0x3  }
0x35b: {  	v13 =	vor.u32 v13, v16  }
0x35c: {  	s7 =	sadd.s32 $0x3B0, s6;
	[tilespmem:s10+$0xFFFFFF20] =	vst v13  }
0x35d: {  	v16 =	vor.u32 s7, v0;
	v13 =	vld.idx.msk [tilespmem:v19+s5+$0x0], $0xffff  }
0x35e: {  	v16 =	vshrl.u32 v16, $0x3  }
0x35f: {  	v17 =	vmul.u32 $0xAAAB, v16  }
0x360: {  	v15 =	vshrl.u32 v15, $0x1B  }
0x361: {  	v15 =	vmul.u32 $0x7D, v15;
	v19 =	vshrl.u32 v17, $0x12  }
0x362: {  	v18 =	vmul.u32 $0x1FFFFFFA, v18;
	v21 =	vshll.u32 v19, $0x3;
	v20 =	vshrl.u32 v13, $0x3  }
0x363: {  	v15 =	vadd.s32 v15, v20;
	v20 =	vor.u32 v2, v21;
	v21 =	vshrl.u32 v17, $0xF  }
0x364: {  	v15 =	vmul.u32 $0x6, v15;
	v20 =	vand.u32 $0x7F, v20;
	v21 =	vand.u32 $0xF80, v21  }
0x365: {  	v14 =	vadd.s32 v14, v18;
	v18 =	vor.u32 v21, v20  }
0x366: {  	v14 =	vadd.s32 v15, v14  }
0x367: {  	v13 =	vand.u32 $0x7, v13;
	v14 =	vshll.u32 v14, $0x3  }
0x368: {  	v13 =	vor.u32 v13, v14  }
0x369: {  	s7 =	sadd.s32 $0x3C0, s6;
	[tilespmem:s10+$0xFFFFFF30] =	vst v13  }
0x36a: {  	v14 =	vor.u32 s7, v0;
	v13 =	vld.idx.msk [tilespmem:v18+s5+$0x0], $0xffff  }
0x36b: {  	v14 =	vshrl.u32 v14, $0x3  }
0x36c: {  	v15 =	vmul.u32 $0xAAAB, v14  }
0x36d: {  	v17 =	vshrl.u32 v17, $0x1B  }
0x36e: {  	v17 =	vmul.u32 $0x7D, v17;
	v18 =	vshrl.u32 v15, $0x12  }
0x36f: {  	v19 =	vmul.u32 $0x1FFFFFFA, v19;
	v21 =	vshll.u32 v18, $0x3;
	v20 =	vshrl.u32 v13, $0x3  }
0x370: {  	v17 =	vadd.s32 v17, v20;
	v20 =	vor.u32 v2, v21;
	v21 =	vshrl.u32 v15, $0xF  }
0x371: {  	v17 =	vmul.u32 $0x6, v17;
	v20 =	vand.u32 $0x7F, v20;
	v21 =	vand.u32 $0xF80, v21  }
0x372: {  	v16 =	vadd.s32 v16, v19;
	v19 =	vor.u32 v21, v20  }
0x373: {  	v16 =	vadd.s32 v17, v16  }
0x374: {  	v13 =	vand.u32 $0x7, v13;
	v16 =	vshll.u32 v16, $0x3  }
0x375: {  	v13 =	vor.u32 v13, v16  }
0x376: {  	s7 =	sadd.s32 $0x3D0, s6;
	[tilespmem:s10+$0xFFFFFF40] =	vst v13  }
0x377: {  	v16 =	vor.u32 s7, v0;
	v13 =	vld.idx.msk [tilespmem:v19+s5+$0x0], $0xffff  }
0x378: {  	v16 =	vshrl.u32 v16, $0x3  }
0x379: {  	v17 =	vmul.u32 $0xAAAB, v16  }
0x37a: {  	v15 =	vshrl.u32 v15, $0x1B  }
0x37b: {  	v15 =	vmul.u32 $0x7D, v15;
	v19 =	vshrl.u32 v17, $0x12  }
0x37c: {  	v18 =	vmul.u32 $0x1FFFFFFA, v18;
	v21 =	vshll.u32 v19, $0x3;
	v20 =	vshrl.u32 v13, $0x3  }
0x37d: {  	v15 =	vadd.s32 v15, v20;
	v20 =	vor.u32 v2, v21;
	v21 =	vshrl.u32 v17, $0xF  }
0x37e: {  	v15 =	vmul.u32 $0x6, v15;
	v20 =	vand.u32 $0x7F, v20;
	v21 =	vand.u32 $0xF80, v21  }
0x37f: {  	v14 =	vadd.s32 v14, v18;
	v18 =	vor.u32 v21, v20  }
0x380: {  	v14 =	vadd.s32 v15, v14  }
0x381: {  	v13 =	vand.u32 $0x7, v13;
	v14 =	vshll.u32 v14, $0x3  }
0x382: {  	v13 =	vor.u32 v13, v14  }
0x383: {  	s7 =	sadd.s32 $0x3E0, s6;
	[tilespmem:s10+$0xFFFFFF50] =	vst v13  }
0x384: {  	v14 =	vor.u32 s7, v0;
	v13 =	vld.idx.msk [tilespmem:v18+s5+$0x0], $0xffff  }
0x385: {  	v14 =	vshrl.u32 v14, $0x3  }
0x386: {  	v15 =	vmul.u32 $0xAAAB, v14  }
0x387: {  	v17 =	vshrl.u32 v17, $0x1B  }
0x388: {  	v17 =	vmul.u32 $0x7D, v17;
	v18 =	vshrl.u32 v15, $0x12  }
0x389: {  	v19 =	vmul.u32 $0x1FFFFFFA, v19;
	v21 =	vshll.u32 v18, $0x3;
	v20 =	vshrl.u32 v13, $0x3  }
0x38a: {  	v17 =	vadd.s32 v17, v20;
	v20 =	vor.u32 v2, v21;
	v21 =	vshrl.u32 v15, $0xF  }
0x38b: {  	v17 =	vmul.u32 $0x6, v17;
	v20 =	vand.u32 $0x7F, v20;
	v21 =	vand.u32 $0xF80, v21  }
0x38c: {  	v16 =	vadd.s32 v16, v19;
	v19 =	vor.u32 v21, v20  }
0x38d: {  	v16 =	vadd.s32 v17, v16  }
0x38e: {  	v13 =	vand.u32 $0x7, v13;
	v16 =	vshll.u32 v16, $0x3  }
0x38f: {  	v13 =	vor.u32 v13, v16  }
0x390: {  	s7 =	sadd.s32 $0x3F0, s6;
	[tilespmem:s10+$0xFFFFFF60] =	vst v13  }
0x391: {  	v16 =	vor.u32 s7, v0;
	v13 =	vld.idx.msk [tilespmem:v19+s5+$0x0], $0xffff  }
0x392: {  	v16 =	vshrl.u32 v16, $0x3  }
0x393: {  	v17 =	vmul.u32 $0xAAAB, v16  }
0x394: {  	v15 =	vshrl.u32 v15, $0x1B  }
0x395: {  	v15 =	vmul.u32 $0x7D, v15;
	v19 =	vshrl.u32 v17, $0x12  }
0x396: {  	v18 =	vmul.u32 $0x1FFFFFFA, v18;
	v21 =	vshll.u32 v19, $0x3;
	v20 =	vshrl.u32 v13, $0x3  }
0x397: {  	v15 =	vadd.s32 v15, v20;
	v20 =	vor.u32 v2, v21;
	v21 =	vshrl.u32 v17, $0xF  }
0x398: {  	v15 =	vmul.u32 $0x6, v15;
	v20 =	vand.u32 $0x7F, v20;
	v21 =	vand.u32 $0xF80, v21  }
0x399: {  	v14 =	vadd.s32 v14, v18;
	v18 =	vor.u32 v21, v20  }
0x39a: {  	v14 =	vadd.s32 v15, v14  }
0x39b: {  	v13 =	vand.u32 $0x7, v13;
	v14 =	vshll.u32 v14, $0x3  }
0x39c: {  	v13 =	vor.u32 v13, v14  }
0x39d: {  	[tilespmem:s10+$0xFFFFFF70] =	vst v13  }
0x39e: {  	v13 =	vld.idx.msk [tilespmem:v18+s5+$0x0], $0xffff;
	_ =	sdelay $0x2  }
0x39f: {  	v14 =	vshrl.u32 v17, $0x1B  }
0x3a0: {  	v14 =	vmul.u32 $0x7D, v14  }
0x3a1: {  	v15 =	vshrl.u32 v13, $0x3  }
0x3a2: {  	v14 =	vadd.s32 v14, v15;
	v15 =	vmul.u32 $0x1FFFFFFA, v19  }
0x3a3: {  	v14 =	vmul.u32 $0x6, v14  }
0x3a4: {  	v15 =	vadd.s32 v16, v15  }
0x3a5: {  	v14 =	vadd.s32 v14, v15  }
0x3a6: {  	v13 =	vand.u32 $0x7, v13;
	v14 =	vshll.u32 v14, $0x3  }
0x3a7: {  	v13 =	vor.u32 v13, v14  }
0x3a8: {  	s7 =	sadd.s32 $0xFFFFFF10, s10;
	[tilespmem:s10+$0xFFFFFF80] =	vst v13  }
0x3a9: {  	[tilespmem:s21], [sflag:$0x2] =	stream.indirect.gather [hbm4b:s1+s18], $0x80, s7, s18, $0xb8;
	[tilespmem:$0x1CC80] =	vst v63  }
.LBB2_7:
0x3aa: {  	_ =	swait.ge [sflag:s20], $0x4000  }
0x3ab: {  	[sflag:s20] =	ssyncset.done $0x0  }
.Ltmp5:
0x3ac: {  	[sflag:s20] =	ssyncadd.s32 $0xFFFFC000;
	(pc) =	sbr.rel @p0 .LBB2_9-.Ltmp5, $4  }
0x3ad: {  	[hbm4b:s13+s5] =	stream.linear.scatter [tilespmem:s30], [sflag:$0xC], $0x4000, $0x38;
	[tilespmem:$0x1CC80] =	vst v63  }
0x3ae: {  	_ =	swait.ge [sflag:s22], $0x4000  }
0x3af: {  	[sflag:s22] =	ssyncset.done $0x0  }
0x3b0: {  	[sflag:s22] =	ssyncadd.s32 $0xFFFFC000  }
0x3b1: {  	s7 =	sadd.s32 $0x400, s6  }
0x3b2: {  	v13 =	vor.u32 s7, v0  }
0x3b3: {  	v13 =	vshrl.u32 v13, $0x3  }
0x3b4: {  	v14 =	vmul.u32 $0xAAAB, v13;
	_ =	sdelay $0x1  }
0x3b5: {  	v15 =	vshrl.u32 v14, $0x12  }
0x3b6: {  	v16 =	vshll.u32 v15, $0x3  }
0x3b7: {  	v17 =	vshrl.u32 v14, $0xF;
	v16 =	vor.u32 v2, v16  }
0x3b8: {  	v17 =	vand.u32 $0xF80, v17;
	v16 =	vand.u32 $0x7F, v16  }
0x3b9: {  	v16 =	vor.u32 v17, v16;
	_ =	sdelay $0x3  }
0x3ba: {  	s7 =	sadd.s32 $0x410, s6  }
0x3bb: {  	v17 =	vor.u32 s7, v0;
	v16 =	vld.idx.msk [tilespmem:v16+s5+$0x0], $0xffff  }
0x3bc: {  	v17 =	vshrl.u32 v17, $0x3  }
0x3bd: {  	v18 =	vmul.u32 $0xAAAB, v17  }
0x3be: {  	v14 =	vshrl.u32 v14, $0x1B  }
0x3bf: {  	v14 =	vmul.u32 $0x7D, v14;
	v19 =	vshrl.u32 v18, $0x12  }
0x3c0: {  	v15 =	vmul.u32 $0x1FFFFFFA, v15;
	v21 =	vshll.u32 v19, $0x3;
	v20 =	vshrl.u32 v16, $0x3  }
0x3c1: {  	v14 =	vadd.s32 v14, v20;
	v20 =	vor.u32 v2, v21;
	v21 =	vshrl.u32 v18, $0xF  }
0x3c2: {  	v14 =	vmul.u32 $0x6, v14;
	v20 =	vand.u32 $0x7F, v20;
	v21 =	vand.u32 $0xF80, v21  }
0x3c3: {  	v13 =	vadd.s32 v13, v15;
	v15 =	vor.u32 v21, v20  }
0x3c4: {  	v13 =	vadd.s32 v14, v13  }
0x3c5: {  	v14 =	vand.u32 $0x7, v16;
	v13 =	vshll.u32 v13, $0x3  }
0x3c6: {  	v13 =	vor.u32 v14, v13  }
0x3c7: {  	s7 =	sadd.s32 $0x420, s6;
	[tilespmem:s10+$0xFFFFFF90] =	vst v13  }
0x3c8: {  	v14 =	vor.u32 s7, v0;
	v13 =	vld.idx.msk [tilespmem:v15+s5+$0x0], $0xffff  }
0x3c9: {  	v14 =	vshrl.u32 v14, $0x3  }
0x3ca: {  	v15 =	vmul.u32 $0xAAAB, v14  }
0x3cb: {  	v16 =	vshrl.u32 v18, $0x1B  }
0x3cc: {  	v16 =	vmul.u32 $0x7D, v16;
	v18 =	vshrl.u32 v15, $0x12  }
0x3cd: {  	v19 =	vmul.u32 $0x1FFFFFFA, v19;
	v21 =	vshll.u32 v18, $0x3;
	v20 =	vshrl.u32 v13, $0x3  }
0x3ce: {  	v16 =	vadd.s32 v16, v20;
	v20 =	vor.u32 v2, v21;
	v21 =	vshrl.u32 v15, $0xF  }
0x3cf: {  	v16 =	vmul.u32 $0x6, v16;
	v20 =	vand.u32 $0x7F, v20;
	v21 =	vand.u32 $0xF80, v21  }
0x3d0: {  	v17 =	vadd.s32 v17, v19;
	v19 =	vor.u32 v21, v20  }
0x3d1: {  	v16 =	vadd.s32 v16, v17  }
0x3d2: {  	v13 =	vand.u32 $0x7, v13;
	v16 =	vshll.u32 v16, $0x3  }
0x3d3: {  	v13 =	vor.u32 v13, v16  }
0x3d4: {  	s7 =	sadd.s32 $0x430, s6;
	[tilespmem:s10+$0xFFFFFFA0] =	vst v13  }
0x3d5: {  	v16 =	vor.u32 s7, v0;
	v13 =	vld.idx.msk [tilespmem:v19+s5+$0x0], $0xffff  }
0x3d6: {  	v16 =	vshrl.u32 v16, $0x3  }
0x3d7: {  	v17 =	vmul.u32 $0xAAAB, v16  }
0x3d8: {  	v15 =	vshrl.u32 v15, $0x1B  }
0x3d9: {  	v15 =	vmul.u32 $0x7D, v15;
	v19 =	vshrl.u32 v17, $0x12  }
0x3da: {  	v18 =	vmul.u32 $0x1FFFFFFA, v18;
	v21 =	vshll.u32 v19, $0x3;
	v20 =	vshrl.u32 v13, $0x3  }
0x3db: {  	v15 =	vadd.s32 v15, v20;
	v20 =	vor.u32 v2, v21;
	v21 =	vshrl.u32 v17, $0xF  }
0x3dc: {  	v15 =	vmul.u32 $0x6, v15;
	v20 =	vand.u32 $0x7F, v20;
	v21 =	vand.u32 $0xF80, v21  }
0x3dd: {  	v14 =	vadd.s32 v14, v18;
	v18 =	vor.u32 v21, v20  }
0x3de: {  	v14 =	vadd.s32 v15, v14  }
0x3df: {  	v13 =	vand.u32 $0x7, v13;
	v14 =	vshll.u32 v14, $0x3  }
0x3e0: {  	v13 =	vor.u32 v13, v14  }
0x3e1: {  	s7 =	sadd.s32 $0x440, s6;
	[tilespmem:s10+$0xFFFFFFB0] =	vst v13  }
0x3e2: {  	v14 =	vor.u32 s7, v0;
	v13 =	vld.idx.msk [tilespmem:v18+s5+$0x0], $0xffff  }
0x3e3: {  	v14 =	vshrl.u32 v14, $0x3  }
0x3e4: {  	v15 =	vmul.u32 $0xAAAB, v14  }
0x3e5: {  	v17 =	vshrl.u32 v17, $0x1B  }
0x3e6: {  	v17 =	vmul.u32 $0x7D, v17;
	v18 =	vshrl.u32 v15, $0x12  }
0x3e7: {  	v19 =	vmul.u32 $0x1FFFFFFA, v19;
	v21 =	vshll.u32 v18, $0x3;
	v20 =	vshrl.u32 v13, $0x3  }
0x3e8: {  	v17 =	vadd.s32 v17, v20;
	v20 =	vor.u32 v2, v21;
	v21 =	vshrl.u32 v15, $0xF  }
0x3e9: {  	v17 =	vmul.u32 $0x6, v17;
	v20 =	vand.u32 $0x7F, v20;
	v21 =	vand.u32 $0xF80, v21  }
0x3ea: {  	v16 =	vadd.s32 v16, v19;
	v19 =	vor.u32 v21, v20  }
0x3eb: {  	v16 =	vadd.s32 v17, v16  }
0x3ec: {  	v13 =	vand.u32 $0x7, v13;
	v16 =	vshll.u32 v16, $0x3  }
0x3ed: {  	v13 =	vor.u32 v13, v16  }
0x3ee: {  	s7 =	sadd.s32 $0x450, s6;
	[tilespmem:s10+$0xFFFFFFC0] =	vst v13  }
0x3ef: {  	v16 =	vor.u32 s7, v0;
	v13 =	vld.idx.msk [tilespmem:v19+s5+$0x0], $0xffff  }
0x3f0: {  	v16 =	vshrl.u32 v16, $0x3  }
0x3f1: {  	v17 =	vmul.u32 $0xAAAB, v16  }
0x3f2: {  	v15 =	vshrl.u32 v15, $0x1B  }
0x3f3: {  	v15 =	vmul.u32 $0x7D, v15;
	v19 =	vshrl.u32 v17, $0x12  }
0x3f4: {  	v18 =	vmul.u32 $0x1FFFFFFA, v18;
	v21 =	vshll.u32 v19, $0x3;
	v20 =	vshrl.u32 v13, $0x3  }
0x3f5: {  	v15 =	vadd.s32 v15, v20;
	v20 =	vor.u32 v2, v21;
	v21 =	vshrl.u32 v17, $0xF  }
0x3f6: {  	v15 =	vmul.u32 $0x6, v15;
	v20 =	vand.u32 $0x7F, v20;
	v21 =	vand.u32 $0xF80, v21  }
0x3f7: {  	v14 =	vadd.s32 v14, v18;
	v18 =	vor.u32 v21, v20  }
0x3f8: {  	v14 =	vadd.s32 v15, v14  }
0x3f9: {  	v13 =	vand.u32 $0x7, v13;
	v14 =	vshll.u32 v14, $0x3  }
0x3fa: {  	v13 =	vor.u32 v13, v14  }
0x3fb: {  	s7 =	sadd.s32 $0x460, s6;
	[tilespmem:s10+$0xFFFFFFD0] =	vst v13  }
0x3fc: {  	v14 =	vor.u32 s7, v0;
	v13 =	vld.idx.msk [tilespmem:v18+s5+$0x0], $0xffff  }
0x3fd: {  	v14 =	vshrl.u32 v14, $0x3  }
0x3fe: {  	v15 =	vmul.u32 $0xAAAB, v14  }
0x3ff: {  	v17 =	vshrl.u32 v17, $0x1B  }
0x400: {  	v17 =	vmul.u32 $0x7D, v17;
	v18 =	vshrl.u32 v15, $0x12  }
0x401: {  	v19 =	vmul.u32 $0x1FFFFFFA, v19;
	v21 =	vshll.u32 v18, $0x3;
	v20 =	vshrl.u32 v13, $0x3  }
0x402: {  	v17 =	vadd.s32 v17, v20;
	v20 =	vor.u32 v2, v21;
	v21 =	vshrl.u32 v15, $0xF  }
0x403: {  	v17 =	vmul.u32 $0x6, v17;
	v20 =	vand.u32 $0x7F, v20;
	v21 =	vand.u32 $0xF80, v21  }
0x404: {  	v16 =	vadd.s32 v16, v19;
	v19 =	vor.u32 v21, v20  }
0x405: {  	v16 =	vadd.s32 v17, v16  }
0x406: {  	v13 =	vand.u32 $0x7, v13;
	v16 =	vshll.u32 v16, $0x3  }
0x407: {  	v13 =	vor.u32 v13, v16  }
0x408: {  	s7 =	sadd.s32 $0x470, s6;
	[tilespmem:s10+$0xFFFFFFE0] =	vst v13  }
0x409: {  	v16 =	vor.u32 s7, v0;
	v13 =	vld.idx.msk [tilespmem:v19+s5+$0x0], $0xffff  }
0x40a: {  	v16 =	vshrl.u32 v16, $0x3  }
0x40b: {  	v17 =	vmul.u32 $0xAAAB, v16  }
0x40c: {  	v15 =	vshrl.u32 v15, $0x1B  }
0x40d: {  	v15 =	vmul.u32 $0x7D, v15;
	v19 =	vshrl.u32 v17, $0x12  }
0x40e: {  	v18 =	vmul.u32 $0x1FFFFFFA, v18;
	v21 =	vshll.u32 v19, $0x3;
	v20 =	vshrl.u32 v13, $0x3  }
0x40f: {  	v15 =	vadd.s32 v15, v20;
	v20 =	vor.u32 v2, v21;
	v21 =	vshrl.u32 v17, $0xF  }
0x410: {  	v15 =	vmul.u32 $0x6, v15;
	v20 =	vand.u32 $0x7F, v20;
	v21 =	vand.u32 $0xF80, v21  }
0x411: {  	v14 =	vadd.s32 v14, v18;
	v18 =	vor.u32 v21, v20  }
0x412: {  	v14 =	vadd.s32 v15, v14  }
0x413: {  	v13 =	vand.u32 $0x7, v13;
	v14 =	vshll.u32 v14, $0x3  }
0x414: {  	v13 =	vor.u32 v13, v14  }
0x415: {  	[tilespmem:s10+$0xFFFFFFF0] =	vst v13  }
0x416: {  	v13 =	vld.idx.msk [tilespmem:v18+s5+$0x0], $0xffff;
	_ =	sdelay $0x2  }
0x417: {  	v14 =	vshrl.u32 v17, $0x1B  }
0x418: {  	v14 =	vmul.u32 $0x7D, v14  }
0x419: {  	v15 =	vshrl.u32 v13, $0x3  }
0x41a: {  	v14 =	vadd.s32 v14, v15;
	v15 =	vmul.u32 $0x1FFFFFFA, v19  }
0x41b: {  	v14 =	vmul.u32 $0x6, v14  }
0x41c: {  	v15 =	vadd.s32 v16, v15  }
.Ltmp6:
0x41d: {  	v14 =	vadd.s32 v14, v15;
	(pc) =	sbr.rel .LBB2_3-.Ltmp6, $4  }
0x41e: {  	s16 =	sadd.s32 $0x3000, s16;
	s3 =	sadd.s32 $0x3000, s3;
	s8 =	sadd.s32 $0x300, s8;
	v13 =	vand.u32 $0x7, v13;
	v14 =	vshll.u32 v14, $0x3  }
0x41f: {  	s2 =	sadd.s32 $0x3000, s2;
	s11 =	sadd.s32 $0x3000, s11;
	s12 =	sadd.s32 $0x3000, s12;
	v13 =	vor.u32 v13, v14  }
0x420: {  	s13 =	sadd.s32 $0x3000, s13;
	s7 =	sadd.s32 $0xFFFFFF90, s10;
	[tilespmem:s10+$0x0] =	vst v13;
	s10 =	sadd.s32 $0x300, s10  }
0x421: {  	[tilespmem:s23], [sflag:$0x3] =	stream.indirect.gather [hbm4b:s1+s18], $0x80, s7, s18, $0xb8;
	[tilespmem:$0x1CC80] =	vst v63  }
.LBB2_10:
0x422: {  	p0 =	sne.s32 s3, $0xFFC0  }
.Ltmp7:
0x423: {  	_ = 	snop;
	(pc) =	sbr.rel @p0 .LBB2_10-.Ltmp7, $4  }
0x424: {  	s6 =	sand.u32 $0xFE00, s3  }
0x425: {  	s7 =	sand.u32 $0x70, s2;
	s6 =	sshrl.u32 s6, $0x2  }
0x426: {  	s6 =	sor.u32 s7, s6  }
0x427: {  	s2 =	sadd.s32 $0x10, s2;
	s3 =	sadd.s32 $0x40, s3;
	[tilespmem:s6+$0x4C00] =	vst v12  }
0x428: {  	s2 =	sadd.s32 $0x0, s14  }
0x429: {  	[hbm4b:s2+s5] =	stream.linear.scatter [tilespmem:s17], [sflag:$0xD], $0x4000, $0x38;
	[tilespmem:$0x1CC80] =	vst v63  }
0x42a: {  	_ =	swait.ge [sflag:s15], $0x4000  }
0x42b: {  	s2 =	simm.s32 $0x800;
	[sflag:s15] =	ssyncset.done $0x0  }
.LBB2_12:
0x42c: {  	s3 =	sadd.s32 s2, s14;
	[sflag:s15] =	ssyncadd.s32 $0xFFFFC000;
	p0 =	sne.s32 s2, $0x3B800  }
0x42d: {  	[hbm4b:s3+s5] =	stream.linear.scatter [tilespmem:s17], [sflag:$0xD], $0x4000, $0x38;
	[tilespmem:$0x1CC80] =	vst v63  }
.Ltmp8:
0x42e: {  	_ = 	snop;
	(pc) =	sbr.rel @p0 .LBB2_12-.Ltmp8, $4  }
0x42f: {  	_ = 	snop  }
0x430: {  	s2 =	sadd.s32 $0x800, s2  }
0x431: {  	_ =	swait.ge [sflag:s15], $0x4000  }
0x432: {  	[sflag:s15] =	ssyncset.done $0x0  }
.Ltmp9:
0x433: {  	(pc) =	sbr.rel .LBB2_14-.Ltmp9, $2  }
0x434: {  	_ =	sdelay $0x2  }
0x435: {  	[sflag:s15] =	ssyncadd.s32 $0xFFFFC000  }
.LBB2_15:
0x436: {  	_ =	sfence.sel $0x180000  }
0x437: {  	[bflag:$0x0] =	sbarrier.arrive $0xFFFF  }
0x438: {  	_ =	strace $0x90000047  }
0x439: {  	s0 =	stileid.u32;
	[bflag:$0x2] =	sbarrier.arrive $0xFFFF  }
0x43a: {  	p0 =	sne.s32 s0, $0x0;
	s0 =	rddreg [dreg:$0x4]  }
0x43b: {  	s0 =	sadd.s32 @!p0 $0x100000, s0  }
0x43c: {  	[sflag:s0] =	ssyncadd.tile.s32 @!p0 $0x1;
	_ =	shalt  }
.Lfunc_end2:
_tile_overlayer_lowered:
.L_overlay_start_2:
0x43d: {  	(tag) =	ssettag $0x2  }
0x43e: {  	s0 =	rddreg [dreg:$0x0];
	s2 =	stileid.u32  }
0x43f: {  	s1 =	rddreg [dreg:$0x1];
	p0 =	sne.s32 s2, $0x0  }
0x440: {  	s3 =	rddreg [dreg:$0x2];
	[bflag:$0x3] =	sbarrier.arrive $0xFFFF;
	s2 =	simm.s32 @!p0 $0x1C0D  }
0x441: {  	[timem:s3], [sflag:s2] =	dma.local @!p0 [hbm:s0], s1  }
0x442: {  	s0 =	simm.s32 @!p0 $0xD  }
0x443: {  	_ =	swait.ge @!p0 [sflag:s0], s1  }
0x444: {  	s1 =	ssub.s32 @!p0 $0x0, s1;
	[sflag:s0] =	ssyncset.done @!p0 $0x0  }
0x445: {  	[sflag:s0] =	ssyncadd.s32 @!p0 s1  }
0x446: {  	[bflag:$0x3] =	sbarrier.arrive $0xFFFF  }
0x447: {  	_ =	shalt  }

</sc_bundles>
